<compile_context>
chip_gen: v7x
topology: tpu7x:2x2x1
jax: 0.10.2.dev20260603
libtpu: 0.0.44.dev20260713+nightly
codegen_flags: <defaults>
</compile_context>

<pallas_src>
import jax
import jax.numpy as jnp
from jax import lax
from jax.experimental import pallas as pl
from jax.experimental.pallas import tpu as pltpu
from jax.experimental.pallas import tpu_sc as plsc

_EMBED = 1024
_HEADS = 16
_HD = _EMBED // _HEADS
_CS = 8
_K = 2 ** _CS
_SCALE = _HD ** -0.5

_NC = 2
_NS = 16
_GRP = 4
_GW = _EMBED // _GRP
_CHUNK = 32
_SEG = 1024


def _codes_body(k_ref, wc_ref, bc_ref, loc_ref):
    i32 = jnp.int32
    S = k_ref.shape[0]
    code = jax.lax.dot_general(k_ref[...], wc_ref[...], (((1,), (1,)), ((), ())),
                               preferred_element_type=jnp.float32)
    code = code + bc_ref[...]
    bits = (code >= 0.0).astype(i32)
    jj = jax.lax.broadcasted_iota(i32, (S, _CS), 1)
    pw = jax.lax.shift_left(jnp.ones((S, _CS), i32), (_CS - 1) - jj)
    loc_ref[...] = jnp.sum(bits * pw, axis=1, keepdims=True)


def _sc_body(v_hbm, loc_hbm,
             codv_hbm, cnt_hbm, acc, cnt, vbuf, vbuf2, sloc, smloc,
             sem0, sem1):
    c = lax.axis_index("c")
    s = lax.axis_index("s")
    wid = c * _NS + s
    b = wid // _GRP
    g = wid % _GRP

    nch = _SEG // _CHUNK
    vbufs = (vbuf, vbuf2)
    sems = (sem0, sem1)

    def _start(ch, buf, sem):
        pltpu.make_async_copy(
            v_hbm.at[pl.ds(b * _SEG + ch * _CHUNK, _CHUNK),
                     pl.ds(g * _GW, _GW)], buf, sem).start()

    _start(0, vbuf, sem0)
    _start(1, vbuf2, sem1)

    @pl.when(g == 0)
    def _():
        pltpu.sync_copy(loc_hbm.at[pl.ds(b * _SEG, _SEG)], sloc.at[s // _GRP])

    z16f = jnp.zeros((16,), jnp.float32)

    def zero_body(r, carry):
        for u in range(_GW // 16):
            acc[r, pl.ds(u * 16, 16)] = z16f
        cnt[r, pl.ds(0, 16)] = z16f
        return carry

    lax.fori_loop(0, _K, zero_body, 0)

    plsc.subcore_barrier()
    pltpu.sync_copy(sloc.at[s // _GRP], smloc)

    def chunk_pair(j, carry):
        for i in range(2):
            ch = 2 * j + i
            buf, sem = vbufs[i], sems[i]
            pltpu.make_async_copy(
                v_hbm.at[pl.ds(b * _SEG + ch * _CHUNK, _CHUNK),
                         pl.ds(g * _GW, _GW)], buf, sem).wait()

            nu = _GW // 16

            def tok_body(t, c2):
                base = ch * _CHUNK + t * 8
                rows = [smloc[base + tt] for tt in range(8)]
                vals = [buf[t * 8, pl.ds(u * 16, 16)] for u in range(nu)]
                for tt in range(8):
                    nxt = [None] * nu
                    for u in range(nu):
                        if tt < 7:
                            nxt[u] = buf[t * 8 + tt + 1, pl.ds(u * 16, 16)]
                        plsc.addupdate(acc.at[rows[tt], pl.ds(u * 16, 16)],
                                       vals[u])
                    vals = nxt
                return c2

            lax.fori_loop(0, _CHUNK // 8, tok_body, 0)

            @pl.when(ch + 2 < nch)
            def _():
                _start(ch + 2, buf, sem)
        return carry

    lax.fori_loop(0, nch // 2, chunk_pair, 0)

    acc_out = pltpu.make_async_copy(acc, codv_hbm.at[wid], sem0)
    acc_out.start()

    ones16 = jnp.ones((16,), jnp.float32)
    cseg = _SEG // _GRP

    def cnt_body(t, carry):
        row = smloc[g * cseg + t]
        plsc.addupdate(cnt.at[row], ones16)
        return carry

    lax.fori_loop(0, cseg, cnt_body, 0)
    pltpu.sync_copy(cnt, cnt_hbm.at[b, g])
    acc_out.wait()


def _attn_body(q_ref, codv_ref, cnt_ref, cb_ref, o_ref):
    f32 = jnp.float32
    i32 = jnp.int32
    codv = codv_ref[...]
    cnt4 = jnp.sum(cnt_ref[0], axis=0)
    cntc = jnp.sum(cnt4, axis=1, keepdims=True) * (1.0 / 16.0)
    ii = jax.lax.broadcasted_iota(i32, (_K, 2 * _CS), 0)
    jj = jax.lax.broadcasted_iota(i32, (_K, 2 * _CS), 1)
    sh = jnp.where(jj < _CS, (_CS - 1) - jj, (2 * _CS - 1) - jj)
    bit = jax.lax.shift_right_logical(ii, sh) & 1
    sel = jnp.where(jj < _CS, bit, 1 - bit).astype(f32)
    codk = jax.lax.dot_general(sel, cb_ref[...], (((1,), (0,)), ((), ())),
                               preferred_element_type=f32)
    qb = (q_ref[...] * _SCALE).astype(jnp.bfloat16)
    codk16 = codk.astype(jnp.bfloat16)
    hpg = _GW // _HD
    for h in range(_HEADS):
        sl = slice(h * _HD, (h + 1) * _HD)
        logitsT = jax.lax.dot_general(codk16[:, sl], qb[:, sl],
                                      (((1,), (1,)), ((), ())),
                                      preferred_element_type=f32)
        eT = jnp.exp(logitsT)
        vh = codv[h // hpg, :, (h % hpg) * _HD:(h % hpg + 1) * _HD]
        den = jnp.sum(eT * cntc, axis=0, keepdims=True)
        eTn = eT * (1.0 / den)
        o_ref[:, sl] = jax.lax.dot_general(
            eTn.astype(jnp.bfloat16), vh.astype(jnp.bfloat16),
            (((0,), (0,)), ((), ())), preferred_element_type=f32)


def kernel(q, k, v, Wc, bc, codebook, lengths, inv_lengths):
    L = q.shape[0]
    B = len(lengths)
    seg = L // B
    bc2 = bc.reshape(1, _CS)
    blk = lambda b: (b, 0)
    fixed = lambda b: (0, 0)

    loc = pl.pallas_call(
        _codes_body,
        grid=(B,),
        in_specs=[
            pl.BlockSpec((seg, _EMBED), blk),
            pl.BlockSpec((_CS, _EMBED), fixed),
            pl.BlockSpec((1, _CS), fixed),
        ],
        out_specs=pl.BlockSpec((seg, 1), blk),
        out_shape=jax.ShapeDtypeStruct((L, 1), jnp.int32),
    )(k, Wc, bc2)
    loc1 = loc.reshape(L)

    mesh = plsc.VectorSubcoreMesh(core_axis_name="c", subcore_axis_name="s")
    sc_scatter = pl.kernel(
        _sc_body,
        out_type=[
            jax.ShapeDtypeStruct((_NC * _NS, _K, _GW), jnp.float32),
            jax.ShapeDtypeStruct((B, _GRP, _K, 16), jnp.float32),
        ],
        mesh=mesh,
        compiler_params=pltpu.CompilerParams(needs_layout_passes=False),
        scratch_types=[
            pltpu.VMEM((_K, _GW), jnp.float32),
            pltpu.VMEM((_K, 16), jnp.float32),
            pltpu.VMEM((_CHUNK, _GW), jnp.float32),
            pltpu.VMEM((_CHUNK, _GW), jnp.float32),
            pltpu.VMEM_SHARED((_NS // _GRP, _SEG), jnp.int32),
            pltpu.SMEM((_SEG,), jnp.int32),
            pltpu.SemaphoreType.DMA,
            pltpu.SemaphoreType.DMA,
        ],
    )
    codv, cnt = sc_scatter(v, loc1)

    out = pl.pallas_call(
        _attn_body,
        grid=(B,),
        in_specs=[
            pl.BlockSpec((seg, _EMBED), blk),
            pl.BlockSpec((_GRP, _K, _GW), lambda b: (b, 0, 0)),
            pl.BlockSpec((1, _GRP, _K, 16), lambda b: (b, 0, 0, 0)),
            pl.BlockSpec((2 * _CS, _EMBED), fixed),
        ],
        out_specs=pl.BlockSpec((seg, _EMBED), blk),
        out_shape=jax.ShapeDtypeStruct((L, _EMBED), jnp.float32),
    )(q, codv, cnt, codebook)
    return out

# --- scband reference (transcript-rebuilt; emitter-appended) ---
"""Pipeline reference for scband-block-68899865362468 (READ-ONLY COPY).

The authoritative reference and input builder live on the scoring server;
editing this copy changes nothing except your own understanding.
"""

import jax, jax.numpy as jnp
import numpy as np

EMBED_DIM = 1024
NUM_HEADS = 16
CODE_SIZE = 8
HEAD_DIM = EMBED_DIM // NUM_HEADS
SCALE = HEAD_DIM ** -0.5
K_CODES = 2 ** CODE_SIZE


def setup_inputs(seed: int = 0) -> dict:
    key = jax.random.key(seed)
    ks = jax.random.split(key, 5)
    L = 8192
    B = 8
    q = jax.random.normal(ks[0], (L, EMBED_DIM), dtype=jnp.float32)
    k = jax.random.normal(ks[1], (L, EMBED_DIM), dtype=jnp.float32)
    v = jax.random.normal(ks[2], (L, EMBED_DIM), dtype=jnp.float32)
    # learned params: code_proj Linear(embed_dim -> code_size) and codebook Embedding(2*code_size, embed_dim)
    Wc = jax.random.normal(ks[3], (CODE_SIZE, EMBED_DIM), dtype=jnp.float32) * 0.02
    bc = jnp.zeros((CODE_SIZE,), dtype=jnp.float32)
    codebook = jax.random.normal(ks[4], (2 * CODE_SIZE, EMBED_DIM), dtype=jnp.float32) * 0.02
    lengths = tuple([L // B] * B)
    inv_lengths = tuple([L // B] * B)
    return {"q": q, "k": k, "v": v, "Wc": Wc, "bc": bc, "codebook": codebook,
            "lengths": lengths, "inv_lengths": inv_lengths}


def reference(q, k, v, Wc, bc, codebook, lengths, inv_lengths):
    # BSQAttention.forward, mode='eval' (non-fmha CPU branch)
    code = k @ Wc.T + bc                               # [L, cs]
    code = code / jnp.linalg.norm(code, axis=-1, keepdims=True)  # F.normalize
    sign = jnp.where(code >= 0.0, 1.0, -1.0) / (CODE_SIZE ** 0.5)
    code = sign  # eval: code = sign
    code = code * (CODE_SIZE ** 0.5) / 2.0 + 0.5       # exact 0.0 / 1.0
    code_base = (2 ** jnp.arange(CODE_SIZE - 1, -1, -1)).astype(jnp.int32)
    idxs = jnp.sum(code.astype(jnp.int32) * code_base, axis=-1)  # [L] code ids
    code_indices = jnp.arange(K_CODES, dtype=jnp.int32)
    base_code = (code_indices[:, None] // code_base) % 2         # [K, cs]
    base_code = jnp.concatenate([base_code, 1 - base_code], axis=-1)  # [K, 2cs]
    cod_k = base_code.astype(jnp.float32) @ codebook              # [K, C]

    B = len(lengths)
    L = q.shape[0]
    lengths_arr = jnp.asarray(lengths, dtype=jnp.int32)
    batch_ids = jnp.repeat(jnp.arange(B, dtype=jnp.int32), lengths_arr,
                           total_repeat_length=L)
    flat_idx = batch_ids * K_CODES + idxs
    # per-sample scatter_add of values and counts onto codebook slots
    cod_v = jax.ops.segment_sum(v, flat_idx, num_segments=B * K_CODES).reshape(B, K_CODES, EMBED_DIM)
    cod_c = jax.ops.segment_sum(jnp.ones((v.shape[0],), jnp.float32), flat_idx,
                                num_segments=B * K_CODES).reshape(B, K_CODES, 1)
    present = cod_c[..., 0] > 0  # [B, K] -- torch filters absent codes; we mask logits (identical math)

    inv_arr = jnp.asarray(inv_lengths, dtype=jnp.int32)
    offs = jnp.concatenate([jnp.zeros((1,), dtype=jnp.int32), jnp.cumsum(inv_arr)])
    seg = L // B
    kh = cod_k.reshape(K_CODES, NUM_HEADS, HEAD_DIM).transpose(1, 2, 0)  # [nh, d, K]
    outs = []
    for b in range(B):
        qb = jax.lax.dynamic_slice_in_dim(q, offs[b], seg, axis=0)
        l = qb.shape[0]
        qh = qb.reshape(l, NUM_HEADS, HEAD_DIM).transpose(1, 0, 2)       # [nh, l, d]
        logits = SCALE * (qh @ kh)                                       # [nh, l, K]
        logits = logits + jnp.where(present[b], 0.0, -1e30)[None, None, :]
        attn = jax.nn.softmax(logits, axis=-1)
        vh = cod_v[b].reshape(K_CODES, NUM_HEADS, HEAD_DIM).transpose(1, 0, 2)  # [nh, K, d]
        ch = jnp.broadcast_to(cod_c[b].reshape(1, K_CODES, 1), (NUM_HEADS, K_CODES, 1))
        out = (attn @ vh) / (attn @ ch)                                  # [nh, l, d]
        outs.append(out.transpose(1, 0, 2).reshape(l, EMBED_DIM))
    return jnp.concatenate(outs, axis=0)

if __name__ == "__main__":
    import jax
    _d = setup_inputs()
    print(jax.jit(kernel)(*tuple(_d.values())))

</pallas_src>

<mosaic_0001>
#map = affine_map<(d0, d1) -> (0, 0)>
#map1 = affine_map<(d0, d1) -> (0)>
#map2 = affine_map<(d0, d1) -> (0, 0, 0)>
#map3 = affine_map<(d0, d1) -> (0, 0, 0, 0)>
module attributes {stable_mosaic.version = 14 : i64} {
  func.func @_sc_body(%arg0: i32, %arg1: i32, %arg2: memref<8192x1024xf32, #tpu.memory_space<hbm>>, %arg3: memref<8192xi32, #tpu.memory_space<hbm>>, %arg4: memref<32x256x256xf32, #tpu.memory_space<hbm>>, %arg5: memref<8x4x256x16xf32, #tpu.memory_space<hbm>>, %arg6: memref<256x256xf32, #tpu.memory_space<vmem>>, %arg7: memref<256x16xf32, #tpu.memory_space<vmem>>, %arg8: memref<32x256xf32, #tpu.memory_space<vmem>>, %arg9: memref<32x256xf32, #tpu.memory_space<vmem>>, %arg10: memref<4x1024xi32, #tpu.memory_space<vmem_shared>>, %arg11: memref<1024xi32, #tpu.memory_space<smem>>, %arg12: memref<!tpu.dma_semaphore, #tpu.memory_space<semaphore_mem>>, %arg13: memref<!tpu.dma_semaphore, #tpu.memory_space<semaphore_mem>>) attributes {dimension_semantics = [#tpu.dimension_semantics<core_parallel>, #tpu.dimension_semantics<subcore_parallel>], iteration_bounds = array<i64: 2, 16>, scalar_prefetch = 0 : i64, scratch_operands = 8 : i64, tpu.core_type = #tpu.core_type<sc_vector_subcore>, window_params = [{transform_indices = #map}, {transform_indices = #map1}, {transform_indices = #map2}, {transform_indices = #map3}]} {
    %mul3A = arith.constant 16 : i32
    %mul3A_0 = arith.muli %arg0, %mul3A : i32
    %add3A = arith.addi %mul3A_0, %arg1 : i32
    %jit3A = arith.constant 4 : i32
    %div3A = arith.divsi %add3A, %jit3A : i32
    %sign3A = arith.constant 0 : i32
    %sign3A_1 = arith.cmpi sgt, %add3A, %sign3A : i32
    %sign3A_2 = arith.extui %sign3A_1 : i1 to i32
    %sign3A_3 = arith.constant 0 : i32
    %sign3A_4 = arith.cmpi slt, %add3A, %sign3A_3 : i32
    %sign3A_5 = arith.extui %sign3A_4 : i1 to i32
    %sign3A_6 = arith.subi %sign3A_2, %sign3A_5 : i32
    %sign3A_7 = arith.constant 0 : i32
    %sign3A_8 = arith.cmpi sgt, %jit3A, %sign3A_7 : i32
    %sign3A_9 = arith.extui %sign3A_8 : i1 to i32
    %sign3A_10 = arith.constant 0 : i32
    %sign3A_11 = arith.cmpi slt, %jit3A, %sign3A_10 : i32
    %sign3A_12 = arith.extui %sign3A_11 : i1 to i32
    %sign3A_13 = arith.subi %sign3A_9, %sign3A_12 : i32
    %ne3A = arith.cmpi ne, %sign3A_6, %sign3A_13 : i32
    %rem3A = arith.remsi %add3A, %jit3A : i32
    %ne3A_14 = arith.constant 0 : i32
    %ne3A_15 = arith.cmpi ne, %rem3A, %ne3A_14 : i32
    %and3A = arith.andi %ne3A, %ne3A_15 : i1
    %sub3A = arith.constant 1 : i32
    %sub3A_16 = arith.subi %div3A, %sub3A : i32
    %select_n3A = arith.select %and3A, %sub3A_16, %div3A : i32
    %jit3A_17 = arith.constant 4 : i32
    %eq3A = arith.constant 0 : i32
    %eq3A_18 = arith.cmpi eq, %jit3A_17, %eq3A : i32
    %jit3A_19 = arith.constant 1 : i32
    %select_n3A_20 = arith.select %eq3A_18, %jit3A_19, %jit3A_17 : i32
    %rem3A_21 = arith.remsi %add3A, %select_n3A_20 : i32
    %ne3A_22 = arith.constant 0 : i32
    %ne3A_23 = arith.cmpi ne, %rem3A_21, %ne3A_22 : i32
    %lt3A = arith.constant 0 : i32
    %lt3A_24 = arith.cmpi slt, %rem3A_21, %lt3A : i32
    %lt3A_25 = arith.constant 0 : i32
    %lt3A_26 = arith.cmpi slt, %select_n3A_20, %lt3A_25 : i32
    %ne3A_27 = arith.xori %lt3A_24, %lt3A_26 : i1
    %and3A_28 = arith.andi %ne3A_27, %ne3A_23 : i1
    %add3A_29 = arith.addi %rem3A_21, %select_n3A_20 : i32
    %select_n3A_30 = arith.select %and3A_28, %add3A_29, %rem3A_21 : i32
    %mul3A_31 = arith.constant 1024 : i32
    %mul3A_32 = arith.muli %select_n3A, %mul3A_31 : i32
    %add3A_33 = arith.constant 0 : i32
    %add3A_34 = arith.addi %mul3A_32, %add3A_33 : i32
    %mul3A_35 = arith.constant 256 : i32
    %mul3A_36 = arith.muli %select_n3A_30, %mul3A_35 : i32
    %dma_start3A = tpu.memref_slice %arg2[%add3A_34, %mul3A_36] : memref<8192x1024xf32, #tpu.memory_space<hbm>> -> memref<32x256xf32, #tpu.memory_space<hbm>>
    %dma_start3A_37 = tpu.memref_slice %arg2[%add3A_34, %mul3A_36] : memref<8192x1024xf32, #tpu.memory_space<hbm>> -> memref<32x256xf32, #tpu.memory_space<hbm>>
    tpu.enqueue_dma source(%dma_start3A_37 : memref<32x256xf32, #tpu.memory_space<hbm>>) target(%arg8 : memref<32x256xf32, #tpu.memory_space<vmem>>) target_semaphore(%arg12 : memref<!tpu.dma_semaphore, #tpu.memory_space<semaphore_mem>>)
    %mul3A_38 = arith.constant 1024 : i32
    %mul3A_39 = arith.muli %select_n3A, %mul3A_38 : i32
    %add3A_40 = arith.constant 32 : i32
    %add3A_41 = arith.addi %mul3A_39, %add3A_40 : i32
    %mul3A_42 = arith.constant 256 : i32
    %mul3A_43 = arith.muli %select_n3A_30, %mul3A_42 : i32
    %dma_start3A_44 = tpu.memref_slice %arg2[%add3A_41, %mul3A_43] : memref<8192x1024xf32, #tpu.memory_space<hbm>> -> memref<32x256xf32, #tpu.memory_space<hbm>>
    %dma_start3A_45 = tpu.memref_slice %arg2[%add3A_41, %mul3A_43] : memref<8192x1024xf32, #tpu.memory_space<hbm>> -> memref<32x256xf32, #tpu.memory_space<hbm>>
    tpu.enqueue_dma source(%dma_start3A_45 : memref<32x256xf32, #tpu.memory_space<hbm>>) target(%arg9 : memref<32x256xf32, #tpu.memory_space<vmem>>) target_semaphore(%arg13 : memref<!tpu.dma_semaphore, #tpu.memory_space<semaphore_mem>>)
    %eq3A_46 = arith.constant 0 : i32
    %eq3A_47 = arith.cmpi eq, %select_n3A_30, %eq3A_46 : i32
    %convert_element_type3A = arith.extui %eq3A_47 : i1 to i32
    %cond3A = arith.constant 0 : i32
    %cond3A_48 = arith.cmpi ne, %convert_element_type3A, %cond3A : i32
    scf.if %cond3A_48 {
      %mul3A_108 = arith.constant 1024 : i32
      %mul3A_109 = arith.muli %select_n3A, %mul3A_108 : i32
      %jit3A_110 = arith.constant 4 : i32
      %div3A_111 = arith.divsi %arg1, %jit3A_110 : i32
      %sign3A_112 = arith.constant 0 : i32
      %sign3A_113 = arith.cmpi sgt, %arg1, %sign3A_112 : i32
      %sign3A_114 = arith.extui %sign3A_113 : i1 to i32
      %sign3A_115 = arith.constant 0 : i32
      %sign3A_116 = arith.cmpi slt, %arg1, %sign3A_115 : i32
      %sign3A_117 = arith.extui %sign3A_116 : i1 to i32
      %sign3A_118 = arith.subi %sign3A_114, %sign3A_117 : i32
      %sign3A_119 = arith.constant 0 : i32
      %sign3A_120 = arith.cmpi sgt, %jit3A_110, %sign3A_119 : i32
      %sign3A_121 = arith.extui %sign3A_120 : i1 to i32
      %sign3A_122 = arith.constant 0 : i32
      %sign3A_123 = arith.cmpi slt, %jit3A_110, %sign3A_122 : i32
      %sign3A_124 = arith.extui %sign3A_123 : i1 to i32
      %sign3A_125 = arith.subi %sign3A_121, %sign3A_124 : i32
      %ne3A_126 = arith.cmpi ne, %sign3A_118, %sign3A_125 : i32
      %rem3A_127 = arith.remsi %arg1, %jit3A_110 : i32
      %ne3A_128 = arith.constant 0 : i32
      %ne3A_129 = arith.cmpi ne, %rem3A_127, %ne3A_128 : i32
      %and3A_130 = arith.andi %ne3A_126, %ne3A_129 : i1
      %sub3A_131 = arith.constant 1 : i32
      %sub3A_132 = arith.subi %div3A_111, %sub3A_131 : i32
      %select_n3A_133 = arith.select %and3A_130, %sub3A_132, %div3A_111 : i32
      "tpu.region"() ({
        %run_scoped3A = tpu.sem_alloc : memref<!tpu.dma_semaphore, #tpu.memory_space<semaphore_mem>>
        %dma_start3A_134 = arith.constant 0 : i32
        %dma_start3A_135 = tpu.memref_slice %arg10[%select_n3A_133, %dma_start3A_134] : memref<4x1024xi32, #tpu.memory_space<vmem_shared>> -> memref<1x1024xi32, #tpu.memory_space<vmem_shared>>
        %dma_start3A_136 = tpu.memref_squeeze %dma_start3A_135 : memref<1x1024xi32, #tpu.memory_space<vmem_shared>> -> memref<1024xi32, #tpu.memory_space<vmem_shared>>
        %dma_start3A_137 = tpu.memref_slice %arg3[%mul3A_109] : memref<8192xi32, #tpu.memory_space<hbm>> -> memref<1024xi32, #tpu.memory_space<hbm>>
        tpu.enqueue_dma source(%dma_start3A_137 : memref<1024xi32, #tpu.memory_space<hbm>>) target(%dma_start3A_136 : memref<1024xi32, #tpu.memory_space<vmem_shared>>) target_semaphore(%run_scoped3A : memref<!tpu.dma_semaphore, #tpu.memory_space<semaphore_mem>>)
        %dma_wait3A_138 = arith.constant 0 : i32
        %dma_wait3A_139 = tpu.memref_slice %arg10[%select_n3A_133, %dma_wait3A_138] : memref<4x1024xi32, #tpu.memory_space<vmem_shared>> -> memref<1x1024xi32, #tpu.memory_space<vmem_shared>>
        %dma_wait3A_140 = tpu.memref_squeeze %dma_wait3A_139 : memref<1x1024xi32, #tpu.memory_space<vmem_shared>> -> memref<1024xi32, #tpu.memory_space<vmem_shared>>
        %dma_wait3A_141 = tpu.memref_slice %arg3[%mul3A_109] : memref<8192xi32, #tpu.memory_space<hbm>> -> memref<1024xi32, #tpu.memory_space<hbm>>
        tpu.wait_dma2 semaphore(%run_scoped3A : memref<!tpu.dma_semaphore, #tpu.memory_space<semaphore_mem>>) src(%dma_wait3A_141 : memref<1024xi32, #tpu.memory_space<hbm>>) dst(%dma_wait3A_140 : memref<1024xi32, #tpu.memory_space<vmem_shared>>)
        tpu.yield
      }) : () -> ()
    } else {
    }
    %broadcast_in_dim3A = arith.constant 0.000000e+00 : f32
    %broadcast_in_dim3A_49 = vector.broadcast %broadcast_in_dim3A : f32 to vector<16xf32>
    %scan3A = arith.constant 0 : i32
    %scan3A_50 = arith.constant 0 : i32
    %scan3A_51 = arith.constant 256 : i32
    %scan3A_52 = arith.addi %scan3A_50, %scan3A_51 : i32
    %scan3A_53 = arith.constant 1 : i32
    scf.for %scan3A_108 = %scan3A_50 to %scan3A_52 step %scan3A_53  : i32 {
      %swap3A = arith.index_cast %scan3A_108 : i32 to index
      %swap3A_109 = arith.constant 0 : index
      %swap3A_110 = tpu.vector_load %arg6[%swap3A, %swap3A_109] {strides = array<i32>} : memref<256x256xf32, #tpu.memory_space<vmem>>, vector<16xf32>,
      tpu.vector_store %arg6[%swap3A, %swap3A_109], %broadcast_in_dim3A_49 {strides = array<i32>} : memref<256x256xf32, #tpu.memory_space<vmem>>, vector<16xf32>,
      %swap3A_111 = arith.index_cast %scan3A_108 : i32 to index
      %swap3A_112 = arith.constant 16 : index
      %swap3A_113 = tpu.vector_load %arg6[%swap3A_111, %swap3A_112] {strides = array<i32>} : memref<256x256xf32, #tpu.memory_space<vmem>>, vector<16xf32>,
      tpu.vector_store %arg6[%swap3A_111, %swap3A_112], %broadcast_in_dim3A_49 {strides = array<i32>} : memref<256x256xf32, #tpu.memory_space<vmem>>, vector<16xf32>,
      %swap3A_114 = arith.index_cast %scan3A_108 : i32 to index
      %swap3A_115 = arith.constant 32 : index
      %swap3A_116 = tpu.vector_load %arg6[%swap3A_114, %swap3A_115] {strides = array<i32>} : memref<256x256xf32, #tpu.memory_space<vmem>>, vector<16xf32>,
      tpu.vector_store %arg6[%swap3A_114, %swap3A_115], %broadcast_in_dim3A_49 {strides = array<i32>} : memref<256x256xf32, #tpu.memory_space<vmem>>, vector<16xf32>,
      %swap3A_117 = arith.index_cast %scan3A_108 : i32 to index
      %swap3A_118 = arith.constant 48 : index
      %swap3A_119 = tpu.vector_load %arg6[%swap3A_117, %swap3A_118] {strides = array<i32>} : memref<256x256xf32, #tpu.memory_space<vmem>>, vector<16xf32>,
      tpu.vector_store %arg6[%swap3A_117, %swap3A_118], %broadcast_in_dim3A_49 {strides = array<i32>} : memref<256x256xf32, #tpu.memory_space<vmem>>, vector<16xf32>,
      %swap3A_120 = arith.index_cast %scan3A_108 : i32 to index
      %swap3A_121 = arith.constant 64 : index
      %swap3A_122 = tpu.vector_load %arg6[%swap3A_120, %swap3A_121] {strides = array<i32>} : memref<256x256xf32, #tpu.memory_space<vmem>>, vector<16xf32>,
      tpu.vector_store %arg6[%swap3A_120, %swap3A_121], %broadcast_in_dim3A_49 {strides = array<i32>} : memref<256x256xf32, #tpu.memory_space<vmem>>, vector<16xf32>,
      %swap3A_123 = arith.index_cast %scan3A_108 : i32 to index
      %swap3A_124 = arith.constant 80 : index
      %swap3A_125 = tpu.vector_load %arg6[%swap3A_123, %swap3A_124] {strides = array<i32>} : memref<256x256xf32, #tpu.memory_space<vmem>>, vector<16xf32>,
      tpu.vector_store %arg6[%swap3A_123, %swap3A_124], %broadcast_in_dim3A_49 {strides = array<i32>} : memref<256x256xf32, #tpu.memory_space<vmem>>, vector<16xf32>,
      %swap3A_126 = arith.index_cast %scan3A_108 : i32 to index
      %swap3A_127 = arith.constant 96 : index
      %swap3A_128 = tpu.vector_load %arg6[%swap3A_126, %swap3A_127] {strides = array<i32>} : memref<256x256xf32, #tpu.memory_space<vmem>>, vector<16xf32>,
      tpu.vector_store %arg6[%swap3A_126, %swap3A_127], %broadcast_in_dim3A_49 {strides = array<i32>} : memref<256x256xf32, #tpu.memory_space<vmem>>, vector<16xf32>,
      %swap3A_129 = arith.index_cast %scan3A_108 : i32 to index
      %swap3A_130 = arith.constant 112 : index
      %swap3A_131 = tpu.vector_load %arg6[%swap3A_129, %swap3A_130] {strides = array<i32>} : memref<256x256xf32, #tpu.memory_space<vmem>>, vector<16xf32>,
      tpu.vector_store %arg6[%swap3A_129, %swap3A_130], %broadcast_in_dim3A_49 {strides = array<i32>} : memref<256x256xf32, #tpu.memory_space<vmem>>, vector<16xf32>,
      %swap3A_132 = arith.index_cast %scan3A_108 : i32 to index
      %swap3A_133 = arith.constant 128 : index
      %swap3A_134 = tpu.vector_load %arg6[%swap3A_132, %swap3A_133] {strides = array<i32>} : memref<256x256xf32, #tpu.memory_space<vmem>>, vector<16xf32>,
      tpu.vector_store %arg6[%swap3A_132, %swap3A_133], %broadcast_in_dim3A_49 {strides = array<i32>} : memref<256x256xf32, #tpu.memory_space<vmem>>, vector<16xf32>,
      %swap3A_135 = arith.index_cast %scan3A_108 : i32 to index
      %swap3A_136 = arith.constant 144 : index
      %swap3A_137 = tpu.vector_load %arg6[%swap3A_135, %swap3A_136] {strides = array<i32>} : memref<256x256xf32, #tpu.memory_space<vmem>>, vector<16xf32>,
      tpu.vector_store %arg6[%swap3A_135, %swap3A_136], %broadcast_in_dim3A_49 {strides = array<i32>} : memref<256x256xf32, #tpu.memory_space<vmem>>, vector<16xf32>,
      %swap3A_138 = arith.index_cast %scan3A_108 : i32 to index
      %swap3A_139 = arith.constant 160 : index
      %swap3A_140 = tpu.vector_load %arg6[%swap3A_138, %swap3A_139] {strides = array<i32>} : memref<256x256xf32, #tpu.memory_space<vmem>>, vector<16xf32>,
      tpu.vector_store %arg6[%swap3A_138, %swap3A_139], %broadcast_in_dim3A_49 {strides = array<i32>} : memref<256x256xf32, #tpu.memory_space<vmem>>, vector<16xf32>,
      %swap3A_141 = arith.index_cast %scan3A_108 : i32 to index
      %swap3A_142 = arith.constant 176 : index
      %swap3A_143 = tpu.vector_load %arg6[%swap3A_141, %swap3A_142] {strides = array<i32>} : memref<256x256xf32, #tpu.memory_space<vmem>>, vector<16xf32>,
      tpu.vector_store %arg6[%swap3A_141, %swap3A_142], %broadcast_in_dim3A_49 {strides = array<i32>} : memref<256x256xf32, #tpu.memory_space<vmem>>, vector<16xf32>,
      %swap3A_144 = arith.index_cast %scan3A_108 : i32 to index
      %swap3A_145 = arith.constant 192 : index
      %swap3A_146 = tpu.vector_load %arg6[%swap3A_144, %swap3A_145] {strides = array<i32>} : memref<256x256xf32, #tpu.memory_space<vmem>>, vector<16xf32>,
      tpu.vector_store %arg6[%swap3A_144, %swap3A_145], %broadcast_in_dim3A_49 {strides = array<i32>} : memref<256x256xf32, #tpu.memory_space<vmem>>, vector<16xf32>,
      %swap3A_147 = arith.index_cast %scan3A_108 : i32 to index
      %swap3A_148 = arith.constant 208 : index
      %swap3A_149 = tpu.vector_load %arg6[%swap3A_147, %swap3A_148] {strides = array<i32>} : memref<256x256xf32, #tpu.memory_space<vmem>>, vector<16xf32>,
      tpu.vector_store %arg6[%swap3A_147, %swap3A_148], %broadcast_in_dim3A_49 {strides = array<i32>} : memref<256x256xf32, #tpu.memory_space<vmem>>, vector<16xf32>,
      %swap3A_150 = arith.index_cast %scan3A_108 : i32 to index
      %swap3A_151 = arith.constant 224 : index
      %swap3A_152 = tpu.vector_load %arg6[%swap3A_150, %swap3A_151] {strides = array<i32>} : memref<256x256xf32, #tpu.memory_space<vmem>>, vector<16xf32>,
      tpu.vector_store %arg6[%swap3A_150, %swap3A_151], %broadcast_in_dim3A_49 {strides = array<i32>} : memref<256x256xf32, #tpu.memory_space<vmem>>, vector<16xf32>,
      %swap3A_153 = arith.index_cast %scan3A_108 : i32 to index
      %swap3A_154 = arith.constant 240 : index
      %swap3A_155 = tpu.vector_load %arg6[%swap3A_153, %swap3A_154] {strides = array<i32>} : memref<256x256xf32, #tpu.memory_space<vmem>>, vector<16xf32>,
      tpu.vector_store %arg6[%swap3A_153, %swap3A_154], %broadcast_in_dim3A_49 {strides = array<i32>} : memref<256x256xf32, #tpu.memory_space<vmem>>, vector<16xf32>,
      %swap3A_156 = arith.index_cast %scan3A_108 : i32 to index
      %swap3A_157 = arith.constant 0 : index
      %swap3A_158 = tpu.vector_load %arg7[%swap3A_156, %swap3A_157] {strides = array<i32>} : memref<256x16xf32, #tpu.memory_space<vmem>>, vector<16xf32>,
      tpu.vector_store %arg7[%swap3A_156, %swap3A_157], %broadcast_in_dim3A_49 {strides = array<i32>} : memref<256x16xf32, #tpu.memory_space<vmem>>, vector<16xf32>,
    }
    %scan3A_54 = arith.constant 256 : i32
    %barrier3A = arith.constant 0 : index
    tpu.barrier barrier_id(%barrier3A)
    %jit3A_55 = arith.constant 4 : i32
    %div3A_56 = arith.divsi %arg1, %jit3A_55 : i32
    %sign3A_57 = arith.constant 0 : i32
    %sign3A_58 = arith.cmpi sgt, %arg1, %sign3A_57 : i32
    %sign3A_59 = arith.extui %sign3A_58 : i1 to i32
    %sign3A_60 = arith.constant 0 : i32
    %sign3A_61 = arith.cmpi slt, %arg1, %sign3A_60 : i32
    %sign3A_62 = arith.extui %sign3A_61 : i1 to i32
    %sign3A_63 = arith.subi %sign3A_59, %sign3A_62 : i32
    %sign3A_64 = arith.constant 0 : i32
    %sign3A_65 = arith.cmpi sgt, %jit3A_55, %sign3A_64 : i32
    %sign3A_66 = arith.extui %sign3A_65 : i1 to i32
    %sign3A_67 = arith.constant 0 : i32
    %sign3A_68 = arith.cmpi slt, %jit3A_55, %sign3A_67 : i32
    %sign3A_69 = arith.extui %sign3A_68 : i1 to i32
    %sign3A_70 = arith.subi %sign3A_66, %sign3A_69 : i32
    %ne3A_71 = arith.cmpi ne, %sign3A_63, %sign3A_70 : i32
    %rem3A_72 = arith.remsi %arg1, %jit3A_55 : i32
    %ne3A_73 = arith.constant 0 : i32
    %ne3A_74 = arith.cmpi ne, %rem3A_72, %ne3A_73 : i32
    %and3A_75 = arith.andi %ne3A_71, %ne3A_74 : i1
    %sub3A_76 = arith.constant 1 : i32
    %sub3A_77 = arith.subi %div3A_56, %sub3A_76 : i32
    %select_n3A_78 = arith.select %and3A_75, %sub3A_77, %div3A_56 : i32
    "tpu.region"() ({
      %run_scoped3A = tpu.sem_alloc : memref<!tpu.dma_semaphore, #tpu.memory_space<semaphore_mem>>
      %dma_start3A_108 = arith.constant 0 : i32
      %dma_start3A_109 = tpu.memref_slice %arg10[%select_n3A_78, %dma_start3A_108] : memref<4x1024xi32, #tpu.memory_space<vmem_shared>> -> memref<1x1024xi32, #tpu.memory_space<vmem_shared>>
      %dma_start3A_110 = tpu.memref_squeeze %dma_start3A_109 : memref<1x1024xi32, #tpu.memory_space<vmem_shared>> -> memref<1024xi32, #tpu.memory_space<vmem_shared>>
      tpu.enqueue_dma source(%dma_start3A_110 : memref<1024xi32, #tpu.memory_space<vmem_shared>>) target(%arg11 : memref<1024xi32, #tpu.memory_space<smem>>) target_semaphore(%run_scoped3A : memref<!tpu.dma_semaphore, #tpu.memory_space<semaphore_mem>>)
      %dma_wait3A_111 = arith.constant 0 : i32
      %dma_wait3A_112 = tpu.memref_slice %arg10[%select_n3A_78, %dma_wait3A_111] : memref<4x1024xi32, #tpu.memory_space<vmem_shared>> -> memref<1x1024xi32, #tpu.memory_space<vmem_shared>>
      %dma_wait3A_113 = tpu.memref_squeeze %dma_wait3A_112 : memref<1x1024xi32, #tpu.memory_space<vmem_shared>> -> memref<1024xi32, #tpu.memory_space<vmem_shared>>
      tpu.wait_dma2 semaphore(%run_scoped3A : memref<!tpu.dma_semaphore, #tpu.memory_space<semaphore_mem>>) src(%dma_wait3A_113 : memref<1024xi32, #tpu.memory_space<vmem_shared>>) dst(%arg11 : memref<1024xi32, #tpu.memory_space<smem>>)
      tpu.yield
    }) : () -> ()
    %scan3A_79 = arith.constant 0 : i32
    %scan3A_80 = arith.constant 0 : i32
    %scan3A_81 = arith.constant 16 : i32
    %scan3A_82 = arith.addi %scan3A_80, %scan3A_81 : i32
    %scan3A_83 = arith.constant 1 : i32
    scf.for %scan3A_108 = %scan3A_80 to %scan3A_82 step %scan3A_83  : i32 {
      %mul3A_109 = arith.constant 2 : i32
      %mul3A_110 = arith.muli %mul3A_109, %scan3A_108 : i32
      %add3A_111 = arith.constant 0 : i32
      %add3A_112 = arith.addi %mul3A_110, %add3A_111 : i32
      %mul3A_113 = arith.constant 1024 : i32
      %mul3A_114 = arith.muli %select_n3A, %mul3A_113 : i32
      %mul3A_115 = arith.constant 32 : i32
      %mul3A_116 = arith.muli %add3A_112, %mul3A_115 : i32
      %add3A_117 = arith.addi %mul3A_114, %mul3A_116 : i32
      %mul3A_118 = arith.constant 256 : i32
      %mul3A_119 = arith.muli %select_n3A_30, %mul3A_118 : i32
      %dma_wait3A_120 = tpu.memref_slice %arg2[%add3A_117, %mul3A_119] : memref<8192x1024xf32, #tpu.memory_space<hbm>> -> memref<32x256xf32, #tpu.memory_space<hbm>>
      %dma_wait3A_121 = tpu.memref_slice %arg2[%add3A_117, %mul3A_119] : memref<8192x1024xf32, #tpu.memory_space<hbm>> -> memref<32x256xf32, #tpu.memory_space<hbm>>
      tpu.wait_dma2 semaphore(%arg12 : memref<!tpu.dma_semaphore, #tpu.memory_space<semaphore_mem>>) src(%dma_wait3A_121 : memref<32x256xf32, #tpu.memory_space<hbm>>) dst(%arg8 : memref<32x256xf32, #tpu.memory_space<vmem>>)
      %scan3A_122 = arith.constant 0 : i32
      %scan3A_123 = arith.constant 0 : i32
      %scan3A_124 = arith.constant 4 : i32
      %scan3A_125 = arith.addi %scan3A_123, %scan3A_124 : i32
      %scan3A_126 = arith.constant 1 : i32
      scf.for %scan3A_161 = %scan3A_123 to %scan3A_125 step %scan3A_126  : i32 {
        %mul3A_162 = arith.constant 32 : i32
        %mul3A_163 = arith.muli %add3A_112, %mul3A_162 : i32
        %mul3A_164 = arith.constant 8 : i32
        %mul3A_165 = arith.muli %scan3A_161, %mul3A_164 : i32
        %add3A_166 = arith.addi %mul3A_163, %mul3A_165 : i32
        %add3A_167 = arith.constant 0 : i32
        %add3A_168 = arith.addi %add3A_166, %add3A_167 : i32
        %get3A = arith.index_cast %add3A_168 : i32 to index
        %get3A_169 = memref.load %arg11[%get3A] : memref<1024xi32, #tpu.memory_space<smem>>
        %add3A_170 = arith.constant 1 : i32
        %add3A_171 = arith.addi %add3A_166, %add3A_170 : i32
        %get3A_172 = arith.index_cast %add3A_171 : i32 to index
        %get3A_173 = memref.load %arg11[%get3A_172] : memref<1024xi32, #tpu.memory_space<smem>>
        %add3A_174 = arith.constant 2 : i32
        %add3A_175 = arith.addi %add3A_166, %add3A_174 : i32
        %get3A_176 = arith.index_cast %add3A_175 : i32 to index
        %get3A_177 = memref.load %arg11[%get3A_176] : memref<1024xi32, #tpu.memory_space<smem>>
        %add3A_178 = arith.constant 3 : i32
        %add3A_179 = arith.addi %add3A_166, %add3A_178 : i32
        %get3A_180 = arith.index_cast %add3A_179 : i32 to index
        %get3A_181 = memref.load %arg11[%get3A_180] : memref<1024xi32, #tpu.memory_space<smem>>
        %add3A_182 = arith.constant 4 : i32
        %add3A_183 = arith.addi %add3A_166, %add3A_182 : i32
        %get3A_184 = arith.index_cast %add3A_183 : i32 to index
        %get3A_185 = memref.load %arg11[%get3A_184] : memref<1024xi32, #tpu.memory_space<smem>>
        %add3A_186 = arith.constant 5 : i32
        %add3A_187 = arith.addi %add3A_166, %add3A_186 : i32
        %get3A_188 = arith.index_cast %add3A_187 : i32 to index
        %get3A_189 = memref.load %arg11[%get3A_188] : memref<1024xi32, #tpu.memory_space<smem>>
        %add3A_190 = arith.constant 6 : i32
        %add3A_191 = arith.addi %add3A_166, %add3A_190 : i32
        %get3A_192 = arith.index_cast %add3A_191 : i32 to index
        %get3A_193 = memref.load %arg11[%get3A_192] : memref<1024xi32, #tpu.memory_space<smem>>
        %add3A_194 = arith.constant 7 : i32
        %add3A_195 = arith.addi %add3A_166, %add3A_194 : i32
        %get3A_196 = arith.index_cast %add3A_195 : i32 to index
        %get3A_197 = memref.load %arg11[%get3A_196] : memref<1024xi32, #tpu.memory_space<smem>>
        %mul3A_198 = arith.constant 8 : i32
        %mul3A_199 = arith.muli %scan3A_161, %mul3A_198 : i32
        %get3A_200 = arith.index_cast %mul3A_199 : i32 to index
        %get3A_201 = arith.constant 0 : index
        %get3A_202 = tpu.vector_load %arg8[%get3A_200, %get3A_201] {strides = array<i32>} : memref<32x256xf32, #tpu.memory_space<vmem>>, vector<16xf32>,
        %mul3A_203 = arith.constant 8 : i32
        %mul3A_204 = arith.muli %scan3A_161, %mul3A_203 : i32
        %get3A_205 = arith.index_cast %mul3A_204 : i32 to index
        %get3A_206 = arith.constant 16 : index
        %get3A_207 = tpu.vector_load %arg8[%get3A_205, %get3A_206] {strides = array<i32>} : memref<32x256xf32, #tpu.memory_space<vmem>>, vector<16xf32>,
        %mul3A_208 = arith.constant 8 : i32
        %mul3A_209 = arith.muli %scan3A_161, %mul3A_208 : i32
        %get3A_210 = arith.index_cast %mul3A_209 : i32 to index
        %get3A_211 = arith.constant 32 : index
        %get3A_212 = tpu.vector_load %arg8[%get3A_210, %get3A_211] {strides = array<i32>} : memref<32x256xf32, #tpu.memory_space<vmem>>, vector<16xf32>,
        %mul3A_213 = arith.constant 8 : i32
        %mul3A_214 = arith.muli %scan3A_161, %mul3A_213 : i32
        %get3A_215 = arith.index_cast %mul3A_214 : i32 to index
        %get3A_216 = arith.constant 48 : index
        %get3A_217 = tpu.vector_load %arg8[%get3A_215, %get3A_216] {strides = array<i32>} : memref<32x256xf32, #tpu.memory_space<vmem>>, vector<16xf32>,
        %mul3A_218 = arith.constant 8 : i32
        %mul3A_219 = arith.muli %scan3A_161, %mul3A_218 : i32
        %get3A_220 = arith.index_cast %mul3A_219 : i32 to index
        %get3A_221 = arith.constant 64 : index
        %get3A_222 = tpu.vector_load %arg8[%get3A_220, %get3A_221] {strides = array<i32>} : memref<32x256xf32, #tpu.memory_space<vmem>>, vector<16xf32>,
        %mul3A_223 = arith.constant 8 : i32
        %mul3A_224 = arith.muli %scan3A_161, %mul3A_223 : i32
        %get3A_225 = arith.index_cast %mul3A_224 : i32 to index
        %get3A_226 = arith.constant 80 : index
        %get3A_227 = tpu.vector_load %arg8[%get3A_225, %get3A_226] {strides = array<i32>} : memref<32x256xf32, #tpu.memory_space<vmem>>, vector<16xf32>,
        %mul3A_228 = arith.constant 8 : i32
        %mul3A_229 = arith.muli %scan3A_161, %mul3A_228 : i32
        %get3A_230 = arith.index_cast %mul3A_229 : i32 to index
        %get3A_231 = arith.constant 96 : index
        %get3A_232 = tpu.vector_load %arg8[%get3A_230, %get3A_231] {strides = array<i32>} : memref<32x256xf32, #tpu.memory_space<vmem>>, vector<16xf32>,
        %mul3A_233 = arith.constant 8 : i32
        %mul3A_234 = arith.muli %scan3A_161, %mul3A_233 : i32
        %get3A_235 = arith.index_cast %mul3A_234 : i32 to index
        %get3A_236 = arith.constant 112 : index
        %get3A_237 = tpu.vector_load %arg8[%get3A_235, %get3A_236] {strides = array<i32>} : memref<32x256xf32, #tpu.memory_space<vmem>>, vector<16xf32>,
        %mul3A_238 = arith.constant 8 : i32
        %mul3A_239 = arith.muli %scan3A_161, %mul3A_238 : i32
        %get3A_240 = arith.index_cast %mul3A_239 : i32 to index
        %get3A_241 = arith.constant 128 : index
        %get3A_242 = tpu.vector_load %arg8[%get3A_240, %get3A_241] {strides = array<i32>} : memref<32x256xf32, #tpu.memory_space<vmem>>, vector<16xf32>,
        %mul3A_243 = arith.constant 8 : i32
        %mul3A_244 = arith.muli %scan3A_161, %mul3A_243 : i32
        %get3A_245 = arith.index_cast %mul3A_244 : i32 to index
        %get3A_246 = arith.constant 144 : index
        %get3A_247 = tpu.vector_load %arg8[%get3A_245, %get3A_246] {strides = array<i32>} : memref<32x256xf32, #tpu.memory_space<vmem>>, vector<16xf32>,
        %mul3A_248 = arith.constant 8 : i32
        %mul3A_249 = arith.muli %scan3A_161, %mul3A_248 : i32
        %get3A_250 = arith.index_cast %mul3A_249 : i32 to index
        %get3A_251 = arith.constant 160 : index
        %get3A_252 = tpu.vector_load %arg8[%get3A_250, %get3A_251] {strides = array<i32>} : memref<32x256xf32, #tpu.memory_space<vmem>>, vector<16xf32>,
        %mul3A_253 = arith.constant 8 : i32
        %mul3A_254 = arith.muli %scan3A_161, %mul3A_253 : i32
        %get3A_255 = arith.index_cast %mul3A_254 : i32 to index
        %get3A_256 = arith.constant 176 : index
        %get3A_257 = tpu.vector_load %arg8[%get3A_255, %get3A_256] {strides = array<i32>} : memref<32x256xf32, #tpu.memory_space<vmem>>, vector<16xf32>,
        %mul3A_258 = arith.constant 8 : i32
        %mul3A_259 = arith.muli %scan3A_161, %mul3A_258 : i32
        %get3A_260 = arith.index_cast %mul3A_259 : i32 to index
        %get3A_261 = arith.constant 192 : index
        %get3A_262 = tpu.vector_load %arg8[%get3A_260, %get3A_261] {strides = array<i32>} : memref<32x256xf32, #tpu.memory_space<vmem>>, vector<16xf32>,
        %mul3A_263 = arith.constant 8 : i32
        %mul3A_264 = arith.muli %scan3A_161, %mul3A_263 : i32
        %get3A_265 = arith.index_cast %mul3A_264 : i32 to index
        %get3A_266 = arith.constant 208 : index
        %get3A_267 = tpu.vector_load %arg8[%get3A_265, %get3A_266] {strides = array<i32>} : memref<32x256xf32, #tpu.memory_space<vmem>>, vector<16xf32>,
        %mul3A_268 = arith.constant 8 : i32
        %mul3A_269 = arith.muli %scan3A_161, %mul3A_268 : i32
        %get3A_270 = arith.index_cast %mul3A_269 : i32 to index
        %get3A_271 = arith.constant 224 : index
        %get3A_272 = tpu.vector_load %arg8[%get3A_270, %get3A_271] {strides = array<i32>} : memref<32x256xf32, #tpu.memory_space<vmem>>, vector<16xf32>,
        %mul3A_273 = arith.constant 8 : i32
        %mul3A_274 = arith.muli %scan3A_161, %mul3A_273 : i32
        %get3A_275 = arith.index_cast %mul3A_274 : i32 to index
        %get3A_276 = arith.constant 240 : index
        %get3A_277 = tpu.vector_load %arg8[%get3A_275, %get3A_276] {strides = array<i32>} : memref<32x256xf32, #tpu.memory_space<vmem>>, vector<16xf32>,
        %mul3A_278 = arith.constant 8 : i32
        %mul3A_279 = arith.muli %scan3A_161, %mul3A_278 : i32
        %add3A_280 = arith.constant 0 : i32
        %add3A_281 = arith.addi %mul3A_279, %add3A_280 : i32
        %add3A_282 = arith.constant 1 : i32
        %add3A_283 = arith.addi %add3A_281, %add3A_282 : i32
        %get3A_284 = arith.index_cast %add3A_283 : i32 to index
        %get3A_285 = arith.constant 0 : index
        %get3A_286 = tpu.vector_load %arg8[%get3A_284, %get3A_285] {strides = array<i32>} : memref<32x256xf32, #tpu.memory_space<vmem>>, vector<16xf32>,
        %swap3A = arith.index_cast %get3A_169 : i32 to index
        %swap3A_287 = arith.constant 0 : index
        %swap3A_288 = tpu.vector_load %arg6[%swap3A, %swap3A_287] {strides = array<i32>} : memref<256x256xf32, #tpu.memory_space<vmem>>, vector<16xf32>,
        tpu.vector_store %arg6[%swap3A, %swap3A_287], %get3A_202 {add = true, strides = array<i32>} : memref<256x256xf32, #tpu.memory_space<vmem>>, vector<16xf32>,
        %mul3A_289 = arith.constant 8 : i32
        %mul3A_290 = arith.muli %scan3A_161, %mul3A_289 : i32
        %add3A_291 = arith.constant 0 : i32
        %add3A_292 = arith.addi %mul3A_290, %add3A_291 : i32
        %add3A_293 = arith.constant 1 : i32
        %add3A_294 = arith.addi %add3A_292, %add3A_293 : i32
        %get3A_295 = arith.index_cast %add3A_294 : i32 to index
        %get3A_296 = arith.constant 16 : index
        %get3A_297 = tpu.vector_load %arg8[%get3A_295, %get3A_296] {strides = array<i32>} : memref<32x256xf32, #tpu.memory_space<vmem>>, vector<16xf32>,
        %swap3A_298 = arith.index_cast %get3A_169 : i32 to index
        %swap3A_299 = arith.constant 16 : index
        %swap3A_300 = tpu.vector_load %arg6[%swap3A_298, %swap3A_299] {strides = array<i32>} : memref<256x256xf32, #tpu.memory_space<vmem>>, vector<16xf32>,
        tpu.vector_store %arg6[%swap3A_298, %swap3A_299], %get3A_207 {add = true, strides = array<i32>} : memref<256x256xf32, #tpu.memory_space<vmem>>, vector<16xf32>,
        %mul3A_301 = arith.constant 8 : i32
        %mul3A_302 = arith.muli %scan3A_161, %mul3A_301 : i32
        %add3A_303 = arith.constant 0 : i32
        %add3A_304 = arith.addi %mul3A_302, %add3A_303 : i32
        %add3A_305 = arith.constant 1 : i32
        %add3A_306 = arith.addi %add3A_304, %add3A_305 : i32
        %get3A_307 = arith.index_cast %add3A_306 : i32 to index
        %get3A_308 = arith.constant 32 : index
        %get3A_309 = tpu.vector_load %arg8[%get3A_307, %get3A_308] {strides = array<i32>} : memref<32x256xf32, #tpu.memory_space<vmem>>, vector<16xf32>,
        %swap3A_310 = arith.index_cast %get3A_169 : i32 to index
        %swap3A_311 = arith.constant 32 : index
        %swap3A_312 = tpu.vector_load %arg6[%swap3A_310, %swap3A_311] {strides = array<i32>} : memref<256x256xf32, #tpu.memory_space<vmem>>, vector<16xf32>,
        tpu.vector_store %arg6[%swap3A_310, %swap3A_311], %get3A_212 {add = true, strides = array<i32>} : memref<256x256xf32, #tpu.memory_space<vmem>>, vector<16xf32>,
        %mul3A_313 = arith.constant 8 : i32
        %mul3A_314 = arith.muli %scan3A_161, %mul3A_313 : i32
        %add3A_315 = arith.constant 0 : i32
        %add3A_316 = arith.addi %mul3A_314, %add3A_315 : i32
        %add3A_317 = arith.constant 1 : i32
        %add3A_318 = arith.addi %add3A_316, %add3A_317 : i32
        %get3A_319 = arith.index_cast %add3A_318 : i32 to index
        %get3A_320 = arith.constant 48 : index
        %get3A_321 = tpu.vector_load %arg8[%get3A_319, %get3A_320] {strides = array<i32>} : memref<32x256xf32, #tpu.memory_space<vmem>>, vector<16xf32>,
        %swap3A_322 = arith.index_cast %get3A_169 : i32 to index
        %swap3A_323 = arith.constant 48 : index
        %swap3A_324 = tpu.vector_load %arg6[%swap3A_322, %swap3A_323] {strides = array<i32>} : memref<256x256xf32, #tpu.memory_space<vmem>>, vector<16xf32>,
        tpu.vector_store %arg6[%swap3A_322, %swap3A_323], %get3A_217 {add = true, strides = array<i32>} : memref<256x256xf32, #tpu.memory_space<vmem>>, vector<16xf32>,
        %mul3A_325 = arith.constant 8 : i32
        %mul3A_326 = arith.muli %scan3A_161, %mul3A_325 : i32
        %add3A_327 = arith.constant 0 : i32
        %add3A_328 = arith.addi %mul3A_326, %add3A_327 : i32
        %add3A_329 = arith.constant 1 : i32
        %add3A_330 = arith.addi %add3A_328, %add3A_329 : i32
        %get3A_331 = arith.index_cast %add3A_330 : i32 to index
        %get3A_332 = arith.constant 64 : index
        %get3A_333 = tpu.vector_load %arg8[%get3A_331, %get3A_332] {strides = array<i32>} : memref<32x256xf32, #tpu.memory_space<vmem>>, vector<16xf32>,
        %swap3A_334 = arith.index_cast %get3A_169 : i32 to index
        %swap3A_335 = arith.constant 64 : index
        %swap3A_336 = tpu.vector_load %arg6[%swap3A_334, %swap3A_335] {strides = array<i32>} : memref<256x256xf32, #tpu.memory_space<vmem>>, vector<16xf32>,
        tpu.vector_store %arg6[%swap3A_334, %swap3A_335], %get3A_222 {add = true, strides = array<i32>} : memref<256x256xf32, #tpu.memory_space<vmem>>, vector<16xf32>,
        %mul3A_337 = arith.constant 8 : i32
        %mul3A_338 = arith.muli %scan3A_161, %mul3A_337 : i32
        %add3A_339 = arith.constant 0 : i32
        %add3A_340 = arith.addi %mul3A_338, %add3A_339 : i32
        %add3A_341 = arith.constant 1 : i32
        %add3A_342 = arith.addi %add3A_340, %add3A_341 : i32
        %get3A_343 = arith.index_cast %add3A_342 : i32 to index
        %get3A_344 = arith.constant 80 : index
        %get3A_345 = tpu.vector_load %arg8[%get3A_343, %get3A_344] {strides = array<i32>} : memref<32x256xf32, #tpu.memory_space<vmem>>, vector<16xf32>,
        %swap3A_346 = arith.index_cast %get3A_169 : i32 to index
        %swap3A_347 = arith.constant 80 : index
        %swap3A_348 = tpu.vector_load %arg6[%swap3A_346, %swap3A_347] {strides = array<i32>} : memref<256x256xf32, #tpu.memory_space<vmem>>, vector<16xf32>,
        tpu.vector_store %arg6[%swap3A_346, %swap3A_347], %get3A_227 {add = true, strides = array<i32>} : memref<256x256xf32, #tpu.memory_space<vmem>>, vector<16xf32>,
        %mul3A_349 = arith.constant 8 : i32
        %mul3A_350 = arith.muli %scan3A_161, %mul3A_349 : i32
        %add3A_351 = arith.constant 0 : i32
        %add3A_352 = arith.addi %mul3A_350, %add3A_351 : i32
        %add3A_353 = arith.constant 1 : i32
        %add3A_354 = arith.addi %add3A_352, %add3A_353 : i32
        %get3A_355 = arith.index_cast %add3A_354 : i32 to index
        %get3A_356 = arith.constant 96 : index
        %get3A_357 = tpu.vector_load %arg8[%get3A_355, %get3A_356] {strides = array<i32>} : memref<32x256xf32, #tpu.memory_space<vmem>>, vector<16xf32>,
        %swap3A_358 = arith.index_cast %get3A_169 : i32 to index
        %swap3A_359 = arith.constant 96 : index
        %swap3A_360 = tpu.vector_load %arg6[%swap3A_358, %swap3A_359] {strides = array<i32>} : memref<256x256xf32, #tpu.memory_space<vmem>>, vector<16xf32>,
        tpu.vector_store %arg6[%swap3A_358, %swap3A_359], %get3A_232 {add = true, strides = array<i32>} : memref<256x256xf32, #tpu.memory_space<vmem>>, vector<16xf32>,
        %mul3A_361 = arith.constant 8 : i32
        %mul3A_362 = arith.muli %scan3A_161, %mul3A_361 : i32
        %add3A_363 = arith.constant 0 : i32
        %add3A_364 = arith.addi %mul3A_362, %add3A_363 : i32
        %add3A_365 = arith.constant 1 : i32
        %add3A_366 = arith.addi %add3A_364, %add3A_365 : i32
        %get3A_367 = arith.index_cast %add3A_366 : i32 to index
        %get3A_368 = arith.constant 112 : index
        %get3A_369 = tpu.vector_load %arg8[%get3A_367, %get3A_368] {strides = array<i32>} : memref<32x256xf32, #tpu.memory_space<vmem>>, vector<16xf32>,
        %swap3A_370 = arith.index_cast %get3A_169 : i32 to index
        %swap3A_371 = arith.constant 112 : index
        %swap3A_372 = tpu.vector_load %arg6[%swap3A_370, %swap3A_371] {strides = array<i32>} : memref<256x256xf32, #tpu.memory_space<vmem>>, vector<16xf32>,
        tpu.vector_store %arg6[%swap3A_370, %swap3A_371], %get3A_237 {add = true, strides = array<i32>} : memref<256x256xf32, #tpu.memory_space<vmem>>, vector<16xf32>,
        %mul3A_373 = arith.constant 8 : i32
        %mul3A_374 = arith.muli %scan3A_161, %mul3A_373 : i32
        %add3A_375 = arith.constant 0 : i32
        %add3A_376 = arith.addi %mul3A_374, %add3A_375 : i32
        %add3A_377 = arith.constant 1 : i32
        %add3A_378 = arith.addi %add3A_376, %add3A_377 : i32
        %get3A_379 = arith.index_cast %add3A_378 : i32 to index
        %get3A_380 = arith.constant 128 : index
        %get3A_381 = tpu.vector_load %arg8[%get3A_379, %get3A_380] {strides = array<i32>} : memref<32x256xf32, #tpu.memory_space<vmem>>, vector<16xf32>,
        %swap3A_382 = arith.index_cast %get3A_169 : i32 to index
        %swap3A_383 = arith.constant 128 : index
        %swap3A_384 = tpu.vector_load %arg6[%swap3A_382, %swap3A_383] {strides = array<i32>} : memref<256x256xf32, #tpu.memory_space<vmem>>, vector<16xf32>,
        tpu.vector_store %arg6[%swap3A_382, %swap3A_383], %get3A_242 {add = true, strides = array<i32>} : memref<256x256xf32, #tpu.memory_space<vmem>>, vector<16xf32>,
        %mul3A_385 = arith.constant 8 : i32
        %mul3A_386 = arith.muli %scan3A_161, %mul3A_385 : i32
        %add3A_387 = arith.constant 0 : i32
        %add3A_388 = arith.addi %mul3A_386, %add3A_387 : i32
        %add3A_389 = arith.constant 1 : i32
        %add3A_390 = arith.addi %add3A_388, %add3A_389 : i32
        %get3A_391 = arith.index_cast %add3A_390 : i32 to index
        %get3A_392 = arith.constant 144 : index
        %get3A_393 = tpu.vector_load %arg8[%get3A_391, %get3A_392] {strides = array<i32>} : memref<32x256xf32, #tpu.memory_space<vmem>>, vector<16xf32>,
        %swap3A_394 = arith.index_cast %get3A_169 : i32 to index
        %swap3A_395 = arith.constant 144 : index
        %swap3A_396 = tpu.vector_load %arg6[%swap3A_394, %swap3A_395] {strides = array<i32>} : memref<256x256xf32, #tpu.memory_space<vmem>>, vector<16xf32>,
        tpu.vector_store %arg6[%swap3A_394, %swap3A_395], %get3A_247 {add = true, strides = array<i32>} : memref<256x256xf32, #tpu.memory_space<vmem>>, vector<16xf32>,
        %mul3A_397 = arith.constant 8 : i32
        %mul3A_398 = arith.muli %scan3A_161, %mul3A_397 : i32
        %add3A_399 = arith.constant 0 : i32
        %add3A_400 = arith.addi %mul3A_398, %add3A_399 : i32
        %add3A_401 = arith.constant 1 : i32
        %add3A_402 = arith.addi %add3A_400, %add3A_401 : i32
        %get3A_403 = arith.index_cast %add3A_402 : i32 to index
        %get3A_404 = arith.constant 160 : index
        %get3A_405 = tpu.vector_load %arg8[%get3A_403, %get3A_404] {strides = array<i32>} : memref<32x256xf32, #tpu.memory_space<vmem>>, vector<16xf32>,
        %swap3A_406 = arith.index_cast %get3A_169 : i32 to index
        %swap3A_407 = arith.constant 160 : index
        %swap3A_408 = tpu.vector_load %arg6[%swap3A_406, %swap3A_407] {strides = array<i32>} : memref<256x256xf32, #tpu.memory_space<vmem>>, vector<16xf32>,
        tpu.vector_store %arg6[%swap3A_406, %swap3A_407], %get3A_252 {add = true, strides = array<i32>} : memref<256x256xf32, #tpu.memory_space<vmem>>, vector<16xf32>,
        %mul3A_409 = arith.constant 8 : i32
        %mul3A_410 = arith.muli %scan3A_161, %mul3A_409 : i32
        %add3A_411 = arith.constant 0 : i32
        %add3A_412 = arith.addi %mul3A_410, %add3A_411 : i32
        %add3A_413 = arith.constant 1 : i32
        %add3A_414 = arith.addi %add3A_412, %add3A_413 : i32
        %get3A_415 = arith.index_cast %add3A_414 : i32 to index
        %get3A_416 = arith.constant 176 : index
        %get3A_417 = tpu.vector_load %arg8[%get3A_415, %get3A_416] {strides = array<i32>} : memref<32x256xf32, #tpu.memory_space<vmem>>, vector<16xf32>,
        %swap3A_418 = arith.index_cast %get3A_169 : i32 to index
        %swap3A_419 = arith.constant 176 : index
        %swap3A_420 = tpu.vector_load %arg6[%swap3A_418, %swap3A_419] {strides = array<i32>} : memref<256x256xf32, #tpu.memory_space<vmem>>, vector<16xf32>,
        tpu.vector_store %arg6[%swap3A_418, %swap3A_419], %get3A_257 {add = true, strides = array<i32>} : memref<256x256xf32, #tpu.memory_space<vmem>>, vector<16xf32>,
        %mul3A_421 = arith.constant 8 : i32
        %mul3A_422 = arith.muli %scan3A_161, %mul3A_421 : i32
        %add3A_423 = arith.constant 0 : i32
        %add3A_424 = arith.addi %mul3A_422, %add3A_423 : i32
        %add3A_425 = arith.constant 1 : i32
        %add3A_426 = arith.addi %add3A_424, %add3A_425 : i32
        %get3A_427 = arith.index_cast %add3A_426 : i32 to index
        %get3A_428 = arith.constant 192 : index
        %get3A_429 = tpu.vector_load %arg8[%get3A_427, %get3A_428] {strides = array<i32>} : memref<32x256xf32, #tpu.memory_space<vmem>>, vector<16xf32>,
        %swap3A_430 = arith.index_cast %get3A_169 : i32 to index
        %swap3A_431 = arith.constant 192 : index
        %swap3A_432 = tpu.vector_load %arg6[%swap3A_430, %swap3A_431] {strides = array<i32>} : memref<256x256xf32, #tpu.memory_space<vmem>>, vector<16xf32>,
        tpu.vector_store %arg6[%swap3A_430, %swap3A_431], %get3A_262 {add = true, strides = array<i32>} : memref<256x256xf32, #tpu.memory_space<vmem>>, vector<16xf32>,
        %mul3A_433 = arith.constant 8 : i32
        %mul3A_434 = arith.muli %scan3A_161, %mul3A_433 : i32
        %add3A_435 = arith.constant 0 : i32
        %add3A_436 = arith.addi %mul3A_434, %add3A_435 : i32
        %add3A_437 = arith.constant 1 : i32
        %add3A_438 = arith.addi %add3A_436, %add3A_437 : i32
        %get3A_439 = arith.index_cast %add3A_438 : i32 to index
        %get3A_440 = arith.constant 208 : index
        %get3A_441 = tpu.vector_load %arg8[%get3A_439, %get3A_440] {strides = array<i32>} : memref<32x256xf32, #tpu.memory_space<vmem>>, vector<16xf32>,
        %swap3A_442 = arith.index_cast %get3A_169 : i32 to index
        %swap3A_443 = arith.constant 208 : index
        %swap3A_444 = tpu.vector_load %arg6[%swap3A_442, %swap3A_443] {strides = array<i32>} : memref<256x256xf32, #tpu.memory_space<vmem>>, vector<16xf32>,
        tpu.vector_store %arg6[%swap3A_442, %swap3A_443], %get3A_267 {add = true, strides = array<i32>} : memref<256x256xf32, #tpu.memory_space<vmem>>, vector<16xf32>,
        %mul3A_445 = arith.constant 8 : i32
        %mul3A_446 = arith.muli %scan3A_161, %mul3A_445 : i32
        %add3A_447 = arith.constant 0 : i32
        %add3A_448 = arith.addi %mul3A_446, %add3A_447 : i32
        %add3A_449 = arith.constant 1 : i32
        %add3A_450 = arith.addi %add3A_448, %add3A_449 : i32
        %get3A_451 = arith.index_cast %add3A_450 : i32 to index
        %get3A_452 = arith.constant 224 : index
        %get3A_453 = tpu.vector_load %arg8[%get3A_451, %get3A_452] {strides = array<i32>} : memref<32x256xf32, #tpu.memory_space<vmem>>, vector<16xf32>,
        %swap3A_454 = arith.index_cast %get3A_169 : i32 to index
        %swap3A_455 = arith.constant 224 : index
        %swap3A_456 = tpu.vector_load %arg6[%swap3A_454, %swap3A_455] {strides = array<i32>} : memref<256x256xf32, #tpu.memory_space<vmem>>, vector<16xf32>,
        tpu.vector_store %arg6[%swap3A_454, %swap3A_455], %get3A_272 {add = true, strides = array<i32>} : memref<256x256xf32, #tpu.memory_space<vmem>>, vector<16xf32>,
        %mul3A_457 = arith.constant 8 : i32
        %mul3A_458 = arith.muli %scan3A_161, %mul3A_457 : i32
        %add3A_459 = arith.constant 0 : i32
        %add3A_460 = arith.addi %mul3A_458, %add3A_459 : i32
        %add3A_461 = arith.constant 1 : i32
        %add3A_462 = arith.addi %add3A_460, %add3A_461 : i32
        %get3A_463 = arith.index_cast %add3A_462 : i32 to index
        %get3A_464 = arith.constant 240 : index
        %get3A_465 = tpu.vector_load %arg8[%get3A_463, %get3A_464] {strides = array<i32>} : memref<32x256xf32, #tpu.memory_space<vmem>>, vector<16xf32>,
        %swap3A_466 = arith.index_cast %get3A_169 : i32 to index
        %swap3A_467 = arith.constant 240 : index
        %swap3A_468 = tpu.vector_load %arg6[%swap3A_466, %swap3A_467] {strides = array<i32>} : memref<256x256xf32, #tpu.memory_space<vmem>>, vector<16xf32>,
        tpu.vector_store %arg6[%swap3A_466, %swap3A_467], %get3A_277 {add = true, strides = array<i32>} : memref<256x256xf32, #tpu.memory_space<vmem>>, vector<16xf32>,
        %mul3A_469 = arith.constant 8 : i32
        %mul3A_470 = arith.muli %scan3A_161, %mul3A_469 : i32
        %add3A_471 = arith.constant 1 : i32
        %add3A_472 = arith.addi %mul3A_470, %add3A_471 : i32
        %add3A_473 = arith.constant 1 : i32
        %add3A_474 = arith.addi %add3A_472, %add3A_473 : i32
        %get3A_475 = arith.index_cast %add3A_474 : i32 to index
        %get3A_476 = arith.constant 0 : index
        %get3A_477 = tpu.vector_load %arg8[%get3A_475, %get3A_476] {strides = array<i32>} : memref<32x256xf32, #tpu.memory_space<vmem>>, vector<16xf32>,
        %swap3A_478 = arith.index_cast %get3A_173 : i32 to index
        %swap3A_479 = arith.constant 0 : index
        %swap3A_480 = tpu.vector_load %arg6[%swap3A_478, %swap3A_479] {strides = array<i32>} : memref<256x256xf32, #tpu.memory_space<vmem>>, vector<16xf32>,
        tpu.vector_store %arg6[%swap3A_478, %swap3A_479], %get3A_286 {add = true, strides = array<i32>} : memref<256x256xf32, #tpu.memory_space<vmem>>, vector<16xf32>,
        %mul3A_481 = arith.constant 8 : i32
        %mul3A_482 = arith.muli %scan3A_161, %mul3A_481 : i32
        %add3A_483 = arith.constant 1 : i32
        %add3A_484 = arith.addi %mul3A_482, %add3A_483 : i32
        %add3A_485 = arith.constant 1 : i32
        %add3A_486 = arith.addi %add3A_484, %add3A_485 : i32
        %get3A_487 = arith.index_cast %add3A_486 : i32 to index
        %get3A_488 = arith.constant 16 : index
        %get3A_489 = tpu.vector_load %arg8[%get3A_487, %get3A_488] {strides = array<i32>} : memref<32x256xf32, #tpu.memory_space<vmem>>, vector<16xf32>,
        %swap3A_490 = arith.index_cast %get3A_173 : i32 to index
        %swap3A_491 = arith.constant 16 : index
        %swap3A_492 = tpu.vector_load %arg6[%swap3A_490, %swap3A_491] {strides = array<i32>} : memref<256x256xf32, #tpu.memory_space<vmem>>, vector<16xf32>,
        tpu.vector_store %arg6[%swap3A_490, %swap3A_491], %get3A_297 {add = true, strides = array<i32>} : memref<256x256xf32, #tpu.memory_space<vmem>>, vector<16xf32>,
        %mul3A_493 = arith.constant 8 : i32
        %mul3A_494 = arith.muli %scan3A_161, %mul3A_493 : i32
        %add3A_495 = arith.constant 1 : i32
        %add3A_496 = arith.addi %mul3A_494, %add3A_495 : i32
        %add3A_497 = arith.constant 1 : i32
        %add3A_498 = arith.addi %add3A_496, %add3A_497 : i32
        %get3A_499 = arith.index_cast %add3A_498 : i32 to index
        %get3A_500 = arith.constant 32 : index
        %get3A_501 = tpu.vector_load %arg8[%get3A_499, %get3A_500] {strides = array<i32>} : memref<32x256xf32, #tpu.memory_space<vmem>>, vector<16xf32>,
        %swap3A_502 = arith.index_cast %get3A_173 : i32 to index
        %swap3A_503 = arith.constant 32 : index
        %swap3A_504 = tpu.vector_load %arg6[%swap3A_502, %swap3A_503] {strides = array<i32>} : memref<256x256xf32, #tpu.memory_space<vmem>>, vector<16xf32>,
        tpu.vector_store %arg6[%swap3A_502, %swap3A_503], %get3A_309 {add = true, strides = array<i32>} : memref<256x256xf32, #tpu.memory_space<vmem>>, vector<16xf32>,
        %mul3A_505 = arith.constant 8 : i32
        %mul3A_506 = arith.muli %scan3A_161, %mul3A_505 : i32
        %add3A_507 = arith.constant 1 : i32
        %add3A_508 = arith.addi %mul3A_506, %add3A_507 : i32
        %add3A_509 = arith.constant 1 : i32
        %add3A_510 = arith.addi %add3A_508, %add3A_509 : i32
        %get3A_511 = arith.index_cast %add3A_510 : i32 to index
        %get3A_512 = arith.constant 48 : index
        %get3A_513 = tpu.vector_load %arg8[%get3A_511, %get3A_512] {strides = array<i32>} : memref<32x256xf32, #tpu.memory_space<vmem>>, vector<16xf32>,
        %swap3A_514 = arith.index_cast %get3A_173 : i32 to index
        %swap3A_515 = arith.constant 48 : index
        %swap3A_516 = tpu.vector_load %arg6[%swap3A_514, %swap3A_515] {strides = array<i32>} : memref<256x256xf32, #tpu.memory_space<vmem>>, vector<16xf32>,
        tpu.vector_store %arg6[%swap3A_514, %swap3A_515], %get3A_321 {add = true, strides = array<i32>} : memref<256x256xf32, #tpu.memory_space<vmem>>, vector<16xf32>,
        %mul3A_517 = arith.constant 8 : i32
        %mul3A_518 = arith.muli %scan3A_161, %mul3A_517 : i32
        %add3A_519 = arith.constant 1 : i32
        %add3A_520 = arith.addi %mul3A_518, %add3A_519 : i32
        %add3A_521 = arith.constant 1 : i32
        %add3A_522 = arith.addi %add3A_520, %add3A_521 : i32
        %get3A_523 = arith.index_cast %add3A_522 : i32 to index
        %get3A_524 = arith.constant 64 : index
        %get3A_525 = tpu.vector_load %arg8[%get3A_523, %get3A_524] {strides = array<i32>} : memref<32x256xf32, #tpu.memory_space<vmem>>, vector<16xf32>,
        %swap3A_526 = arith.index_cast %get3A_173 : i32 to index
        %swap3A_527 = arith.constant 64 : index
        %swap3A_528 = tpu.vector_load %arg6[%swap3A_526, %swap3A_527] {strides = array<i32>} : memref<256x256xf32, #tpu.memory_space<vmem>>, vector<16xf32>,
        tpu.vector_store %arg6[%swap3A_526, %swap3A_527], %get3A_333 {add = true, strides = array<i32>} : memref<256x256xf32, #tpu.memory_space<vmem>>, vector<16xf32>,
        %mul3A_529 = arith.constant 8 : i32
        %mul3A_530 = arith.muli %scan3A_161, %mul3A_529 : i32
        %add3A_531 = arith.constant 1 : i32
        %add3A_532 = arith.addi %mul3A_530, %add3A_531 : i32
        %add3A_533 = arith.constant 1 : i32
        %add3A_534 = arith.addi %add3A_532, %add3A_533 : i32
        %get3A_535 = arith.index_cast %add3A_534 : i32 to index
        %get3A_536 = arith.constant 80 : index
        %get3A_537 = tpu.vector_load %arg8[%get3A_535, %get3A_536] {strides = array<i32>} : memref<32x256xf32, #tpu.memory_space<vmem>>, vector<16xf32>,
        %swap3A_538 = arith.index_cast %get3A_173 : i32 to index
        %swap3A_539 = arith.constant 80 : index
        %swap3A_540 = tpu.vector_load %arg6[%swap3A_538, %swap3A_539] {strides = array<i32>} : memref<256x256xf32, #tpu.memory_space<vmem>>, vector<16xf32>,
        tpu.vector_store %arg6[%swap3A_538, %swap3A_539], %get3A_345 {add = true, strides = array<i32>} : memref<256x256xf32, #tpu.memory_space<vmem>>, vector<16xf32>,
        %mul3A_541 = arith.constant 8 : i32
        %mul3A_542 = arith.muli %scan3A_161, %mul3A_541 : i32
        %add3A_543 = arith.constant 1 : i32
        %add3A_544 = arith.addi %mul3A_542, %add3A_543 : i32
        %add3A_545 = arith.constant 1 : i32
        %add3A_546 = arith.addi %add3A_544, %add3A_545 : i32
        %get3A_547 = arith.index_cast %add3A_546 : i32 to index
        %get3A_548 = arith.constant 96 : index
        %get3A_549 = tpu.vector_load %arg8[%get3A_547, %get3A_548] {strides = array<i32>} : memref<32x256xf32, #tpu.memory_space<vmem>>, vector<16xf32>,
        %swap3A_550 = arith.index_cast %get3A_173 : i32 to index
        %swap3A_551 = arith.constant 96 : index
        %swap3A_552 = tpu.vector_load %arg6[%swap3A_550, %swap3A_551] {strides = array<i32>} : memref<256x256xf32, #tpu.memory_space<vmem>>, vector<16xf32>,
        tpu.vector_store %arg6[%swap3A_550, %swap3A_551], %get3A_357 {add = true, strides = array<i32>} : memref<256x256xf32, #tpu.memory_space<vmem>>, vector<16xf32>,
        %mul3A_553 = arith.constant 8 : i32
        %mul3A_554 = arith.muli %scan3A_161, %mul3A_553 : i32
        %add3A_555 = arith.constant 1 : i32
        %add3A_556 = arith.addi %mul3A_554, %add3A_555 : i32
        %add3A_557 = arith.constant 1 : i32
        %add3A_558 = arith.addi %add3A_556, %add3A_557 : i32
        %get3A_559 = arith.index_cast %add3A_558 : i32 to index
        %get3A_560 = arith.constant 112 : index
        %get3A_561 = tpu.vector_load %arg8[%get3A_559, %get3A_560] {strides = array<i32>} : memref<32x256xf32, #tpu.memory_space<vmem>>, vector<16xf32>,
        %swap3A_562 = arith.index_cast %get3A_173 : i32 to index
        %swap3A_563 = arith.constant 112 : index
        %swap3A_564 = tpu.vector_load %arg6[%swap3A_562, %swap3A_563] {strides = array<i32>} : memref<256x256xf32, #tpu.memory_space<vmem>>, vector<16xf32>,
        tpu.vector_store %arg6[%swap3A_562, %swap3A_563], %get3A_369 {add = true, strides = array<i32>} : memref<256x256xf32, #tpu.memory_space<vmem>>, vector<16xf32>,
        %mul3A_565 = arith.constant 8 : i32
        %mul3A_566 = arith.muli %scan3A_161, %mul3A_565 : i32
        %add3A_567 = arith.constant 1 : i32
        %add3A_568 = arith.addi %mul3A_566, %add3A_567 : i32
        %add3A_569 = arith.constant 1 : i32
        %add3A_570 = arith.addi %add3A_568, %add3A_569 : i32
        %get3A_571 = arith.index_cast %add3A_570 : i32 to index
        %get3A_572 = arith.constant 128 : index
        %get3A_573 = tpu.vector_load %arg8[%get3A_571, %get3A_572] {strides = array<i32>} : memref<32x256xf32, #tpu.memory_space<vmem>>, vector<16xf32>,
        %swap3A_574 = arith.index_cast %get3A_173 : i32 to index
        %swap3A_575 = arith.constant 128 : index
        %swap3A_576 = tpu.vector_load %arg6[%swap3A_574, %swap3A_575] {strides = array<i32>} : memref<256x256xf32, #tpu.memory_space<vmem>>, vector<16xf32>,
        tpu.vector_store %arg6[%swap3A_574, %swap3A_575], %get3A_381 {add = true, strides = array<i32>} : memref<256x256xf32, #tpu.memory_space<vmem>>, vector<16xf32>,
        %mul3A_577 = arith.constant 8 : i32
        %mul3A_578 = arith.muli %scan3A_161, %mul3A_577 : i32
        %add3A_579 = arith.constant 1 : i32
        %add3A_580 = arith.addi %mul3A_578, %add3A_579 : i32
        %add3A_581 = arith.constant 1 : i32
        %add3A_582 = arith.addi %add3A_580, %add3A_581 : i32
        %get3A_583 = arith.index_cast %add3A_582 : i32 to index
        %get3A_584 = arith.constant 144 : index
        %get3A_585 = tpu.vector_load %arg8[%get3A_583, %get3A_584] {strides = array<i32>} : memref<32x256xf32, #tpu.memory_space<vmem>>, vector<16xf32>,
        %swap3A_586 = arith.index_cast %get3A_173 : i32 to index
        %swap3A_587 = arith.constant 144 : index
        %swap3A_588 = tpu.vector_load %arg6[%swap3A_586, %swap3A_587] {strides = array<i32>} : memref<256x256xf32, #tpu.memory_space<vmem>>, vector<16xf32>,
        tpu.vector_store %arg6[%swap3A_586, %swap3A_587], %get3A_393 {add = true, strides = array<i32>} : memref<256x256xf32, #tpu.memory_space<vmem>>, vector<16xf32>,
        %mul3A_589 = arith.constant 8 : i32
        %mul3A_590 = arith.muli %scan3A_161, %mul3A_589 : i32
        %add3A_591 = arith.constant 1 : i32
        %add3A_592 = arith.addi %mul3A_590, %add3A_591 : i32
        %add3A_593 = arith.constant 1 : i32
        %add3A_594 = arith.addi %add3A_592, %add3A_593 : i32
        %get3A_595 = arith.index_cast %add3A_594 : i32 to index
        %get3A_596 = arith.constant 160 : index
        %get3A_597 = tpu.vector_load %arg8[%get3A_595, %get3A_596] {strides = array<i32>} : memref<32x256xf32, #tpu.memory_space<vmem>>, vector<16xf32>,
        %swap3A_598 = arith.index_cast %get3A_173 : i32 to index
        %swap3A_599 = arith.constant 160 : index
        %swap3A_600 = tpu.vector_load %arg6[%swap3A_598, %swap3A_599] {strides = array<i32>} : memref<256x256xf32, #tpu.memory_space<vmem>>, vector<16xf32>,
        tpu.vector_store %arg6[%swap3A_598, %swap3A_599], %get3A_405 {add = true, strides = array<i32>} : memref<256x256xf32, #tpu.memory_space<vmem>>, vector<16xf32>,
        %mul3A_601 = arith.constant 8 : i32
        %mul3A_602 = arith.muli %scan3A_161, %mul3A_601 : i32
        %add3A_603 = arith.constant 1 : i32
        %add3A_604 = arith.addi %mul3A_602, %add3A_603 : i32
        %add3A_605 = arith.constant 1 : i32
        %add3A_606 = arith.addi %add3A_604, %add3A_605 : i32
        %get3A_607 = arith.index_cast %add3A_606 : i32 to index
        %get3A_608 = arith.constant 176 : index
        %get3A_609 = tpu.vector_load %arg8[%get3A_607, %get3A_608] {strides = array<i32>} : memref<32x256xf32, #tpu.memory_space<vmem>>, vector<16xf32>,
        %swap3A_610 = arith.index_cast %get3A_173 : i32 to index
        %swap3A_611 = arith.constant 176 : index
        %swap3A_612 = tpu.vector_load %arg6[%swap3A_610, %swap3A_611] {strides = array<i32>} : memref<256x256xf32, #tpu.memory_space<vmem>>, vector<16xf32>,
        tpu.vector_store %arg6[%swap3A_610, %swap3A_611], %get3A_417 {add = true, strides = array<i32>} : memref<256x256xf32, #tpu.memory_space<vmem>>, vector<16xf32>,
        %mul3A_613 = arith.constant 8 : i32
        %mul3A_614 = arith.muli %scan3A_161, %mul3A_613 : i32
        %add3A_615 = arith.constant 1 : i32
        %add3A_616 = arith.addi %mul3A_614, %add3A_615 : i32
        %add3A_617 = arith.constant 1 : i32
        %add3A_618 = arith.addi %add3A_616, %add3A_617 : i32
        %get3A_619 = arith.index_cast %add3A_618 : i32 to index
        %get3A_620 = arith.constant 192 : index
        %get3A_621 = tpu.vector_load %arg8[%get3A_619, %get3A_620] {strides = array<i32>} : memref<32x256xf32, #tpu.memory_space<vmem>>, vector<16xf32>,
        %swap3A_622 = arith.index_cast %get3A_173 : i32 to index
        %swap3A_623 = arith.constant 192 : index
        %swap3A_624 = tpu.vector_load %arg6[%swap3A_622, %swap3A_623] {strides = array<i32>} : memref<256x256xf32, #tpu.memory_space<vmem>>, vector<16xf32>,
        tpu.vector_store %arg6[%swap3A_622, %swap3A_623], %get3A_429 {add = true, strides = array<i32>} : memref<256x256xf32, #tpu.memory_space<vmem>>, vector<16xf32>,
        %mul3A_625 = arith.constant 8 : i32
        %mul3A_626 = arith.muli %scan3A_161, %mul3A_625 : i32
        %add3A_627 = arith.constant 1 : i32
        %add3A_628 = arith.addi %mul3A_626, %add3A_627 : i32
        %add3A_629 = arith.constant 1 : i32
        %add3A_630 = arith.addi %add3A_628, %add3A_629 : i32
        %get3A_631 = arith.index_cast %add3A_630 : i32 to index
        %get3A_632 = arith.constant 208 : index
        %get3A_633 = tpu.vector_load %arg8[%get3A_631, %get3A_632] {strides = array<i32>} : memref<32x256xf32, #tpu.memory_space<vmem>>, vector<16xf32>,
        %swap3A_634 = arith.index_cast %get3A_173 : i32 to index
        %swap3A_635 = arith.constant 208 : index
        %swap3A_636 = tpu.vector_load %arg6[%swap3A_634, %swap3A_635] {strides = array<i32>} : memref<256x256xf32, #tpu.memory_space<vmem>>, vector<16xf32>,
        tpu.vector_store %arg6[%swap3A_634, %swap3A_635], %get3A_441 {add = true, strides = array<i32>} : memref<256x256xf32, #tpu.memory_space<vmem>>, vector<16xf32>,
        %mul3A_637 = arith.constant 8 : i32
        %mul3A_638 = arith.muli %scan3A_161, %mul3A_637 : i32
        %add3A_639 = arith.constant 1 : i32
        %add3A_640 = arith.addi %mul3A_638, %add3A_639 : i32
        %add3A_641 = arith.constant 1 : i32
        %add3A_642 = arith.addi %add3A_640, %add3A_641 : i32
        %get3A_643 = arith.index_cast %add3A_642 : i32 to index
        %get3A_644 = arith.constant 224 : index
        %get3A_645 = tpu.vector_load %arg8[%get3A_643, %get3A_644] {strides = array<i32>} : memref<32x256xf32, #tpu.memory_space<vmem>>, vector<16xf32>,
        %swap3A_646 = arith.index_cast %get3A_173 : i32 to index
        %swap3A_647 = arith.constant 224 : index
        %swap3A_648 = tpu.vector_load %arg6[%swap3A_646, %swap3A_647] {strides = array<i32>} : memref<256x256xf32, #tpu.memory_space<vmem>>, vector<16xf32>,
        tpu.vector_store %arg6[%swap3A_646, %swap3A_647], %get3A_453 {add = true, strides = array<i32>} : memref<256x256xf32, #tpu.memory_space<vmem>>, vector<16xf32>,
        %mul3A_649 = arith.constant 8 : i32
        %mul3A_650 = arith.muli %scan3A_161, %mul3A_649 : i32
        %add3A_651 = arith.constant 1 : i32
        %add3A_652 = arith.addi %mul3A_650, %add3A_651 : i32
        %add3A_653 = arith.constant 1 : i32
        %add3A_654 = arith.addi %add3A_652, %add3A_653 : i32
        %get3A_655 = arith.index_cast %add3A_654 : i32 to index
        %get3A_656 = arith.constant 240 : index
        %get3A_657 = tpu.vector_load %arg8[%get3A_655, %get3A_656] {strides = array<i32>} : memref<32x256xf32, #tpu.memory_space<vmem>>, vector<16xf32>,
        %swap3A_658 = arith.index_cast %get3A_173 : i32 to index
        %swap3A_659 = arith.constant 240 : index
        %swap3A_660 = tpu.vector_load %arg6[%swap3A_658, %swap3A_659] {strides = array<i32>} : memref<256x256xf32, #tpu.memory_space<vmem>>, vector<16xf32>,
        tpu.vector_store %arg6[%swap3A_658, %swap3A_659], %get3A_465 {add = true, strides = array<i32>} : memref<256x256xf32, #tpu.memory_space<vmem>>, vector<16xf32>,
        %mul3A_661 = arith.constant 8 : i32
        %mul3A_662 = arith.muli %scan3A_161, %mul3A_661 : i32
        %add3A_663 = arith.constant 2 : i32
        %add3A_664 = arith.addi %mul3A_662, %add3A_663 : i32
        %add3A_665 = arith.constant 1 : i32
        %add3A_666 = arith.addi %add3A_664, %add3A_665 : i32
        %get3A_667 = arith.index_cast %add3A_666 : i32 to index
        %get3A_668 = arith.constant 0 : index
        %get3A_669 = tpu.vector_load %arg8[%get3A_667, %get3A_668] {strides = array<i32>} : memref<32x256xf32, #tpu.memory_space<vmem>>, vector<16xf32>,
        %swap3A_670 = arith.index_cast %get3A_177 : i32 to index
        %swap3A_671 = arith.constant 0 : index
        %swap3A_672 = tpu.vector_load %arg6[%swap3A_670, %swap3A_671] {strides = array<i32>} : memref<256x256xf32, #tpu.memory_space<vmem>>, vector<16xf32>,
        tpu.vector_store %arg6[%swap3A_670, %swap3A_671], %get3A_477 {add = true, strides = array<i32>} : memref<256x256xf32, #tpu.memory_space<vmem>>, vector<16xf32>,
        %mul3A_673 = arith.constant 8 : i32
        %mul3A_674 = arith.muli %scan3A_161, %mul3A_673 : i32
        %add3A_675 = arith.constant 2 : i32
        %add3A_676 = arith.addi %mul3A_674, %add3A_675 : i32
        %add3A_677 = arith.constant 1 : i32
        %add3A_678 = arith.addi %add3A_676, %add3A_677 : i32
        %get3A_679 = arith.index_cast %add3A_678 : i32 to index
        %get3A_680 = arith.constant 16 : index
        %get3A_681 = tpu.vector_load %arg8[%get3A_679, %get3A_680] {strides = array<i32>} : memref<32x256xf32, #tpu.memory_space<vmem>>, vector<16xf32>,
        %swap3A_682 = arith.index_cast %get3A_177 : i32 to index
        %swap3A_683 = arith.constant 16 : index
        %swap3A_684 = tpu.vector_load %arg6[%swap3A_682, %swap3A_683] {strides = array<i32>} : memref<256x256xf32, #tpu.memory_space<vmem>>, vector<16xf32>,
        tpu.vector_store %arg6[%swap3A_682, %swap3A_683], %get3A_489 {add = true, strides = array<i32>} : memref<256x256xf32, #tpu.memory_space<vmem>>, vector<16xf32>,
        %mul3A_685 = arith.constant 8 : i32
        %mul3A_686 = arith.muli %scan3A_161, %mul3A_685 : i32
        %add3A_687 = arith.constant 2 : i32
        %add3A_688 = arith.addi %mul3A_686, %add3A_687 : i32
        %add3A_689 = arith.constant 1 : i32
        %add3A_690 = arith.addi %add3A_688, %add3A_689 : i32
        %get3A_691 = arith.index_cast %add3A_690 : i32 to index
        %get3A_692 = arith.constant 32 : index
        %get3A_693 = tpu.vector_load %arg8[%get3A_691, %get3A_692] {strides = array<i32>} : memref<32x256xf32, #tpu.memory_space<vmem>>, vector<16xf32>,
        %swap3A_694 = arith.index_cast %get3A_177 : i32 to index
        %swap3A_695 = arith.constant 32 : index
        %swap3A_696 = tpu.vector_load %arg6[%swap3A_694, %swap3A_695] {strides = array<i32>} : memref<256x256xf32, #tpu.memory_space<vmem>>, vector<16xf32>,
        tpu.vector_store %arg6[%swap3A_694, %swap3A_695], %get3A_501 {add = true, strides = array<i32>} : memref<256x256xf32, #tpu.memory_space<vmem>>, vector<16xf32>,
        %mul3A_697 = arith.constant 8 : i32
        %mul3A_698 = arith.muli %scan3A_161, %mul3A_697 : i32
        %add3A_699 = arith.constant 2 : i32
        %add3A_700 = arith.addi %mul3A_698, %add3A_699 : i32
        %add3A_701 = arith.constant 1 : i32
        %add3A_702 = arith.addi %add3A_700, %add3A_701 : i32
        %get3A_703 = arith.index_cast %add3A_702 : i32 to index
        %get3A_704 = arith.constant 48 : index
        %get3A_705 = tpu.vector_load %arg8[%get3A_703, %get3A_704] {strides = array<i32>} : memref<32x256xf32, #tpu.memory_space<vmem>>, vector<16xf32>,
        %swap3A_706 = arith.index_cast %get3A_177 : i32 to index
        %swap3A_707 = arith.constant 48 : index
        %swap3A_708 = tpu.vector_load %arg6[%swap3A_706, %swap3A_707] {strides = array<i32>} : memref<256x256xf32, #tpu.memory_space<vmem>>, vector<16xf32>,
        tpu.vector_store %arg6[%swap3A_706, %swap3A_707], %get3A_513 {add = true, strides = array<i32>} : memref<256x256xf32, #tpu.memory_space<vmem>>, vector<16xf32>,
        %mul3A_709 = arith.constant 8 : i32
        %mul3A_710 = arith.muli %scan3A_161, %mul3A_709 : i32
        %add3A_711 = arith.constant 2 : i32
        %add3A_712 = arith.addi %mul3A_710, %add3A_711 : i32
        %add3A_713 = arith.constant 1 : i32
        %add3A_714 = arith.addi %add3A_712, %add3A_713 : i32
        %get3A_715 = arith.index_cast %add3A_714 : i32 to index
        %get3A_716 = arith.constant 64 : index
        %get3A_717 = tpu.vector_load %arg8[%get3A_715, %get3A_716] {strides = array<i32>} : memref<32x256xf32, #tpu.memory_space<vmem>>, vector<16xf32>,
        %swap3A_718 = arith.index_cast %get3A_177 : i32 to index
        %swap3A_719 = arith.constant 64 : index
        %swap3A_720 = tpu.vector_load %arg6[%swap3A_718, %swap3A_719] {strides = array<i32>} : memref<256x256xf32, #tpu.memory_space<vmem>>, vector<16xf32>,
        tpu.vector_store %arg6[%swap3A_718, %swap3A_719], %get3A_525 {add = true, strides = array<i32>} : memref<256x256xf32, #tpu.memory_space<vmem>>, vector<16xf32>,
        %mul3A_721 = arith.constant 8 : i32
        %mul3A_722 = arith.muli %scan3A_161, %mul3A_721 : i32
        %add3A_723 = arith.constant 2 : i32
        %add3A_724 = arith.addi %mul3A_722, %add3A_723 : i32
        %add3A_725 = arith.constant 1 : i32
        %add3A_726 = arith.addi %add3A_724, %add3A_725 : i32
        %get3A_727 = arith.index_cast %add3A_726 : i32 to index
        %get3A_728 = arith.constant 80 : index
        %get3A_729 = tpu.vector_load %arg8[%get3A_727, %get3A_728] {strides = array<i32>} : memref<32x256xf32, #tpu.memory_space<vmem>>, vector<16xf32>,
        %swap3A_730 = arith.index_cast %get3A_177 : i32 to index
        %swap3A_731 = arith.constant 80 : index
        %swap3A_732 = tpu.vector_load %arg6[%swap3A_730, %swap3A_731] {strides = array<i32>} : memref<256x256xf32, #tpu.memory_space<vmem>>, vector<16xf32>,
        tpu.vector_store %arg6[%swap3A_730, %swap3A_731], %get3A_537 {add = true, strides = array<i32>} : memref<256x256xf32, #tpu.memory_space<vmem>>, vector<16xf32>,
        %mul3A_733 = arith.constant 8 : i32
        %mul3A_734 = arith.muli %scan3A_161, %mul3A_733 : i32
        %add3A_735 = arith.constant 2 : i32
        %add3A_736 = arith.addi %mul3A_734, %add3A_735 : i32
        %add3A_737 = arith.constant 1 : i32
        %add3A_738 = arith.addi %add3A_736, %add3A_737 : i32
        %get3A_739 = arith.index_cast %add3A_738 : i32 to index
        %get3A_740 = arith.constant 96 : index
        %get3A_741 = tpu.vector_load %arg8[%get3A_739, %get3A_740] {strides = array<i32>} : memref<32x256xf32, #tpu.memory_space<vmem>>, vector<16xf32>,
        %swap3A_742 = arith.index_cast %get3A_177 : i32 to index
        %swap3A_743 = arith.constant 96 : index
        %swap3A_744 = tpu.vector_load %arg6[%swap3A_742, %swap3A_743] {strides = array<i32>} : memref<256x256xf32, #tpu.memory_space<vmem>>, vector<16xf32>,
        tpu.vector_store %arg6[%swap3A_742, %swap3A_743], %get3A_549 {add = true, strides = array<i32>} : memref<256x256xf32, #tpu.memory_space<vmem>>, vector<16xf32>,
        %mul3A_745 = arith.constant 8 : i32
        %mul3A_746 = arith.muli %scan3A_161, %mul3A_745 : i32
        %add3A_747 = arith.constant 2 : i32
        %add3A_748 = arith.addi %mul3A_746, %add3A_747 : i32
        %add3A_749 = arith.constant 1 : i32
        %add3A_750 = arith.addi %add3A_748, %add3A_749 : i32
        %get3A_751 = arith.index_cast %add3A_750 : i32 to index
        %get3A_752 = arith.constant 112 : index
        %get3A_753 = tpu.vector_load %arg8[%get3A_751, %get3A_752] {strides = array<i32>} : memref<32x256xf32, #tpu.memory_space<vmem>>, vector<16xf32>,
        %swap3A_754 = arith.index_cast %get3A_177 : i32 to index
        %swap3A_755 = arith.constant 112 : index
        %swap3A_756 = tpu.vector_load %arg6[%swap3A_754, %swap3A_755] {strides = array<i32>} : memref<256x256xf32, #tpu.memory_space<vmem>>, vector<16xf32>,
        tpu.vector_store %arg6[%swap3A_754, %swap3A_755], %get3A_561 {add = true, strides = array<i32>} : memref<256x256xf32, #tpu.memory_space<vmem>>, vector<16xf32>,
        %mul3A_757 = arith.constant 8 : i32
        %mul3A_758 = arith.muli %scan3A_161, %mul3A_757 : i32
        %add3A_759 = arith.constant 2 : i32
        %add3A_760 = arith.addi %mul3A_758, %add3A_759 : i32
        %add3A_761 = arith.constant 1 : i32
        %add3A_762 = arith.addi %add3A_760, %add3A_761 : i32
        %get3A_763 = arith.index_cast %add3A_762 : i32 to index
        %get3A_764 = arith.constant 128 : index
        %get3A_765 = tpu.vector_load %arg8[%get3A_763, %get3A_764] {strides = array<i32>} : memref<32x256xf32, #tpu.memory_space<vmem>>, vector<16xf32>,
        %swap3A_766 = arith.index_cast %get3A_177 : i32 to index
        %swap3A_767 = arith.constant 128 : index
        %swap3A_768 = tpu.vector_load %arg6[%swap3A_766, %swap3A_767] {strides = array<i32>} : memref<256x256xf32, #tpu.memory_space<vmem>>, vector<16xf32>,
        tpu.vector_store %arg6[%swap3A_766, %swap3A_767], %get3A_573 {add = true, strides = array<i32>} : memref<256x256xf32, #tpu.memory_space<vmem>>, vector<16xf32>,
        %mul3A_769 = arith.constant 8 : i32
        %mul3A_770 = arith.muli %scan3A_161, %mul3A_769 : i32
        %add3A_771 = arith.constant 2 : i32
        %add3A_772 = arith.addi %mul3A_770, %add3A_771 : i32
        %add3A_773 = arith.constant 1 : i32
        %add3A_774 = arith.addi %add3A_772, %add3A_773 : i32
        %get3A_775 = arith.index_cast %add3A_774 : i32 to index
        %get3A_776 = arith.constant 144 : index
        %get3A_777 = tpu.vector_load %arg8[%get3A_775, %get3A_776] {strides = array<i32>} : memref<32x256xf32, #tpu.memory_space<vmem>>, vector<16xf32>,
        %swap3A_778 = arith.index_cast %get3A_177 : i32 to index
        %swap3A_779 = arith.constant 144 : index
        %swap3A_780 = tpu.vector_load %arg6[%swap3A_778, %swap3A_779] {strides = array<i32>} : memref<256x256xf32, #tpu.memory_space<vmem>>, vector<16xf32>,
        tpu.vector_store %arg6[%swap3A_778, %swap3A_779], %get3A_585 {add = true, strides = array<i32>} : memref<256x256xf32, #tpu.memory_space<vmem>>, vector<16xf32>,
        %mul3A_781 = arith.constant 8 : i32
        %mul3A_782 = arith.muli %scan3A_161, %mul3A_781 : i32
        %add3A_783 = arith.constant 2 : i32
        %add3A_784 = arith.addi %mul3A_782, %add3A_783 : i32
        %add3A_785 = arith.constant 1 : i32
        %add3A_786 = arith.addi %add3A_784, %add3A_785 : i32
        %get3A_787 = arith.index_cast %add3A_786 : i32 to index
        %get3A_788 = arith.constant 160 : index
        %get3A_789 = tpu.vector_load %arg8[%get3A_787, %get3A_788] {strides = array<i32>} : memref<32x256xf32, #tpu.memory_space<vmem>>, vector<16xf32>,
        %swap3A_790 = arith.index_cast %get3A_177 : i32 to index
        %swap3A_791 = arith.constant 160 : index
        %swap3A_792 = tpu.vector_load %arg6[%swap3A_790, %swap3A_791] {strides = array<i32>} : memref<256x256xf32, #tpu.memory_space<vmem>>, vector<16xf32>,
        tpu.vector_store %arg6[%swap3A_790, %swap3A_791], %get3A_597 {add = true, strides = array<i32>} : memref<256x256xf32, #tpu.memory_space<vmem>>, vector<16xf32>,
        %mul3A_793 = arith.constant 8 : i32
        %mul3A_794 = arith.muli %scan3A_161, %mul3A_793 : i32
        %add3A_795 = arith.constant 2 : i32
        %add3A_796 = arith.addi %mul3A_794, %add3A_795 : i32
        %add3A_797 = arith.constant 1 : i32
        %add3A_798 = arith.addi %add3A_796, %add3A_797 : i32
        %get3A_799 = arith.index_cast %add3A_798 : i32 to index
        %get3A_800 = arith.constant 176 : index
        %get3A_801 = tpu.vector_load %arg8[%get3A_799, %get3A_800] {strides = array<i32>} : memref<32x256xf32, #tpu.memory_space<vmem>>, vector<16xf32>,
        %swap3A_802 = arith.index_cast %get3A_177 : i32 to index
        %swap3A_803 = arith.constant 176 : index
        %swap3A_804 = tpu.vector_load %arg6[%swap3A_802, %swap3A_803] {strides = array<i32>} : memref<256x256xf32, #tpu.memory_space<vmem>>, vector<16xf32>,
        tpu.vector_store %arg6[%swap3A_802, %swap3A_803], %get3A_609 {add = true, strides = array<i32>} : memref<256x256xf32, #tpu.memory_space<vmem>>, vector<16xf32>,
        %mul3A_805 = arith.constant 8 : i32
        %mul3A_806 = arith.muli %scan3A_161, %mul3A_805 : i32
        %add3A_807 = arith.constant 2 : i32
        %add3A_808 = arith.addi %mul3A_806, %add3A_807 : i32
        %add3A_809 = arith.constant 1 : i32
        %add3A_810 = arith.addi %add3A_808, %add3A_809 : i32
        %get3A_811 = arith.index_cast %add3A_810 : i32 to index
        %get3A_812 = arith.constant 192 : index
        %get3A_813 = tpu.vector_load %arg8[%get3A_811, %get3A_812] {strides = array<i32>} : memref<32x256xf32, #tpu.memory_space<vmem>>, vector<16xf32>,
        %swap3A_814 = arith.index_cast %get3A_177 : i32 to index
        %swap3A_815 = arith.constant 192 : index
        %swap3A_816 = tpu.vector_load %arg6[%swap3A_814, %swap3A_815] {strides = array<i32>} : memref<256x256xf32, #tpu.memory_space<vmem>>, vector<16xf32>,
        tpu.vector_store %arg6[%swap3A_814, %swap3A_815], %get3A_621 {add = true, strides = array<i32>} : memref<256x256xf32, #tpu.memory_space<vmem>>, vector<16xf32>,
        %mul3A_817 = arith.constant 8 : i32
        %mul3A_818 = arith.muli %scan3A_161, %mul3A_817 : i32
        %add3A_819 = arith.constant 2 : i32
        %add3A_820 = arith.addi %mul3A_818, %add3A_819 : i32
        %add3A_821 = arith.constant 1 : i32
        %add3A_822 = arith.addi %add3A_820, %add3A_821 : i32
        %get3A_823 = arith.index_cast %add3A_822 : i32 to index
        %get3A_824 = arith.constant 208 : index
        %get3A_825 = tpu.vector_load %arg8[%get3A_823, %get3A_824] {strides = array<i32>} : memref<32x256xf32, #tpu.memory_space<vmem>>, vector<16xf32>,
        %swap3A_826 = arith.index_cast %get3A_177 : i32 to index
        %swap3A_827 = arith.constant 208 : index
        %swap3A_828 = tpu.vector_load %arg6[%swap3A_826, %swap3A_827] {strides = array<i32>} : memref<256x256xf32, #tpu.memory_space<vmem>>, vector<16xf32>,
        tpu.vector_store %arg6[%swap3A_826, %swap3A_827], %get3A_633 {add = true, strides = array<i32>} : memref<256x256xf32, #tpu.memory_space<vmem>>, vector<16xf32>,
        %mul3A_829 = arith.constant 8 : i32
        %mul3A_830 = arith.muli %scan3A_161, %mul3A_829 : i32
        %add3A_831 = arith.constant 2 : i32
        %add3A_832 = arith.addi %mul3A_830, %add3A_831 : i32
        %add3A_833 = arith.constant 1 : i32
        %add3A_834 = arith.addi %add3A_832, %add3A_833 : i32
        %get3A_835 = arith.index_cast %add3A_834 : i32 to index
        %get3A_836 = arith.constant 224 : index
        %get3A_837 = tpu.vector_load %arg8[%get3A_835, %get3A_836] {strides = array<i32>} : memref<32x256xf32, #tpu.memory_space<vmem>>, vector<16xf32>,
        %swap3A_838 = arith.index_cast %get3A_177 : i32 to index
        %swap3A_839 = arith.constant 224 : index
        %swap3A_840 = tpu.vector_load %arg6[%swap3A_838, %swap3A_839] {strides = array<i32>} : memref<256x256xf32, #tpu.memory_space<vmem>>, vector<16xf32>,
        tpu.vector_store %arg6[%swap3A_838, %swap3A_839], %get3A_645 {add = true, strides = array<i32>} : memref<256x256xf32, #tpu.memory_space<vmem>>, vector<16xf32>,
        %mul3A_841 = arith.constant 8 : i32
        %mul3A_842 = arith.muli %scan3A_161, %mul3A_841 : i32
        %add3A_843 = arith.constant 2 : i32
        %add3A_844 = arith.addi %mul3A_842, %add3A_843 : i32
        %add3A_845 = arith.constant 1 : i32
        %add3A_846 = arith.addi %add3A_844, %add3A_845 : i32
        %get3A_847 = arith.index_cast %add3A_846 : i32 to index
        %get3A_848 = arith.constant 240 : index
        %get3A_849 = tpu.vector_load %arg8[%get3A_847, %get3A_848] {strides = array<i32>} : memref<32x256xf32, #tpu.memory_space<vmem>>, vector<16xf32>,
        %swap3A_850 = arith.index_cast %get3A_177 : i32 to index
        %swap3A_851 = arith.constant 240 : index
        %swap3A_852 = tpu.vector_load %arg6[%swap3A_850, %swap3A_851] {strides = array<i32>} : memref<256x256xf32, #tpu.memory_space<vmem>>, vector<16xf32>,
        tpu.vector_store %arg6[%swap3A_850, %swap3A_851], %get3A_657 {add = true, strides = array<i32>} : memref<256x256xf32, #tpu.memory_space<vmem>>, vector<16xf32>,
        %mul3A_853 = arith.constant 8 : i32
        %mul3A_854 = arith.muli %scan3A_161, %mul3A_853 : i32
        %add3A_855 = arith.constant 3 : i32
        %add3A_856 = arith.addi %mul3A_854, %add3A_855 : i32
        %add3A_857 = arith.constant 1 : i32
        %add3A_858 = arith.addi %add3A_856, %add3A_857 : i32
        %get3A_859 = arith.index_cast %add3A_858 : i32 to index
        %get3A_860 = arith.constant 0 : index
        %get3A_861 = tpu.vector_load %arg8[%get3A_859, %get3A_860] {strides = array<i32>} : memref<32x256xf32, #tpu.memory_space<vmem>>, vector<16xf32>,
        %swap3A_862 = arith.index_cast %get3A_181 : i32 to index
        %swap3A_863 = arith.constant 0 : index
        %swap3A_864 = tpu.vector_load %arg6[%swap3A_862, %swap3A_863] {strides = array<i32>} : memref<256x256xf32, #tpu.memory_space<vmem>>, vector<16xf32>,
        tpu.vector_store %arg6[%swap3A_862, %swap3A_863], %get3A_669 {add = true, strides = array<i32>} : memref<256x256xf32, #tpu.memory_space<vmem>>, vector<16xf32>,
        %mul3A_865 = arith.constant 8 : i32
        %mul3A_866 = arith.muli %scan3A_161, %mul3A_865 : i32
        %add3A_867 = arith.constant 3 : i32
        %add3A_868 = arith.addi %mul3A_866, %add3A_867 : i32
        %add3A_869 = arith.constant 1 : i32
        %add3A_870 = arith.addi %add3A_868, %add3A_869 : i32
        %get3A_871 = arith.index_cast %add3A_870 : i32 to index
        %get3A_872 = arith.constant 16 : index
        %get3A_873 = tpu.vector_load %arg8[%get3A_871, %get3A_872] {strides = array<i32>} : memref<32x256xf32, #tpu.memory_space<vmem>>, vector<16xf32>,
        %swap3A_874 = arith.index_cast %get3A_181 : i32 to index
        %swap3A_875 = arith.constant 16 : index
        %swap3A_876 = tpu.vector_load %arg6[%swap3A_874, %swap3A_875] {strides = array<i32>} : memref<256x256xf32, #tpu.memory_space<vmem>>, vector<16xf32>,
        tpu.vector_store %arg6[%swap3A_874, %swap3A_875], %get3A_681 {add = true, strides = array<i32>} : memref<256x256xf32, #tpu.memory_space<vmem>>, vector<16xf32>,
        %mul3A_877 = arith.constant 8 : i32
        %mul3A_878 = arith.muli %scan3A_161, %mul3A_877 : i32
        %add3A_879 = arith.constant 3 : i32
        %add3A_880 = arith.addi %mul3A_878, %add3A_879 : i32
        %add3A_881 = arith.constant 1 : i32
        %add3A_882 = arith.addi %add3A_880, %add3A_881 : i32
        %get3A_883 = arith.index_cast %add3A_882 : i32 to index
        %get3A_884 = arith.constant 32 : index
        %get3A_885 = tpu.vector_load %arg8[%get3A_883, %get3A_884] {strides = array<i32>} : memref<32x256xf32, #tpu.memory_space<vmem>>, vector<16xf32>,
        %swap3A_886 = arith.index_cast %get3A_181 : i32 to index
        %swap3A_887 = arith.constant 32 : index
        %swap3A_888 = tpu.vector_load %arg6[%swap3A_886, %swap3A_887] {strides = array<i32>} : memref<256x256xf32, #tpu.memory_space<vmem>>, vector<16xf32>,
        tpu.vector_store %arg6[%swap3A_886, %swap3A_887], %get3A_693 {add = true, strides = array<i32>} : memref<256x256xf32, #tpu.memory_space<vmem>>, vector<16xf32>,
        %mul3A_889 = arith.constant 8 : i32
        %mul3A_890 = arith.muli %scan3A_161, %mul3A_889 : i32
        %add3A_891 = arith.constant 3 : i32
        %add3A_892 = arith.addi %mul3A_890, %add3A_891 : i32
        %add3A_893 = arith.constant 1 : i32
        %add3A_894 = arith.addi %add3A_892, %add3A_893 : i32
        %get3A_895 = arith.index_cast %add3A_894 : i32 to index
        %get3A_896 = arith.constant 48 : index
        %get3A_897 = tpu.vector_load %arg8[%get3A_895, %get3A_896] {strides = array<i32>} : memref<32x256xf32, #tpu.memory_space<vmem>>, vector<16xf32>,
        %swap3A_898 = arith.index_cast %get3A_181 : i32 to index
        %swap3A_899 = arith.constant 48 : index
        %swap3A_900 = tpu.vector_load %arg6[%swap3A_898, %swap3A_899] {strides = array<i32>} : memref<256x256xf32, #tpu.memory_space<vmem>>, vector<16xf32>,
        tpu.vector_store %arg6[%swap3A_898, %swap3A_899], %get3A_705 {add = true, strides = array<i32>} : memref<256x256xf32, #tpu.memory_space<vmem>>, vector<16xf32>,
        %mul3A_901 = arith.constant 8 : i32
        %mul3A_902 = arith.muli %scan3A_161, %mul3A_901 : i32
        %add3A_903 = arith.constant 3 : i32
        %add3A_904 = arith.addi %mul3A_902, %add3A_903 : i32
        %add3A_905 = arith.constant 1 : i32
        %add3A_906 = arith.addi %add3A_904, %add3A_905 : i32
        %get3A_907 = arith.index_cast %add3A_906 : i32 to index
        %get3A_908 = arith.constant 64 : index
        %get3A_909 = tpu.vector_load %arg8[%get3A_907, %get3A_908] {strides = array<i32>} : memref<32x256xf32, #tpu.memory_space<vmem>>, vector<16xf32>,
        %swap3A_910 = arith.index_cast %get3A_181 : i32 to index
        %swap3A_911 = arith.constant 64 : index
        %swap3A_912 = tpu.vector_load %arg6[%swap3A_910, %swap3A_911] {strides = array<i32>} : memref<256x256xf32, #tpu.memory_space<vmem>>, vector<16xf32>,
        tpu.vector_store %arg6[%swap3A_910, %swap3A_911], %get3A_717 {add = true, strides = array<i32>} : memref<256x256xf32, #tpu.memory_space<vmem>>, vector<16xf32>,
        %mul3A_913 = arith.constant 8 : i32
        %mul3A_914 = arith.muli %scan3A_161, %mul3A_913 : i32
        %add3A_915 = arith.constant 3 : i32
        %add3A_916 = arith.addi %mul3A_914, %add3A_915 : i32
        %add3A_917 = arith.constant 1 : i32
        %add3A_918 = arith.addi %add3A_916, %add3A_917 : i32
        %get3A_919 = arith.index_cast %add3A_918 : i32 to index
        %get3A_920 = arith.constant 80 : index
        %get3A_921 = tpu.vector_load %arg8[%get3A_919, %get3A_920] {strides = array<i32>} : memref<32x256xf32, #tpu.memory_space<vmem>>, vector<16xf32>,
        %swap3A_922 = arith.index_cast %get3A_181 : i32 to index
        %swap3A_923 = arith.constant 80 : index
        %swap3A_924 = tpu.vector_load %arg6[%swap3A_922, %swap3A_923] {strides = array<i32>} : memref<256x256xf32, #tpu.memory_space<vmem>>, vector<16xf32>,
        tpu.vector_store %arg6[%swap3A_922, %swap3A_923], %get3A_729 {add = true, strides = array<i32>} : memref<256x256xf32, #tpu.memory_space<vmem>>, vector<16xf32>,
        %mul3A_925 = arith.constant 8 : i32
        %mul3A_926 = arith.muli %scan3A_161, %mul3A_925 : i32
        %add3A_927 = arith.constant 3 : i32
        %add3A_928 = arith.addi %mul3A_926, %add3A_927 : i32
        %add3A_929 = arith.constant 1 : i32
        %add3A_930 = arith.addi %add3A_928, %add3A_929 : i32
        %get3A_931 = arith.index_cast %add3A_930 : i32 to index
        %get3A_932 = arith.constant 96 : index
        %get3A_933 = tpu.vector_load %arg8[%get3A_931, %get3A_932] {strides = array<i32>} : memref<32x256xf32, #tpu.memory_space<vmem>>, vector<16xf32>,
        %swap3A_934 = arith.index_cast %get3A_181 : i32 to index
        %swap3A_935 = arith.constant 96 : index
        %swap3A_936 = tpu.vector_load %arg6[%swap3A_934, %swap3A_935] {strides = array<i32>} : memref<256x256xf32, #tpu.memory_space<vmem>>, vector<16xf32>,
        tpu.vector_store %arg6[%swap3A_934, %swap3A_935], %get3A_741 {add = true, strides = array<i32>} : memref<256x256xf32, #tpu.memory_space<vmem>>, vector<16xf32>,
        %mul3A_937 = arith.constant 8 : i32
        %mul3A_938 = arith.muli %scan3A_161, %mul3A_937 : i32
        %add3A_939 = arith.constant 3 : i32
        %add3A_940 = arith.addi %mul3A_938, %add3A_939 : i32
        %add3A_941 = arith.constant 1 : i32
        %add3A_942 = arith.addi %add3A_940, %add3A_941 : i32
        %get3A_943 = arith.index_cast %add3A_942 : i32 to index
        %get3A_944 = arith.constant 112 : index
        %get3A_945 = tpu.vector_load %arg8[%get3A_943, %get3A_944] {strides = array<i32>} : memref<32x256xf32, #tpu.memory_space<vmem>>, vector<16xf32>,
        %swap3A_946 = arith.index_cast %get3A_181 : i32 to index
        %swap3A_947 = arith.constant 112 : index
        %swap3A_948 = tpu.vector_load %arg6[%swap3A_946, %swap3A_947] {strides = array<i32>} : memref<256x256xf32, #tpu.memory_space<vmem>>, vector<16xf32>,
        tpu.vector_store %arg6[%swap3A_946, %swap3A_947], %get3A_753 {add = true, strides = array<i32>} : memref<256x256xf32, #tpu.memory_space<vmem>>, vector<16xf32>,
        %mul3A_949 = arith.constant 8 : i32
        %mul3A_950 = arith.muli %scan3A_161, %mul3A_949 : i32
        %add3A_951 = arith.constant 3 : i32
        %add3A_952 = arith.addi %mul3A_950, %add3A_951 : i32
        %add3A_953 = arith.constant 1 : i32
        %add3A_954 = arith.addi %add3A_952, %add3A_953 : i32
        %get3A_955 = arith.index_cast %add3A_954 : i32 to index
        %get3A_956 = arith.constant 128 : index
        %get3A_957 = tpu.vector_load %arg8[%get3A_955, %get3A_956] {strides = array<i32>} : memref<32x256xf32, #tpu.memory_space<vmem>>, vector<16xf32>,
        %swap3A_958 = arith.index_cast %get3A_181 : i32 to index
        %swap3A_959 = arith.constant 128 : index
        %swap3A_960 = tpu.vector_load %arg6[%swap3A_958, %swap3A_959] {strides = array<i32>} : memref<256x256xf32, #tpu.memory_space<vmem>>, vector<16xf32>,
        tpu.vector_store %arg6[%swap3A_958, %swap3A_959], %get3A_765 {add = true, strides = array<i32>} : memref<256x256xf32, #tpu.memory_space<vmem>>, vector<16xf32>,
        %mul3A_961 = arith.constant 8 : i32
        %mul3A_962 = arith.muli %scan3A_161, %mul3A_961 : i32
        %add3A_963 = arith.constant 3 : i32
        %add3A_964 = arith.addi %mul3A_962, %add3A_963 : i32
        %add3A_965 = arith.constant 1 : i32
        %add3A_966 = arith.addi %add3A_964, %add3A_965 : i32
        %get3A_967 = arith.index_cast %add3A_966 : i32 to index
        %get3A_968 = arith.constant 144 : index
        %get3A_969 = tpu.vector_load %arg8[%get3A_967, %get3A_968] {strides = array<i32>} : memref<32x256xf32, #tpu.memory_space<vmem>>, vector<16xf32>,
        %swap3A_970 = arith.index_cast %get3A_181 : i32 to index
        %swap3A_971 = arith.constant 144 : index
        %swap3A_972 = tpu.vector_load %arg6[%swap3A_970, %swap3A_971] {strides = array<i32>} : memref<256x256xf32, #tpu.memory_space<vmem>>, vector<16xf32>,
        tpu.vector_store %arg6[%swap3A_970, %swap3A_971], %get3A_777 {add = true, strides = array<i32>} : memref<256x256xf32, #tpu.memory_space<vmem>>, vector<16xf32>,
        %mul3A_973 = arith.constant 8 : i32
        %mul3A_974 = arith.muli %scan3A_161, %mul3A_973 : i32
        %add3A_975 = arith.constant 3 : i32
        %add3A_976 = arith.addi %mul3A_974, %add3A_975 : i32
        %add3A_977 = arith.constant 1 : i32
        %add3A_978 = arith.addi %add3A_976, %add3A_977 : i32
        %get3A_979 = arith.index_cast %add3A_978 : i32 to index
        %get3A_980 = arith.constant 160 : index
        %get3A_981 = tpu.vector_load %arg8[%get3A_979, %get3A_980] {strides = array<i32>} : memref<32x256xf32, #tpu.memory_space<vmem>>, vector<16xf32>,
        %swap3A_982 = arith.index_cast %get3A_181 : i32 to index
        %swap3A_983 = arith.constant 160 : index
        %swap3A_984 = tpu.vector_load %arg6[%swap3A_982, %swap3A_983] {strides = array<i32>} : memref<256x256xf32, #tpu.memory_space<vmem>>, vector<16xf32>,
        tpu.vector_store %arg6[%swap3A_982, %swap3A_983], %get3A_789 {add = true, strides = array<i32>} : memref<256x256xf32, #tpu.memory_space<vmem>>, vector<16xf32>,
        %mul3A_985 = arith.constant 8 : i32
        %mul3A_986 = arith.muli %scan3A_161, %mul3A_985 : i32
        %add3A_987 = arith.constant 3 : i32
        %add3A_988 = arith.addi %mul3A_986, %add3A_987 : i32
        %add3A_989 = arith.constant 1 : i32
        %add3A_990 = arith.addi %add3A_988, %add3A_989 : i32
        %get3A_991 = arith.index_cast %add3A_990 : i32 to index
        %get3A_992 = arith.constant 176 : index
        %get3A_993 = tpu.vector_load %arg8[%get3A_991, %get3A_992] {strides = array<i32>} : memref<32x256xf32, #tpu.memory_space<vmem>>, vector<16xf32>,
        %swap3A_994 = arith.index_cast %get3A_181 : i32 to index
        %swap3A_995 = arith.constant 176 : index
        %swap3A_996 = tpu.vector_load %arg6[%swap3A_994, %swap3A_995] {strides = array<i32>} : memref<256x256xf32, #tpu.memory_space<vmem>>, vector<16xf32>,
        tpu.vector_store %arg6[%swap3A_994, %swap3A_995], %get3A_801 {add = true, strides = array<i32>} : memref<256x256xf32, #tpu.memory_space<vmem>>, vector<16xf32>,
        %mul3A_997 = arith.constant 8 : i32
        %mul3A_998 = arith.muli %scan3A_161, %mul3A_997 : i32
        %add3A_999 = arith.constant 3 : i32
        %add3A_1000 = arith.addi %mul3A_998, %add3A_999 : i32
        %add3A_1001 = arith.constant 1 : i32
        %add3A_1002 = arith.addi %add3A_1000, %add3A_1001 : i32
        %get3A_1003 = arith.index_cast %add3A_1002 : i32 to index
        %get3A_1004 = arith.constant 192 : index
        %get3A_1005 = tpu.vector_load %arg8[%get3A_1003, %get3A_1004] {strides = array<i32>} : memref<32x256xf32, #tpu.memory_space<vmem>>, vector<16xf32>,
        %swap3A_1006 = arith.index_cast %get3A_181 : i32 to index
        %swap3A_1007 = arith.constant 192 : index
        %swap3A_1008 = tpu.vector_load %arg6[%swap3A_1006, %swap3A_1007] {strides = array<i32>} : memref<256x256xf32, #tpu.memory_space<vmem>>, vector<16xf32>,
        tpu.vector_store %arg6[%swap3A_1006, %swap3A_1007], %get3A_813 {add = true, strides = array<i32>} : memref<256x256xf32, #tpu.memory_space<vmem>>, vector<16xf32>,
        %mul3A_1009 = arith.constant 8 : i32
        %mul3A_1010 = arith.muli %scan3A_161, %mul3A_1009 : i32
        %add3A_1011 = arith.constant 3 : i32
        %add3A_1012 = arith.addi %mul3A_1010, %add3A_1011 : i32
        %add3A_1013 = arith.constant 1 : i32
        %add3A_1014 = arith.addi %add3A_1012, %add3A_1013 : i32
        %get3A_1015 = arith.index_cast %add3A_1014 : i32 to index
        %get3A_1016 = arith.constant 208 : index
        %get3A_1017 = tpu.vector_load %arg8[%get3A_1015, %get3A_1016] {strides = array<i32>} : memref<32x256xf32, #tpu.memory_space<vmem>>, vector<16xf32>,
        %swap3A_1018 = arith.index_cast %get3A_181 : i32 to index
        %swap3A_1019 = arith.constant 208 : index
        %swap3A_1020 = tpu.vector_load %arg6[%swap3A_1018, %swap3A_1019] {strides = array<i32>} : memref<256x256xf32, #tpu.memory_space<vmem>>, vector<16xf32>,
        tpu.vector_store %arg6[%swap3A_1018, %swap3A_1019], %get3A_825 {add = true, strides = array<i32>} : memref<256x256xf32, #tpu.memory_space<vmem>>, vector<16xf32>,
        %mul3A_1021 = arith.constant 8 : i32
        %mul3A_1022 = arith.muli %scan3A_161, %mul3A_1021 : i32
        %add3A_1023 = arith.constant 3 : i32
        %add3A_1024 = arith.addi %mul3A_1022, %add3A_1023 : i32
        %add3A_1025 = arith.constant 1 : i32
        %add3A_1026 = arith.addi %add3A_1024, %add3A_1025 : i32
        %get3A_1027 = arith.index_cast %add3A_1026 : i32 to index
        %get3A_1028 = arith.constant 224 : index
        %get3A_1029 = tpu.vector_load %arg8[%get3A_1027, %get3A_1028] {strides = array<i32>} : memref<32x256xf32, #tpu.memory_space<vmem>>, vector<16xf32>,
        %swap3A_1030 = arith.index_cast %get3A_181 : i32 to index
        %swap3A_1031 = arith.constant 224 : index
        %swap3A_1032 = tpu.vector_load %arg6[%swap3A_1030, %swap3A_1031] {strides = array<i32>} : memref<256x256xf32, #tpu.memory_space<vmem>>, vector<16xf32>,
        tpu.vector_store %arg6[%swap3A_1030, %swap3A_1031], %get3A_837 {add = true, strides = array<i32>} : memref<256x256xf32, #tpu.memory_space<vmem>>, vector<16xf32>,
        %mul3A_1033 = arith.constant 8 : i32
        %mul3A_1034 = arith.muli %scan3A_161, %mul3A_1033 : i32
        %add3A_1035 = arith.constant 3 : i32
        %add3A_1036 = arith.addi %mul3A_1034, %add3A_1035 : i32
        %add3A_1037 = arith.constant 1 : i32
        %add3A_1038 = arith.addi %add3A_1036, %add3A_1037 : i32
        %get3A_1039 = arith.index_cast %add3A_1038 : i32 to index
        %get3A_1040 = arith.constant 240 : index
        %get3A_1041 = tpu.vector_load %arg8[%get3A_1039, %get3A_1040] {strides = array<i32>} : memref<32x256xf32, #tpu.memory_space<vmem>>, vector<16xf32>,
        %swap3A_1042 = arith.index_cast %get3A_181 : i32 to index
        %swap3A_1043 = arith.constant 240 : index
        %swap3A_1044 = tpu.vector_load %arg6[%swap3A_1042, %swap3A_1043] {strides = array<i32>} : memref<256x256xf32, #tpu.memory_space<vmem>>, vector<16xf32>,
        tpu.vector_store %arg6[%swap3A_1042, %swap3A_1043], %get3A_849 {add = true, strides = array<i32>} : memref<256x256xf32, #tpu.memory_space<vmem>>, vector<16xf32>,
        %mul3A_1045 = arith.constant 8 : i32
        %mul3A_1046 = arith.muli %scan3A_161, %mul3A_1045 : i32
        %add3A_1047 = arith.constant 4 : i32
        %add3A_1048 = arith.addi %mul3A_1046, %add3A_1047 : i32
        %add3A_1049 = arith.constant 1 : i32
        %add3A_1050 = arith.addi %add3A_1048, %add3A_1049 : i32
        %get3A_1051 = arith.index_cast %add3A_1050 : i32 to index
        %get3A_1052 = arith.constant 0 : index
        %get3A_1053 = tpu.vector_load %arg8[%get3A_1051, %get3A_1052] {strides = array<i32>} : memref<32x256xf32, #tpu.memory_space<vmem>>, vector<16xf32>,
        %swap3A_1054 = arith.index_cast %get3A_185 : i32 to index
        %swap3A_1055 = arith.constant 0 : index
        %swap3A_1056 = tpu.vector_load %arg6[%swap3A_1054, %swap3A_1055] {strides = array<i32>} : memref<256x256xf32, #tpu.memory_space<vmem>>, vector<16xf32>,
        tpu.vector_store %arg6[%swap3A_1054, %swap3A_1055], %get3A_861 {add = true, strides = array<i32>} : memref<256x256xf32, #tpu.memory_space<vmem>>, vector<16xf32>,
        %mul3A_1057 = arith.constant 8 : i32
        %mul3A_1058 = arith.muli %scan3A_161, %mul3A_1057 : i32
        %add3A_1059 = arith.constant 4 : i32
        %add3A_1060 = arith.addi %mul3A_1058, %add3A_1059 : i32
        %add3A_1061 = arith.constant 1 : i32
        %add3A_1062 = arith.addi %add3A_1060, %add3A_1061 : i32
        %get3A_1063 = arith.index_cast %add3A_1062 : i32 to index
        %get3A_1064 = arith.constant 16 : index
        %get3A_1065 = tpu.vector_load %arg8[%get3A_1063, %get3A_1064] {strides = array<i32>} : memref<32x256xf32, #tpu.memory_space<vmem>>, vector<16xf32>,
        %swap3A_1066 = arith.index_cast %get3A_185 : i32 to index
        %swap3A_1067 = arith.constant 16 : index
        %swap3A_1068 = tpu.vector_load %arg6[%swap3A_1066, %swap3A_1067] {strides = array<i32>} : memref<256x256xf32, #tpu.memory_space<vmem>>, vector<16xf32>,
        tpu.vector_store %arg6[%swap3A_1066, %swap3A_1067], %get3A_873 {add = true, strides = array<i32>} : memref<256x256xf32, #tpu.memory_space<vmem>>, vector<16xf32>,
        %mul3A_1069 = arith.constant 8 : i32
        %mul3A_1070 = arith.muli %scan3A_161, %mul3A_1069 : i32
        %add3A_1071 = arith.constant 4 : i32
        %add3A_1072 = arith.addi %mul3A_1070, %add3A_1071 : i32
        %add3A_1073 = arith.constant 1 : i32
        %add3A_1074 = arith.addi %add3A_1072, %add3A_1073 : i32
        %get3A_1075 = arith.index_cast %add3A_1074 : i32 to index
        %get3A_1076 = arith.constant 32 : index
        %get3A_1077 = tpu.vector_load %arg8[%get3A_1075, %get3A_1076] {strides = array<i32>} : memref<32x256xf32, #tpu.memory_space<vmem>>, vector<16xf32>,
        %swap3A_1078 = arith.index_cast %get3A_185 : i32 to index
        %swap3A_1079 = arith.constant 32 : index
        %swap3A_1080 = tpu.vector_load %arg6[%swap3A_1078, %swap3A_1079] {strides = array<i32>} : memref<256x256xf32, #tpu.memory_space<vmem>>, vector<16xf32>,
        tpu.vector_store %arg6[%swap3A_1078, %swap3A_1079], %get3A_885 {add = true, strides = array<i32>} : memref<256x256xf32, #tpu.memory_space<vmem>>, vector<16xf32>,
        %mul3A_1081 = arith.constant 8 : i32
        %mul3A_1082 = arith.muli %scan3A_161, %mul3A_1081 : i32
        %add3A_1083 = arith.constant 4 : i32
        %add3A_1084 = arith.addi %mul3A_1082, %add3A_1083 : i32
        %add3A_1085 = arith.constant 1 : i32
        %add3A_1086 = arith.addi %add3A_1084, %add3A_1085 : i32
        %get3A_1087 = arith.index_cast %add3A_1086 : i32 to index
        %get3A_1088 = arith.constant 48 : index
        %get3A_1089 = tpu.vector_load %arg8[%get3A_1087, %get3A_1088] {strides = array<i32>} : memref<32x256xf32, #tpu.memory_space<vmem>>, vector<16xf32>,
        %swap3A_1090 = arith.index_cast %get3A_185 : i32 to index
        %swap3A_1091 = arith.constant 48 : index
        %swap3A_1092 = tpu.vector_load %arg6[%swap3A_1090, %swap3A_1091] {strides = array<i32>} : memref<256x256xf32, #tpu.memory_space<vmem>>, vector<16xf32>,
        tpu.vector_store %arg6[%swap3A_1090, %swap3A_1091], %get3A_897 {add = true, strides = array<i32>} : memref<256x256xf32, #tpu.memory_space<vmem>>, vector<16xf32>,
        %mul3A_1093 = arith.constant 8 : i32
        %mul3A_1094 = arith.muli %scan3A_161, %mul3A_1093 : i32
        %add3A_1095 = arith.constant 4 : i32
        %add3A_1096 = arith.addi %mul3A_1094, %add3A_1095 : i32
        %add3A_1097 = arith.constant 1 : i32
        %add3A_1098 = arith.addi %add3A_1096, %add3A_1097 : i32
        %get3A_1099 = arith.index_cast %add3A_1098 : i32 to index
        %get3A_1100 = arith.constant 64 : index
        %get3A_1101 = tpu.vector_load %arg8[%get3A_1099, %get3A_1100] {strides = array<i32>} : memref<32x256xf32, #tpu.memory_space<vmem>>, vector<16xf32>,
        %swap3A_1102 = arith.index_cast %get3A_185 : i32 to index
        %swap3A_1103 = arith.constant 64 : index
        %swap3A_1104 = tpu.vector_load %arg6[%swap3A_1102, %swap3A_1103] {strides = array<i32>} : memref<256x256xf32, #tpu.memory_space<vmem>>, vector<16xf32>,
        tpu.vector_store %arg6[%swap3A_1102, %swap3A_1103], %get3A_909 {add = true, strides = array<i32>} : memref<256x256xf32, #tpu.memory_space<vmem>>, vector<16xf32>,
        %mul3A_1105 = arith.constant 8 : i32
        %mul3A_1106 = arith.muli %scan3A_161, %mul3A_1105 : i32
        %add3A_1107 = arith.constant 4 : i32
        %add3A_1108 = arith.addi %mul3A_1106, %add3A_1107 : i32
        %add3A_1109 = arith.constant 1 : i32
        %add3A_1110 = arith.addi %add3A_1108, %add3A_1109 : i32
        %get3A_1111 = arith.index_cast %add3A_1110 : i32 to index
        %get3A_1112 = arith.constant 80 : index
        %get3A_1113 = tpu.vector_load %arg8[%get3A_1111, %get3A_1112] {strides = array<i32>} : memref<32x256xf32, #tpu.memory_space<vmem>>, vector<16xf32>,
        %swap3A_1114 = arith.index_cast %get3A_185 : i32 to index
        %swap3A_1115 = arith.constant 80 : index
        %swap3A_1116 = tpu.vector_load %arg6[%swap3A_1114, %swap3A_1115] {strides = array<i32>} : memref<256x256xf32, #tpu.memory_space<vmem>>, vector<16xf32>,
        tpu.vector_store %arg6[%swap3A_1114, %swap3A_1115], %get3A_921 {add = true, strides = array<i32>} : memref<256x256xf32, #tpu.memory_space<vmem>>, vector<16xf32>,
        %mul3A_1117 = arith.constant 8 : i32
        %mul3A_1118 = arith.muli %scan3A_161, %mul3A_1117 : i32
        %add3A_1119 = arith.constant 4 : i32
        %add3A_1120 = arith.addi %mul3A_1118, %add3A_1119 : i32
        %add3A_1121 = arith.constant 1 : i32
        %add3A_1122 = arith.addi %add3A_1120, %add3A_1121 : i32
        %get3A_1123 = arith.index_cast %add3A_1122 : i32 to index
        %get3A_1124 = arith.constant 96 : index
        %get3A_1125 = tpu.vector_load %arg8[%get3A_1123, %get3A_1124] {strides = array<i32>} : memref<32x256xf32, #tpu.memory_space<vmem>>, vector<16xf32>,
        %swap3A_1126 = arith.index_cast %get3A_185 : i32 to index
        %swap3A_1127 = arith.constant 96 : index
        %swap3A_1128 = tpu.vector_load %arg6[%swap3A_1126, %swap3A_1127] {strides = array<i32>} : memref<256x256xf32, #tpu.memory_space<vmem>>, vector<16xf32>,
        tpu.vector_store %arg6[%swap3A_1126, %swap3A_1127], %get3A_933 {add = true, strides = array<i32>} : memref<256x256xf32, #tpu.memory_space<vmem>>, vector<16xf32>,
        %mul3A_1129 = arith.constant 8 : i32
        %mul3A_1130 = arith.muli %scan3A_161, %mul3A_1129 : i32
        %add3A_1131 = arith.constant 4 : i32
        %add3A_1132 = arith.addi %mul3A_1130, %add3A_1131 : i32
        %add3A_1133 = arith.constant 1 : i32
        %add3A_1134 = arith.addi %add3A_1132, %add3A_1133 : i32
        %get3A_1135 = arith.index_cast %add3A_1134 : i32 to index
        %get3A_1136 = arith.constant 112 : index
        %get3A_1137 = tpu.vector_load %arg8[%get3A_1135, %get3A_1136] {strides = array<i32>} : memref<32x256xf32, #tpu.memory_space<vmem>>, vector<16xf32>,
        %swap3A_1138 = arith.index_cast %get3A_185 : i32 to index
        %swap3A_1139 = arith.constant 112 : index
        %swap3A_1140 = tpu.vector_load %arg6[%swap3A_1138, %swap3A_1139] {strides = array<i32>} : memref<256x256xf32, #tpu.memory_space<vmem>>, vector<16xf32>,
        tpu.vector_store %arg6[%swap3A_1138, %swap3A_1139], %get3A_945 {add = true, strides = array<i32>} : memref<256x256xf32, #tpu.memory_space<vmem>>, vector<16xf32>,
        %mul3A_1141 = arith.constant 8 : i32
        %mul3A_1142 = arith.muli %scan3A_161, %mul3A_1141 : i32
        %add3A_1143 = arith.constant 4 : i32
        %add3A_1144 = arith.addi %mul3A_1142, %add3A_1143 : i32
        %add3A_1145 = arith.constant 1 : i32
        %add3A_1146 = arith.addi %add3A_1144, %add3A_1145 : i32
        %get3A_1147 = arith.index_cast %add3A_1146 : i32 to index
        %get3A_1148 = arith.constant 128 : index
        %get3A_1149 = tpu.vector_load %arg8[%get3A_1147, %get3A_1148] {strides = array<i32>} : memref<32x256xf32, #tpu.memory_space<vmem>>, vector<16xf32>,
        %swap3A_1150 = arith.index_cast %get3A_185 : i32 to index
        %swap3A_1151 = arith.constant 128 : index
        %swap3A_1152 = tpu.vector_load %arg6[%swap3A_1150, %swap3A_1151] {strides = array<i32>} : memref<256x256xf32, #tpu.memory_space<vmem>>, vector<16xf32>,
        tpu.vector_store %arg6[%swap3A_1150, %swap3A_1151], %get3A_957 {add = true, strides = array<i32>} : memref<256x256xf32, #tpu.memory_space<vmem>>, vector<16xf32>,
        %mul3A_1153 = arith.constant 8 : i32
        %mul3A_1154 = arith.muli %scan3A_161, %mul3A_1153 : i32
        %add3A_1155 = arith.constant 4 : i32
        %add3A_1156 = arith.addi %mul3A_1154, %add3A_1155 : i32
        %add3A_1157 = arith.constant 1 : i32
        %add3A_1158 = arith.addi %add3A_1156, %add3A_1157 : i32
        %get3A_1159 = arith.index_cast %add3A_1158 : i32 to index
        %get3A_1160 = arith.constant 144 : index
        %get3A_1161 = tpu.vector_load %arg8[%get3A_1159, %get3A_1160] {strides = array<i32>} : memref<32x256xf32, #tpu.memory_space<vmem>>, vector<16xf32>,
        %swap3A_1162 = arith.index_cast %get3A_185 : i32 to index
        %swap3A_1163 = arith.constant 144 : index
        %swap3A_1164 = tpu.vector_load %arg6[%swap3A_1162, %swap3A_1163] {strides = array<i32>} : memref<256x256xf32, #tpu.memory_space<vmem>>, vector<16xf32>,
        tpu.vector_store %arg6[%swap3A_1162, %swap3A_1163], %get3A_969 {add = true, strides = array<i32>} : memref<256x256xf32, #tpu.memory_space<vmem>>, vector<16xf32>,
        %mul3A_1165 = arith.constant 8 : i32
        %mul3A_1166 = arith.muli %scan3A_161, %mul3A_1165 : i32
        %add3A_1167 = arith.constant 4 : i32
        %add3A_1168 = arith.addi %mul3A_1166, %add3A_1167 : i32
        %add3A_1169 = arith.constant 1 : i32
        %add3A_1170 = arith.addi %add3A_1168, %add3A_1169 : i32
        %get3A_1171 = arith.index_cast %add3A_1170 : i32 to index
        %get3A_1172 = arith.constant 160 : index
        %get3A_1173 = tpu.vector_load %arg8[%get3A_1171, %get3A_1172] {strides = array<i32>} : memref<32x256xf32, #tpu.memory_space<vmem>>, vector<16xf32>,
        %swap3A_1174 = arith.index_cast %get3A_185 : i32 to index
        %swap3A_1175 = arith.constant 160 : index
        %swap3A_1176 = tpu.vector_load %arg6[%swap3A_1174, %swap3A_1175] {strides = array<i32>} : memref<256x256xf32, #tpu.memory_space<vmem>>, vector<16xf32>,
        tpu.vector_store %arg6[%swap3A_1174, %swap3A_1175], %get3A_981 {add = true, strides = array<i32>} : memref<256x256xf32, #tpu.memory_space<vmem>>, vector<16xf32>,
        %mul3A_1177 = arith.constant 8 : i32
        %mul3A_1178 = arith.muli %scan3A_161, %mul3A_1177 : i32
        %add3A_1179 = arith.constant 4 : i32
        %add3A_1180 = arith.addi %mul3A_1178, %add3A_1179 : i32
        %add3A_1181 = arith.constant 1 : i32
        %add3A_1182 = arith.addi %add3A_1180, %add3A_1181 : i32
        %get3A_1183 = arith.index_cast %add3A_1182 : i32 to index
        %get3A_1184 = arith.constant 176 : index
        %get3A_1185 = tpu.vector_load %arg8[%get3A_1183, %get3A_1184] {strides = array<i32>} : memref<32x256xf32, #tpu.memory_space<vmem>>, vector<16xf32>,
        %swap3A_1186 = arith.index_cast %get3A_185 : i32 to index
        %swap3A_1187 = arith.constant 176 : index
        %swap3A_1188 = tpu.vector_load %arg6[%swap3A_1186, %swap3A_1187] {strides = array<i32>} : memref<256x256xf32, #tpu.memory_space<vmem>>, vector<16xf32>,
        tpu.vector_store %arg6[%swap3A_1186, %swap3A_1187], %get3A_993 {add = true, strides = array<i32>} : memref<256x256xf32, #tpu.memory_space<vmem>>, vector<16xf32>,
        %mul3A_1189 = arith.constant 8 : i32
        %mul3A_1190 = arith.muli %scan3A_161, %mul3A_1189 : i32
        %add3A_1191 = arith.constant 4 : i32
        %add3A_1192 = arith.addi %mul3A_1190, %add3A_1191 : i32
        %add3A_1193 = arith.constant 1 : i32
        %add3A_1194 = arith.addi %add3A_1192, %add3A_1193 : i32
        %get3A_1195 = arith.index_cast %add3A_1194 : i32 to index
        %get3A_1196 = arith.constant 192 : index
        %get3A_1197 = tpu.vector_load %arg8[%get3A_1195, %get3A_1196] {strides = array<i32>} : memref<32x256xf32, #tpu.memory_space<vmem>>, vector<16xf32>,
        %swap3A_1198 = arith.index_cast %get3A_185 : i32 to index
        %swap3A_1199 = arith.constant 192 : index
        %swap3A_1200 = tpu.vector_load %arg6[%swap3A_1198, %swap3A_1199] {strides = array<i32>} : memref<256x256xf32, #tpu.memory_space<vmem>>, vector<16xf32>,
        tpu.vector_store %arg6[%swap3A_1198, %swap3A_1199], %get3A_1005 {add = true, strides = array<i32>} : memref<256x256xf32, #tpu.memory_space<vmem>>, vector<16xf32>,
        %mul3A_1201 = arith.constant 8 : i32
        %mul3A_1202 = arith.muli %scan3A_161, %mul3A_1201 : i32
        %add3A_1203 = arith.constant 4 : i32
        %add3A_1204 = arith.addi %mul3A_1202, %add3A_1203 : i32
        %add3A_1205 = arith.constant 1 : i32
        %add3A_1206 = arith.addi %add3A_1204, %add3A_1205 : i32
        %get3A_1207 = arith.index_cast %add3A_1206 : i32 to index
        %get3A_1208 = arith.constant 208 : index
        %get3A_1209 = tpu.vector_load %arg8[%get3A_1207, %get3A_1208] {strides = array<i32>} : memref<32x256xf32, #tpu.memory_space<vmem>>, vector<16xf32>,
        %swap3A_1210 = arith.index_cast %get3A_185 : i32 to index
        %swap3A_1211 = arith.constant 208 : index
        %swap3A_1212 = tpu.vector_load %arg6[%swap3A_1210, %swap3A_1211] {strides = array<i32>} : memref<256x256xf32, #tpu.memory_space<vmem>>, vector<16xf32>,
        tpu.vector_store %arg6[%swap3A_1210, %swap3A_1211], %get3A_1017 {add = true, strides = array<i32>} : memref<256x256xf32, #tpu.memory_space<vmem>>, vector<16xf32>,
        %mul3A_1213 = arith.constant 8 : i32
        %mul3A_1214 = arith.muli %scan3A_161, %mul3A_1213 : i32
        %add3A_1215 = arith.constant 4 : i32
        %add3A_1216 = arith.addi %mul3A_1214, %add3A_1215 : i32
        %add3A_1217 = arith.constant 1 : i32
        %add3A_1218 = arith.addi %add3A_1216, %add3A_1217 : i32
        %get3A_1219 = arith.index_cast %add3A_1218 : i32 to index
        %get3A_1220 = arith.constant 224 : index
        %get3A_1221 = tpu.vector_load %arg8[%get3A_1219, %get3A_1220] {strides = array<i32>} : memref<32x256xf32, #tpu.memory_space<vmem>>, vector<16xf32>,
        %swap3A_1222 = arith.index_cast %get3A_185 : i32 to index
        %swap3A_1223 = arith.constant 224 : index
        %swap3A_1224 = tpu.vector_load %arg6[%swap3A_1222, %swap3A_1223] {strides = array<i32>} : memref<256x256xf32, #tpu.memory_space<vmem>>, vector<16xf32>,
        tpu.vector_store %arg6[%swap3A_1222, %swap3A_1223], %get3A_1029 {add = true, strides = array<i32>} : memref<256x256xf32, #tpu.memory_space<vmem>>, vector<16xf32>,
        %mul3A_1225 = arith.constant 8 : i32
        %mul3A_1226 = arith.muli %scan3A_161, %mul3A_1225 : i32
        %add3A_1227 = arith.constant 4 : i32
        %add3A_1228 = arith.addi %mul3A_1226, %add3A_1227 : i32
        %add3A_1229 = arith.constant 1 : i32
        %add3A_1230 = arith.addi %add3A_1228, %add3A_1229 : i32
        %get3A_1231 = arith.index_cast %add3A_1230 : i32 to index
        %get3A_1232 = arith.constant 240 : index
        %get3A_1233 = tpu.vector_load %arg8[%get3A_1231, %get3A_1232] {strides = array<i32>} : memref<32x256xf32, #tpu.memory_space<vmem>>, vector<16xf32>,
        %swap3A_1234 = arith.index_cast %get3A_185 : i32 to index
        %swap3A_1235 = arith.constant 240 : index
        %swap3A_1236 = tpu.vector_load %arg6[%swap3A_1234, %swap3A_1235] {strides = array<i32>} : memref<256x256xf32, #tpu.memory_space<vmem>>, vector<16xf32>,
        tpu.vector_store %arg6[%swap3A_1234, %swap3A_1235], %get3A_1041 {add = true, strides = array<i32>} : memref<256x256xf32, #tpu.memory_space<vmem>>, vector<16xf32>,
        %mul3A_1237 = arith.constant 8 : i32
        %mul3A_1238 = arith.muli %scan3A_161, %mul3A_1237 : i32
        %add3A_1239 = arith.constant 5 : i32
        %add3A_1240 = arith.addi %mul3A_1238, %add3A_1239 : i32
        %add3A_1241 = arith.constant 1 : i32
        %add3A_1242 = arith.addi %add3A_1240, %add3A_1241 : i32
        %get3A_1243 = arith.index_cast %add3A_1242 : i32 to index
        %get3A_1244 = arith.constant 0 : index
        %get3A_1245 = tpu.vector_load %arg8[%get3A_1243, %get3A_1244] {strides = array<i32>} : memref<32x256xf32, #tpu.memory_space<vmem>>, vector<16xf32>,
        %swap3A_1246 = arith.index_cast %get3A_189 : i32 to index
        %swap3A_1247 = arith.constant 0 : index
        %swap3A_1248 = tpu.vector_load %arg6[%swap3A_1246, %swap3A_1247] {strides = array<i32>} : memref<256x256xf32, #tpu.memory_space<vmem>>, vector<16xf32>,
        tpu.vector_store %arg6[%swap3A_1246, %swap3A_1247], %get3A_1053 {add = true, strides = array<i32>} : memref<256x256xf32, #tpu.memory_space<vmem>>, vector<16xf32>,
        %mul3A_1249 = arith.constant 8 : i32
        %mul3A_1250 = arith.muli %scan3A_161, %mul3A_1249 : i32
        %add3A_1251 = arith.constant 5 : i32
        %add3A_1252 = arith.addi %mul3A_1250, %add3A_1251 : i32
        %add3A_1253 = arith.constant 1 : i32
        %add3A_1254 = arith.addi %add3A_1252, %add3A_1253 : i32
        %get3A_1255 = arith.index_cast %add3A_1254 : i32 to index
        %get3A_1256 = arith.constant 16 : index
        %get3A_1257 = tpu.vector_load %arg8[%get3A_1255, %get3A_1256] {strides = array<i32>} : memref<32x256xf32, #tpu.memory_space<vmem>>, vector<16xf32>,
        %swap3A_1258 = arith.index_cast %get3A_189 : i32 to index
        %swap3A_1259 = arith.constant 16 : index
        %swap3A_1260 = tpu.vector_load %arg6[%swap3A_1258, %swap3A_1259] {strides = array<i32>} : memref<256x256xf32, #tpu.memory_space<vmem>>, vector<16xf32>,
        tpu.vector_store %arg6[%swap3A_1258, %swap3A_1259], %get3A_1065 {add = true, strides = array<i32>} : memref<256x256xf32, #tpu.memory_space<vmem>>, vector<16xf32>,
        %mul3A_1261 = arith.constant 8 : i32
        %mul3A_1262 = arith.muli %scan3A_161, %mul3A_1261 : i32
        %add3A_1263 = arith.constant 5 : i32
        %add3A_1264 = arith.addi %mul3A_1262, %add3A_1263 : i32
        %add3A_1265 = arith.constant 1 : i32
        %add3A_1266 = arith.addi %add3A_1264, %add3A_1265 : i32
        %get3A_1267 = arith.index_cast %add3A_1266 : i32 to index
        %get3A_1268 = arith.constant 32 : index
        %get3A_1269 = tpu.vector_load %arg8[%get3A_1267, %get3A_1268] {strides = array<i32>} : memref<32x256xf32, #tpu.memory_space<vmem>>, vector<16xf32>,
        %swap3A_1270 = arith.index_cast %get3A_189 : i32 to index
        %swap3A_1271 = arith.constant 32 : index
        %swap3A_1272 = tpu.vector_load %arg6[%swap3A_1270, %swap3A_1271] {strides = array<i32>} : memref<256x256xf32, #tpu.memory_space<vmem>>, vector<16xf32>,
        tpu.vector_store %arg6[%swap3A_1270, %swap3A_1271], %get3A_1077 {add = true, strides = array<i32>} : memref<256x256xf32, #tpu.memory_space<vmem>>, vector<16xf32>,
        %mul3A_1273 = arith.constant 8 : i32
        %mul3A_1274 = arith.muli %scan3A_161, %mul3A_1273 : i32
        %add3A_1275 = arith.constant 5 : i32
        %add3A_1276 = arith.addi %mul3A_1274, %add3A_1275 : i32
        %add3A_1277 = arith.constant 1 : i32
        %add3A_1278 = arith.addi %add3A_1276, %add3A_1277 : i32
        %get3A_1279 = arith.index_cast %add3A_1278 : i32 to index
        %get3A_1280 = arith.constant 48 : index
        %get3A_1281 = tpu.vector_load %arg8[%get3A_1279, %get3A_1280] {strides = array<i32>} : memref<32x256xf32, #tpu.memory_space<vmem>>, vector<16xf32>,
        %swap3A_1282 = arith.index_cast %get3A_189 : i32 to index
        %swap3A_1283 = arith.constant 48 : index
        %swap3A_1284 = tpu.vector_load %arg6[%swap3A_1282, %swap3A_1283] {strides = array<i32>} : memref<256x256xf32, #tpu.memory_space<vmem>>, vector<16xf32>,
        tpu.vector_store %arg6[%swap3A_1282, %swap3A_1283], %get3A_1089 {add = true, strides = array<i32>} : memref<256x256xf32, #tpu.memory_space<vmem>>, vector<16xf32>,
        %mul3A_1285 = arith.constant 8 : i32
        %mul3A_1286 = arith.muli %scan3A_161, %mul3A_1285 : i32
        %add3A_1287 = arith.constant 5 : i32
        %add3A_1288 = arith.addi %mul3A_1286, %add3A_1287 : i32
        %add3A_1289 = arith.constant 1 : i32
        %add3A_1290 = arith.addi %add3A_1288, %add3A_1289 : i32
        %get3A_1291 = arith.index_cast %add3A_1290 : i32 to index
        %get3A_1292 = arith.constant 64 : index
        %get3A_1293 = tpu.vector_load %arg8[%get3A_1291, %get3A_1292] {strides = array<i32>} : memref<32x256xf32, #tpu.memory_space<vmem>>, vector<16xf32>,
        %swap3A_1294 = arith.index_cast %get3A_189 : i32 to index
        %swap3A_1295 = arith.constant 64 : index
        %swap3A_1296 = tpu.vector_load %arg6[%swap3A_1294, %swap3A_1295] {strides = array<i32>} : memref<256x256xf32, #tpu.memory_space<vmem>>, vector<16xf32>,
        tpu.vector_store %arg6[%swap3A_1294, %swap3A_1295], %get3A_1101 {add = true, strides = array<i32>} : memref<256x256xf32, #tpu.memory_space<vmem>>, vector<16xf32>,
        %mul3A_1297 = arith.constant 8 : i32
        %mul3A_1298 = arith.muli %scan3A_161, %mul3A_1297 : i32
        %add3A_1299 = arith.constant 5 : i32
        %add3A_1300 = arith.addi %mul3A_1298, %add3A_1299 : i32
        %add3A_1301 = arith.constant 1 : i32
        %add3A_1302 = arith.addi %add3A_1300, %add3A_1301 : i32
        %get3A_1303 = arith.index_cast %add3A_1302 : i32 to index
        %get3A_1304 = arith.constant 80 : index
        %get3A_1305 = tpu.vector_load %arg8[%get3A_1303, %get3A_1304] {strides = array<i32>} : memref<32x256xf32, #tpu.memory_space<vmem>>, vector<16xf32>,
        %swap3A_1306 = arith.index_cast %get3A_189 : i32 to index
        %swap3A_1307 = arith.constant 80 : index
        %swap3A_1308 = tpu.vector_load %arg6[%swap3A_1306, %swap3A_1307] {strides = array<i32>} : memref<256x256xf32, #tpu.memory_space<vmem>>, vector<16xf32>,
        tpu.vector_store %arg6[%swap3A_1306, %swap3A_1307], %get3A_1113 {add = true, strides = array<i32>} : memref<256x256xf32, #tpu.memory_space<vmem>>, vector<16xf32>,
        %mul3A_1309 = arith.constant 8 : i32
        %mul3A_1310 = arith.muli %scan3A_161, %mul3A_1309 : i32
        %add3A_1311 = arith.constant 5 : i32
        %add3A_1312 = arith.addi %mul3A_1310, %add3A_1311 : i32
        %add3A_1313 = arith.constant 1 : i32
        %add3A_1314 = arith.addi %add3A_1312, %add3A_1313 : i32
        %get3A_1315 = arith.index_cast %add3A_1314 : i32 to index
        %get3A_1316 = arith.constant 96 : index
        %get3A_1317 = tpu.vector_load %arg8[%get3A_1315, %get3A_1316] {strides = array<i32>} : memref<32x256xf32, #tpu.memory_space<vmem>>, vector<16xf32>,
        %swap3A_1318 = arith.index_cast %get3A_189 : i32 to index
        %swap3A_1319 = arith.constant 96 : index
        %swap3A_1320 = tpu.vector_load %arg6[%swap3A_1318, %swap3A_1319] {strides = array<i32>} : memref<256x256xf32, #tpu.memory_space<vmem>>, vector<16xf32>,
        tpu.vector_store %arg6[%swap3A_1318, %swap3A_1319], %get3A_1125 {add = true, strides = array<i32>} : memref<256x256xf32, #tpu.memory_space<vmem>>, vector<16xf32>,
        %mul3A_1321 = arith.constant 8 : i32
        %mul3A_1322 = arith.muli %scan3A_161, %mul3A_1321 : i32
        %add3A_1323 = arith.constant 5 : i32
        %add3A_1324 = arith.addi %mul3A_1322, %add3A_1323 : i32
        %add3A_1325 = arith.constant 1 : i32
        %add3A_1326 = arith.addi %add3A_1324, %add3A_1325 : i32
        %get3A_1327 = arith.index_cast %add3A_1326 : i32 to index
        %get3A_1328 = arith.constant 112 : index
        %get3A_1329 = tpu.vector_load %arg8[%get3A_1327, %get3A_1328] {strides = array<i32>} : memref<32x256xf32, #tpu.memory_space<vmem>>, vector<16xf32>,
        %swap3A_1330 = arith.index_cast %get3A_189 : i32 to index
        %swap3A_1331 = arith.constant 112 : index
        %swap3A_1332 = tpu.vector_load %arg6[%swap3A_1330, %swap3A_1331] {strides = array<i32>} : memref<256x256xf32, #tpu.memory_space<vmem>>, vector<16xf32>,
        tpu.vector_store %arg6[%swap3A_1330, %swap3A_1331], %get3A_1137 {add = true, strides = array<i32>} : memref<256x256xf32, #tpu.memory_space<vmem>>, vector<16xf32>,
        %mul3A_1333 = arith.constant 8 : i32
        %mul3A_1334 = arith.muli %scan3A_161, %mul3A_1333 : i32
        %add3A_1335 = arith.constant 5 : i32
        %add3A_1336 = arith.addi %mul3A_1334, %add3A_1335 : i32
        %add3A_1337 = arith.constant 1 : i32
        %add3A_1338 = arith.addi %add3A_1336, %add3A_1337 : i32
        %get3A_1339 = arith.index_cast %add3A_1338 : i32 to index
        %get3A_1340 = arith.constant 128 : index
        %get3A_1341 = tpu.vector_load %arg8[%get3A_1339, %get3A_1340] {strides = array<i32>} : memref<32x256xf32, #tpu.memory_space<vmem>>, vector<16xf32>,
        %swap3A_1342 = arith.index_cast %get3A_189 : i32 to index
        %swap3A_1343 = arith.constant 128 : index
        %swap3A_1344 = tpu.vector_load %arg6[%swap3A_1342, %swap3A_1343] {strides = array<i32>} : memref<256x256xf32, #tpu.memory_space<vmem>>, vector<16xf32>,
        tpu.vector_store %arg6[%swap3A_1342, %swap3A_1343], %get3A_1149 {add = true, strides = array<i32>} : memref<256x256xf32, #tpu.memory_space<vmem>>, vector<16xf32>,
        %mul3A_1345 = arith.constant 8 : i32
        %mul3A_1346 = arith.muli %scan3A_161, %mul3A_1345 : i32
        %add3A_1347 = arith.constant 5 : i32
        %add3A_1348 = arith.addi %mul3A_1346, %add3A_1347 : i32
        %add3A_1349 = arith.constant 1 : i32
        %add3A_1350 = arith.addi %add3A_1348, %add3A_1349 : i32
        %get3A_1351 = arith.index_cast %add3A_1350 : i32 to index
        %get3A_1352 = arith.constant 144 : index
        %get3A_1353 = tpu.vector_load %arg8[%get3A_1351, %get3A_1352] {strides = array<i32>} : memref<32x256xf32, #tpu.memory_space<vmem>>, vector<16xf32>,
        %swap3A_1354 = arith.index_cast %get3A_189 : i32 to index
        %swap3A_1355 = arith.constant 144 : index
        %swap3A_1356 = tpu.vector_load %arg6[%swap3A_1354, %swap3A_1355] {strides = array<i32>} : memref<256x256xf32, #tpu.memory_space<vmem>>, vector<16xf32>,
        tpu.vector_store %arg6[%swap3A_1354, %swap3A_1355], %get3A_1161 {add = true, strides = array<i32>} : memref<256x256xf32, #tpu.memory_space<vmem>>, vector<16xf32>,
        %mul3A_1357 = arith.constant 8 : i32
        %mul3A_1358 = arith.muli %scan3A_161, %mul3A_1357 : i32
        %add3A_1359 = arith.constant 5 : i32
        %add3A_1360 = arith.addi %mul3A_1358, %add3A_1359 : i32
        %add3A_1361 = arith.constant 1 : i32
        %add3A_1362 = arith.addi %add3A_1360, %add3A_1361 : i32
        %get3A_1363 = arith.index_cast %add3A_1362 : i32 to index
        %get3A_1364 = arith.constant 160 : index
        %get3A_1365 = tpu.vector_load %arg8[%get3A_1363, %get3A_1364] {strides = array<i32>} : memref<32x256xf32, #tpu.memory_space<vmem>>, vector<16xf32>,
        %swap3A_1366 = arith.index_cast %get3A_189 : i32 to index
        %swap3A_1367 = arith.constant 160 : index
        %swap3A_1368 = tpu.vector_load %arg6[%swap3A_1366, %swap3A_1367] {strides = array<i32>} : memref<256x256xf32, #tpu.memory_space<vmem>>, vector<16xf32>,
        tpu.vector_store %arg6[%swap3A_1366, %swap3A_1367], %get3A_1173 {add = true, strides = array<i32>} : memref<256x256xf32, #tpu.memory_space<vmem>>, vector<16xf32>,
        %mul3A_1369 = arith.constant 8 : i32
        %mul3A_1370 = arith.muli %scan3A_161, %mul3A_1369 : i32
        %add3A_1371 = arith.constant 5 : i32
        %add3A_1372 = arith.addi %mul3A_1370, %add3A_1371 : i32
        %add3A_1373 = arith.constant 1 : i32
        %add3A_1374 = arith.addi %add3A_1372, %add3A_1373 : i32
        %get3A_1375 = arith.index_cast %add3A_1374 : i32 to index
        %get3A_1376 = arith.constant 176 : index
        %get3A_1377 = tpu.vector_load %arg8[%get3A_1375, %get3A_1376] {strides = array<i32>} : memref<32x256xf32, #tpu.memory_space<vmem>>, vector<16xf32>,
        %swap3A_1378 = arith.index_cast %get3A_189 : i32 to index
        %swap3A_1379 = arith.constant 176 : index
        %swap3A_1380 = tpu.vector_load %arg6[%swap3A_1378, %swap3A_1379] {strides = array<i32>} : memref<256x256xf32, #tpu.memory_space<vmem>>, vector<16xf32>,
        tpu.vector_store %arg6[%swap3A_1378, %swap3A_1379], %get3A_1185 {add = true, strides = array<i32>} : memref<256x256xf32, #tpu.memory_space<vmem>>, vector<16xf32>,
        %mul3A_1381 = arith.constant 8 : i32
        %mul3A_1382 = arith.muli %scan3A_161, %mul3A_1381 : i32
        %add3A_1383 = arith.constant 5 : i32
        %add3A_1384 = arith.addi %mul3A_1382, %add3A_1383 : i32
        %add3A_1385 = arith.constant 1 : i32
        %add3A_1386 = arith.addi %add3A_1384, %add3A_1385 : i32
        %get3A_1387 = arith.index_cast %add3A_1386 : i32 to index
        %get3A_1388 = arith.constant 192 : index
        %get3A_1389 = tpu.vector_load %arg8[%get3A_1387, %get3A_1388] {strides = array<i32>} : memref<32x256xf32, #tpu.memory_space<vmem>>, vector<16xf32>,
        %swap3A_1390 = arith.index_cast %get3A_189 : i32 to index
        %swap3A_1391 = arith.constant 192 : index
        %swap3A_1392 = tpu.vector_load %arg6[%swap3A_1390, %swap3A_1391] {strides = array<i32>} : memref<256x256xf32, #tpu.memory_space<vmem>>, vector<16xf32>,
        tpu.vector_store %arg6[%swap3A_1390, %swap3A_1391], %get3A_1197 {add = true, strides = array<i32>} : memref<256x256xf32, #tpu.memory_space<vmem>>, vector<16xf32>,
        %mul3A_1393 = arith.constant 8 : i32
        %mul3A_1394 = arith.muli %scan3A_161, %mul3A_1393 : i32
        %add3A_1395 = arith.constant 5 : i32
        %add3A_1396 = arith.addi %mul3A_1394, %add3A_1395 : i32
        %add3A_1397 = arith.constant 1 : i32
        %add3A_1398 = arith.addi %add3A_1396, %add3A_1397 : i32
        %get3A_1399 = arith.index_cast %add3A_1398 : i32 to index
        %get3A_1400 = arith.constant 208 : index
        %get3A_1401 = tpu.vector_load %arg8[%get3A_1399, %get3A_1400] {strides = array<i32>} : memref<32x256xf32, #tpu.memory_space<vmem>>, vector<16xf32>,
        %swap3A_1402 = arith.index_cast %get3A_189 : i32 to index
        %swap3A_1403 = arith.constant 208 : index
        %swap3A_1404 = tpu.vector_load %arg6[%swap3A_1402, %swap3A_1403] {strides = array<i32>} : memref<256x256xf32, #tpu.memory_space<vmem>>, vector<16xf32>,
        tpu.vector_store %arg6[%swap3A_1402, %swap3A_1403], %get3A_1209 {add = true, strides = array<i32>} : memref<256x256xf32, #tpu.memory_space<vmem>>, vector<16xf32>,
        %mul3A_1405 = arith.constant 8 : i32
        %mul3A_1406 = arith.muli %scan3A_161, %mul3A_1405 : i32
        %add3A_1407 = arith.constant 5 : i32
        %add3A_1408 = arith.addi %mul3A_1406, %add3A_1407 : i32
        %add3A_1409 = arith.constant 1 : i32
        %add3A_1410 = arith.addi %add3A_1408, %add3A_1409 : i32
        %get3A_1411 = arith.index_cast %add3A_1410 : i32 to index
        %get3A_1412 = arith.constant 224 : index
        %get3A_1413 = tpu.vector_load %arg8[%get3A_1411, %get3A_1412] {strides = array<i32>} : memref<32x256xf32, #tpu.memory_space<vmem>>, vector<16xf32>,
        %swap3A_1414 = arith.index_cast %get3A_189 : i32 to index
        %swap3A_1415 = arith.constant 224 : index
        %swap3A_1416 = tpu.vector_load %arg6[%swap3A_1414, %swap3A_1415] {strides = array<i32>} : memref<256x256xf32, #tpu.memory_space<vmem>>, vector<16xf32>,
        tpu.vector_store %arg6[%swap3A_1414, %swap3A_1415], %get3A_1221 {add = true, strides = array<i32>} : memref<256x256xf32, #tpu.memory_space<vmem>>, vector<16xf32>,
        %mul3A_1417 = arith.constant 8 : i32
        %mul3A_1418 = arith.muli %scan3A_161, %mul3A_1417 : i32
        %add3A_1419 = arith.constant 5 : i32
        %add3A_1420 = arith.addi %mul3A_1418, %add3A_1419 : i32
        %add3A_1421 = arith.constant 1 : i32
        %add3A_1422 = arith.addi %add3A_1420, %add3A_1421 : i32
        %get3A_1423 = arith.index_cast %add3A_1422 : i32 to index
        %get3A_1424 = arith.constant 240 : index
        %get3A_1425 = tpu.vector_load %arg8[%get3A_1423, %get3A_1424] {strides = array<i32>} : memref<32x256xf32, #tpu.memory_space<vmem>>, vector<16xf32>,
        %swap3A_1426 = arith.index_cast %get3A_189 : i32 to index
        %swap3A_1427 = arith.constant 240 : index
        %swap3A_1428 = tpu.vector_load %arg6[%swap3A_1426, %swap3A_1427] {strides = array<i32>} : memref<256x256xf32, #tpu.memory_space<vmem>>, vector<16xf32>,
        tpu.vector_store %arg6[%swap3A_1426, %swap3A_1427], %get3A_1233 {add = true, strides = array<i32>} : memref<256x256xf32, #tpu.memory_space<vmem>>, vector<16xf32>,
        %mul3A_1429 = arith.constant 8 : i32
        %mul3A_1430 = arith.muli %scan3A_161, %mul3A_1429 : i32
        %add3A_1431 = arith.constant 6 : i32
        %add3A_1432 = arith.addi %mul3A_1430, %add3A_1431 : i32
        %add3A_1433 = arith.constant 1 : i32
        %add3A_1434 = arith.addi %add3A_1432, %add3A_1433 : i32
        %get3A_1435 = arith.index_cast %add3A_1434 : i32 to index
        %get3A_1436 = arith.constant 0 : index
        %get3A_1437 = tpu.vector_load %arg8[%get3A_1435, %get3A_1436] {strides = array<i32>} : memref<32x256xf32, #tpu.memory_space<vmem>>, vector<16xf32>,
        %swap3A_1438 = arith.index_cast %get3A_193 : i32 to index
        %swap3A_1439 = arith.constant 0 : index
        %swap3A_1440 = tpu.vector_load %arg6[%swap3A_1438, %swap3A_1439] {strides = array<i32>} : memref<256x256xf32, #tpu.memory_space<vmem>>, vector<16xf32>,
        tpu.vector_store %arg6[%swap3A_1438, %swap3A_1439], %get3A_1245 {add = true, strides = array<i32>} : memref<256x256xf32, #tpu.memory_space<vmem>>, vector<16xf32>,
        %mul3A_1441 = arith.constant 8 : i32
        %mul3A_1442 = arith.muli %scan3A_161, %mul3A_1441 : i32
        %add3A_1443 = arith.constant 6 : i32
        %add3A_1444 = arith.addi %mul3A_1442, %add3A_1443 : i32
        %add3A_1445 = arith.constant 1 : i32
        %add3A_1446 = arith.addi %add3A_1444, %add3A_1445 : i32
        %get3A_1447 = arith.index_cast %add3A_1446 : i32 to index
        %get3A_1448 = arith.constant 16 : index
        %get3A_1449 = tpu.vector_load %arg8[%get3A_1447, %get3A_1448] {strides = array<i32>} : memref<32x256xf32, #tpu.memory_space<vmem>>, vector<16xf32>,
        %swap3A_1450 = arith.index_cast %get3A_193 : i32 to index
        %swap3A_1451 = arith.constant 16 : index
        %swap3A_1452 = tpu.vector_load %arg6[%swap3A_1450, %swap3A_1451] {strides = array<i32>} : memref<256x256xf32, #tpu.memory_space<vmem>>, vector<16xf32>,
        tpu.vector_store %arg6[%swap3A_1450, %swap3A_1451], %get3A_1257 {add = true, strides = array<i32>} : memref<256x256xf32, #tpu.memory_space<vmem>>, vector<16xf32>,
        %mul3A_1453 = arith.constant 8 : i32
        %mul3A_1454 = arith.muli %scan3A_161, %mul3A_1453 : i32
        %add3A_1455 = arith.constant 6 : i32
        %add3A_1456 = arith.addi %mul3A_1454, %add3A_1455 : i32
        %add3A_1457 = arith.constant 1 : i32
        %add3A_1458 = arith.addi %add3A_1456, %add3A_1457 : i32
        %get3A_1459 = arith.index_cast %add3A_1458 : i32 to index
        %get3A_1460 = arith.constant 32 : index
        %get3A_1461 = tpu.vector_load %arg8[%get3A_1459, %get3A_1460] {strides = array<i32>} : memref<32x256xf32, #tpu.memory_space<vmem>>, vector<16xf32>,
        %swap3A_1462 = arith.index_cast %get3A_193 : i32 to index
        %swap3A_1463 = arith.constant 32 : index
        %swap3A_1464 = tpu.vector_load %arg6[%swap3A_1462, %swap3A_1463] {strides = array<i32>} : memref<256x256xf32, #tpu.memory_space<vmem>>, vector<16xf32>,
        tpu.vector_store %arg6[%swap3A_1462, %swap3A_1463], %get3A_1269 {add = true, strides = array<i32>} : memref<256x256xf32, #tpu.memory_space<vmem>>, vector<16xf32>,
        %mul3A_1465 = arith.constant 8 : i32
        %mul3A_1466 = arith.muli %scan3A_161, %mul3A_1465 : i32
        %add3A_1467 = arith.constant 6 : i32
        %add3A_1468 = arith.addi %mul3A_1466, %add3A_1467 : i32
        %add3A_1469 = arith.constant 1 : i32
        %add3A_1470 = arith.addi %add3A_1468, %add3A_1469 : i32
        %get3A_1471 = arith.index_cast %add3A_1470 : i32 to index
        %get3A_1472 = arith.constant 48 : index
        %get3A_1473 = tpu.vector_load %arg8[%get3A_1471, %get3A_1472] {strides = array<i32>} : memref<32x256xf32, #tpu.memory_space<vmem>>, vector<16xf32>,
        %swap3A_1474 = arith.index_cast %get3A_193 : i32 to index
        %swap3A_1475 = arith.constant 48 : index
        %swap3A_1476 = tpu.vector_load %arg6[%swap3A_1474, %swap3A_1475] {strides = array<i32>} : memref<256x256xf32, #tpu.memory_space<vmem>>, vector<16xf32>,
        tpu.vector_store %arg6[%swap3A_1474, %swap3A_1475], %get3A_1281 {add = true, strides = array<i32>} : memref<256x256xf32, #tpu.memory_space<vmem>>, vector<16xf32>,
        %mul3A_1477 = arith.constant 8 : i32
        %mul3A_1478 = arith.muli %scan3A_161, %mul3A_1477 : i32
        %add3A_1479 = arith.constant 6 : i32
        %add3A_1480 = arith.addi %mul3A_1478, %add3A_1479 : i32
        %add3A_1481 = arith.constant 1 : i32
        %add3A_1482 = arith.addi %add3A_1480, %add3A_1481 : i32
        %get3A_1483 = arith.index_cast %add3A_1482 : i32 to index
        %get3A_1484 = arith.constant 64 : index
        %get3A_1485 = tpu.vector_load %arg8[%get3A_1483, %get3A_1484] {strides = array<i32>} : memref<32x256xf32, #tpu.memory_space<vmem>>, vector<16xf32>,
        %swap3A_1486 = arith.index_cast %get3A_193 : i32 to index
        %swap3A_1487 = arith.constant 64 : index
        %swap3A_1488 = tpu.vector_load %arg6[%swap3A_1486, %swap3A_1487] {strides = array<i32>} : memref<256x256xf32, #tpu.memory_space<vmem>>, vector<16xf32>,
        tpu.vector_store %arg6[%swap3A_1486, %swap3A_1487], %get3A_1293 {add = true, strides = array<i32>} : memref<256x256xf32, #tpu.memory_space<vmem>>, vector<16xf32>,
        %mul3A_1489 = arith.constant 8 : i32
        %mul3A_1490 = arith.muli %scan3A_161, %mul3A_1489 : i32
        %add3A_1491 = arith.constant 6 : i32
        %add3A_1492 = arith.addi %mul3A_1490, %add3A_1491 : i32
        %add3A_1493 = arith.constant 1 : i32
        %add3A_1494 = arith.addi %add3A_1492, %add3A_1493 : i32
        %get3A_1495 = arith.index_cast %add3A_1494 : i32 to index
        %get3A_1496 = arith.constant 80 : index
        %get3A_1497 = tpu.vector_load %arg8[%get3A_1495, %get3A_1496] {strides = array<i32>} : memref<32x256xf32, #tpu.memory_space<vmem>>, vector<16xf32>,
        %swap3A_1498 = arith.index_cast %get3A_193 : i32 to index
        %swap3A_1499 = arith.constant 80 : index
        %swap3A_1500 = tpu.vector_load %arg6[%swap3A_1498, %swap3A_1499] {strides = array<i32>} : memref<256x256xf32, #tpu.memory_space<vmem>>, vector<16xf32>,
        tpu.vector_store %arg6[%swap3A_1498, %swap3A_1499], %get3A_1305 {add = true, strides = array<i32>} : memref<256x256xf32, #tpu.memory_space<vmem>>, vector<16xf32>,
        %mul3A_1501 = arith.constant 8 : i32
        %mul3A_1502 = arith.muli %scan3A_161, %mul3A_1501 : i32
        %add3A_1503 = arith.constant 6 : i32
        %add3A_1504 = arith.addi %mul3A_1502, %add3A_1503 : i32
        %add3A_1505 = arith.constant 1 : i32
        %add3A_1506 = arith.addi %add3A_1504, %add3A_1505 : i32
        %get3A_1507 = arith.index_cast %add3A_1506 : i32 to index
        %get3A_1508 = arith.constant 96 : index
        %get3A_1509 = tpu.vector_load %arg8[%get3A_1507, %get3A_1508] {strides = array<i32>} : memref<32x256xf32, #tpu.memory_space<vmem>>, vector<16xf32>,
        %swap3A_1510 = arith.index_cast %get3A_193 : i32 to index
        %swap3A_1511 = arith.constant 96 : index
        %swap3A_1512 = tpu.vector_load %arg6[%swap3A_1510, %swap3A_1511] {strides = array<i32>} : memref<256x256xf32, #tpu.memory_space<vmem>>, vector<16xf32>,
        tpu.vector_store %arg6[%swap3A_1510, %swap3A_1511], %get3A_1317 {add = true, strides = array<i32>} : memref<256x256xf32, #tpu.memory_space<vmem>>, vector<16xf32>,
        %mul3A_1513 = arith.constant 8 : i32
        %mul3A_1514 = arith.muli %scan3A_161, %mul3A_1513 : i32
        %add3A_1515 = arith.constant 6 : i32
        %add3A_1516 = arith.addi %mul3A_1514, %add3A_1515 : i32
        %add3A_1517 = arith.constant 1 : i32
        %add3A_1518 = arith.addi %add3A_1516, %add3A_1517 : i32
        %get3A_1519 = arith.index_cast %add3A_1518 : i32 to index
        %get3A_1520 = arith.constant 112 : index
        %get3A_1521 = tpu.vector_load %arg8[%get3A_1519, %get3A_1520] {strides = array<i32>} : memref<32x256xf32, #tpu.memory_space<vmem>>, vector<16xf32>,
        %swap3A_1522 = arith.index_cast %get3A_193 : i32 to index
        %swap3A_1523 = arith.constant 112 : index
        %swap3A_1524 = tpu.vector_load %arg6[%swap3A_1522, %swap3A_1523] {strides = array<i32>} : memref<256x256xf32, #tpu.memory_space<vmem>>, vector<16xf32>,
        tpu.vector_store %arg6[%swap3A_1522, %swap3A_1523], %get3A_1329 {add = true, strides = array<i32>} : memref<256x256xf32, #tpu.memory_space<vmem>>, vector<16xf32>,
        %mul3A_1525 = arith.constant 8 : i32
        %mul3A_1526 = arith.muli %scan3A_161, %mul3A_1525 : i32
        %add3A_1527 = arith.constant 6 : i32
        %add3A_1528 = arith.addi %mul3A_1526, %add3A_1527 : i32
        %add3A_1529 = arith.constant 1 : i32
        %add3A_1530 = arith.addi %add3A_1528, %add3A_1529 : i32
        %get3A_1531 = arith.index_cast %add3A_1530 : i32 to index
        %get3A_1532 = arith.constant 128 : index
        %get3A_1533 = tpu.vector_load %arg8[%get3A_1531, %get3A_1532] {strides = array<i32>} : memref<32x256xf32, #tpu.memory_space<vmem>>, vector<16xf32>,
        %swap3A_1534 = arith.index_cast %get3A_193 : i32 to index
        %swap3A_1535 = arith.constant 128 : index
        %swap3A_1536 = tpu.vector_load %arg6[%swap3A_1534, %swap3A_1535] {strides = array<i32>} : memref<256x256xf32, #tpu.memory_space<vmem>>, vector<16xf32>,
        tpu.vector_store %arg6[%swap3A_1534, %swap3A_1535], %get3A_1341 {add = true, strides = array<i32>} : memref<256x256xf32, #tpu.memory_space<vmem>>, vector<16xf32>,
        %mul3A_1537 = arith.constant 8 : i32
        %mul3A_1538 = arith.muli %scan3A_161, %mul3A_1537 : i32
        %add3A_1539 = arith.constant 6 : i32
        %add3A_1540 = arith.addi %mul3A_1538, %add3A_1539 : i32
        %add3A_1541 = arith.constant 1 : i32
        %add3A_1542 = arith.addi %add3A_1540, %add3A_1541 : i32
        %get3A_1543 = arith.index_cast %add3A_1542 : i32 to index
        %get3A_1544 = arith.constant 144 : index
        %get3A_1545 = tpu.vector_load %arg8[%get3A_1543, %get3A_1544] {strides = array<i32>} : memref<32x256xf32, #tpu.memory_space<vmem>>, vector<16xf32>,
        %swap3A_1546 = arith.index_cast %get3A_193 : i32 to index
        %swap3A_1547 = arith.constant 144 : index
        %swap3A_1548 = tpu.vector_load %arg6[%swap3A_1546, %swap3A_1547] {strides = array<i32>} : memref<256x256xf32, #tpu.memory_space<vmem>>, vector<16xf32>,
        tpu.vector_store %arg6[%swap3A_1546, %swap3A_1547], %get3A_1353 {add = true, strides = array<i32>} : memref<256x256xf32, #tpu.memory_space<vmem>>, vector<16xf32>,
        %mul3A_1549 = arith.constant 8 : i32
        %mul3A_1550 = arith.muli %scan3A_161, %mul3A_1549 : i32
        %add3A_1551 = arith.constant 6 : i32
        %add3A_1552 = arith.addi %mul3A_1550, %add3A_1551 : i32
        %add3A_1553 = arith.constant 1 : i32
        %add3A_1554 = arith.addi %add3A_1552, %add3A_1553 : i32
        %get3A_1555 = arith.index_cast %add3A_1554 : i32 to index
        %get3A_1556 = arith.constant 160 : index
        %get3A_1557 = tpu.vector_load %arg8[%get3A_1555, %get3A_1556] {strides = array<i32>} : memref<32x256xf32, #tpu.memory_space<vmem>>, vector<16xf32>,
        %swap3A_1558 = arith.index_cast %get3A_193 : i32 to index
        %swap3A_1559 = arith.constant 160 : index
        %swap3A_1560 = tpu.vector_load %arg6[%swap3A_1558, %swap3A_1559] {strides = array<i32>} : memref<256x256xf32, #tpu.memory_space<vmem>>, vector<16xf32>,
        tpu.vector_store %arg6[%swap3A_1558, %swap3A_1559], %get3A_1365 {add = true, strides = array<i32>} : memref<256x256xf32, #tpu.memory_space<vmem>>, vector<16xf32>,
        %mul3A_1561 = arith.constant 8 : i32
        %mul3A_1562 = arith.muli %scan3A_161, %mul3A_1561 : i32
        %add3A_1563 = arith.constant 6 : i32
        %add3A_1564 = arith.addi %mul3A_1562, %add3A_1563 : i32
        %add3A_1565 = arith.constant 1 : i32
        %add3A_1566 = arith.addi %add3A_1564, %add3A_1565 : i32
        %get3A_1567 = arith.index_cast %add3A_1566 : i32 to index
        %get3A_1568 = arith.constant 176 : index
        %get3A_1569 = tpu.vector_load %arg8[%get3A_1567, %get3A_1568] {strides = array<i32>} : memref<32x256xf32, #tpu.memory_space<vmem>>, vector<16xf32>,
        %swap3A_1570 = arith.index_cast %get3A_193 : i32 to index
        %swap3A_1571 = arith.constant 176 : index
        %swap3A_1572 = tpu.vector_load %arg6[%swap3A_1570, %swap3A_1571] {strides = array<i32>} : memref<256x256xf32, #tpu.memory_space<vmem>>, vector<16xf32>,
        tpu.vector_store %arg6[%swap3A_1570, %swap3A_1571], %get3A_1377 {add = true, strides = array<i32>} : memref<256x256xf32, #tpu.memory_space<vmem>>, vector<16xf32>,
        %mul3A_1573 = arith.constant 8 : i32
        %mul3A_1574 = arith.muli %scan3A_161, %mul3A_1573 : i32
        %add3A_1575 = arith.constant 6 : i32
        %add3A_1576 = arith.addi %mul3A_1574, %add3A_1575 : i32
        %add3A_1577 = arith.constant 1 : i32
        %add3A_1578 = arith.addi %add3A_1576, %add3A_1577 : i32
        %get3A_1579 = arith.index_cast %add3A_1578 : i32 to index
        %get3A_1580 = arith.constant 192 : index
        %get3A_1581 = tpu.vector_load %arg8[%get3A_1579, %get3A_1580] {strides = array<i32>} : memref<32x256xf32, #tpu.memory_space<vmem>>, vector<16xf32>,
        %swap3A_1582 = arith.index_cast %get3A_193 : i32 to index
        %swap3A_1583 = arith.constant 192 : index
        %swap3A_1584 = tpu.vector_load %arg6[%swap3A_1582, %swap3A_1583] {strides = array<i32>} : memref<256x256xf32, #tpu.memory_space<vmem>>, vector<16xf32>,
        tpu.vector_store %arg6[%swap3A_1582, %swap3A_1583], %get3A_1389 {add = true, strides = array<i32>} : memref<256x256xf32, #tpu.memory_space<vmem>>, vector<16xf32>,
        %mul3A_1585 = arith.constant 8 : i32
        %mul3A_1586 = arith.muli %scan3A_161, %mul3A_1585 : i32
        %add3A_1587 = arith.constant 6 : i32
        %add3A_1588 = arith.addi %mul3A_1586, %add3A_1587 : i32
        %add3A_1589 = arith.constant 1 : i32
        %add3A_1590 = arith.addi %add3A_1588, %add3A_1589 : i32
        %get3A_1591 = arith.index_cast %add3A_1590 : i32 to index
        %get3A_1592 = arith.constant 208 : index
        %get3A_1593 = tpu.vector_load %arg8[%get3A_1591, %get3A_1592] {strides = array<i32>} : memref<32x256xf32, #tpu.memory_space<vmem>>, vector<16xf32>,
        %swap3A_1594 = arith.index_cast %get3A_193 : i32 to index
        %swap3A_1595 = arith.constant 208 : index
        %swap3A_1596 = tpu.vector_load %arg6[%swap3A_1594, %swap3A_1595] {strides = array<i32>} : memref<256x256xf32, #tpu.memory_space<vmem>>, vector<16xf32>,
        tpu.vector_store %arg6[%swap3A_1594, %swap3A_1595], %get3A_1401 {add = true, strides = array<i32>} : memref<256x256xf32, #tpu.memory_space<vmem>>, vector<16xf32>,
        %mul3A_1597 = arith.constant 8 : i32
        %mul3A_1598 = arith.muli %scan3A_161, %mul3A_1597 : i32
        %add3A_1599 = arith.constant 6 : i32
        %add3A_1600 = arith.addi %mul3A_1598, %add3A_1599 : i32
        %add3A_1601 = arith.constant 1 : i32
        %add3A_1602 = arith.addi %add3A_1600, %add3A_1601 : i32
        %get3A_1603 = arith.index_cast %add3A_1602 : i32 to index
        %get3A_1604 = arith.constant 224 : index
        %get3A_1605 = tpu.vector_load %arg8[%get3A_1603, %get3A_1604] {strides = array<i32>} : memref<32x256xf32, #tpu.memory_space<vmem>>, vector<16xf32>,
        %swap3A_1606 = arith.index_cast %get3A_193 : i32 to index
        %swap3A_1607 = arith.constant 224 : index
        %swap3A_1608 = tpu.vector_load %arg6[%swap3A_1606, %swap3A_1607] {strides = array<i32>} : memref<256x256xf32, #tpu.memory_space<vmem>>, vector<16xf32>,
        tpu.vector_store %arg6[%swap3A_1606, %swap3A_1607], %get3A_1413 {add = true, strides = array<i32>} : memref<256x256xf32, #tpu.memory_space<vmem>>, vector<16xf32>,
        %mul3A_1609 = arith.constant 8 : i32
        %mul3A_1610 = arith.muli %scan3A_161, %mul3A_1609 : i32
        %add3A_1611 = arith.constant 6 : i32
        %add3A_1612 = arith.addi %mul3A_1610, %add3A_1611 : i32
        %add3A_1613 = arith.constant 1 : i32
        %add3A_1614 = arith.addi %add3A_1612, %add3A_1613 : i32
        %get3A_1615 = arith.index_cast %add3A_1614 : i32 to index
        %get3A_1616 = arith.constant 240 : index
        %get3A_1617 = tpu.vector_load %arg8[%get3A_1615, %get3A_1616] {strides = array<i32>} : memref<32x256xf32, #tpu.memory_space<vmem>>, vector<16xf32>,
        %swap3A_1618 = arith.index_cast %get3A_193 : i32 to index
        %swap3A_1619 = arith.constant 240 : index
        %swap3A_1620 = tpu.vector_load %arg6[%swap3A_1618, %swap3A_1619] {strides = array<i32>} : memref<256x256xf32, #tpu.memory_space<vmem>>, vector<16xf32>,
        tpu.vector_store %arg6[%swap3A_1618, %swap3A_1619], %get3A_1425 {add = true, strides = array<i32>} : memref<256x256xf32, #tpu.memory_space<vmem>>, vector<16xf32>,
        %swap3A_1621 = arith.index_cast %get3A_197 : i32 to index
        %swap3A_1622 = arith.constant 0 : index
        %swap3A_1623 = tpu.vector_load %arg6[%swap3A_1621, %swap3A_1622] {strides = array<i32>} : memref<256x256xf32, #tpu.memory_space<vmem>>, vector<16xf32>,
        tpu.vector_store %arg6[%swap3A_1621, %swap3A_1622], %get3A_1437 {add = true, strides = array<i32>} : memref<256x256xf32, #tpu.memory_space<vmem>>, vector<16xf32>,
        %swap3A_1624 = arith.index_cast %get3A_197 : i32 to index
        %swap3A_1625 = arith.constant 16 : index
        %swap3A_1626 = tpu.vector_load %arg6[%swap3A_1624, %swap3A_1625] {strides = array<i32>} : memref<256x256xf32, #tpu.memory_space<vmem>>, vector<16xf32>,
        tpu.vector_store %arg6[%swap3A_1624, %swap3A_1625], %get3A_1449 {add = true, strides = array<i32>} : memref<256x256xf32, #tpu.memory_space<vmem>>, vector<16xf32>,
        %swap3A_1627 = arith.index_cast %get3A_197 : i32 to index
        %swap3A_1628 = arith.constant 32 : index
        %swap3A_1629 = tpu.vector_load %arg6[%swap3A_1627, %swap3A_1628] {strides = array<i32>} : memref<256x256xf32, #tpu.memory_space<vmem>>, vector<16xf32>,
        tpu.vector_store %arg6[%swap3A_1627, %swap3A_1628], %get3A_1461 {add = true, strides = array<i32>} : memref<256x256xf32, #tpu.memory_space<vmem>>, vector<16xf32>,
        %swap3A_1630 = arith.index_cast %get3A_197 : i32 to index
        %swap3A_1631 = arith.constant 48 : index
        %swap3A_1632 = tpu.vector_load %arg6[%swap3A_1630, %swap3A_1631] {strides = array<i32>} : memref<256x256xf32, #tpu.memory_space<vmem>>, vector<16xf32>,
        tpu.vector_store %arg6[%swap3A_1630, %swap3A_1631], %get3A_1473 {add = true, strides = array<i32>} : memref<256x256xf32, #tpu.memory_space<vmem>>, vector<16xf32>,
        %swap3A_1633 = arith.index_cast %get3A_197 : i32 to index
        %swap3A_1634 = arith.constant 64 : index
        %swap3A_1635 = tpu.vector_load %arg6[%swap3A_1633, %swap3A_1634] {strides = array<i32>} : memref<256x256xf32, #tpu.memory_space<vmem>>, vector<16xf32>,
        tpu.vector_store %arg6[%swap3A_1633, %swap3A_1634], %get3A_1485 {add = true, strides = array<i32>} : memref<256x256xf32, #tpu.memory_space<vmem>>, vector<16xf32>,
        %swap3A_1636 = arith.index_cast %get3A_197 : i32 to index
        %swap3A_1637 = arith.constant 80 : index
        %swap3A_1638 = tpu.vector_load %arg6[%swap3A_1636, %swap3A_1637] {strides = array<i32>} : memref<256x256xf32, #tpu.memory_space<vmem>>, vector<16xf32>,
        tpu.vector_store %arg6[%swap3A_1636, %swap3A_1637], %get3A_1497 {add = true, strides = array<i32>} : memref<256x256xf32, #tpu.memory_space<vmem>>, vector<16xf32>,
        %swap3A_1639 = arith.index_cast %get3A_197 : i32 to index
        %swap3A_1640 = arith.constant 96 : index
        %swap3A_1641 = tpu.vector_load %arg6[%swap3A_1639, %swap3A_1640] {strides = array<i32>} : memref<256x256xf32, #tpu.memory_space<vmem>>, vector<16xf32>,
        tpu.vector_store %arg6[%swap3A_1639, %swap3A_1640], %get3A_1509 {add = true, strides = array<i32>} : memref<256x256xf32, #tpu.memory_space<vmem>>, vector<16xf32>,
        %swap3A_1642 = arith.index_cast %get3A_197 : i32 to index
        %swap3A_1643 = arith.constant 112 : index
        %swap3A_1644 = tpu.vector_load %arg6[%swap3A_1642, %swap3A_1643] {strides = array<i32>} : memref<256x256xf32, #tpu.memory_space<vmem>>, vector<16xf32>,
        tpu.vector_store %arg6[%swap3A_1642, %swap3A_1643], %get3A_1521 {add = true, strides = array<i32>} : memref<256x256xf32, #tpu.memory_space<vmem>>, vector<16xf32>,
        %swap3A_1645 = arith.index_cast %get3A_197 : i32 to index
        %swap3A_1646 = arith.constant 128 : index
        %swap3A_1647 = tpu.vector_load %arg6[%swap3A_1645, %swap3A_1646] {strides = array<i32>} : memref<256x256xf32, #tpu.memory_space<vmem>>, vector<16xf32>,
        tpu.vector_store %arg6[%swap3A_1645, %swap3A_1646], %get3A_1533 {add = true, strides = array<i32>} : memref<256x256xf32, #tpu.memory_space<vmem>>, vector<16xf32>,
        %swap3A_1648 = arith.index_cast %get3A_197 : i32 to index
        %swap3A_1649 = arith.constant 144 : index
        %swap3A_1650 = tpu.vector_load %arg6[%swap3A_1648, %swap3A_1649] {strides = array<i32>} : memref<256x256xf32, #tpu.memory_space<vmem>>, vector<16xf32>,
        tpu.vector_store %arg6[%swap3A_1648, %swap3A_1649], %get3A_1545 {add = true, strides = array<i32>} : memref<256x256xf32, #tpu.memory_space<vmem>>, vector<16xf32>,
        %swap3A_1651 = arith.index_cast %get3A_197 : i32 to index
        %swap3A_1652 = arith.constant 160 : index
        %swap3A_1653 = tpu.vector_load %arg6[%swap3A_1651, %swap3A_1652] {strides = array<i32>} : memref<256x256xf32, #tpu.memory_space<vmem>>, vector<16xf32>,
        tpu.vector_store %arg6[%swap3A_1651, %swap3A_1652], %get3A_1557 {add = true, strides = array<i32>} : memref<256x256xf32, #tpu.memory_space<vmem>>, vector<16xf32>,
        %swap3A_1654 = arith.index_cast %get3A_197 : i32 to index
        %swap3A_1655 = arith.constant 176 : index
        %swap3A_1656 = tpu.vector_load %arg6[%swap3A_1654, %swap3A_1655] {strides = array<i32>} : memref<256x256xf32, #tpu.memory_space<vmem>>, vector<16xf32>,
        tpu.vector_store %arg6[%swap3A_1654, %swap3A_1655], %get3A_1569 {add = true, strides = array<i32>} : memref<256x256xf32, #tpu.memory_space<vmem>>, vector<16xf32>,
        %swap3A_1657 = arith.index_cast %get3A_197 : i32 to index
        %swap3A_1658 = arith.constant 192 : index
        %swap3A_1659 = tpu.vector_load %arg6[%swap3A_1657, %swap3A_1658] {strides = array<i32>} : memref<256x256xf32, #tpu.memory_space<vmem>>, vector<16xf32>,
        tpu.vector_store %arg6[%swap3A_1657, %swap3A_1658], %get3A_1581 {add = true, strides = array<i32>} : memref<256x256xf32, #tpu.memory_space<vmem>>, vector<16xf32>,
        %swap3A_1660 = arith.index_cast %get3A_197 : i32 to index
        %swap3A_1661 = arith.constant 208 : index
        %swap3A_1662 = tpu.vector_load %arg6[%swap3A_1660, %swap3A_1661] {strides = array<i32>} : memref<256x256xf32, #tpu.memory_space<vmem>>, vector<16xf32>,
        tpu.vector_store %arg6[%swap3A_1660, %swap3A_1661], %get3A_1593 {add = true, strides = array<i32>} : memref<256x256xf32, #tpu.memory_space<vmem>>, vector<16xf32>,
        %swap3A_1663 = arith.index_cast %get3A_197 : i32 to index
        %swap3A_1664 = arith.constant 224 : index
        %swap3A_1665 = tpu.vector_load %arg6[%swap3A_1663, %swap3A_1664] {strides = array<i32>} : memref<256x256xf32, #tpu.memory_space<vmem>>, vector<16xf32>,
        tpu.vector_store %arg6[%swap3A_1663, %swap3A_1664], %get3A_1605 {add = true, strides = array<i32>} : memref<256x256xf32, #tpu.memory_space<vmem>>, vector<16xf32>,
        %swap3A_1666 = arith.index_cast %get3A_197 : i32 to index
        %swap3A_1667 = arith.constant 240 : index
        %swap3A_1668 = tpu.vector_load %arg6[%swap3A_1666, %swap3A_1667] {strides = array<i32>} : memref<256x256xf32, #tpu.memory_space<vmem>>, vector<16xf32>,
        tpu.vector_store %arg6[%swap3A_1666, %swap3A_1667], %get3A_1617 {add = true, strides = array<i32>} : memref<256x256xf32, #tpu.memory_space<vmem>>, vector<16xf32>,
      }
      %scan3A_127 = arith.constant 4 : i32
      %add3A_128 = arith.constant 2 : i32
      %add3A_129 = arith.addi %add3A_112, %add3A_128 : i32
      %lt3A_130 = arith.constant 32 : i32
      %lt3A_131 = arith.cmpi slt, %add3A_129, %lt3A_130 : i32
      %convert_element_type3A_132 = arith.extui %lt3A_131 : i1 to i32
      %cond3A_133 = arith.constant 0 : i32
      %cond3A_134 = arith.cmpi ne, %convert_element_type3A_132, %cond3A_133 : i32
      scf.if %cond3A_134 {
        %add3A_161 = arith.constant 2 : i32
        %add3A_162 = arith.addi %add3A_112, %add3A_161 : i32
        %mul3A_163 = arith.constant 1024 : i32
        %mul3A_164 = arith.muli %select_n3A, %mul3A_163 : i32
        %mul3A_165 = arith.constant 32 : i32
        %mul3A_166 = arith.muli %add3A_162, %mul3A_165 : i32
        %add3A_167 = arith.addi %mul3A_164, %mul3A_166 : i32
        %mul3A_168 = arith.constant 256 : i32
        %mul3A_169 = arith.muli %select_n3A_30, %mul3A_168 : i32
        %dma_start3A_170 = tpu.memref_slice %arg2[%add3A_167, %mul3A_169] : memref<8192x1024xf32, #tpu.memory_space<hbm>> -> memref<32x256xf32, #tpu.memory_space<hbm>>
        %dma_start3A_171 = tpu.memref_slice %arg2[%add3A_167, %mul3A_169] : memref<8192x1024xf32, #tpu.memory_space<hbm>> -> memref<32x256xf32, #tpu.memory_space<hbm>>
        tpu.enqueue_dma source(%dma_start3A_171 : memref<32x256xf32, #tpu.memory_space<hbm>>) target(%arg8 : memref<32x256xf32, #tpu.memory_space<vmem>>) target_semaphore(%arg12 : memref<!tpu.dma_semaphore, #tpu.memory_space<semaphore_mem>>)
      } else {
      }
      %mul3A_135 = arith.constant 2 : i32
      %mul3A_136 = arith.muli %mul3A_135, %scan3A_108 : i32
      %add3A_137 = arith.constant 1 : i32
      %add3A_138 = arith.addi %mul3A_136, %add3A_137 : i32
      %mul3A_139 = arith.constant 1024 : i32
      %mul3A_140 = arith.muli %select_n3A, %mul3A_139 : i32
      %mul3A_141 = arith.constant 32 : i32
      %mul3A_142 = arith.muli %add3A_138, %mul3A_141 : i32
      %add3A_143 = arith.addi %mul3A_140, %mul3A_142 : i32
      %mul3A_144 = arith.constant 256 : i32
      %mul3A_145 = arith.muli %select_n3A_30, %mul3A_144 : i32
      %dma_wait3A_146 = tpu.memref_slice %arg2[%add3A_143, %mul3A_145] : memref<8192x1024xf32, #tpu.memory_space<hbm>> -> memref<32x256xf32, #tpu.memory_space<hbm>>
      %dma_wait3A_147 = tpu.memref_slice %arg2[%add3A_143, %mul3A_145] : memref<8192x1024xf32, #tpu.memory_space<hbm>> -> memref<32x256xf32, #tpu.memory_space<hbm>>
      tpu.wait_dma2 semaphore(%arg13 : memref<!tpu.dma_semaphore, #tpu.memory_space<semaphore_mem>>) src(%dma_wait3A_147 : memref<32x256xf32, #tpu.memory_space<hbm>>) dst(%arg9 : memref<32x256xf32, #tpu.memory_space<vmem>>)
      %scan3A_148 = arith.constant 0 : i32
      %scan3A_149 = arith.constant 0 : i32
      %scan3A_150 = arith.constant 4 : i32
      %scan3A_151 = arith.addi %scan3A_149, %scan3A_150 : i32
      %scan3A_152 = arith.constant 1 : i32
      scf.for %scan3A_161 = %scan3A_149 to %scan3A_151 step %scan3A_152  : i32 {
        %mul3A_162 = arith.constant 32 : i32
        %mul3A_163 = arith.muli %add3A_138, %mul3A_162 : i32
        %mul3A_164 = arith.constant 8 : i32
        %mul3A_165 = arith.muli %scan3A_161, %mul3A_164 : i32
        %add3A_166 = arith.addi %mul3A_163, %mul3A_165 : i32
        %add3A_167 = arith.constant 0 : i32
        %add3A_168 = arith.addi %add3A_166, %add3A_167 : i32
        %get3A = arith.index_cast %add3A_168 : i32 to index
        %get3A_169 = memref.load %arg11[%get3A] : memref<1024xi32, #tpu.memory_space<smem>>
        %add3A_170 = arith.constant 1 : i32
        %add3A_171 = arith.addi %add3A_166, %add3A_170 : i32
        %get3A_172 = arith.index_cast %add3A_171 : i32 to index
        %get3A_173 = memref.load %arg11[%get3A_172] : memref<1024xi32, #tpu.memory_space<smem>>
        %add3A_174 = arith.constant 2 : i32
        %add3A_175 = arith.addi %add3A_166, %add3A_174 : i32
        %get3A_176 = arith.index_cast %add3A_175 : i32 to index
        %get3A_177 = memref.load %arg11[%get3A_176] : memref<1024xi32, #tpu.memory_space<smem>>
        %add3A_178 = arith.constant 3 : i32
        %add3A_179 = arith.addi %add3A_166, %add3A_178 : i32
        %get3A_180 = arith.index_cast %add3A_179 : i32 to index
        %get3A_181 = memref.load %arg11[%get3A_180] : memref<1024xi32, #tpu.memory_space<smem>>
        %add3A_182 = arith.constant 4 : i32
        %add3A_183 = arith.addi %add3A_166, %add3A_182 : i32
        %get3A_184 = arith.index_cast %add3A_183 : i32 to index
        %get3A_185 = memref.load %arg11[%get3A_184] : memref<1024xi32, #tpu.memory_space<smem>>
        %add3A_186 = arith.constant 5 : i32
        %add3A_187 = arith.addi %add3A_166, %add3A_186 : i32
        %get3A_188 = arith.index_cast %add3A_187 : i32 to index
        %get3A_189 = memref.load %arg11[%get3A_188] : memref<1024xi32, #tpu.memory_space<smem>>
        %add3A_190 = arith.constant 6 : i32
        %add3A_191 = arith.addi %add3A_166, %add3A_190 : i32
        %get3A_192 = arith.index_cast %add3A_191 : i32 to index
        %get3A_193 = memref.load %arg11[%get3A_192] : memref<1024xi32, #tpu.memory_space<smem>>
        %add3A_194 = arith.constant 7 : i32
        %add3A_195 = arith.addi %add3A_166, %add3A_194 : i32
        %get3A_196 = arith.index_cast %add3A_195 : i32 to index
        %get3A_197 = memref.load %arg11[%get3A_196] : memref<1024xi32, #tpu.memory_space<smem>>
        %mul3A_198 = arith.constant 8 : i32
        %mul3A_199 = arith.muli %scan3A_161, %mul3A_198 : i32
        %get3A_200 = arith.index_cast %mul3A_199 : i32 to index
        %get3A_201 = arith.constant 0 : index
        %get3A_202 = tpu.vector_load %arg9[%get3A_200, %get3A_201] {strides = array<i32>} : memref<32x256xf32, #tpu.memory_space<vmem>>, vector<16xf32>,
        %mul3A_203 = arith.constant 8 : i32
        %mul3A_204 = arith.muli %scan3A_161, %mul3A_203 : i32
        %get3A_205 = arith.index_cast %mul3A_204 : i32 to index
        %get3A_206 = arith.constant 16 : index
        %get3A_207 = tpu.vector_load %arg9[%get3A_205, %get3A_206] {strides = array<i32>} : memref<32x256xf32, #tpu.memory_space<vmem>>, vector<16xf32>,
        %mul3A_208 = arith.constant 8 : i32
        %mul3A_209 = arith.muli %scan3A_161, %mul3A_208 : i32
        %get3A_210 = arith.index_cast %mul3A_209 : i32 to index
        %get3A_211 = arith.constant 32 : index
        %get3A_212 = tpu.vector_load %arg9[%get3A_210, %get3A_211] {strides = array<i32>} : memref<32x256xf32, #tpu.memory_space<vmem>>, vector<16xf32>,
        %mul3A_213 = arith.constant 8 : i32
        %mul3A_214 = arith.muli %scan3A_161, %mul3A_213 : i32
        %get3A_215 = arith.index_cast %mul3A_214 : i32 to index
        %get3A_216 = arith.constant 48 : index
        %get3A_217 = tpu.vector_load %arg9[%get3A_215, %get3A_216] {strides = array<i32>} : memref<32x256xf32, #tpu.memory_space<vmem>>, vector<16xf32>,
        %mul3A_218 = arith.constant 8 : i32
        %mul3A_219 = arith.muli %scan3A_161, %mul3A_218 : i32
        %get3A_220 = arith.index_cast %mul3A_219 : i32 to index
        %get3A_221 = arith.constant 64 : index
        %get3A_222 = tpu.vector_load %arg9[%get3A_220, %get3A_221] {strides = array<i32>} : memref<32x256xf32, #tpu.memory_space<vmem>>, vector<16xf32>,
        %mul3A_223 = arith.constant 8 : i32
        %mul3A_224 = arith.muli %scan3A_161, %mul3A_223 : i32
        %get3A_225 = arith.index_cast %mul3A_224 : i32 to index
        %get3A_226 = arith.constant 80 : index
        %get3A_227 = tpu.vector_load %arg9[%get3A_225, %get3A_226] {strides = array<i32>} : memref<32x256xf32, #tpu.memory_space<vmem>>, vector<16xf32>,
        %mul3A_228 = arith.constant 8 : i32
        %mul3A_229 = arith.muli %scan3A_161, %mul3A_228 : i32
        %get3A_230 = arith.index_cast %mul3A_229 : i32 to index
        %get3A_231 = arith.constant 96 : index
        %get3A_232 = tpu.vector_load %arg9[%get3A_230, %get3A_231] {strides = array<i32>} : memref<32x256xf32, #tpu.memory_space<vmem>>, vector<16xf32>,
        %mul3A_233 = arith.constant 8 : i32
        %mul3A_234 = arith.muli %scan3A_161, %mul3A_233 : i32
        %get3A_235 = arith.index_cast %mul3A_234 : i32 to index
        %get3A_236 = arith.constant 112 : index
        %get3A_237 = tpu.vector_load %arg9[%get3A_235, %get3A_236] {strides = array<i32>} : memref<32x256xf32, #tpu.memory_space<vmem>>, vector<16xf32>,
        %mul3A_238 = arith.constant 8 : i32
        %mul3A_239 = arith.muli %scan3A_161, %mul3A_238 : i32
        %get3A_240 = arith.index_cast %mul3A_239 : i32 to index
        %get3A_241 = arith.constant 128 : index
        %get3A_242 = tpu.vector_load %arg9[%get3A_240, %get3A_241] {strides = array<i32>} : memref<32x256xf32, #tpu.memory_space<vmem>>, vector<16xf32>,
        %mul3A_243 = arith.constant 8 : i32
        %mul3A_244 = arith.muli %scan3A_161, %mul3A_243 : i32
        %get3A_245 = arith.index_cast %mul3A_244 : i32 to index
        %get3A_246 = arith.constant 144 : index
        %get3A_247 = tpu.vector_load %arg9[%get3A_245, %get3A_246] {strides = array<i32>} : memref<32x256xf32, #tpu.memory_space<vmem>>, vector<16xf32>,
        %mul3A_248 = arith.constant 8 : i32
        %mul3A_249 = arith.muli %scan3A_161, %mul3A_248 : i32
        %get3A_250 = arith.index_cast %mul3A_249 : i32 to index
        %get3A_251 = arith.constant 160 : index
        %get3A_252 = tpu.vector_load %arg9[%get3A_250, %get3A_251] {strides = array<i32>} : memref<32x256xf32, #tpu.memory_space<vmem>>, vector<16xf32>,
        %mul3A_253 = arith.constant 8 : i32
        %mul3A_254 = arith.muli %scan3A_161, %mul3A_253 : i32
        %get3A_255 = arith.index_cast %mul3A_254 : i32 to index
        %get3A_256 = arith.constant 176 : index
        %get3A_257 = tpu.vector_load %arg9[%get3A_255, %get3A_256] {strides = array<i32>} : memref<32x256xf32, #tpu.memory_space<vmem>>, vector<16xf32>,
        %mul3A_258 = arith.constant 8 : i32
        %mul3A_259 = arith.muli %scan3A_161, %mul3A_258 : i32
        %get3A_260 = arith.index_cast %mul3A_259 : i32 to index
        %get3A_261 = arith.constant 192 : index
        %get3A_262 = tpu.vector_load %arg9[%get3A_260, %get3A_261] {strides = array<i32>} : memref<32x256xf32, #tpu.memory_space<vmem>>, vector<16xf32>,
        %mul3A_263 = arith.constant 8 : i32
        %mul3A_264 = arith.muli %scan3A_161, %mul3A_263 : i32
        %get3A_265 = arith.index_cast %mul3A_264 : i32 to index
        %get3A_266 = arith.constant 208 : index
        %get3A_267 = tpu.vector_load %arg9[%get3A_265, %get3A_266] {strides = array<i32>} : memref<32x256xf32, #tpu.memory_space<vmem>>, vector<16xf32>,
        %mul3A_268 = arith.constant 8 : i32
        %mul3A_269 = arith.muli %scan3A_161, %mul3A_268 : i32
        %get3A_270 = arith.index_cast %mul3A_269 : i32 to index
        %get3A_271 = arith.constant 224 : index
        %get3A_272 = tpu.vector_load %arg9[%get3A_270, %get3A_271] {strides = array<i32>} : memref<32x256xf32, #tpu.memory_space<vmem>>, vector<16xf32>,
        %mul3A_273 = arith.constant 8 : i32
        %mul3A_274 = arith.muli %scan3A_161, %mul3A_273 : i32
        %get3A_275 = arith.index_cast %mul3A_274 : i32 to index
        %get3A_276 = arith.constant 240 : index
        %get3A_277 = tpu.vector_load %arg9[%get3A_275, %get3A_276] {strides = array<i32>} : memref<32x256xf32, #tpu.memory_space<vmem>>, vector<16xf32>,
        %mul3A_278 = arith.constant 8 : i32
        %mul3A_279 = arith.muli %scan3A_161, %mul3A_278 : i32
        %add3A_280 = arith.constant 0 : i32
        %add3A_281 = arith.addi %mul3A_279, %add3A_280 : i32
        %add3A_282 = arith.constant 1 : i32
        %add3A_283 = arith.addi %add3A_281, %add3A_282 : i32
        %get3A_284 = arith.index_cast %add3A_283 : i32 to index
        %get3A_285 = arith.constant 0 : index
        %get3A_286 = tpu.vector_load %arg9[%get3A_284, %get3A_285] {strides = array<i32>} : memref<32x256xf32, #tpu.memory_space<vmem>>, vector<16xf32>,
        %swap3A = arith.index_cast %get3A_169 : i32 to index
        %swap3A_287 = arith.constant 0 : index
        %swap3A_288 = tpu.vector_load %arg6[%swap3A, %swap3A_287] {strides = array<i32>} : memref<256x256xf32, #tpu.memory_space<vmem>>, vector<16xf32>,
        tpu.vector_store %arg6[%swap3A, %swap3A_287], %get3A_202 {add = true, strides = array<i32>} : memref<256x256xf32, #tpu.memory_space<vmem>>, vector<16xf32>,
        %mul3A_289 = arith.constant 8 : i32
        %mul3A_290 = arith.muli %scan3A_161, %mul3A_289 : i32
        %add3A_291 = arith.constant 0 : i32
        %add3A_292 = arith.addi %mul3A_290, %add3A_291 : i32
        %add3A_293 = arith.constant 1 : i32
        %add3A_294 = arith.addi %add3A_292, %add3A_293 : i32
        %get3A_295 = arith.index_cast %add3A_294 : i32 to index
        %get3A_296 = arith.constant 16 : index
        %get3A_297 = tpu.vector_load %arg9[%get3A_295, %get3A_296] {strides = array<i32>} : memref<32x256xf32, #tpu.memory_space<vmem>>, vector<16xf32>,
        %swap3A_298 = arith.index_cast %get3A_169 : i32 to index
        %swap3A_299 = arith.constant 16 : index
        %swap3A_300 = tpu.vector_load %arg6[%swap3A_298, %swap3A_299] {strides = array<i32>} : memref<256x256xf32, #tpu.memory_space<vmem>>, vector<16xf32>,
        tpu.vector_store %arg6[%swap3A_298, %swap3A_299], %get3A_207 {add = true, strides = array<i32>} : memref<256x256xf32, #tpu.memory_space<vmem>>, vector<16xf32>,
        %mul3A_301 = arith.constant 8 : i32
        %mul3A_302 = arith.muli %scan3A_161, %mul3A_301 : i32
        %add3A_303 = arith.constant 0 : i32
        %add3A_304 = arith.addi %mul3A_302, %add3A_303 : i32
        %add3A_305 = arith.constant 1 : i32
        %add3A_306 = arith.addi %add3A_304, %add3A_305 : i32
        %get3A_307 = arith.index_cast %add3A_306 : i32 to index
        %get3A_308 = arith.constant 32 : index
        %get3A_309 = tpu.vector_load %arg9[%get3A_307, %get3A_308] {strides = array<i32>} : memref<32x256xf32, #tpu.memory_space<vmem>>, vector<16xf32>,
        %swap3A_310 = arith.index_cast %get3A_169 : i32 to index
        %swap3A_311 = arith.constant 32 : index
        %swap3A_312 = tpu.vector_load %arg6[%swap3A_310, %swap3A_311] {strides = array<i32>} : memref<256x256xf32, #tpu.memory_space<vmem>>, vector<16xf32>,
        tpu.vector_store %arg6[%swap3A_310, %swap3A_311], %get3A_212 {add = true, strides = array<i32>} : memref<256x256xf32, #tpu.memory_space<vmem>>, vector<16xf32>,
        %mul3A_313 = arith.constant 8 : i32
        %mul3A_314 = arith.muli %scan3A_161, %mul3A_313 : i32
        %add3A_315 = arith.constant 0 : i32
        %add3A_316 = arith.addi %mul3A_314, %add3A_315 : i32
        %add3A_317 = arith.constant 1 : i32
        %add3A_318 = arith.addi %add3A_316, %add3A_317 : i32
        %get3A_319 = arith.index_cast %add3A_318 : i32 to index
        %get3A_320 = arith.constant 48 : index
        %get3A_321 = tpu.vector_load %arg9[%get3A_319, %get3A_320] {strides = array<i32>} : memref<32x256xf32, #tpu.memory_space<vmem>>, vector<16xf32>,
        %swap3A_322 = arith.index_cast %get3A_169 : i32 to index
        %swap3A_323 = arith.constant 48 : index
        %swap3A_324 = tpu.vector_load %arg6[%swap3A_322, %swap3A_323] {strides = array<i32>} : memref<256x256xf32, #tpu.memory_space<vmem>>, vector<16xf32>,
        tpu.vector_store %arg6[%swap3A_322, %swap3A_323], %get3A_217 {add = true, strides = array<i32>} : memref<256x256xf32, #tpu.memory_space<vmem>>, vector<16xf32>,
        %mul3A_325 = arith.constant 8 : i32
        %mul3A_326 = arith.muli %scan3A_161, %mul3A_325 : i32
        %add3A_327 = arith.constant 0 : i32
        %add3A_328 = arith.addi %mul3A_326, %add3A_327 : i32
        %add3A_329 = arith.constant 1 : i32
        %add3A_330 = arith.addi %add3A_328, %add3A_329 : i32
        %get3A_331 = arith.index_cast %add3A_330 : i32 to index
        %get3A_332 = arith.constant 64 : index
        %get3A_333 = tpu.vector_load %arg9[%get3A_331, %get3A_332] {strides = array<i32>} : memref<32x256xf32, #tpu.memory_space<vmem>>, vector<16xf32>,
        %swap3A_334 = arith.index_cast %get3A_169 : i32 to index
        %swap3A_335 = arith.constant 64 : index
        %swap3A_336 = tpu.vector_load %arg6[%swap3A_334, %swap3A_335] {strides = array<i32>} : memref<256x256xf32, #tpu.memory_space<vmem>>, vector<16xf32>,
        tpu.vector_store %arg6[%swap3A_334, %swap3A_335], %get3A_222 {add = true, strides = array<i32>} : memref<256x256xf32, #tpu.memory_space<vmem>>, vector<16xf32>,
        %mul3A_337 = arith.constant 8 : i32
        %mul3A_338 = arith.muli %scan3A_161, %mul3A_337 : i32
        %add3A_339 = arith.constant 0 : i32
        %add3A_340 = arith.addi %mul3A_338, %add3A_339 : i32
        %add3A_341 = arith.constant 1 : i32
        %add3A_342 = arith.addi %add3A_340, %add3A_341 : i32
        %get3A_343 = arith.index_cast %add3A_342 : i32 to index
        %get3A_344 = arith.constant 80 : index
        %get3A_345 = tpu.vector_load %arg9[%get3A_343, %get3A_344] {strides = array<i32>} : memref<32x256xf32, #tpu.memory_space<vmem>>, vector<16xf32>,
        %swap3A_346 = arith.index_cast %get3A_169 : i32 to index
        %swap3A_347 = arith.constant 80 : index
        %swap3A_348 = tpu.vector_load %arg6[%swap3A_346, %swap3A_347] {strides = array<i32>} : memref<256x256xf32, #tpu.memory_space<vmem>>, vector<16xf32>,
        tpu.vector_store %arg6[%swap3A_346, %swap3A_347], %get3A_227 {add = true, strides = array<i32>} : memref<256x256xf32, #tpu.memory_space<vmem>>, vector<16xf32>,
        %mul3A_349 = arith.constant 8 : i32
        %mul3A_350 = arith.muli %scan3A_161, %mul3A_349 : i32
        %add3A_351 = arith.constant 0 : i32
        %add3A_352 = arith.addi %mul3A_350, %add3A_351 : i32
        %add3A_353 = arith.constant 1 : i32
        %add3A_354 = arith.addi %add3A_352, %add3A_353 : i32
        %get3A_355 = arith.index_cast %add3A_354 : i32 to index
        %get3A_356 = arith.constant 96 : index
        %get3A_357 = tpu.vector_load %arg9[%get3A_355, %get3A_356] {strides = array<i32>} : memref<32x256xf32, #tpu.memory_space<vmem>>, vector<16xf32>,
        %swap3A_358 = arith.index_cast %get3A_169 : i32 to index
        %swap3A_359 = arith.constant 96 : index
        %swap3A_360 = tpu.vector_load %arg6[%swap3A_358, %swap3A_359] {strides = array<i32>} : memref<256x256xf32, #tpu.memory_space<vmem>>, vector<16xf32>,
        tpu.vector_store %arg6[%swap3A_358, %swap3A_359], %get3A_232 {add = true, strides = array<i32>} : memref<256x256xf32, #tpu.memory_space<vmem>>, vector<16xf32>,
        %mul3A_361 = arith.constant 8 : i32
        %mul3A_362 = arith.muli %scan3A_161, %mul3A_361 : i32
        %add3A_363 = arith.constant 0 : i32
        %add3A_364 = arith.addi %mul3A_362, %add3A_363 : i32
        %add3A_365 = arith.constant 1 : i32
        %add3A_366 = arith.addi %add3A_364, %add3A_365 : i32
        %get3A_367 = arith.index_cast %add3A_366 : i32 to index
        %get3A_368 = arith.constant 112 : index
        %get3A_369 = tpu.vector_load %arg9[%get3A_367, %get3A_368] {strides = array<i32>} : memref<32x256xf32, #tpu.memory_space<vmem>>, vector<16xf32>,
        %swap3A_370 = arith.index_cast %get3A_169 : i32 to index
        %swap3A_371 = arith.constant 112 : index
        %swap3A_372 = tpu.vector_load %arg6[%swap3A_370, %swap3A_371] {strides = array<i32>} : memref<256x256xf32, #tpu.memory_space<vmem>>, vector<16xf32>,
        tpu.vector_store %arg6[%swap3A_370, %swap3A_371], %get3A_237 {add = true, strides = array<i32>} : memref<256x256xf32, #tpu.memory_space<vmem>>, vector<16xf32>,
        %mul3A_373 = arith.constant 8 : i32
        %mul3A_374 = arith.muli %scan3A_161, %mul3A_373 : i32
        %add3A_375 = arith.constant 0 : i32
        %add3A_376 = arith.addi %mul3A_374, %add3A_375 : i32
        %add3A_377 = arith.constant 1 : i32
        %add3A_378 = arith.addi %add3A_376, %add3A_377 : i32
        %get3A_379 = arith.index_cast %add3A_378 : i32 to index
        %get3A_380 = arith.constant 128 : index
        %get3A_381 = tpu.vector_load %arg9[%get3A_379, %get3A_380] {strides = array<i32>} : memref<32x256xf32, #tpu.memory_space<vmem>>, vector<16xf32>,
        %swap3A_382 = arith.index_cast %get3A_169 : i32 to index
        %swap3A_383 = arith.constant 128 : index
        %swap3A_384 = tpu.vector_load %arg6[%swap3A_382, %swap3A_383] {strides = array<i32>} : memref<256x256xf32, #tpu.memory_space<vmem>>, vector<16xf32>,
        tpu.vector_store %arg6[%swap3A_382, %swap3A_383], %get3A_242 {add = true, strides = array<i32>} : memref<256x256xf32, #tpu.memory_space<vmem>>, vector<16xf32>,
        %mul3A_385 = arith.constant 8 : i32
        %mul3A_386 = arith.muli %scan3A_161, %mul3A_385 : i32
        %add3A_387 = arith.constant 0 : i32
        %add3A_388 = arith.addi %mul3A_386, %add3A_387 : i32
        %add3A_389 = arith.constant 1 : i32
        %add3A_390 = arith.addi %add3A_388, %add3A_389 : i32
        %get3A_391 = arith.index_cast %add3A_390 : i32 to index
        %get3A_392 = arith.constant 144 : index
        %get3A_393 = tpu.vector_load %arg9[%get3A_391, %get3A_392] {strides = array<i32>} : memref<32x256xf32, #tpu.memory_space<vmem>>, vector<16xf32>,
        %swap3A_394 = arith.index_cast %get3A_169 : i32 to index
        %swap3A_395 = arith.constant 144 : index
        %swap3A_396 = tpu.vector_load %arg6[%swap3A_394, %swap3A_395] {strides = array<i32>} : memref<256x256xf32, #tpu.memory_space<vmem>>, vector<16xf32>,
        tpu.vector_store %arg6[%swap3A_394, %swap3A_395], %get3A_247 {add = true, strides = array<i32>} : memref<256x256xf32, #tpu.memory_space<vmem>>, vector<16xf32>,
        %mul3A_397 = arith.constant 8 : i32
        %mul3A_398 = arith.muli %scan3A_161, %mul3A_397 : i32
        %add3A_399 = arith.constant 0 : i32
        %add3A_400 = arith.addi %mul3A_398, %add3A_399 : i32
        %add3A_401 = arith.constant 1 : i32
        %add3A_402 = arith.addi %add3A_400, %add3A_401 : i32
        %get3A_403 = arith.index_cast %add3A_402 : i32 to index
        %get3A_404 = arith.constant 160 : index
        %get3A_405 = tpu.vector_load %arg9[%get3A_403, %get3A_404] {strides = array<i32>} : memref<32x256xf32, #tpu.memory_space<vmem>>, vector<16xf32>,
        %swap3A_406 = arith.index_cast %get3A_169 : i32 to index
        %swap3A_407 = arith.constant 160 : index
        %swap3A_408 = tpu.vector_load %arg6[%swap3A_406, %swap3A_407] {strides = array<i32>} : memref<256x256xf32, #tpu.memory_space<vmem>>, vector<16xf32>,
        tpu.vector_store %arg6[%swap3A_406, %swap3A_407], %get3A_252 {add = true, strides = array<i32>} : memref<256x256xf32, #tpu.memory_space<vmem>>, vector<16xf32>,
        %mul3A_409 = arith.constant 8 : i32
        %mul3A_410 = arith.muli %scan3A_161, %mul3A_409 : i32
        %add3A_411 = arith.constant 0 : i32
        %add3A_412 = arith.addi %mul3A_410, %add3A_411 : i32
        %add3A_413 = arith.constant 1 : i32
        %add3A_414 = arith.addi %add3A_412, %add3A_413 : i32
        %get3A_415 = arith.index_cast %add3A_414 : i32 to index
        %get3A_416 = arith.constant 176 : index
        %get3A_417 = tpu.vector_load %arg9[%get3A_415, %get3A_416] {strides = array<i32>} : memref<32x256xf32, #tpu.memory_space<vmem>>, vector<16xf32>,
        %swap3A_418 = arith.index_cast %get3A_169 : i32 to index
        %swap3A_419 = arith.constant 176 : index
        %swap3A_420 = tpu.vector_load %arg6[%swap3A_418, %swap3A_419] {strides = array<i32>} : memref<256x256xf32, #tpu.memory_space<vmem>>, vector<16xf32>,
        tpu.vector_store %arg6[%swap3A_418, %swap3A_419], %get3A_257 {add = true, strides = array<i32>} : memref<256x256xf32, #tpu.memory_space<vmem>>, vector<16xf32>,
        %mul3A_421 = arith.constant 8 : i32
        %mul3A_422 = arith.muli %scan3A_161, %mul3A_421 : i32
        %add3A_423 = arith.constant 0 : i32
        %add3A_424 = arith.addi %mul3A_422, %add3A_423 : i32
        %add3A_425 = arith.constant 1 : i32
        %add3A_426 = arith.addi %add3A_424, %add3A_425 : i32
        %get3A_427 = arith.index_cast %add3A_426 : i32 to index
        %get3A_428 = arith.constant 192 : index
        %get3A_429 = tpu.vector_load %arg9[%get3A_427, %get3A_428] {strides = array<i32>} : memref<32x256xf32, #tpu.memory_space<vmem>>, vector<16xf32>,
        %swap3A_430 = arith.index_cast %get3A_169 : i32 to index
        %swap3A_431 = arith.constant 192 : index
        %swap3A_432 = tpu.vector_load %arg6[%swap3A_430, %swap3A_431] {strides = array<i32>} : memref<256x256xf32, #tpu.memory_space<vmem>>, vector<16xf32>,
        tpu.vector_store %arg6[%swap3A_430, %swap3A_431], %get3A_262 {add = true, strides = array<i32>} : memref<256x256xf32, #tpu.memory_space<vmem>>, vector<16xf32>,
        %mul3A_433 = arith.constant 8 : i32
        %mul3A_434 = arith.muli %scan3A_161, %mul3A_433 : i32
        %add3A_435 = arith.constant 0 : i32
        %add3A_436 = arith.addi %mul3A_434, %add3A_435 : i32
        %add3A_437 = arith.constant 1 : i32
        %add3A_438 = arith.addi %add3A_436, %add3A_437 : i32
        %get3A_439 = arith.index_cast %add3A_438 : i32 to index
        %get3A_440 = arith.constant 208 : index
        %get3A_441 = tpu.vector_load %arg9[%get3A_439, %get3A_440] {strides = array<i32>} : memref<32x256xf32, #tpu.memory_space<vmem>>, vector<16xf32>,
        %swap3A_442 = arith.index_cast %get3A_169 : i32 to index
        %swap3A_443 = arith.constant 208 : index
        %swap3A_444 = tpu.vector_load %arg6[%swap3A_442, %swap3A_443] {strides = array<i32>} : memref<256x256xf32, #tpu.memory_space<vmem>>, vector<16xf32>,
        tpu.vector_store %arg6[%swap3A_442, %swap3A_443], %get3A_267 {add = true, strides = array<i32>} : memref<256x256xf32, #tpu.memory_space<vmem>>, vector<16xf32>,
        %mul3A_445 = arith.constant 8 : i32
        %mul3A_446 = arith.muli %scan3A_161, %mul3A_445 : i32
        %add3A_447 = arith.constant 0 : i32
        %add3A_448 = arith.addi %mul3A_446, %add3A_447 : i32
        %add3A_449 = arith.constant 1 : i32
        %add3A_450 = arith.addi %add3A_448, %add3A_449 : i32
        %get3A_451 = arith.index_cast %add3A_450 : i32 to index
        %get3A_452 = arith.constant 224 : index
        %get3A_453 = tpu.vector_load %arg9[%get3A_451, %get3A_452] {strides = array<i32>} : memref<32x256xf32, #tpu.memory_space<vmem>>, vector<16xf32>,
        %swap3A_454 = arith.index_cast %get3A_169 : i32 to index
        %swap3A_455 = arith.constant 224 : index
        %swap3A_456 = tpu.vector_load %arg6[%swap3A_454, %swap3A_455] {strides = array<i32>} : memref<256x256xf32, #tpu.memory_space<vmem>>, vector<16xf32>,
        tpu.vector_store %arg6[%swap3A_454, %swap3A_455], %get3A_272 {add = true, strides = array<i32>} : memref<256x256xf32, #tpu.memory_space<vmem>>, vector<16xf32>,
        %mul3A_457 = arith.constant 8 : i32
        %mul3A_458 = arith.muli %scan3A_161, %mul3A_457 : i32
        %add3A_459 = arith.constant 0 : i32
        %add3A_460 = arith.addi %mul3A_458, %add3A_459 : i32
        %add3A_461 = arith.constant 1 : i32
        %add3A_462 = arith.addi %add3A_460, %add3A_461 : i32
        %get3A_463 = arith.index_cast %add3A_462 : i32 to index
        %get3A_464 = arith.constant 240 : index
        %get3A_465 = tpu.vector_load %arg9[%get3A_463, %get3A_464] {strides = array<i32>} : memref<32x256xf32, #tpu.memory_space<vmem>>, vector<16xf32>,
        %swap3A_466 = arith.index_cast %get3A_169 : i32 to index
        %swap3A_467 = arith.constant 240 : index
        %swap3A_468 = tpu.vector_load %arg6[%swap3A_466, %swap3A_467] {strides = array<i32>} : memref<256x256xf32, #tpu.memory_space<vmem>>, vector<16xf32>,
        tpu.vector_store %arg6[%swap3A_466, %swap3A_467], %get3A_277 {add = true, strides = array<i32>} : memref<256x256xf32, #tpu.memory_space<vmem>>, vector<16xf32>,
        %mul3A_469 = arith.constant 8 : i32
        %mul3A_470 = arith.muli %scan3A_161, %mul3A_469 : i32
        %add3A_471 = arith.constant 1 : i32
        %add3A_472 = arith.addi %mul3A_470, %add3A_471 : i32
        %add3A_473 = arith.constant 1 : i32
        %add3A_474 = arith.addi %add3A_472, %add3A_473 : i32
        %get3A_475 = arith.index_cast %add3A_474 : i32 to index
        %get3A_476 = arith.constant 0 : index
        %get3A_477 = tpu.vector_load %arg9[%get3A_475, %get3A_476] {strides = array<i32>} : memref<32x256xf32, #tpu.memory_space<vmem>>, vector<16xf32>,
        %swap3A_478 = arith.index_cast %get3A_173 : i32 to index
        %swap3A_479 = arith.constant 0 : index
        %swap3A_480 = tpu.vector_load %arg6[%swap3A_478, %swap3A_479] {strides = array<i32>} : memref<256x256xf32, #tpu.memory_space<vmem>>, vector<16xf32>,
        tpu.vector_store %arg6[%swap3A_478, %swap3A_479], %get3A_286 {add = true, strides = array<i32>} : memref<256x256xf32, #tpu.memory_space<vmem>>, vector<16xf32>,
        %mul3A_481 = arith.constant 8 : i32
        %mul3A_482 = arith.muli %scan3A_161, %mul3A_481 : i32
        %add3A_483 = arith.constant 1 : i32
        %add3A_484 = arith.addi %mul3A_482, %add3A_483 : i32
        %add3A_485 = arith.constant 1 : i32
        %add3A_486 = arith.addi %add3A_484, %add3A_485 : i32
        %get3A_487 = arith.index_cast %add3A_486 : i32 to index
        %get3A_488 = arith.constant 16 : index
        %get3A_489 = tpu.vector_load %arg9[%get3A_487, %get3A_488] {strides = array<i32>} : memref<32x256xf32, #tpu.memory_space<vmem>>, vector<16xf32>,
        %swap3A_490 = arith.index_cast %get3A_173 : i32 to index
        %swap3A_491 = arith.constant 16 : index
        %swap3A_492 = tpu.vector_load %arg6[%swap3A_490, %swap3A_491] {strides = array<i32>} : memref<256x256xf32, #tpu.memory_space<vmem>>, vector<16xf32>,
        tpu.vector_store %arg6[%swap3A_490, %swap3A_491], %get3A_297 {add = true, strides = array<i32>} : memref<256x256xf32, #tpu.memory_space<vmem>>, vector<16xf32>,
        %mul3A_493 = arith.constant 8 : i32
        %mul3A_494 = arith.muli %scan3A_161, %mul3A_493 : i32
        %add3A_495 = arith.constant 1 : i32
        %add3A_496 = arith.addi %mul3A_494, %add3A_495 : i32
        %add3A_497 = arith.constant 1 : i32
        %add3A_498 = arith.addi %add3A_496, %add3A_497 : i32
        %get3A_499 = arith.index_cast %add3A_498 : i32 to index
        %get3A_500 = arith.constant 32 : index
        %get3A_501 = tpu.vector_load %arg9[%get3A_499, %get3A_500] {strides = array<i32>} : memref<32x256xf32, #tpu.memory_space<vmem>>, vector<16xf32>,
        %swap3A_502 = arith.index_cast %get3A_173 : i32 to index
        %swap3A_503 = arith.constant 32 : index
        %swap3A_504 = tpu.vector_load %arg6[%swap3A_502, %swap3A_503] {strides = array<i32>} : memref<256x256xf32, #tpu.memory_space<vmem>>, vector<16xf32>,
        tpu.vector_store %arg6[%swap3A_502, %swap3A_503], %get3A_309 {add = true, strides = array<i32>} : memref<256x256xf32, #tpu.memory_space<vmem>>, vector<16xf32>,
        %mul3A_505 = arith.constant 8 : i32
        %mul3A_506 = arith.muli %scan3A_161, %mul3A_505 : i32
        %add3A_507 = arith.constant 1 : i32
        %add3A_508 = arith.addi %mul3A_506, %add3A_507 : i32
        %add3A_509 = arith.constant 1 : i32
        %add3A_510 = arith.addi %add3A_508, %add3A_509 : i32
        %get3A_511 = arith.index_cast %add3A_510 : i32 to index
        %get3A_512 = arith.constant 48 : index
        %get3A_513 = tpu.vector_load %arg9[%get3A_511, %get3A_512] {strides = array<i32>} : memref<32x256xf32, #tpu.memory_space<vmem>>, vector<16xf32>,
        %swap3A_514 = arith.index_cast %get3A_173 : i32 to index
        %swap3A_515 = arith.constant 48 : index
        %swap3A_516 = tpu.vector_load %arg6[%swap3A_514, %swap3A_515] {strides = array<i32>} : memref<256x256xf32, #tpu.memory_space<vmem>>, vector<16xf32>,
        tpu.vector_store %arg6[%swap3A_514, %swap3A_515], %get3A_321 {add = true, strides = array<i32>} : memref<256x256xf32, #tpu.memory_space<vmem>>, vector<16xf32>,
        %mul3A_517 = arith.constant 8 : i32
        %mul3A_518 = arith.muli %scan3A_161, %mul3A_517 : i32
        %add3A_519 = arith.constant 1 : i32
        %add3A_520 = arith.addi %mul3A_518, %add3A_519 : i32
        %add3A_521 = arith.constant 1 : i32
        %add3A_522 = arith.addi %add3A_520, %add3A_521 : i32
        %get3A_523 = arith.index_cast %add3A_522 : i32 to index
        %get3A_524 = arith.constant 64 : index
        %get3A_525 = tpu.vector_load %arg9[%get3A_523, %get3A_524] {strides = array<i32>} : memref<32x256xf32, #tpu.memory_space<vmem>>, vector<16xf32>,
        %swap3A_526 = arith.index_cast %get3A_173 : i32 to index
        %swap3A_527 = arith.constant 64 : index
        %swap3A_528 = tpu.vector_load %arg6[%swap3A_526, %swap3A_527] {strides = array<i32>} : memref<256x256xf32, #tpu.memory_space<vmem>>, vector<16xf32>,
        tpu.vector_store %arg6[%swap3A_526, %swap3A_527], %get3A_333 {add = true, strides = array<i32>} : memref<256x256xf32, #tpu.memory_space<vmem>>, vector<16xf32>,
        %mul3A_529 = arith.constant 8 : i32
        %mul3A_530 = arith.muli %scan3A_161, %mul3A_529 : i32
        %add3A_531 = arith.constant 1 : i32
        %add3A_532 = arith.addi %mul3A_530, %add3A_531 : i32
        %add3A_533 = arith.constant 1 : i32
        %add3A_534 = arith.addi %add3A_532, %add3A_533 : i32
        %get3A_535 = arith.index_cast %add3A_534 : i32 to index
        %get3A_536 = arith.constant 80 : index
        %get3A_537 = tpu.vector_load %arg9[%get3A_535, %get3A_536] {strides = array<i32>} : memref<32x256xf32, #tpu.memory_space<vmem>>, vector<16xf32>,
        %swap3A_538 = arith.index_cast %get3A_173 : i32 to index
        %swap3A_539 = arith.constant 80 : index
        %swap3A_540 = tpu.vector_load %arg6[%swap3A_538, %swap3A_539] {strides = array<i32>} : memref<256x256xf32, #tpu.memory_space<vmem>>, vector<16xf32>,
        tpu.vector_store %arg6[%swap3A_538, %swap3A_539], %get3A_345 {add = true, strides = array<i32>} : memref<256x256xf32, #tpu.memory_space<vmem>>, vector<16xf32>,
        %mul3A_541 = arith.constant 8 : i32
        %mul3A_542 = arith.muli %scan3A_161, %mul3A_541 : i32
        %add3A_543 = arith.constant 1 : i32
        %add3A_544 = arith.addi %mul3A_542, %add3A_543 : i32
        %add3A_545 = arith.constant 1 : i32
        %add3A_546 = arith.addi %add3A_544, %add3A_545 : i32
        %get3A_547 = arith.index_cast %add3A_546 : i32 to index
        %get3A_548 = arith.constant 96 : index
        %get3A_549 = tpu.vector_load %arg9[%get3A_547, %get3A_548] {strides = array<i32>} : memref<32x256xf32, #tpu.memory_space<vmem>>, vector<16xf32>,
        %swap3A_550 = arith.index_cast %get3A_173 : i32 to index
        %swap3A_551 = arith.constant 96 : index
        %swap3A_552 = tpu.vector_load %arg6[%swap3A_550, %swap3A_551] {strides = array<i32>} : memref<256x256xf32, #tpu.memory_space<vmem>>, vector<16xf32>,
        tpu.vector_store %arg6[%swap3A_550, %swap3A_551], %get3A_357 {add = true, strides = array<i32>} : memref<256x256xf32, #tpu.memory_space<vmem>>, vector<16xf32>,
        %mul3A_553 = arith.constant 8 : i32
        %mul3A_554 = arith.muli %scan3A_161, %mul3A_553 : i32
        %add3A_555 = arith.constant 1 : i32
        %add3A_556 = arith.addi %mul3A_554, %add3A_555 : i32
        %add3A_557 = arith.constant 1 : i32
        %add3A_558 = arith.addi %add3A_556, %add3A_557 : i32
        %get3A_559 = arith.index_cast %add3A_558 : i32 to index
        %get3A_560 = arith.constant 112 : index
        %get3A_561 = tpu.vector_load %arg9[%get3A_559, %get3A_560] {strides = array<i32>} : memref<32x256xf32, #tpu.memory_space<vmem>>, vector<16xf32>,
        %swap3A_562 = arith.index_cast %get3A_173 : i32 to index
        %swap3A_563 = arith.constant 112 : index
        %swap3A_564 = tpu.vector_load %arg6[%swap3A_562, %swap3A_563] {strides = array<i32>} : memref<256x256xf32, #tpu.memory_space<vmem>>, vector<16xf32>,
        tpu.vector_store %arg6[%swap3A_562, %swap3A_563], %get3A_369 {add = true, strides = array<i32>} : memref<256x256xf32, #tpu.memory_space<vmem>>, vector<16xf32>,
        %mul3A_565 = arith.constant 8 : i32
        %mul3A_566 = arith.muli %scan3A_161, %mul3A_565 : i32
        %add3A_567 = arith.constant 1 : i32
        %add3A_568 = arith.addi %mul3A_566, %add3A_567 : i32
        %add3A_569 = arith.constant 1 : i32
        %add3A_570 = arith.addi %add3A_568, %add3A_569 : i32
        %get3A_571 = arith.index_cast %add3A_570 : i32 to index
        %get3A_572 = arith.constant 128 : index
        %get3A_573 = tpu.vector_load %arg9[%get3A_571, %get3A_572] {strides = array<i32>} : memref<32x256xf32, #tpu.memory_space<vmem>>, vector<16xf32>,
        %swap3A_574 = arith.index_cast %get3A_173 : i32 to index
        %swap3A_575 = arith.constant 128 : index
        %swap3A_576 = tpu.vector_load %arg6[%swap3A_574, %swap3A_575] {strides = array<i32>} : memref<256x256xf32, #tpu.memory_space<vmem>>, vector<16xf32>,
        tpu.vector_store %arg6[%swap3A_574, %swap3A_575], %get3A_381 {add = true, strides = array<i32>} : memref<256x256xf32, #tpu.memory_space<vmem>>, vector<16xf32>,
        %mul3A_577 = arith.constant 8 : i32
        %mul3A_578 = arith.muli %scan3A_161, %mul3A_577 : i32
        %add3A_579 = arith.constant 1 : i32
        %add3A_580 = arith.addi %mul3A_578, %add3A_579 : i32
        %add3A_581 = arith.constant 1 : i32
        %add3A_582 = arith.addi %add3A_580, %add3A_581 : i32
        %get3A_583 = arith.index_cast %add3A_582 : i32 to index
        %get3A_584 = arith.constant 144 : index
        %get3A_585 = tpu.vector_load %arg9[%get3A_583, %get3A_584] {strides = array<i32>} : memref<32x256xf32, #tpu.memory_space<vmem>>, vector<16xf32>,
        %swap3A_586 = arith.index_cast %get3A_173 : i32 to index
        %swap3A_587 = arith.constant 144 : index
        %swap3A_588 = tpu.vector_load %arg6[%swap3A_586, %swap3A_587] {strides = array<i32>} : memref<256x256xf32, #tpu.memory_space<vmem>>, vector<16xf32>,
        tpu.vector_store %arg6[%swap3A_586, %swap3A_587], %get3A_393 {add = true, strides = array<i32>} : memref<256x256xf32, #tpu.memory_space<vmem>>, vector<16xf32>,
        %mul3A_589 = arith.constant 8 : i32
        %mul3A_590 = arith.muli %scan3A_161, %mul3A_589 : i32
        %add3A_591 = arith.constant 1 : i32
        %add3A_592 = arith.addi %mul3A_590, %add3A_591 : i32
        %add3A_593 = arith.constant 1 : i32
        %add3A_594 = arith.addi %add3A_592, %add3A_593 : i32
        %get3A_595 = arith.index_cast %add3A_594 : i32 to index
        %get3A_596 = arith.constant 160 : index
        %get3A_597 = tpu.vector_load %arg9[%get3A_595, %get3A_596] {strides = array<i32>} : memref<32x256xf32, #tpu.memory_space<vmem>>, vector<16xf32>,
        %swap3A_598 = arith.index_cast %get3A_173 : i32 to index
        %swap3A_599 = arith.constant 160 : index
        %swap3A_600 = tpu.vector_load %arg6[%swap3A_598, %swap3A_599] {strides = array<i32>} : memref<256x256xf32, #tpu.memory_space<vmem>>, vector<16xf32>,
        tpu.vector_store %arg6[%swap3A_598, %swap3A_599], %get3A_405 {add = true, strides = array<i32>} : memref<256x256xf32, #tpu.memory_space<vmem>>, vector<16xf32>,
        %mul3A_601 = arith.constant 8 : i32
        %mul3A_602 = arith.muli %scan3A_161, %mul3A_601 : i32
        %add3A_603 = arith.constant 1 : i32
        %add3A_604 = arith.addi %mul3A_602, %add3A_603 : i32
        %add3A_605 = arith.constant 1 : i32
        %add3A_606 = arith.addi %add3A_604, %add3A_605 : i32
        %get3A_607 = arith.index_cast %add3A_606 : i32 to index
        %get3A_608 = arith.constant 176 : index
        %get3A_609 = tpu.vector_load %arg9[%get3A_607, %get3A_608] {strides = array<i32>} : memref<32x256xf32, #tpu.memory_space<vmem>>, vector<16xf32>,
        %swap3A_610 = arith.index_cast %get3A_173 : i32 to index
        %swap3A_611 = arith.constant 176 : index
        %swap3A_612 = tpu.vector_load %arg6[%swap3A_610, %swap3A_611] {strides = array<i32>} : memref<256x256xf32, #tpu.memory_space<vmem>>, vector<16xf32>,
        tpu.vector_store %arg6[%swap3A_610, %swap3A_611], %get3A_417 {add = true, strides = array<i32>} : memref<256x256xf32, #tpu.memory_space<vmem>>, vector<16xf32>,
        %mul3A_613 = arith.constant 8 : i32
        %mul3A_614 = arith.muli %scan3A_161, %mul3A_613 : i32
        %add3A_615 = arith.constant 1 : i32
        %add3A_616 = arith.addi %mul3A_614, %add3A_615 : i32
        %add3A_617 = arith.constant 1 : i32
        %add3A_618 = arith.addi %add3A_616, %add3A_617 : i32
        %get3A_619 = arith.index_cast %add3A_618 : i32 to index
        %get3A_620 = arith.constant 192 : index
        %get3A_621 = tpu.vector_load %arg9[%get3A_619, %get3A_620] {strides = array<i32>} : memref<32x256xf32, #tpu.memory_space<vmem>>, vector<16xf32>,
        %swap3A_622 = arith.index_cast %get3A_173 : i32 to index
        %swap3A_623 = arith.constant 192 : index
        %swap3A_624 = tpu.vector_load %arg6[%swap3A_622, %swap3A_623] {strides = array<i32>} : memref<256x256xf32, #tpu.memory_space<vmem>>, vector<16xf32>,
        tpu.vector_store %arg6[%swap3A_622, %swap3A_623], %get3A_429 {add = true, strides = array<i32>} : memref<256x256xf32, #tpu.memory_space<vmem>>, vector<16xf32>,
        %mul3A_625 = arith.constant 8 : i32
        %mul3A_626 = arith.muli %scan3A_161, %mul3A_625 : i32
        %add3A_627 = arith.constant 1 : i32
        %add3A_628 = arith.addi %mul3A_626, %add3A_627 : i32
        %add3A_629 = arith.constant 1 : i32
        %add3A_630 = arith.addi %add3A_628, %add3A_629 : i32
        %get3A_631 = arith.index_cast %add3A_630 : i32 to index
        %get3A_632 = arith.constant 208 : index
        %get3A_633 = tpu.vector_load %arg9[%get3A_631, %get3A_632] {strides = array<i32>} : memref<32x256xf32, #tpu.memory_space<vmem>>, vector<16xf32>,
        %swap3A_634 = arith.index_cast %get3A_173 : i32 to index
        %swap3A_635 = arith.constant 208 : index
        %swap3A_636 = tpu.vector_load %arg6[%swap3A_634, %swap3A_635] {strides = array<i32>} : memref<256x256xf32, #tpu.memory_space<vmem>>, vector<16xf32>,
        tpu.vector_store %arg6[%swap3A_634, %swap3A_635], %get3A_441 {add = true, strides = array<i32>} : memref<256x256xf32, #tpu.memory_space<vmem>>, vector<16xf32>,
        %mul3A_637 = arith.constant 8 : i32
        %mul3A_638 = arith.muli %scan3A_161, %mul3A_637 : i32
        %add3A_639 = arith.constant 1 : i32
        %add3A_640 = arith.addi %mul3A_638, %add3A_639 : i32
        %add3A_641 = arith.constant 1 : i32
        %add3A_642 = arith.addi %add3A_640, %add3A_641 : i32
        %get3A_643 = arith.index_cast %add3A_642 : i32 to index
        %get3A_644 = arith.constant 224 : index
        %get3A_645 = tpu.vector_load %arg9[%get3A_643, %get3A_644] {strides = array<i32>} : memref<32x256xf32, #tpu.memory_space<vmem>>, vector<16xf32>,
        %swap3A_646 = arith.index_cast %get3A_173 : i32 to index
        %swap3A_647 = arith.constant 224 : index
        %swap3A_648 = tpu.vector_load %arg6[%swap3A_646, %swap3A_647] {strides = array<i32>} : memref<256x256xf32, #tpu.memory_space<vmem>>, vector<16xf32>,
        tpu.vector_store %arg6[%swap3A_646, %swap3A_647], %get3A_453 {add = true, strides = array<i32>} : memref<256x256xf32, #tpu.memory_space<vmem>>, vector<16xf32>,
        %mul3A_649 = arith.constant 8 : i32
        %mul3A_650 = arith.muli %scan3A_161, %mul3A_649 : i32
        %add3A_651 = arith.constant 1 : i32
        %add3A_652 = arith.addi %mul3A_650, %add3A_651 : i32
        %add3A_653 = arith.constant 1 : i32
        %add3A_654 = arith.addi %add3A_652, %add3A_653 : i32
        %get3A_655 = arith.index_cast %add3A_654 : i32 to index
        %get3A_656 = arith.constant 240 : index
        %get3A_657 = tpu.vector_load %arg9[%get3A_655, %get3A_656] {strides = array<i32>} : memref<32x256xf32, #tpu.memory_space<vmem>>, vector<16xf32>,
        %swap3A_658 = arith.index_cast %get3A_173 : i32 to index
        %swap3A_659 = arith.constant 240 : index
        %swap3A_660 = tpu.vector_load %arg6[%swap3A_658, %swap3A_659] {strides = array<i32>} : memref<256x256xf32, #tpu.memory_space<vmem>>, vector<16xf32>,
        tpu.vector_store %arg6[%swap3A_658, %swap3A_659], %get3A_465 {add = true, strides = array<i32>} : memref<256x256xf32, #tpu.memory_space<vmem>>, vector<16xf32>,
        %mul3A_661 = arith.constant 8 : i32
        %mul3A_662 = arith.muli %scan3A_161, %mul3A_661 : i32
        %add3A_663 = arith.constant 2 : i32
        %add3A_664 = arith.addi %mul3A_662, %add3A_663 : i32
        %add3A_665 = arith.constant 1 : i32
        %add3A_666 = arith.addi %add3A_664, %add3A_665 : i32
        %get3A_667 = arith.index_cast %add3A_666 : i32 to index
        %get3A_668 = arith.constant 0 : index
        %get3A_669 = tpu.vector_load %arg9[%get3A_667, %get3A_668] {strides = array<i32>} : memref<32x256xf32, #tpu.memory_space<vmem>>, vector<16xf32>,
        %swap3A_670 = arith.index_cast %get3A_177 : i32 to index
        %swap3A_671 = arith.constant 0 : index
        %swap3A_672 = tpu.vector_load %arg6[%swap3A_670, %swap3A_671] {strides = array<i32>} : memref<256x256xf32, #tpu.memory_space<vmem>>, vector<16xf32>,
        tpu.vector_store %arg6[%swap3A_670, %swap3A_671], %get3A_477 {add = true, strides = array<i32>} : memref<256x256xf32, #tpu.memory_space<vmem>>, vector<16xf32>,
        %mul3A_673 = arith.constant 8 : i32
        %mul3A_674 = arith.muli %scan3A_161, %mul3A_673 : i32
        %add3A_675 = arith.constant 2 : i32
        %add3A_676 = arith.addi %mul3A_674, %add3A_675 : i32
        %add3A_677 = arith.constant 1 : i32
        %add3A_678 = arith.addi %add3A_676, %add3A_677 : i32
        %get3A_679 = arith.index_cast %add3A_678 : i32 to index
        %get3A_680 = arith.constant 16 : index
        %get3A_681 = tpu.vector_load %arg9[%get3A_679, %get3A_680] {strides = array<i32>} : memref<32x256xf32, #tpu.memory_space<vmem>>, vector<16xf32>,
        %swap3A_682 = arith.index_cast %get3A_177 : i32 to index
        %swap3A_683 = arith.constant 16 : index
        %swap3A_684 = tpu.vector_load %arg6[%swap3A_682, %swap3A_683] {strides = array<i32>} : memref<256x256xf32, #tpu.memory_space<vmem>>, vector<16xf32>,
        tpu.vector_store %arg6[%swap3A_682, %swap3A_683], %get3A_489 {add = true, strides = array<i32>} : memref<256x256xf32, #tpu.memory_space<vmem>>, vector<16xf32>,
        %mul3A_685 = arith.constant 8 : i32
        %mul3A_686 = arith.muli %scan3A_161, %mul3A_685 : i32
        %add3A_687 = arith.constant 2 : i32
        %add3A_688 = arith.addi %mul3A_686, %add3A_687 : i32
        %add3A_689 = arith.constant 1 : i32
        %add3A_690 = arith.addi %add3A_688, %add3A_689 : i32
        %get3A_691 = arith.index_cast %add3A_690 : i32 to index
        %get3A_692 = arith.constant 32 : index
        %get3A_693 = tpu.vector_load %arg9[%get3A_691, %get3A_692] {strides = array<i32>} : memref<32x256xf32, #tpu.memory_space<vmem>>, vector<16xf32>,
        %swap3A_694 = arith.index_cast %get3A_177 : i32 to index
        %swap3A_695 = arith.constant 32 : index
        %swap3A_696 = tpu.vector_load %arg6[%swap3A_694, %swap3A_695] {strides = array<i32>} : memref<256x256xf32, #tpu.memory_space<vmem>>, vector<16xf32>,
        tpu.vector_store %arg6[%swap3A_694, %swap3A_695], %get3A_501 {add = true, strides = array<i32>} : memref<256x256xf32, #tpu.memory_space<vmem>>, vector<16xf32>,
        %mul3A_697 = arith.constant 8 : i32
        %mul3A_698 = arith.muli %scan3A_161, %mul3A_697 : i32
        %add3A_699 = arith.constant 2 : i32
        %add3A_700 = arith.addi %mul3A_698, %add3A_699 : i32
        %add3A_701 = arith.constant 1 : i32
        %add3A_702 = arith.addi %add3A_700, %add3A_701 : i32
        %get3A_703 = arith.index_cast %add3A_702 : i32 to index
        %get3A_704 = arith.constant 48 : index
        %get3A_705 = tpu.vector_load %arg9[%get3A_703, %get3A_704] {strides = array<i32>} : memref<32x256xf32, #tpu.memory_space<vmem>>, vector<16xf32>,
        %swap3A_706 = arith.index_cast %get3A_177 : i32 to index
        %swap3A_707 = arith.constant 48 : index
        %swap3A_708 = tpu.vector_load %arg6[%swap3A_706, %swap3A_707] {strides = array<i32>} : memref<256x256xf32, #tpu.memory_space<vmem>>, vector<16xf32>,
        tpu.vector_store %arg6[%swap3A_706, %swap3A_707], %get3A_513 {add = true, strides = array<i32>} : memref<256x256xf32, #tpu.memory_space<vmem>>, vector<16xf32>,
        %mul3A_709 = arith.constant 8 : i32
        %mul3A_710 = arith.muli %scan3A_161, %mul3A_709 : i32
        %add3A_711 = arith.constant 2 : i32
        %add3A_712 = arith.addi %mul3A_710, %add3A_711 : i32
        %add3A_713 = arith.constant 1 : i32
        %add3A_714 = arith.addi %add3A_712, %add3A_713 : i32
        %get3A_715 = arith.index_cast %add3A_714 : i32 to index
        %get3A_716 = arith.constant 64 : index
        %get3A_717 = tpu.vector_load %arg9[%get3A_715, %get3A_716] {strides = array<i32>} : memref<32x256xf32, #tpu.memory_space<vmem>>, vector<16xf32>,
        %swap3A_718 = arith.index_cast %get3A_177 : i32 to index
        %swap3A_719 = arith.constant 64 : index
        %swap3A_720 = tpu.vector_load %arg6[%swap3A_718, %swap3A_719] {strides = array<i32>} : memref<256x256xf32, #tpu.memory_space<vmem>>, vector<16xf32>,
        tpu.vector_store %arg6[%swap3A_718, %swap3A_719], %get3A_525 {add = true, strides = array<i32>} : memref<256x256xf32, #tpu.memory_space<vmem>>, vector<16xf32>,
        %mul3A_721 = arith.constant 8 : i32
        %mul3A_722 = arith.muli %scan3A_161, %mul3A_721 : i32
        %add3A_723 = arith.constant 2 : i32
        %add3A_724 = arith.addi %mul3A_722, %add3A_723 : i32
        %add3A_725 = arith.constant 1 : i32
        %add3A_726 = arith.addi %add3A_724, %add3A_725 : i32
        %get3A_727 = arith.index_cast %add3A_726 : i32 to index
        %get3A_728 = arith.constant 80 : index
        %get3A_729 = tpu.vector_load %arg9[%get3A_727, %get3A_728] {strides = array<i32>} : memref<32x256xf32, #tpu.memory_space<vmem>>, vector<16xf32>,
        %swap3A_730 = arith.index_cast %get3A_177 : i32 to index
        %swap3A_731 = arith.constant 80 : index
        %swap3A_732 = tpu.vector_load %arg6[%swap3A_730, %swap3A_731] {strides = array<i32>} : memref<256x256xf32, #tpu.memory_space<vmem>>, vector<16xf32>,
        tpu.vector_store %arg6[%swap3A_730, %swap3A_731], %get3A_537 {add = true, strides = array<i32>} : memref<256x256xf32, #tpu.memory_space<vmem>>, vector<16xf32>,
        %mul3A_733 = arith.constant 8 : i32
        %mul3A_734 = arith.muli %scan3A_161, %mul3A_733 : i32
        %add3A_735 = arith.constant 2 : i32
        %add3A_736 = arith.addi %mul3A_734, %add3A_735 : i32
        %add3A_737 = arith.constant 1 : i32
        %add3A_738 = arith.addi %add3A_736, %add3A_737 : i32
        %get3A_739 = arith.index_cast %add3A_738 : i32 to index
        %get3A_740 = arith.constant 96 : index
        %get3A_741 = tpu.vector_load %arg9[%get3A_739, %get3A_740] {strides = array<i32>} : memref<32x256xf32, #tpu.memory_space<vmem>>, vector<16xf32>,
        %swap3A_742 = arith.index_cast %get3A_177 : i32 to index
        %swap3A_743 = arith.constant 96 : index
        %swap3A_744 = tpu.vector_load %arg6[%swap3A_742, %swap3A_743] {strides = array<i32>} : memref<256x256xf32, #tpu.memory_space<vmem>>, vector<16xf32>,
        tpu.vector_store %arg6[%swap3A_742, %swap3A_743], %get3A_549 {add = true, strides = array<i32>} : memref<256x256xf32, #tpu.memory_space<vmem>>, vector<16xf32>,
        %mul3A_745 = arith.constant 8 : i32
        %mul3A_746 = arith.muli %scan3A_161, %mul3A_745 : i32
        %add3A_747 = arith.constant 2 : i32
        %add3A_748 = arith.addi %mul3A_746, %add3A_747 : i32
        %add3A_749 = arith.constant 1 : i32
        %add3A_750 = arith.addi %add3A_748, %add3A_749 : i32
        %get3A_751 = arith.index_cast %add3A_750 : i32 to index
        %get3A_752 = arith.constant 112 : index
        %get3A_753 = tpu.vector_load %arg9[%get3A_751, %get3A_752] {strides = array<i32>} : memref<32x256xf32, #tpu.memory_space<vmem>>, vector<16xf32>,
        %swap3A_754 = arith.index_cast %get3A_177 : i32 to index
        %swap3A_755 = arith.constant 112 : index
        %swap3A_756 = tpu.vector_load %arg6[%swap3A_754, %swap3A_755] {strides = array<i32>} : memref<256x256xf32, #tpu.memory_space<vmem>>, vector<16xf32>,
        tpu.vector_store %arg6[%swap3A_754, %swap3A_755], %get3A_561 {add = true, strides = array<i32>} : memref<256x256xf32, #tpu.memory_space<vmem>>, vector<16xf32>,
        %mul3A_757 = arith.constant 8 : i32
        %mul3A_758 = arith.muli %scan3A_161, %mul3A_757 : i32
        %add3A_759 = arith.constant 2 : i32
        %add3A_760 = arith.addi %mul3A_758, %add3A_759 : i32
        %add3A_761 = arith.constant 1 : i32
        %add3A_762 = arith.addi %add3A_760, %add3A_761 : i32
        %get3A_763 = arith.index_cast %add3A_762 : i32 to index
        %get3A_764 = arith.constant 128 : index
        %get3A_765 = tpu.vector_load %arg9[%get3A_763, %get3A_764] {strides = array<i32>} : memref<32x256xf32, #tpu.memory_space<vmem>>, vector<16xf32>,
        %swap3A_766 = arith.index_cast %get3A_177 : i32 to index
        %swap3A_767 = arith.constant 128 : index
        %swap3A_768 = tpu.vector_load %arg6[%swap3A_766, %swap3A_767] {strides = array<i32>} : memref<256x256xf32, #tpu.memory_space<vmem>>, vector<16xf32>,
        tpu.vector_store %arg6[%swap3A_766, %swap3A_767], %get3A_573 {add = true, strides = array<i32>} : memref<256x256xf32, #tpu.memory_space<vmem>>, vector<16xf32>,
        %mul3A_769 = arith.constant 8 : i32
        %mul3A_770 = arith.muli %scan3A_161, %mul3A_769 : i32
        %add3A_771 = arith.constant 2 : i32
        %add3A_772 = arith.addi %mul3A_770, %add3A_771 : i32
        %add3A_773 = arith.constant 1 : i32
        %add3A_774 = arith.addi %add3A_772, %add3A_773 : i32
        %get3A_775 = arith.index_cast %add3A_774 : i32 to index
        %get3A_776 = arith.constant 144 : index
        %get3A_777 = tpu.vector_load %arg9[%get3A_775, %get3A_776] {strides = array<i32>} : memref<32x256xf32, #tpu.memory_space<vmem>>, vector<16xf32>,
        %swap3A_778 = arith.index_cast %get3A_177 : i32 to index
        %swap3A_779 = arith.constant 144 : index
        %swap3A_780 = tpu.vector_load %arg6[%swap3A_778, %swap3A_779] {strides = array<i32>} : memref<256x256xf32, #tpu.memory_space<vmem>>, vector<16xf32>,
        tpu.vector_store %arg6[%swap3A_778, %swap3A_779], %get3A_585 {add = true, strides = array<i32>} : memref<256x256xf32, #tpu.memory_space<vmem>>, vector<16xf32>,
        %mul3A_781 = arith.constant 8 : i32
        %mul3A_782 = arith.muli %scan3A_161, %mul3A_781 : i32
        %add3A_783 = arith.constant 2 : i32
        %add3A_784 = arith.addi %mul3A_782, %add3A_783 : i32
        %add3A_785 = arith.constant 1 : i32
        %add3A_786 = arith.addi %add3A_784, %add3A_785 : i32
        %get3A_787 = arith.index_cast %add3A_786 : i32 to index
        %get3A_788 = arith.constant 160 : index
        %get3A_789 = tpu.vector_load %arg9[%get3A_787, %get3A_788] {strides = array<i32>} : memref<32x256xf32, #tpu.memory_space<vmem>>, vector<16xf32>,
        %swap3A_790 = arith.index_cast %get3A_177 : i32 to index
        %swap3A_791 = arith.constant 160 : index
        %swap3A_792 = tpu.vector_load %arg6[%swap3A_790, %swap3A_791] {strides = array<i32>} : memref<256x256xf32, #tpu.memory_space<vmem>>, vector<16xf32>,
        tpu.vector_store %arg6[%swap3A_790, %swap3A_791], %get3A_597 {add = true, strides = array<i32>} : memref<256x256xf32, #tpu.memory_space<vmem>>, vector<16xf32>,
        %mul3A_793 = arith.constant 8 : i32
        %mul3A_794 = arith.muli %scan3A_161, %mul3A_793 : i32
        %add3A_795 = arith.constant 2 : i32
        %add3A_796 = arith.addi %mul3A_794, %add3A_795 : i32
        %add3A_797 = arith.constant 1 : i32
        %add3A_798 = arith.addi %add3A_796, %add3A_797 : i32
        %get3A_799 = arith.index_cast %add3A_798 : i32 to index
        %get3A_800 = arith.constant 176 : index
        %get3A_801 = tpu.vector_load %arg9[%get3A_799, %get3A_800] {strides = array<i32>} : memref<32x256xf32, #tpu.memory_space<vmem>>, vector<16xf32>,
        %swap3A_802 = arith.index_cast %get3A_177 : i32 to index
        %swap3A_803 = arith.constant 176 : index
        %swap3A_804 = tpu.vector_load %arg6[%swap3A_802, %swap3A_803] {strides = array<i32>} : memref<256x256xf32, #tpu.memory_space<vmem>>, vector<16xf32>,
        tpu.vector_store %arg6[%swap3A_802, %swap3A_803], %get3A_609 {add = true, strides = array<i32>} : memref<256x256xf32, #tpu.memory_space<vmem>>, vector<16xf32>,
        %mul3A_805 = arith.constant 8 : i32
        %mul3A_806 = arith.muli %scan3A_161, %mul3A_805 : i32
        %add3A_807 = arith.constant 2 : i32
        %add3A_808 = arith.addi %mul3A_806, %add3A_807 : i32
        %add3A_809 = arith.constant 1 : i32
        %add3A_810 = arith.addi %add3A_808, %add3A_809 : i32
        %get3A_811 = arith.index_cast %add3A_810 : i32 to index
        %get3A_812 = arith.constant 192 : index
        %get3A_813 = tpu.vector_load %arg9[%get3A_811, %get3A_812] {strides = array<i32>} : memref<32x256xf32, #tpu.memory_space<vmem>>, vector<16xf32>,
        %swap3A_814 = arith.index_cast %get3A_177 : i32 to index
        %swap3A_815 = arith.constant 192 : index
        %swap3A_816 = tpu.vector_load %arg6[%swap3A_814, %swap3A_815] {strides = array<i32>} : memref<256x256xf32, #tpu.memory_space<vmem>>, vector<16xf32>,
        tpu.vector_store %arg6[%swap3A_814, %swap3A_815], %get3A_621 {add = true, strides = array<i32>} : memref<256x256xf32, #tpu.memory_space<vmem>>, vector<16xf32>,
        %mul3A_817 = arith.constant 8 : i32
        %mul3A_818 = arith.muli %scan3A_161, %mul3A_817 : i32
        %add3A_819 = arith.constant 2 : i32
        %add3A_820 = arith.addi %mul3A_818, %add3A_819 : i32
        %add3A_821 = arith.constant 1 : i32
        %add3A_822 = arith.addi %add3A_820, %add3A_821 : i32
        %get3A_823 = arith.index_cast %add3A_822 : i32 to index
        %get3A_824 = arith.constant 208 : index
        %get3A_825 = tpu.vector_load %arg9[%get3A_823, %get3A_824] {strides = array<i32>} : memref<32x256xf32, #tpu.memory_space<vmem>>, vector<16xf32>,
        %swap3A_826 = arith.index_cast %get3A_177 : i32 to index
        %swap3A_827 = arith.constant 208 : index
        %swap3A_828 = tpu.vector_load %arg6[%swap3A_826, %swap3A_827] {strides = array<i32>} : memref<256x256xf32, #tpu.memory_space<vmem>>, vector<16xf32>,
        tpu.vector_store %arg6[%swap3A_826, %swap3A_827], %get3A_633 {add = true, strides = array<i32>} : memref<256x256xf32, #tpu.memory_space<vmem>>, vector<16xf32>,
        %mul3A_829 = arith.constant 8 : i32
        %mul3A_830 = arith.muli %scan3A_161, %mul3A_829 : i32
        %add3A_831 = arith.constant 2 : i32
        %add3A_832 = arith.addi %mul3A_830, %add3A_831 : i32
        %add3A_833 = arith.constant 1 : i32
        %add3A_834 = arith.addi %add3A_832, %add3A_833 : i32
        %get3A_835 = arith.index_cast %add3A_834 : i32 to index
        %get3A_836 = arith.constant 224 : index
        %get3A_837 = tpu.vector_load %arg9[%get3A_835, %get3A_836] {strides = array<i32>} : memref<32x256xf32, #tpu.memory_space<vmem>>, vector<16xf32>,
        %swap3A_838 = arith.index_cast %get3A_177 : i32 to index
        %swap3A_839 = arith.constant 224 : index
        %swap3A_840 = tpu.vector_load %arg6[%swap3A_838, %swap3A_839] {strides = array<i32>} : memref<256x256xf32, #tpu.memory_space<vmem>>, vector<16xf32>,
        tpu.vector_store %arg6[%swap3A_838, %swap3A_839], %get3A_645 {add = true, strides = array<i32>} : memref<256x256xf32, #tpu.memory_space<vmem>>, vector<16xf32>,
        %mul3A_841 = arith.constant 8 : i32
        %mul3A_842 = arith.muli %scan3A_161, %mul3A_841 : i32
        %add3A_843 = arith.constant 2 : i32
        %add3A_844 = arith.addi %mul3A_842, %add3A_843 : i32
        %add3A_845 = arith.constant 1 : i32
        %add3A_846 = arith.addi %add3A_844, %add3A_845 : i32
        %get3A_847 = arith.index_cast %add3A_846 : i32 to index
        %get3A_848 = arith.constant 240 : index
        %get3A_849 = tpu.vector_load %arg9[%get3A_847, %get3A_848] {strides = array<i32>} : memref<32x256xf32, #tpu.memory_space<vmem>>, vector<16xf32>,
        %swap3A_850 = arith.index_cast %get3A_177 : i32 to index
        %swap3A_851 = arith.constant 240 : index
        %swap3A_852 = tpu.vector_load %arg6[%swap3A_850, %swap3A_851] {strides = array<i32>} : memref<256x256xf32, #tpu.memory_space<vmem>>, vector<16xf32>,
        tpu.vector_store %arg6[%swap3A_850, %swap3A_851], %get3A_657 {add = true, strides = array<i32>} : memref<256x256xf32, #tpu.memory_space<vmem>>, vector<16xf32>,
        %mul3A_853 = arith.constant 8 : i32
        %mul3A_854 = arith.muli %scan3A_161, %mul3A_853 : i32
        %add3A_855 = arith.constant 3 : i32
        %add3A_856 = arith.addi %mul3A_854, %add3A_855 : i32
        %add3A_857 = arith.constant 1 : i32
        %add3A_858 = arith.addi %add3A_856, %add3A_857 : i32
        %get3A_859 = arith.index_cast %add3A_858 : i32 to index
        %get3A_860 = arith.constant 0 : index
        %get3A_861 = tpu.vector_load %arg9[%get3A_859, %get3A_860] {strides = array<i32>} : memref<32x256xf32, #tpu.memory_space<vmem>>, vector<16xf32>,
        %swap3A_862 = arith.index_cast %get3A_181 : i32 to index
        %swap3A_863 = arith.constant 0 : index
        %swap3A_864 = tpu.vector_load %arg6[%swap3A_862, %swap3A_863] {strides = array<i32>} : memref<256x256xf32, #tpu.memory_space<vmem>>, vector<16xf32>,
        tpu.vector_store %arg6[%swap3A_862, %swap3A_863], %get3A_669 {add = true, strides = array<i32>} : memref<256x256xf32, #tpu.memory_space<vmem>>, vector<16xf32>,
        %mul3A_865 = arith.constant 8 : i32
        %mul3A_866 = arith.muli %scan3A_161, %mul3A_865 : i32
        %add3A_867 = arith.constant 3 : i32
        %add3A_868 = arith.addi %mul3A_866, %add3A_867 : i32
        %add3A_869 = arith.constant 1 : i32
        %add3A_870 = arith.addi %add3A_868, %add3A_869 : i32
        %get3A_871 = arith.index_cast %add3A_870 : i32 to index
        %get3A_872 = arith.constant 16 : index
        %get3A_873 = tpu.vector_load %arg9[%get3A_871, %get3A_872] {strides = array<i32>} : memref<32x256xf32, #tpu.memory_space<vmem>>, vector<16xf32>,
        %swap3A_874 = arith.index_cast %get3A_181 : i32 to index
        %swap3A_875 = arith.constant 16 : index
        %swap3A_876 = tpu.vector_load %arg6[%swap3A_874, %swap3A_875] {strides = array<i32>} : memref<256x256xf32, #tpu.memory_space<vmem>>, vector<16xf32>,
        tpu.vector_store %arg6[%swap3A_874, %swap3A_875], %get3A_681 {add = true, strides = array<i32>} : memref<256x256xf32, #tpu.memory_space<vmem>>, vector<16xf32>,
        %mul3A_877 = arith.constant 8 : i32
        %mul3A_878 = arith.muli %scan3A_161, %mul3A_877 : i32
        %add3A_879 = arith.constant 3 : i32
        %add3A_880 = arith.addi %mul3A_878, %add3A_879 : i32
        %add3A_881 = arith.constant 1 : i32
        %add3A_882 = arith.addi %add3A_880, %add3A_881 : i32
        %get3A_883 = arith.index_cast %add3A_882 : i32 to index
        %get3A_884 = arith.constant 32 : index
        %get3A_885 = tpu.vector_load %arg9[%get3A_883, %get3A_884] {strides = array<i32>} : memref<32x256xf32, #tpu.memory_space<vmem>>, vector<16xf32>,
        %swap3A_886 = arith.index_cast %get3A_181 : i32 to index
        %swap3A_887 = arith.constant 32 : index
        %swap3A_888 = tpu.vector_load %arg6[%swap3A_886, %swap3A_887] {strides = array<i32>} : memref<256x256xf32, #tpu.memory_space<vmem>>, vector<16xf32>,
        tpu.vector_store %arg6[%swap3A_886, %swap3A_887], %get3A_693 {add = true, strides = array<i32>} : memref<256x256xf32, #tpu.memory_space<vmem>>, vector<16xf32>,
        %mul3A_889 = arith.constant 8 : i32
        %mul3A_890 = arith.muli %scan3A_161, %mul3A_889 : i32
        %add3A_891 = arith.constant 3 : i32
        %add3A_892 = arith.addi %mul3A_890, %add3A_891 : i32
        %add3A_893 = arith.constant 1 : i32
        %add3A_894 = arith.addi %add3A_892, %add3A_893 : i32
        %get3A_895 = arith.index_cast %add3A_894 : i32 to index
        %get3A_896 = arith.constant 48 : index
        %get3A_897 = tpu.vector_load %arg9[%get3A_895, %get3A_896] {strides = array<i32>} : memref<32x256xf32, #tpu.memory_space<vmem>>, vector<16xf32>,
        %swap3A_898 = arith.index_cast %get3A_181 : i32 to index
        %swap3A_899 = arith.constant 48 : index
        %swap3A_900 = tpu.vector_load %arg6[%swap3A_898, %swap3A_899] {strides = array<i32>} : memref<256x256xf32, #tpu.memory_space<vmem>>, vector<16xf32>,
        tpu.vector_store %arg6[%swap3A_898, %swap3A_899], %get3A_705 {add = true, strides = array<i32>} : memref<256x256xf32, #tpu.memory_space<vmem>>, vector<16xf32>,
        %mul3A_901 = arith.constant 8 : i32
        %mul3A_902 = arith.muli %scan3A_161, %mul3A_901 : i32
        %add3A_903 = arith.constant 3 : i32
        %add3A_904 = arith.addi %mul3A_902, %add3A_903 : i32
        %add3A_905 = arith.constant 1 : i32
        %add3A_906 = arith.addi %add3A_904, %add3A_905 : i32
        %get3A_907 = arith.index_cast %add3A_906 : i32 to index
        %get3A_908 = arith.constant 64 : index
        %get3A_909 = tpu.vector_load %arg9[%get3A_907, %get3A_908] {strides = array<i32>} : memref<32x256xf32, #tpu.memory_space<vmem>>, vector<16xf32>,
        %swap3A_910 = arith.index_cast %get3A_181 : i32 to index
        %swap3A_911 = arith.constant 64 : index
        %swap3A_912 = tpu.vector_load %arg6[%swap3A_910, %swap3A_911] {strides = array<i32>} : memref<256x256xf32, #tpu.memory_space<vmem>>, vector<16xf32>,
        tpu.vector_store %arg6[%swap3A_910, %swap3A_911], %get3A_717 {add = true, strides = array<i32>} : memref<256x256xf32, #tpu.memory_space<vmem>>, vector<16xf32>,
        %mul3A_913 = arith.constant 8 : i32
        %mul3A_914 = arith.muli %scan3A_161, %mul3A_913 : i32
        %add3A_915 = arith.constant 3 : i32
        %add3A_916 = arith.addi %mul3A_914, %add3A_915 : i32
        %add3A_917 = arith.constant 1 : i32
        %add3A_918 = arith.addi %add3A_916, %add3A_917 : i32
        %get3A_919 = arith.index_cast %add3A_918 : i32 to index
        %get3A_920 = arith.constant 80 : index
        %get3A_921 = tpu.vector_load %arg9[%get3A_919, %get3A_920] {strides = array<i32>} : memref<32x256xf32, #tpu.memory_space<vmem>>, vector<16xf32>,
        %swap3A_922 = arith.index_cast %get3A_181 : i32 to index
        %swap3A_923 = arith.constant 80 : index
        %swap3A_924 = tpu.vector_load %arg6[%swap3A_922, %swap3A_923] {strides = array<i32>} : memref<256x256xf32, #tpu.memory_space<vmem>>, vector<16xf32>,
        tpu.vector_store %arg6[%swap3A_922, %swap3A_923], %get3A_729 {add = true, strides = array<i32>} : memref<256x256xf32, #tpu.memory_space<vmem>>, vector<16xf32>,
        %mul3A_925 = arith.constant 8 : i32
        %mul3A_926 = arith.muli %scan3A_161, %mul3A_925 : i32
        %add3A_927 = arith.constant 3 : i32
        %add3A_928 = arith.addi %mul3A_926, %add3A_927 : i32
        %add3A_929 = arith.constant 1 : i32
        %add3A_930 = arith.addi %add3A_928, %add3A_929 : i32
        %get3A_931 = arith.index_cast %add3A_930 : i32 to index
        %get3A_932 = arith.constant 96 : index
        %get3A_933 = tpu.vector_load %arg9[%get3A_931, %get3A_932] {strides = array<i32>} : memref<32x256xf32, #tpu.memory_space<vmem>>, vector<16xf32>,
        %swap3A_934 = arith.index_cast %get3A_181 : i32 to index
        %swap3A_935 = arith.constant 96 : index
        %swap3A_936 = tpu.vector_load %arg6[%swap3A_934, %swap3A_935] {strides = array<i32>} : memref<256x256xf32, #tpu.memory_space<vmem>>, vector<16xf32>,
        tpu.vector_store %arg6[%swap3A_934, %swap3A_935], %get3A_741 {add = true, strides = array<i32>} : memref<256x256xf32, #tpu.memory_space<vmem>>, vector<16xf32>,
        %mul3A_937 = arith.constant 8 : i32
        %mul3A_938 = arith.muli %scan3A_161, %mul3A_937 : i32
        %add3A_939 = arith.constant 3 : i32
        %add3A_940 = arith.addi %mul3A_938, %add3A_939 : i32
        %add3A_941 = arith.constant 1 : i32
        %add3A_942 = arith.addi %add3A_940, %add3A_941 : i32
        %get3A_943 = arith.index_cast %add3A_942 : i32 to index
        %get3A_944 = arith.constant 112 : index
        %get3A_945 = tpu.vector_load %arg9[%get3A_943, %get3A_944] {strides = array<i32>} : memref<32x256xf32, #tpu.memory_space<vmem>>, vector<16xf32>,
        %swap3A_946 = arith.index_cast %get3A_181 : i32 to index
        %swap3A_947 = arith.constant 112 : index
        %swap3A_948 = tpu.vector_load %arg6[%swap3A_946, %swap3A_947] {strides = array<i32>} : memref<256x256xf32, #tpu.memory_space<vmem>>, vector<16xf32>,
        tpu.vector_store %arg6[%swap3A_946, %swap3A_947], %get3A_753 {add = true, strides = array<i32>} : memref<256x256xf32, #tpu.memory_space<vmem>>, vector<16xf32>,
        %mul3A_949 = arith.constant 8 : i32
        %mul3A_950 = arith.muli %scan3A_161, %mul3A_949 : i32
        %add3A_951 = arith.constant 3 : i32
        %add3A_952 = arith.addi %mul3A_950, %add3A_951 : i32
        %add3A_953 = arith.constant 1 : i32
        %add3A_954 = arith.addi %add3A_952, %add3A_953 : i32
        %get3A_955 = arith.index_cast %add3A_954 : i32 to index
        %get3A_956 = arith.constant 128 : index
        %get3A_957 = tpu.vector_load %arg9[%get3A_955, %get3A_956] {strides = array<i32>} : memref<32x256xf32, #tpu.memory_space<vmem>>, vector<16xf32>,
        %swap3A_958 = arith.index_cast %get3A_181 : i32 to index
        %swap3A_959 = arith.constant 128 : index
        %swap3A_960 = tpu.vector_load %arg6[%swap3A_958, %swap3A_959] {strides = array<i32>} : memref<256x256xf32, #tpu.memory_space<vmem>>, vector<16xf32>,
        tpu.vector_store %arg6[%swap3A_958, %swap3A_959], %get3A_765 {add = true, strides = array<i32>} : memref<256x256xf32, #tpu.memory_space<vmem>>, vector<16xf32>,
        %mul3A_961 = arith.constant 8 : i32
        %mul3A_962 = arith.muli %scan3A_161, %mul3A_961 : i32
        %add3A_963 = arith.constant 3 : i32
        %add3A_964 = arith.addi %mul3A_962, %add3A_963 : i32
        %add3A_965 = arith.constant 1 : i32
        %add3A_966 = arith.addi %add3A_964, %add3A_965 : i32
        %get3A_967 = arith.index_cast %add3A_966 : i32 to index
        %get3A_968 = arith.constant 144 : index
        %get3A_969 = tpu.vector_load %arg9[%get3A_967, %get3A_968] {strides = array<i32>} : memref<32x256xf32, #tpu.memory_space<vmem>>, vector<16xf32>,
        %swap3A_970 = arith.index_cast %get3A_181 : i32 to index
        %swap3A_971 = arith.constant 144 : index
        %swap3A_972 = tpu.vector_load %arg6[%swap3A_970, %swap3A_971] {strides = array<i32>} : memref<256x256xf32, #tpu.memory_space<vmem>>, vector<16xf32>,
        tpu.vector_store %arg6[%swap3A_970, %swap3A_971], %get3A_777 {add = true, strides = array<i32>} : memref<256x256xf32, #tpu.memory_space<vmem>>, vector<16xf32>,
        %mul3A_973 = arith.constant 8 : i32
        %mul3A_974 = arith.muli %scan3A_161, %mul3A_973 : i32
        %add3A_975 = arith.constant 3 : i32
        %add3A_976 = arith.addi %mul3A_974, %add3A_975 : i32
        %add3A_977 = arith.constant 1 : i32
        %add3A_978 = arith.addi %add3A_976, %add3A_977 : i32
        %get3A_979 = arith.index_cast %add3A_978 : i32 to index
        %get3A_980 = arith.constant 160 : index
        %get3A_981 = tpu.vector_load %arg9[%get3A_979, %get3A_980] {strides = array<i32>} : memref<32x256xf32, #tpu.memory_space<vmem>>, vector<16xf32>,
        %swap3A_982 = arith.index_cast %get3A_181 : i32 to index
        %swap3A_983 = arith.constant 160 : index
        %swap3A_984 = tpu.vector_load %arg6[%swap3A_982, %swap3A_983] {strides = array<i32>} : memref<256x256xf32, #tpu.memory_space<vmem>>, vector<16xf32>,
        tpu.vector_store %arg6[%swap3A_982, %swap3A_983], %get3A_789 {add = true, strides = array<i32>} : memref<256x256xf32, #tpu.memory_space<vmem>>, vector<16xf32>,
        %mul3A_985 = arith.constant 8 : i32
        %mul3A_986 = arith.muli %scan3A_161, %mul3A_985 : i32
        %add3A_987 = arith.constant 3 : i32
        %add3A_988 = arith.addi %mul3A_986, %add3A_987 : i32
        %add3A_989 = arith.constant 1 : i32
        %add3A_990 = arith.addi %add3A_988, %add3A_989 : i32
        %get3A_991 = arith.index_cast %add3A_990 : i32 to index
        %get3A_992 = arith.constant 176 : index
        %get3A_993 = tpu.vector_load %arg9[%get3A_991, %get3A_992] {strides = array<i32>} : memref<32x256xf32, #tpu.memory_space<vmem>>, vector<16xf32>,
        %swap3A_994 = arith.index_cast %get3A_181 : i32 to index
        %swap3A_995 = arith.constant 176 : index
        %swap3A_996 = tpu.vector_load %arg6[%swap3A_994, %swap3A_995] {strides = array<i32>} : memref<256x256xf32, #tpu.memory_space<vmem>>, vector<16xf32>,
        tpu.vector_store %arg6[%swap3A_994, %swap3A_995], %get3A_801 {add = true, strides = array<i32>} : memref<256x256xf32, #tpu.memory_space<vmem>>, vector<16xf32>,
        %mul3A_997 = arith.constant 8 : i32
        %mul3A_998 = arith.muli %scan3A_161, %mul3A_997 : i32
        %add3A_999 = arith.constant 3 : i32
        %add3A_1000 = arith.addi %mul3A_998, %add3A_999 : i32
        %add3A_1001 = arith.constant 1 : i32
        %add3A_1002 = arith.addi %add3A_1000, %add3A_1001 : i32
        %get3A_1003 = arith.index_cast %add3A_1002 : i32 to index
        %get3A_1004 = arith.constant 192 : index
        %get3A_1005 = tpu.vector_load %arg9[%get3A_1003, %get3A_1004] {strides = array<i32>} : memref<32x256xf32, #tpu.memory_space<vmem>>, vector<16xf32>,
        %swap3A_1006 = arith.index_cast %get3A_181 : i32 to index
        %swap3A_1007 = arith.constant 192 : index
        %swap3A_1008 = tpu.vector_load %arg6[%swap3A_1006, %swap3A_1007] {strides = array<i32>} : memref<256x256xf32, #tpu.memory_space<vmem>>, vector<16xf32>,
        tpu.vector_store %arg6[%swap3A_1006, %swap3A_1007], %get3A_813 {add = true, strides = array<i32>} : memref<256x256xf32, #tpu.memory_space<vmem>>, vector<16xf32>,
        %mul3A_1009 = arith.constant 8 : i32
        %mul3A_1010 = arith.muli %scan3A_161, %mul3A_1009 : i32
        %add3A_1011 = arith.constant 3 : i32
        %add3A_1012 = arith.addi %mul3A_1010, %add3A_1011 : i32
        %add3A_1013 = arith.constant 1 : i32
        %add3A_1014 = arith.addi %add3A_1012, %add3A_1013 : i32
        %get3A_1015 = arith.index_cast %add3A_1014 : i32 to index
        %get3A_1016 = arith.constant 208 : index
        %get3A_1017 = tpu.vector_load %arg9[%get3A_1015, %get3A_1016] {strides = array<i32>} : memref<32x256xf32, #tpu.memory_space<vmem>>, vector<16xf32>,
        %swap3A_1018 = arith.index_cast %get3A_181 : i32 to index
        %swap3A_1019 = arith.constant 208 : index
        %swap3A_1020 = tpu.vector_load %arg6[%swap3A_1018, %swap3A_1019] {strides = array<i32>} : memref<256x256xf32, #tpu.memory_space<vmem>>, vector<16xf32>,
        tpu.vector_store %arg6[%swap3A_1018, %swap3A_1019], %get3A_825 {add = true, strides = array<i32>} : memref<256x256xf32, #tpu.memory_space<vmem>>, vector<16xf32>,
        %mul3A_1021 = arith.constant 8 : i32
        %mul3A_1022 = arith.muli %scan3A_161, %mul3A_1021 : i32
        %add3A_1023 = arith.constant 3 : i32
        %add3A_1024 = arith.addi %mul3A_1022, %add3A_1023 : i32
        %add3A_1025 = arith.constant 1 : i32
        %add3A_1026 = arith.addi %add3A_1024, %add3A_1025 : i32
        %get3A_1027 = arith.index_cast %add3A_1026 : i32 to index
        %get3A_1028 = arith.constant 224 : index
        %get3A_1029 = tpu.vector_load %arg9[%get3A_1027, %get3A_1028] {strides = array<i32>} : memref<32x256xf32, #tpu.memory_space<vmem>>, vector<16xf32>,
        %swap3A_1030 = arith.index_cast %get3A_181 : i32 to index
        %swap3A_1031 = arith.constant 224 : index
        %swap3A_1032 = tpu.vector_load %arg6[%swap3A_1030, %swap3A_1031] {strides = array<i32>} : memref<256x256xf32, #tpu.memory_space<vmem>>, vector<16xf32>,
        tpu.vector_store %arg6[%swap3A_1030, %swap3A_1031], %get3A_837 {add = true, strides = array<i32>} : memref<256x256xf32, #tpu.memory_space<vmem>>, vector<16xf32>,
        %mul3A_1033 = arith.constant 8 : i32
        %mul3A_1034 = arith.muli %scan3A_161, %mul3A_1033 : i32
        %add3A_1035 = arith.constant 3 : i32
        %add3A_1036 = arith.addi %mul3A_1034, %add3A_1035 : i32
        %add3A_1037 = arith.constant 1 : i32
        %add3A_1038 = arith.addi %add3A_1036, %add3A_1037 : i32
        %get3A_1039 = arith.index_cast %add3A_1038 : i32 to index
        %get3A_1040 = arith.constant 240 : index
        %get3A_1041 = tpu.vector_load %arg9[%get3A_1039, %get3A_1040] {strides = array<i32>} : memref<32x256xf32, #tpu.memory_space<vmem>>, vector<16xf32>,
        %swap3A_1042 = arith.index_cast %get3A_181 : i32 to index
        %swap3A_1043 = arith.constant 240 : index
        %swap3A_1044 = tpu.vector_load %arg6[%swap3A_1042, %swap3A_1043] {strides = array<i32>} : memref<256x256xf32, #tpu.memory_space<vmem>>, vector<16xf32>,
        tpu.vector_store %arg6[%swap3A_1042, %swap3A_1043], %get3A_849 {add = true, strides = array<i32>} : memref<256x256xf32, #tpu.memory_space<vmem>>, vector<16xf32>,
        %mul3A_1045 = arith.constant 8 : i32
        %mul3A_1046 = arith.muli %scan3A_161, %mul3A_1045 : i32
        %add3A_1047 = arith.constant 4 : i32
        %add3A_1048 = arith.addi %mul3A_1046, %add3A_1047 : i32
        %add3A_1049 = arith.constant 1 : i32
        %add3A_1050 = arith.addi %add3A_1048, %add3A_1049 : i32
        %get3A_1051 = arith.index_cast %add3A_1050 : i32 to index
        %get3A_1052 = arith.constant 0 : index
        %get3A_1053 = tpu.vector_load %arg9[%get3A_1051, %get3A_1052] {strides = array<i32>} : memref<32x256xf32, #tpu.memory_space<vmem>>, vector<16xf32>,
        %swap3A_1054 = arith.index_cast %get3A_185 : i32 to index
        %swap3A_1055 = arith.constant 0 : index
        %swap3A_1056 = tpu.vector_load %arg6[%swap3A_1054, %swap3A_1055] {strides = array<i32>} : memref<256x256xf32, #tpu.memory_space<vmem>>, vector<16xf32>,
        tpu.vector_store %arg6[%swap3A_1054, %swap3A_1055], %get3A_861 {add = true, strides = array<i32>} : memref<256x256xf32, #tpu.memory_space<vmem>>, vector<16xf32>,
        %mul3A_1057 = arith.constant 8 : i32
        %mul3A_1058 = arith.muli %scan3A_161, %mul3A_1057 : i32
        %add3A_1059 = arith.constant 4 : i32
        %add3A_1060 = arith.addi %mul3A_1058, %add3A_1059 : i32
        %add3A_1061 = arith.constant 1 : i32
        %add3A_1062 = arith.addi %add3A_1060, %add3A_1061 : i32
        %get3A_1063 = arith.index_cast %add3A_1062 : i32 to index
        %get3A_1064 = arith.constant 16 : index
        %get3A_1065 = tpu.vector_load %arg9[%get3A_1063, %get3A_1064] {strides = array<i32>} : memref<32x256xf32, #tpu.memory_space<vmem>>, vector<16xf32>,
        %swap3A_1066 = arith.index_cast %get3A_185 : i32 to index
        %swap3A_1067 = arith.constant 16 : index
        %swap3A_1068 = tpu.vector_load %arg6[%swap3A_1066, %swap3A_1067] {strides = array<i32>} : memref<256x256xf32, #tpu.memory_space<vmem>>, vector<16xf32>,
        tpu.vector_store %arg6[%swap3A_1066, %swap3A_1067], %get3A_873 {add = true, strides = array<i32>} : memref<256x256xf32, #tpu.memory_space<vmem>>, vector<16xf32>,
        %mul3A_1069 = arith.constant 8 : i32
        %mul3A_1070 = arith.muli %scan3A_161, %mul3A_1069 : i32
        %add3A_1071 = arith.constant 4 : i32
        %add3A_1072 = arith.addi %mul3A_1070, %add3A_1071 : i32
        %add3A_1073 = arith.constant 1 : i32
        %add3A_1074 = arith.addi %add3A_1072, %add3A_1073 : i32
        %get3A_1075 = arith.index_cast %add3A_1074 : i32 to index
        %get3A_1076 = arith.constant 32 : index
        %get3A_1077 = tpu.vector_load %arg9[%get3A_1075, %get3A_1076] {strides = array<i32>} : memref<32x256xf32, #tpu.memory_space<vmem>>, vector<16xf32>,
        %swap3A_1078 = arith.index_cast %get3A_185 : i32 to index
        %swap3A_1079 = arith.constant 32 : index
        %swap3A_1080 = tpu.vector_load %arg6[%swap3A_1078, %swap3A_1079] {strides = array<i32>} : memref<256x256xf32, #tpu.memory_space<vmem>>, vector<16xf32>,
        tpu.vector_store %arg6[%swap3A_1078, %swap3A_1079], %get3A_885 {add = true, strides = array<i32>} : memref<256x256xf32, #tpu.memory_space<vmem>>, vector<16xf32>,
        %mul3A_1081 = arith.constant 8 : i32
        %mul3A_1082 = arith.muli %scan3A_161, %mul3A_1081 : i32
        %add3A_1083 = arith.constant 4 : i32
        %add3A_1084 = arith.addi %mul3A_1082, %add3A_1083 : i32
        %add3A_1085 = arith.constant 1 : i32
        %add3A_1086 = arith.addi %add3A_1084, %add3A_1085 : i32
        %get3A_1087 = arith.index_cast %add3A_1086 : i32 to index
        %get3A_1088 = arith.constant 48 : index
        %get3A_1089 = tpu.vector_load %arg9[%get3A_1087, %get3A_1088] {strides = array<i32>} : memref<32x256xf32, #tpu.memory_space<vmem>>, vector<16xf32>,
        %swap3A_1090 = arith.index_cast %get3A_185 : i32 to index
        %swap3A_1091 = arith.constant 48 : index
        %swap3A_1092 = tpu.vector_load %arg6[%swap3A_1090, %swap3A_1091] {strides = array<i32>} : memref<256x256xf32, #tpu.memory_space<vmem>>, vector<16xf32>,
        tpu.vector_store %arg6[%swap3A_1090, %swap3A_1091], %get3A_897 {add = true, strides = array<i32>} : memref<256x256xf32, #tpu.memory_space<vmem>>, vector<16xf32>,
        %mul3A_1093 = arith.constant 8 : i32
        %mul3A_1094 = arith.muli %scan3A_161, %mul3A_1093 : i32
        %add3A_1095 = arith.constant 4 : i32
        %add3A_1096 = arith.addi %mul3A_1094, %add3A_1095 : i32
        %add3A_1097 = arith.constant 1 : i32
        %add3A_1098 = arith.addi %add3A_1096, %add3A_1097 : i32
        %get3A_1099 = arith.index_cast %add3A_1098 : i32 to index
        %get3A_1100 = arith.constant 64 : index
        %get3A_1101 = tpu.vector_load %arg9[%get3A_1099, %get3A_1100] {strides = array<i32>} : memref<32x256xf32, #tpu.memory_space<vmem>>, vector<16xf32>,
        %swap3A_1102 = arith.index_cast %get3A_185 : i32 to index
        %swap3A_1103 = arith.constant 64 : index
        %swap3A_1104 = tpu.vector_load %arg6[%swap3A_1102, %swap3A_1103] {strides = array<i32>} : memref<256x256xf32, #tpu.memory_space<vmem>>, vector<16xf32>,
        tpu.vector_store %arg6[%swap3A_1102, %swap3A_1103], %get3A_909 {add = true, strides = array<i32>} : memref<256x256xf32, #tpu.memory_space<vmem>>, vector<16xf32>,
        %mul3A_1105 = arith.constant 8 : i32
        %mul3A_1106 = arith.muli %scan3A_161, %mul3A_1105 : i32
        %add3A_1107 = arith.constant 4 : i32
        %add3A_1108 = arith.addi %mul3A_1106, %add3A_1107 : i32
        %add3A_1109 = arith.constant 1 : i32
        %add3A_1110 = arith.addi %add3A_1108, %add3A_1109 : i32
        %get3A_1111 = arith.index_cast %add3A_1110 : i32 to index
        %get3A_1112 = arith.constant 80 : index
        %get3A_1113 = tpu.vector_load %arg9[%get3A_1111, %get3A_1112] {strides = array<i32>} : memref<32x256xf32, #tpu.memory_space<vmem>>, vector<16xf32>,
        %swap3A_1114 = arith.index_cast %get3A_185 : i32 to index
        %swap3A_1115 = arith.constant 80 : index
        %swap3A_1116 = tpu.vector_load %arg6[%swap3A_1114, %swap3A_1115] {strides = array<i32>} : memref<256x256xf32, #tpu.memory_space<vmem>>, vector<16xf32>,
        tpu.vector_store %arg6[%swap3A_1114, %swap3A_1115], %get3A_921 {add = true, strides = array<i32>} : memref<256x256xf32, #tpu.memory_space<vmem>>, vector<16xf32>,
        %mul3A_1117 = arith.constant 8 : i32
        %mul3A_1118 = arith.muli %scan3A_161, %mul3A_1117 : i32
        %add3A_1119 = arith.constant 4 : i32
        %add3A_1120 = arith.addi %mul3A_1118, %add3A_1119 : i32
        %add3A_1121 = arith.constant 1 : i32
        %add3A_1122 = arith.addi %add3A_1120, %add3A_1121 : i32
        %get3A_1123 = arith.index_cast %add3A_1122 : i32 to index
        %get3A_1124 = arith.constant 96 : index
        %get3A_1125 = tpu.vector_load %arg9[%get3A_1123, %get3A_1124] {strides = array<i32>} : memref<32x256xf32, #tpu.memory_space<vmem>>, vector<16xf32>,
        %swap3A_1126 = arith.index_cast %get3A_185 : i32 to index
        %swap3A_1127 = arith.constant 96 : index
        %swap3A_1128 = tpu.vector_load %arg6[%swap3A_1126, %swap3A_1127] {strides = array<i32>} : memref<256x256xf32, #tpu.memory_space<vmem>>, vector<16xf32>,
        tpu.vector_store %arg6[%swap3A_1126, %swap3A_1127], %get3A_933 {add = true, strides = array<i32>} : memref<256x256xf32, #tpu.memory_space<vmem>>, vector<16xf32>,
        %mul3A_1129 = arith.constant 8 : i32
        %mul3A_1130 = arith.muli %scan3A_161, %mul3A_1129 : i32
        %add3A_1131 = arith.constant 4 : i32
        %add3A_1132 = arith.addi %mul3A_1130, %add3A_1131 : i32
        %add3A_1133 = arith.constant 1 : i32
        %add3A_1134 = arith.addi %add3A_1132, %add3A_1133 : i32
        %get3A_1135 = arith.index_cast %add3A_1134 : i32 to index
        %get3A_1136 = arith.constant 112 : index
        %get3A_1137 = tpu.vector_load %arg9[%get3A_1135, %get3A_1136] {strides = array<i32>} : memref<32x256xf32, #tpu.memory_space<vmem>>, vector<16xf32>,
        %swap3A_1138 = arith.index_cast %get3A_185 : i32 to index
        %swap3A_1139 = arith.constant 112 : index
        %swap3A_1140 = tpu.vector_load %arg6[%swap3A_1138, %swap3A_1139] {strides = array<i32>} : memref<256x256xf32, #tpu.memory_space<vmem>>, vector<16xf32>,
        tpu.vector_store %arg6[%swap3A_1138, %swap3A_1139], %get3A_945 {add = true, strides = array<i32>} : memref<256x256xf32, #tpu.memory_space<vmem>>, vector<16xf32>,
        %mul3A_1141 = arith.constant 8 : i32
        %mul3A_1142 = arith.muli %scan3A_161, %mul3A_1141 : i32
        %add3A_1143 = arith.constant 4 : i32
        %add3A_1144 = arith.addi %mul3A_1142, %add3A_1143 : i32
        %add3A_1145 = arith.constant 1 : i32
        %add3A_1146 = arith.addi %add3A_1144, %add3A_1145 : i32
        %get3A_1147 = arith.index_cast %add3A_1146 : i32 to index
        %get3A_1148 = arith.constant 128 : index
        %get3A_1149 = tpu.vector_load %arg9[%get3A_1147, %get3A_1148] {strides = array<i32>} : memref<32x256xf32, #tpu.memory_space<vmem>>, vector<16xf32>,
        %swap3A_1150 = arith.index_cast %get3A_185 : i32 to index
        %swap3A_1151 = arith.constant 128 : index
        %swap3A_1152 = tpu.vector_load %arg6[%swap3A_1150, %swap3A_1151] {strides = array<i32>} : memref<256x256xf32, #tpu.memory_space<vmem>>, vector<16xf32>,
        tpu.vector_store %arg6[%swap3A_1150, %swap3A_1151], %get3A_957 {add = true, strides = array<i32>} : memref<256x256xf32, #tpu.memory_space<vmem>>, vector<16xf32>,
        %mul3A_1153 = arith.constant 8 : i32
        %mul3A_1154 = arith.muli %scan3A_161, %mul3A_1153 : i32
        %add3A_1155 = arith.constant 4 : i32
        %add3A_1156 = arith.addi %mul3A_1154, %add3A_1155 : i32
        %add3A_1157 = arith.constant 1 : i32
        %add3A_1158 = arith.addi %add3A_1156, %add3A_1157 : i32
        %get3A_1159 = arith.index_cast %add3A_1158 : i32 to index
        %get3A_1160 = arith.constant 144 : index
        %get3A_1161 = tpu.vector_load %arg9[%get3A_1159, %get3A_1160] {strides = array<i32>} : memref<32x256xf32, #tpu.memory_space<vmem>>, vector<16xf32>,
        %swap3A_1162 = arith.index_cast %get3A_185 : i32 to index
        %swap3A_1163 = arith.constant 144 : index
        %swap3A_1164 = tpu.vector_load %arg6[%swap3A_1162, %swap3A_1163] {strides = array<i32>} : memref<256x256xf32, #tpu.memory_space<vmem>>, vector<16xf32>,
        tpu.vector_store %arg6[%swap3A_1162, %swap3A_1163], %get3A_969 {add = true, strides = array<i32>} : memref<256x256xf32, #tpu.memory_space<vmem>>, vector<16xf32>,
        %mul3A_1165 = arith.constant 8 : i32
        %mul3A_1166 = arith.muli %scan3A_161, %mul3A_1165 : i32
        %add3A_1167 = arith.constant 4 : i32
        %add3A_1168 = arith.addi %mul3A_1166, %add3A_1167 : i32
        %add3A_1169 = arith.constant 1 : i32
        %add3A_1170 = arith.addi %add3A_1168, %add3A_1169 : i32
        %get3A_1171 = arith.index_cast %add3A_1170 : i32 to index
        %get3A_1172 = arith.constant 160 : index
        %get3A_1173 = tpu.vector_load %arg9[%get3A_1171, %get3A_1172] {strides = array<i32>} : memref<32x256xf32, #tpu.memory_space<vmem>>, vector<16xf32>,
        %swap3A_1174 = arith.index_cast %get3A_185 : i32 to index
        %swap3A_1175 = arith.constant 160 : index
        %swap3A_1176 = tpu.vector_load %arg6[%swap3A_1174, %swap3A_1175] {strides = array<i32>} : memref<256x256xf32, #tpu.memory_space<vmem>>, vector<16xf32>,
        tpu.vector_store %arg6[%swap3A_1174, %swap3A_1175], %get3A_981 {add = true, strides = array<i32>} : memref<256x256xf32, #tpu.memory_space<vmem>>, vector<16xf32>,
        %mul3A_1177 = arith.constant 8 : i32
        %mul3A_1178 = arith.muli %scan3A_161, %mul3A_1177 : i32
        %add3A_1179 = arith.constant 4 : i32
        %add3A_1180 = arith.addi %mul3A_1178, %add3A_1179 : i32
        %add3A_1181 = arith.constant 1 : i32
        %add3A_1182 = arith.addi %add3A_1180, %add3A_1181 : i32
        %get3A_1183 = arith.index_cast %add3A_1182 : i32 to index
        %get3A_1184 = arith.constant 176 : index
        %get3A_1185 = tpu.vector_load %arg9[%get3A_1183, %get3A_1184] {strides = array<i32>} : memref<32x256xf32, #tpu.memory_space<vmem>>, vector<16xf32>,
        %swap3A_1186 = arith.index_cast %get3A_185 : i32 to index
        %swap3A_1187 = arith.constant 176 : index
        %swap3A_1188 = tpu.vector_load %arg6[%swap3A_1186, %swap3A_1187] {strides = array<i32>} : memref<256x256xf32, #tpu.memory_space<vmem>>, vector<16xf32>,
        tpu.vector_store %arg6[%swap3A_1186, %swap3A_1187], %get3A_993 {add = true, strides = array<i32>} : memref<256x256xf32, #tpu.memory_space<vmem>>, vector<16xf32>,
        %mul3A_1189 = arith.constant 8 : i32
        %mul3A_1190 = arith.muli %scan3A_161, %mul3A_1189 : i32
        %add3A_1191 = arith.constant 4 : i32
        %add3A_1192 = arith.addi %mul3A_1190, %add3A_1191 : i32
        %add3A_1193 = arith.constant 1 : i32
        %add3A_1194 = arith.addi %add3A_1192, %add3A_1193 : i32
        %get3A_1195 = arith.index_cast %add3A_1194 : i32 to index
        %get3A_1196 = arith.constant 192 : index
        %get3A_1197 = tpu.vector_load %arg9[%get3A_1195, %get3A_1196] {strides = array<i32>} : memref<32x256xf32, #tpu.memory_space<vmem>>, vector<16xf32>,
        %swap3A_1198 = arith.index_cast %get3A_185 : i32 to index
        %swap3A_1199 = arith.constant 192 : index
        %swap3A_1200 = tpu.vector_load %arg6[%swap3A_1198, %swap3A_1199] {strides = array<i32>} : memref<256x256xf32, #tpu.memory_space<vmem>>, vector<16xf32>,
        tpu.vector_store %arg6[%swap3A_1198, %swap3A_1199], %get3A_1005 {add = true, strides = array<i32>} : memref<256x256xf32, #tpu.memory_space<vmem>>, vector<16xf32>,
        %mul3A_1201 = arith.constant 8 : i32
        %mul3A_1202 = arith.muli %scan3A_161, %mul3A_1201 : i32
        %add3A_1203 = arith.constant 4 : i32
        %add3A_1204 = arith.addi %mul3A_1202, %add3A_1203 : i32
        %add3A_1205 = arith.constant 1 : i32
        %add3A_1206 = arith.addi %add3A_1204, %add3A_1205 : i32
        %get3A_1207 = arith.index_cast %add3A_1206 : i32 to index
        %get3A_1208 = arith.constant 208 : index
        %get3A_1209 = tpu.vector_load %arg9[%get3A_1207, %get3A_1208] {strides = array<i32>} : memref<32x256xf32, #tpu.memory_space<vmem>>, vector<16xf32>,
        %swap3A_1210 = arith.index_cast %get3A_185 : i32 to index
        %swap3A_1211 = arith.constant 208 : index
        %swap3A_1212 = tpu.vector_load %arg6[%swap3A_1210, %swap3A_1211] {strides = array<i32>} : memref<256x256xf32, #tpu.memory_space<vmem>>, vector<16xf32>,
        tpu.vector_store %arg6[%swap3A_1210, %swap3A_1211], %get3A_1017 {add = true, strides = array<i32>} : memref<256x256xf32, #tpu.memory_space<vmem>>, vector<16xf32>,
        %mul3A_1213 = arith.constant 8 : i32
        %mul3A_1214 = arith.muli %scan3A_161, %mul3A_1213 : i32
        %add3A_1215 = arith.constant 4 : i32
        %add3A_1216 = arith.addi %mul3A_1214, %add3A_1215 : i32
        %add3A_1217 = arith.constant 1 : i32
        %add3A_1218 = arith.addi %add3A_1216, %add3A_1217 : i32
        %get3A_1219 = arith.index_cast %add3A_1218 : i32 to index
        %get3A_1220 = arith.constant 224 : index
        %get3A_1221 = tpu.vector_load %arg9[%get3A_1219, %get3A_1220] {strides = array<i32>} : memref<32x256xf32, #tpu.memory_space<vmem>>, vector<16xf32>,
        %swap3A_1222 = arith.index_cast %get3A_185 : i32 to index
        %swap3A_1223 = arith.constant 224 : index
        %swap3A_1224 = tpu.vector_load %arg6[%swap3A_1222, %swap3A_1223] {strides = array<i32>} : memref<256x256xf32, #tpu.memory_space<vmem>>, vector<16xf32>,
        tpu.vector_store %arg6[%swap3A_1222, %swap3A_1223], %get3A_1029 {add = true, strides = array<i32>} : memref<256x256xf32, #tpu.memory_space<vmem>>, vector<16xf32>,
        %mul3A_1225 = arith.constant 8 : i32
        %mul3A_1226 = arith.muli %scan3A_161, %mul3A_1225 : i32
        %add3A_1227 = arith.constant 4 : i32
        %add3A_1228 = arith.addi %mul3A_1226, %add3A_1227 : i32
        %add3A_1229 = arith.constant 1 : i32
        %add3A_1230 = arith.addi %add3A_1228, %add3A_1229 : i32
        %get3A_1231 = arith.index_cast %add3A_1230 : i32 to index
        %get3A_1232 = arith.constant 240 : index
        %get3A_1233 = tpu.vector_load %arg9[%get3A_1231, %get3A_1232] {strides = array<i32>} : memref<32x256xf32, #tpu.memory_space<vmem>>, vector<16xf32>,
        %swap3A_1234 = arith.index_cast %get3A_185 : i32 to index
        %swap3A_1235 = arith.constant 240 : index
        %swap3A_1236 = tpu.vector_load %arg6[%swap3A_1234, %swap3A_1235] {strides = array<i32>} : memref<256x256xf32, #tpu.memory_space<vmem>>, vector<16xf32>,
        tpu.vector_store %arg6[%swap3A_1234, %swap3A_1235], %get3A_1041 {add = true, strides = array<i32>} : memref<256x256xf32, #tpu.memory_space<vmem>>, vector<16xf32>,
        %mul3A_1237 = arith.constant 8 : i32
        %mul3A_1238 = arith.muli %scan3A_161, %mul3A_1237 : i32
        %add3A_1239 = arith.constant 5 : i32
        %add3A_1240 = arith.addi %mul3A_1238, %add3A_1239 : i32
        %add3A_1241 = arith.constant 1 : i32
        %add3A_1242 = arith.addi %add3A_1240, %add3A_1241 : i32
        %get3A_1243 = arith.index_cast %add3A_1242 : i32 to index
        %get3A_1244 = arith.constant 0 : index
        %get3A_1245 = tpu.vector_load %arg9[%get3A_1243, %get3A_1244] {strides = array<i32>} : memref<32x256xf32, #tpu.memory_space<vmem>>, vector<16xf32>,
        %swap3A_1246 = arith.index_cast %get3A_189 : i32 to index
        %swap3A_1247 = arith.constant 0 : index
        %swap3A_1248 = tpu.vector_load %arg6[%swap3A_1246, %swap3A_1247] {strides = array<i32>} : memref<256x256xf32, #tpu.memory_space<vmem>>, vector<16xf32>,
        tpu.vector_store %arg6[%swap3A_1246, %swap3A_1247], %get3A_1053 {add = true, strides = array<i32>} : memref<256x256xf32, #tpu.memory_space<vmem>>, vector<16xf32>,
        %mul3A_1249 = arith.constant 8 : i32
        %mul3A_1250 = arith.muli %scan3A_161, %mul3A_1249 : i32
        %add3A_1251 = arith.constant 5 : i32
        %add3A_1252 = arith.addi %mul3A_1250, %add3A_1251 : i32
        %add3A_1253 = arith.constant 1 : i32
        %add3A_1254 = arith.addi %add3A_1252, %add3A_1253 : i32
        %get3A_1255 = arith.index_cast %add3A_1254 : i32 to index
        %get3A_1256 = arith.constant 16 : index
        %get3A_1257 = tpu.vector_load %arg9[%get3A_1255, %get3A_1256] {strides = array<i32>} : memref<32x256xf32, #tpu.memory_space<vmem>>, vector<16xf32>,
        %swap3A_1258 = arith.index_cast %get3A_189 : i32 to index
        %swap3A_1259 = arith.constant 16 : index
        %swap3A_1260 = tpu.vector_load %arg6[%swap3A_1258, %swap3A_1259] {strides = array<i32>} : memref<256x256xf32, #tpu.memory_space<vmem>>, vector<16xf32>,
        tpu.vector_store %arg6[%swap3A_1258, %swap3A_1259], %get3A_1065 {add = true, strides = array<i32>} : memref<256x256xf32, #tpu.memory_space<vmem>>, vector<16xf32>,
        %mul3A_1261 = arith.constant 8 : i32
        %mul3A_1262 = arith.muli %scan3A_161, %mul3A_1261 : i32
        %add3A_1263 = arith.constant 5 : i32
        %add3A_1264 = arith.addi %mul3A_1262, %add3A_1263 : i32
        %add3A_1265 = arith.constant 1 : i32
        %add3A_1266 = arith.addi %add3A_1264, %add3A_1265 : i32
        %get3A_1267 = arith.index_cast %add3A_1266 : i32 to index
        %get3A_1268 = arith.constant 32 : index
        %get3A_1269 = tpu.vector_load %arg9[%get3A_1267, %get3A_1268] {strides = array<i32>} : memref<32x256xf32, #tpu.memory_space<vmem>>, vector<16xf32>,
        %swap3A_1270 = arith.index_cast %get3A_189 : i32 to index
        %swap3A_1271 = arith.constant 32 : index
        %swap3A_1272 = tpu.vector_load %arg6[%swap3A_1270, %swap3A_1271] {strides = array<i32>} : memref<256x256xf32, #tpu.memory_space<vmem>>, vector<16xf32>,
        tpu.vector_store %arg6[%swap3A_1270, %swap3A_1271], %get3A_1077 {add = true, strides = array<i32>} : memref<256x256xf32, #tpu.memory_space<vmem>>, vector<16xf32>,
        %mul3A_1273 = arith.constant 8 : i32
        %mul3A_1274 = arith.muli %scan3A_161, %mul3A_1273 : i32
        %add3A_1275 = arith.constant 5 : i32
        %add3A_1276 = arith.addi %mul3A_1274, %add3A_1275 : i32
        %add3A_1277 = arith.constant 1 : i32
        %add3A_1278 = arith.addi %add3A_1276, %add3A_1277 : i32
        %get3A_1279 = arith.index_cast %add3A_1278 : i32 to index
        %get3A_1280 = arith.constant 48 : index
        %get3A_1281 = tpu.vector_load %arg9[%get3A_1279, %get3A_1280] {strides = array<i32>} : memref<32x256xf32, #tpu.memory_space<vmem>>, vector<16xf32>,
        %swap3A_1282 = arith.index_cast %get3A_189 : i32 to index
        %swap3A_1283 = arith.constant 48 : index
        %swap3A_1284 = tpu.vector_load %arg6[%swap3A_1282, %swap3A_1283] {strides = array<i32>} : memref<256x256xf32, #tpu.memory_space<vmem>>, vector<16xf32>,
        tpu.vector_store %arg6[%swap3A_1282, %swap3A_1283], %get3A_1089 {add = true, strides = array<i32>} : memref<256x256xf32, #tpu.memory_space<vmem>>, vector<16xf32>,
        %mul3A_1285 = arith.constant 8 : i32
        %mul3A_1286 = arith.muli %scan3A_161, %mul3A_1285 : i32
        %add3A_1287 = arith.constant 5 : i32
        %add3A_1288 = arith.addi %mul3A_1286, %add3A_1287 : i32
        %add3A_1289 = arith.constant 1 : i32
        %add3A_1290 = arith.addi %add3A_1288, %add3A_1289 : i32
        %get3A_1291 = arith.index_cast %add3A_1290 : i32 to index
        %get3A_1292 = arith.constant 64 : index
        %get3A_1293 = tpu.vector_load %arg9[%get3A_1291, %get3A_1292] {strides = array<i32>} : memref<32x256xf32, #tpu.memory_space<vmem>>, vector<16xf32>,
        %swap3A_1294 = arith.index_cast %get3A_189 : i32 to index
        %swap3A_1295 = arith.constant 64 : index
        %swap3A_1296 = tpu.vector_load %arg6[%swap3A_1294, %swap3A_1295] {strides = array<i32>} : memref<256x256xf32, #tpu.memory_space<vmem>>, vector<16xf32>,
        tpu.vector_store %arg6[%swap3A_1294, %swap3A_1295], %get3A_1101 {add = true, strides = array<i32>} : memref<256x256xf32, #tpu.memory_space<vmem>>, vector<16xf32>,
        %mul3A_1297 = arith.constant 8 : i32
        %mul3A_1298 = arith.muli %scan3A_161, %mul3A_1297 : i32
        %add3A_1299 = arith.constant 5 : i32
        %add3A_1300 = arith.addi %mul3A_1298, %add3A_1299 : i32
        %add3A_1301 = arith.constant 1 : i32
        %add3A_1302 = arith.addi %add3A_1300, %add3A_1301 : i32
        %get3A_1303 = arith.index_cast %add3A_1302 : i32 to index
        %get3A_1304 = arith.constant 80 : index
        %get3A_1305 = tpu.vector_load %arg9[%get3A_1303, %get3A_1304] {strides = array<i32>} : memref<32x256xf32, #tpu.memory_space<vmem>>, vector<16xf32>,
        %swap3A_1306 = arith.index_cast %get3A_189 : i32 to index
        %swap3A_1307 = arith.constant 80 : index
        %swap3A_1308 = tpu.vector_load %arg6[%swap3A_1306, %swap3A_1307] {strides = array<i32>} : memref<256x256xf32, #tpu.memory_space<vmem>>, vector<16xf32>,
        tpu.vector_store %arg6[%swap3A_1306, %swap3A_1307], %get3A_1113 {add = true, strides = array<i32>} : memref<256x256xf32, #tpu.memory_space<vmem>>, vector<16xf32>,
        %mul3A_1309 = arith.constant 8 : i32
        %mul3A_1310 = arith.muli %scan3A_161, %mul3A_1309 : i32
        %add3A_1311 = arith.constant 5 : i32
        %add3A_1312 = arith.addi %mul3A_1310, %add3A_1311 : i32
        %add3A_1313 = arith.constant 1 : i32
        %add3A_1314 = arith.addi %add3A_1312, %add3A_1313 : i32
        %get3A_1315 = arith.index_cast %add3A_1314 : i32 to index
        %get3A_1316 = arith.constant 96 : index
        %get3A_1317 = tpu.vector_load %arg9[%get3A_1315, %get3A_1316] {strides = array<i32>} : memref<32x256xf32, #tpu.memory_space<vmem>>, vector<16xf32>,
        %swap3A_1318 = arith.index_cast %get3A_189 : i32 to index
        %swap3A_1319 = arith.constant 96 : index
        %swap3A_1320 = tpu.vector_load %arg6[%swap3A_1318, %swap3A_1319] {strides = array<i32>} : memref<256x256xf32, #tpu.memory_space<vmem>>, vector<16xf32>,
        tpu.vector_store %arg6[%swap3A_1318, %swap3A_1319], %get3A_1125 {add = true, strides = array<i32>} : memref<256x256xf32, #tpu.memory_space<vmem>>, vector<16xf32>,
        %mul3A_1321 = arith.constant 8 : i32
        %mul3A_1322 = arith.muli %scan3A_161, %mul3A_1321 : i32
        %add3A_1323 = arith.constant 5 : i32
        %add3A_1324 = arith.addi %mul3A_1322, %add3A_1323 : i32
        %add3A_1325 = arith.constant 1 : i32
        %add3A_1326 = arith.addi %add3A_1324, %add3A_1325 : i32
        %get3A_1327 = arith.index_cast %add3A_1326 : i32 to index
        %get3A_1328 = arith.constant 112 : index
        %get3A_1329 = tpu.vector_load %arg9[%get3A_1327, %get3A_1328] {strides = array<i32>} : memref<32x256xf32, #tpu.memory_space<vmem>>, vector<16xf32>,
        %swap3A_1330 = arith.index_cast %get3A_189 : i32 to index
        %swap3A_1331 = arith.constant 112 : index
        %swap3A_1332 = tpu.vector_load %arg6[%swap3A_1330, %swap3A_1331] {strides = array<i32>} : memref<256x256xf32, #tpu.memory_space<vmem>>, vector<16xf32>,
        tpu.vector_store %arg6[%swap3A_1330, %swap3A_1331], %get3A_1137 {add = true, strides = array<i32>} : memref<256x256xf32, #tpu.memory_space<vmem>>, vector<16xf32>,
        %mul3A_1333 = arith.constant 8 : i32
        %mul3A_1334 = arith.muli %scan3A_161, %mul3A_1333 : i32
        %add3A_1335 = arith.constant 5 : i32
        %add3A_1336 = arith.addi %mul3A_1334, %add3A_1335 : i32
        %add3A_1337 = arith.constant 1 : i32
        %add3A_1338 = arith.addi %add3A_1336, %add3A_1337 : i32
        %get3A_1339 = arith.index_cast %add3A_1338 : i32 to index
        %get3A_1340 = arith.constant 128 : index
        %get3A_1341 = tpu.vector_load %arg9[%get3A_1339, %get3A_1340] {strides = array<i32>} : memref<32x256xf32, #tpu.memory_space<vmem>>, vector<16xf32>,
        %swap3A_1342 = arith.index_cast %get3A_189 : i32 to index
        %swap3A_1343 = arith.constant 128 : index
        %swap3A_1344 = tpu.vector_load %arg6[%swap3A_1342, %swap3A_1343] {strides = array<i32>} : memref<256x256xf32, #tpu.memory_space<vmem>>, vector<16xf32>,
        tpu.vector_store %arg6[%swap3A_1342, %swap3A_1343], %get3A_1149 {add = true, strides = array<i32>} : memref<256x256xf32, #tpu.memory_space<vmem>>, vector<16xf32>,
        %mul3A_1345 = arith.constant 8 : i32
        %mul3A_1346 = arith.muli %scan3A_161, %mul3A_1345 : i32
        %add3A_1347 = arith.constant 5 : i32
        %add3A_1348 = arith.addi %mul3A_1346, %add3A_1347 : i32
        %add3A_1349 = arith.constant 1 : i32
        %add3A_1350 = arith.addi %add3A_1348, %add3A_1349 : i32
        %get3A_1351 = arith.index_cast %add3A_1350 : i32 to index
        %get3A_1352 = arith.constant 144 : index
        %get3A_1353 = tpu.vector_load %arg9[%get3A_1351, %get3A_1352] {strides = array<i32>} : memref<32x256xf32, #tpu.memory_space<vmem>>, vector<16xf32>,
        %swap3A_1354 = arith.index_cast %get3A_189 : i32 to index
        %swap3A_1355 = arith.constant 144 : index
        %swap3A_1356 = tpu.vector_load %arg6[%swap3A_1354, %swap3A_1355] {strides = array<i32>} : memref<256x256xf32, #tpu.memory_space<vmem>>, vector<16xf32>,
        tpu.vector_store %arg6[%swap3A_1354, %swap3A_1355], %get3A_1161 {add = true, strides = array<i32>} : memref<256x256xf32, #tpu.memory_space<vmem>>, vector<16xf32>,
        %mul3A_1357 = arith.constant 8 : i32
        %mul3A_1358 = arith.muli %scan3A_161, %mul3A_1357 : i32
        %add3A_1359 = arith.constant 5 : i32
        %add3A_1360 = arith.addi %mul3A_1358, %add3A_1359 : i32
        %add3A_1361 = arith.constant 1 : i32
        %add3A_1362 = arith.addi %add3A_1360, %add3A_1361 : i32
        %get3A_1363 = arith.index_cast %add3A_1362 : i32 to index
        %get3A_1364 = arith.constant 160 : index
        %get3A_1365 = tpu.vector_load %arg9[%get3A_1363, %get3A_1364] {strides = array<i32>} : memref<32x256xf32, #tpu.memory_space<vmem>>, vector<16xf32>,
        %swap3A_1366 = arith.index_cast %get3A_189 : i32 to index
        %swap3A_1367 = arith.constant 160 : index
        %swap3A_1368 = tpu.vector_load %arg6[%swap3A_1366, %swap3A_1367] {strides = array<i32>} : memref<256x256xf32, #tpu.memory_space<vmem>>, vector<16xf32>,
        tpu.vector_store %arg6[%swap3A_1366, %swap3A_1367], %get3A_1173 {add = true, strides = array<i32>} : memref<256x256xf32, #tpu.memory_space<vmem>>, vector<16xf32>,
        %mul3A_1369 = arith.constant 8 : i32
        %mul3A_1370 = arith.muli %scan3A_161, %mul3A_1369 : i32
        %add3A_1371 = arith.constant 5 : i32
        %add3A_1372 = arith.addi %mul3A_1370, %add3A_1371 : i32
        %add3A_1373 = arith.constant 1 : i32
        %add3A_1374 = arith.addi %add3A_1372, %add3A_1373 : i32
        %get3A_1375 = arith.index_cast %add3A_1374 : i32 to index
        %get3A_1376 = arith.constant 176 : index
        %get3A_1377 = tpu.vector_load %arg9[%get3A_1375, %get3A_1376] {strides = array<i32>} : memref<32x256xf32, #tpu.memory_space<vmem>>, vector<16xf32>,
        %swap3A_1378 = arith.index_cast %get3A_189 : i32 to index
        %swap3A_1379 = arith.constant 176 : index
        %swap3A_1380 = tpu.vector_load %arg6[%swap3A_1378, %swap3A_1379] {strides = array<i32>} : memref<256x256xf32, #tpu.memory_space<vmem>>, vector<16xf32>,
        tpu.vector_store %arg6[%swap3A_1378, %swap3A_1379], %get3A_1185 {add = true, strides = array<i32>} : memref<256x256xf32, #tpu.memory_space<vmem>>, vector<16xf32>,
        %mul3A_1381 = arith.constant 8 : i32
        %mul3A_1382 = arith.muli %scan3A_161, %mul3A_1381 : i32
        %add3A_1383 = arith.constant 5 : i32
        %add3A_1384 = arith.addi %mul3A_1382, %add3A_1383 : i32
        %add3A_1385 = arith.constant 1 : i32
        %add3A_1386 = arith.addi %add3A_1384, %add3A_1385 : i32
        %get3A_1387 = arith.index_cast %add3A_1386 : i32 to index
        %get3A_1388 = arith.constant 192 : index
        %get3A_1389 = tpu.vector_load %arg9[%get3A_1387, %get3A_1388] {strides = array<i32>} : memref<32x256xf32, #tpu.memory_space<vmem>>, vector<16xf32>,
        %swap3A_1390 = arith.index_cast %get3A_189 : i32 to index
        %swap3A_1391 = arith.constant 192 : index
        %swap3A_1392 = tpu.vector_load %arg6[%swap3A_1390, %swap3A_1391] {strides = array<i32>} : memref<256x256xf32, #tpu.memory_space<vmem>>, vector<16xf32>,
        tpu.vector_store %arg6[%swap3A_1390, %swap3A_1391], %get3A_1197 {add = true, strides = array<i32>} : memref<256x256xf32, #tpu.memory_space<vmem>>, vector<16xf32>,
        %mul3A_1393 = arith.constant 8 : i32
        %mul3A_1394 = arith.muli %scan3A_161, %mul3A_1393 : i32
        %add3A_1395 = arith.constant 5 : i32
        %add3A_1396 = arith.addi %mul3A_1394, %add3A_1395 : i32
        %add3A_1397 = arith.constant 1 : i32
        %add3A_1398 = arith.addi %add3A_1396, %add3A_1397 : i32
        %get3A_1399 = arith.index_cast %add3A_1398 : i32 to index
        %get3A_1400 = arith.constant 208 : index
        %get3A_1401 = tpu.vector_load %arg9[%get3A_1399, %get3A_1400] {strides = array<i32>} : memref<32x256xf32, #tpu.memory_space<vmem>>, vector<16xf32>,
        %swap3A_1402 = arith.index_cast %get3A_189 : i32 to index
        %swap3A_1403 = arith.constant 208 : index
        %swap3A_1404 = tpu.vector_load %arg6[%swap3A_1402, %swap3A_1403] {strides = array<i32>} : memref<256x256xf32, #tpu.memory_space<vmem>>, vector<16xf32>,
        tpu.vector_store %arg6[%swap3A_1402, %swap3A_1403], %get3A_1209 {add = true, strides = array<i32>} : memref<256x256xf32, #tpu.memory_space<vmem>>, vector<16xf32>,
        %mul3A_1405 = arith.constant 8 : i32
        %mul3A_1406 = arith.muli %scan3A_161, %mul3A_1405 : i32
        %add3A_1407 = arith.constant 5 : i32
        %add3A_1408 = arith.addi %mul3A_1406, %add3A_1407 : i32
        %add3A_1409 = arith.constant 1 : i32
        %add3A_1410 = arith.addi %add3A_1408, %add3A_1409 : i32
        %get3A_1411 = arith.index_cast %add3A_1410 : i32 to index
        %get3A_1412 = arith.constant 224 : index
        %get3A_1413 = tpu.vector_load %arg9[%get3A_1411, %get3A_1412] {strides = array<i32>} : memref<32x256xf32, #tpu.memory_space<vmem>>, vector<16xf32>,
        %swap3A_1414 = arith.index_cast %get3A_189 : i32 to index
        %swap3A_1415 = arith.constant 224 : index
        %swap3A_1416 = tpu.vector_load %arg6[%swap3A_1414, %swap3A_1415] {strides = array<i32>} : memref<256x256xf32, #tpu.memory_space<vmem>>, vector<16xf32>,
        tpu.vector_store %arg6[%swap3A_1414, %swap3A_1415], %get3A_1221 {add = true, strides = array<i32>} : memref<256x256xf32, #tpu.memory_space<vmem>>, vector<16xf32>,
        %mul3A_1417 = arith.constant 8 : i32
        %mul3A_1418 = arith.muli %scan3A_161, %mul3A_1417 : i32
        %add3A_1419 = arith.constant 5 : i32
        %add3A_1420 = arith.addi %mul3A_1418, %add3A_1419 : i32
        %add3A_1421 = arith.constant 1 : i32
        %add3A_1422 = arith.addi %add3A_1420, %add3A_1421 : i32
        %get3A_1423 = arith.index_cast %add3A_1422 : i32 to index
        %get3A_1424 = arith.constant 240 : index
        %get3A_1425 = tpu.vector_load %arg9[%get3A_1423, %get3A_1424] {strides = array<i32>} : memref<32x256xf32, #tpu.memory_space<vmem>>, vector<16xf32>,
        %swap3A_1426 = arith.index_cast %get3A_189 : i32 to index
        %swap3A_1427 = arith.constant 240 : index
        %swap3A_1428 = tpu.vector_load %arg6[%swap3A_1426, %swap3A_1427] {strides = array<i32>} : memref<256x256xf32, #tpu.memory_space<vmem>>, vector<16xf32>,
        tpu.vector_store %arg6[%swap3A_1426, %swap3A_1427], %get3A_1233 {add = true, strides = array<i32>} : memref<256x256xf32, #tpu.memory_space<vmem>>, vector<16xf32>,
        %mul3A_1429 = arith.constant 8 : i32
        %mul3A_1430 = arith.muli %scan3A_161, %mul3A_1429 : i32
        %add3A_1431 = arith.constant 6 : i32
        %add3A_1432 = arith.addi %mul3A_1430, %add3A_1431 : i32
        %add3A_1433 = arith.constant 1 : i32
        %add3A_1434 = arith.addi %add3A_1432, %add3A_1433 : i32
        %get3A_1435 = arith.index_cast %add3A_1434 : i32 to index
        %get3A_1436 = arith.constant 0 : index
        %get3A_1437 = tpu.vector_load %arg9[%get3A_1435, %get3A_1436] {strides = array<i32>} : memref<32x256xf32, #tpu.memory_space<vmem>>, vector<16xf32>,
        %swap3A_1438 = arith.index_cast %get3A_193 : i32 to index
        %swap3A_1439 = arith.constant 0 : index
        %swap3A_1440 = tpu.vector_load %arg6[%swap3A_1438, %swap3A_1439] {strides = array<i32>} : memref<256x256xf32, #tpu.memory_space<vmem>>, vector<16xf32>,
        tpu.vector_store %arg6[%swap3A_1438, %swap3A_1439], %get3A_1245 {add = true, strides = array<i32>} : memref<256x256xf32, #tpu.memory_space<vmem>>, vector<16xf32>,
        %mul3A_1441 = arith.constant 8 : i32
        %mul3A_1442 = arith.muli %scan3A_161, %mul3A_1441 : i32
        %add3A_1443 = arith.constant 6 : i32
        %add3A_1444 = arith.addi %mul3A_1442, %add3A_1443 : i32
        %add3A_1445 = arith.constant 1 : i32
        %add3A_1446 = arith.addi %add3A_1444, %add3A_1445 : i32
        %get3A_1447 = arith.index_cast %add3A_1446 : i32 to index
        %get3A_1448 = arith.constant 16 : index
        %get3A_1449 = tpu.vector_load %arg9[%get3A_1447, %get3A_1448] {strides = array<i32>} : memref<32x256xf32, #tpu.memory_space<vmem>>, vector<16xf32>,
        %swap3A_1450 = arith.index_cast %get3A_193 : i32 to index
        %swap3A_1451 = arith.constant 16 : index
        %swap3A_1452 = tpu.vector_load %arg6[%swap3A_1450, %swap3A_1451] {strides = array<i32>} : memref<256x256xf32, #tpu.memory_space<vmem>>, vector<16xf32>,
        tpu.vector_store %arg6[%swap3A_1450, %swap3A_1451], %get3A_1257 {add = true, strides = array<i32>} : memref<256x256xf32, #tpu.memory_space<vmem>>, vector<16xf32>,
        %mul3A_1453 = arith.constant 8 : i32
        %mul3A_1454 = arith.muli %scan3A_161, %mul3A_1453 : i32
        %add3A_1455 = arith.constant 6 : i32
        %add3A_1456 = arith.addi %mul3A_1454, %add3A_1455 : i32
        %add3A_1457 = arith.constant 1 : i32
        %add3A_1458 = arith.addi %add3A_1456, %add3A_1457 : i32
        %get3A_1459 = arith.index_cast %add3A_1458 : i32 to index
        %get3A_1460 = arith.constant 32 : index
        %get3A_1461 = tpu.vector_load %arg9[%get3A_1459, %get3A_1460] {strides = array<i32>} : memref<32x256xf32, #tpu.memory_space<vmem>>, vector<16xf32>,
        %swap3A_1462 = arith.index_cast %get3A_193 : i32 to index
        %swap3A_1463 = arith.constant 32 : index
        %swap3A_1464 = tpu.vector_load %arg6[%swap3A_1462, %swap3A_1463] {strides = array<i32>} : memref<256x256xf32, #tpu.memory_space<vmem>>, vector<16xf32>,
        tpu.vector_store %arg6[%swap3A_1462, %swap3A_1463], %get3A_1269 {add = true, strides = array<i32>} : memref<256x256xf32, #tpu.memory_space<vmem>>, vector<16xf32>,
        %mul3A_1465 = arith.constant 8 : i32
        %mul3A_1466 = arith.muli %scan3A_161, %mul3A_1465 : i32
        %add3A_1467 = arith.constant 6 : i32
        %add3A_1468 = arith.addi %mul3A_1466, %add3A_1467 : i32
        %add3A_1469 = arith.constant 1 : i32
        %add3A_1470 = arith.addi %add3A_1468, %add3A_1469 : i32
        %get3A_1471 = arith.index_cast %add3A_1470 : i32 to index
        %get3A_1472 = arith.constant 48 : index
        %get3A_1473 = tpu.vector_load %arg9[%get3A_1471, %get3A_1472] {strides = array<i32>} : memref<32x256xf32, #tpu.memory_space<vmem>>, vector<16xf32>,
        %swap3A_1474 = arith.index_cast %get3A_193 : i32 to index
        %swap3A_1475 = arith.constant 48 : index
        %swap3A_1476 = tpu.vector_load %arg6[%swap3A_1474, %swap3A_1475] {strides = array<i32>} : memref<256x256xf32, #tpu.memory_space<vmem>>, vector<16xf32>,
        tpu.vector_store %arg6[%swap3A_1474, %swap3A_1475], %get3A_1281 {add = true, strides = array<i32>} : memref<256x256xf32, #tpu.memory_space<vmem>>, vector<16xf32>,
        %mul3A_1477 = arith.constant 8 : i32
        %mul3A_1478 = arith.muli %scan3A_161, %mul3A_1477 : i32
        %add3A_1479 = arith.constant 6 : i32
        %add3A_1480 = arith.addi %mul3A_1478, %add3A_1479 : i32
        %add3A_1481 = arith.constant 1 : i32
        %add3A_1482 = arith.addi %add3A_1480, %add3A_1481 : i32
        %get3A_1483 = arith.index_cast %add3A_1482 : i32 to index
        %get3A_1484 = arith.constant 64 : index
        %get3A_1485 = tpu.vector_load %arg9[%get3A_1483, %get3A_1484] {strides = array<i32>} : memref<32x256xf32, #tpu.memory_space<vmem>>, vector<16xf32>,
        %swap3A_1486 = arith.index_cast %get3A_193 : i32 to index
        %swap3A_1487 = arith.constant 64 : index
        %swap3A_1488 = tpu.vector_load %arg6[%swap3A_1486, %swap3A_1487] {strides = array<i32>} : memref<256x256xf32, #tpu.memory_space<vmem>>, vector<16xf32>,
        tpu.vector_store %arg6[%swap3A_1486, %swap3A_1487], %get3A_1293 {add = true, strides = array<i32>} : memref<256x256xf32, #tpu.memory_space<vmem>>, vector<16xf32>,
        %mul3A_1489 = arith.constant 8 : i32
        %mul3A_1490 = arith.muli %scan3A_161, %mul3A_1489 : i32
        %add3A_1491 = arith.constant 6 : i32
        %add3A_1492 = arith.addi %mul3A_1490, %add3A_1491 : i32
        %add3A_1493 = arith.constant 1 : i32
        %add3A_1494 = arith.addi %add3A_1492, %add3A_1493 : i32
        %get3A_1495 = arith.index_cast %add3A_1494 : i32 to index
        %get3A_1496 = arith.constant 80 : index
        %get3A_1497 = tpu.vector_load %arg9[%get3A_1495, %get3A_1496] {strides = array<i32>} : memref<32x256xf32, #tpu.memory_space<vmem>>, vector<16xf32>,
        %swap3A_1498 = arith.index_cast %get3A_193 : i32 to index
        %swap3A_1499 = arith.constant 80 : index
        %swap3A_1500 = tpu.vector_load %arg6[%swap3A_1498, %swap3A_1499] {strides = array<i32>} : memref<256x256xf32, #tpu.memory_space<vmem>>, vector<16xf32>,
        tpu.vector_store %arg6[%swap3A_1498, %swap3A_1499], %get3A_1305 {add = true, strides = array<i32>} : memref<256x256xf32, #tpu.memory_space<vmem>>, vector<16xf32>,
        %mul3A_1501 = arith.constant 8 : i32
        %mul3A_1502 = arith.muli %scan3A_161, %mul3A_1501 : i32
        %add3A_1503 = arith.constant 6 : i32
        %add3A_1504 = arith.addi %mul3A_1502, %add3A_1503 : i32
        %add3A_1505 = arith.constant 1 : i32
        %add3A_1506 = arith.addi %add3A_1504, %add3A_1505 : i32
        %get3A_1507 = arith.index_cast %add3A_1506 : i32 to index
        %get3A_1508 = arith.constant 96 : index
        %get3A_1509 = tpu.vector_load %arg9[%get3A_1507, %get3A_1508] {strides = array<i32>} : memref<32x256xf32, #tpu.memory_space<vmem>>, vector<16xf32>,
        %swap3A_1510 = arith.index_cast %get3A_193 : i32 to index
        %swap3A_1511 = arith.constant 96 : index
        %swap3A_1512 = tpu.vector_load %arg6[%swap3A_1510, %swap3A_1511] {strides = array<i32>} : memref<256x256xf32, #tpu.memory_space<vmem>>, vector<16xf32>,
        tpu.vector_store %arg6[%swap3A_1510, %swap3A_1511], %get3A_1317 {add = true, strides = array<i32>} : memref<256x256xf32, #tpu.memory_space<vmem>>, vector<16xf32>,
        %mul3A_1513 = arith.constant 8 : i32
        %mul3A_1514 = arith.muli %scan3A_161, %mul3A_1513 : i32
        %add3A_1515 = arith.constant 6 : i32
        %add3A_1516 = arith.addi %mul3A_1514, %add3A_1515 : i32
        %add3A_1517 = arith.constant 1 : i32
        %add3A_1518 = arith.addi %add3A_1516, %add3A_1517 : i32
        %get3A_1519 = arith.index_cast %add3A_1518 : i32 to index
        %get3A_1520 = arith.constant 112 : index
        %get3A_1521 = tpu.vector_load %arg9[%get3A_1519, %get3A_1520] {strides = array<i32>} : memref<32x256xf32, #tpu.memory_space<vmem>>, vector<16xf32>,
        %swap3A_1522 = arith.index_cast %get3A_193 : i32 to index
        %swap3A_1523 = arith.constant 112 : index
        %swap3A_1524 = tpu.vector_load %arg6[%swap3A_1522, %swap3A_1523] {strides = array<i32>} : memref<256x256xf32, #tpu.memory_space<vmem>>, vector<16xf32>,
        tpu.vector_store %arg6[%swap3A_1522, %swap3A_1523], %get3A_1329 {add = true, strides = array<i32>} : memref<256x256xf32, #tpu.memory_space<vmem>>, vector<16xf32>,
        %mul3A_1525 = arith.constant 8 : i32
        %mul3A_1526 = arith.muli %scan3A_161, %mul3A_1525 : i32
        %add3A_1527 = arith.constant 6 : i32
        %add3A_1528 = arith.addi %mul3A_1526, %add3A_1527 : i32
        %add3A_1529 = arith.constant 1 : i32
        %add3A_1530 = arith.addi %add3A_1528, %add3A_1529 : i32
        %get3A_1531 = arith.index_cast %add3A_1530 : i32 to index
        %get3A_1532 = arith.constant 128 : index
        %get3A_1533 = tpu.vector_load %arg9[%get3A_1531, %get3A_1532] {strides = array<i32>} : memref<32x256xf32, #tpu.memory_space<vmem>>, vector<16xf32>,
        %swap3A_1534 = arith.index_cast %get3A_193 : i32 to index
        %swap3A_1535 = arith.constant 128 : index
        %swap3A_1536 = tpu.vector_load %arg6[%swap3A_1534, %swap3A_1535] {strides = array<i32>} : memref<256x256xf32, #tpu.memory_space<vmem>>, vector<16xf32>,
        tpu.vector_store %arg6[%swap3A_1534, %swap3A_1535], %get3A_1341 {add = true, strides = array<i32>} : memref<256x256xf32, #tpu.memory_space<vmem>>, vector<16xf32>,
        %mul3A_1537 = arith.constant 8 : i32
        %mul3A_1538 = arith.muli %scan3A_161, %mul3A_1537 : i32
        %add3A_1539 = arith.constant 6 : i32
        %add3A_1540 = arith.addi %mul3A_1538, %add3A_1539 : i32
        %add3A_1541 = arith.constant 1 : i32
        %add3A_1542 = arith.addi %add3A_1540, %add3A_1541 : i32
        %get3A_1543 = arith.index_cast %add3A_1542 : i32 to index
        %get3A_1544 = arith.constant 144 : index
        %get3A_1545 = tpu.vector_load %arg9[%get3A_1543, %get3A_1544] {strides = array<i32>} : memref<32x256xf32, #tpu.memory_space<vmem>>, vector<16xf32>,
        %swap3A_1546 = arith.index_cast %get3A_193 : i32 to index
        %swap3A_1547 = arith.constant 144 : index
        %swap3A_1548 = tpu.vector_load %arg6[%swap3A_1546, %swap3A_1547] {strides = array<i32>} : memref<256x256xf32, #tpu.memory_space<vmem>>, vector<16xf32>,
        tpu.vector_store %arg6[%swap3A_1546, %swap3A_1547], %get3A_1353 {add = true, strides = array<i32>} : memref<256x256xf32, #tpu.memory_space<vmem>>, vector<16xf32>,
        %mul3A_1549 = arith.constant 8 : i32
        %mul3A_1550 = arith.muli %scan3A_161, %mul3A_1549 : i32
        %add3A_1551 = arith.constant 6 : i32
        %add3A_1552 = arith.addi %mul3A_1550, %add3A_1551 : i32
        %add3A_1553 = arith.constant 1 : i32
        %add3A_1554 = arith.addi %add3A_1552, %add3A_1553 : i32
        %get3A_1555 = arith.index_cast %add3A_1554 : i32 to index
        %get3A_1556 = arith.constant 160 : index
        %get3A_1557 = tpu.vector_load %arg9[%get3A_1555, %get3A_1556] {strides = array<i32>} : memref<32x256xf32, #tpu.memory_space<vmem>>, vector<16xf32>,
        %swap3A_1558 = arith.index_cast %get3A_193 : i32 to index
        %swap3A_1559 = arith.constant 160 : index
        %swap3A_1560 = tpu.vector_load %arg6[%swap3A_1558, %swap3A_1559] {strides = array<i32>} : memref<256x256xf32, #tpu.memory_space<vmem>>, vector<16xf32>,
        tpu.vector_store %arg6[%swap3A_1558, %swap3A_1559], %get3A_1365 {add = true, strides = array<i32>} : memref<256x256xf32, #tpu.memory_space<vmem>>, vector<16xf32>,
        %mul3A_1561 = arith.constant 8 : i32
        %mul3A_1562 = arith.muli %scan3A_161, %mul3A_1561 : i32
        %add3A_1563 = arith.constant 6 : i32
        %add3A_1564 = arith.addi %mul3A_1562, %add3A_1563 : i32
        %add3A_1565 = arith.constant 1 : i32
        %add3A_1566 = arith.addi %add3A_1564, %add3A_1565 : i32
        %get3A_1567 = arith.index_cast %add3A_1566 : i32 to index
        %get3A_1568 = arith.constant 176 : index
        %get3A_1569 = tpu.vector_load %arg9[%get3A_1567, %get3A_1568] {strides = array<i32>} : memref<32x256xf32, #tpu.memory_space<vmem>>, vector<16xf32>,
        %swap3A_1570 = arith.index_cast %get3A_193 : i32 to index
        %swap3A_1571 = arith.constant 176 : index
        %swap3A_1572 = tpu.vector_load %arg6[%swap3A_1570, %swap3A_1571] {strides = array<i32>} : memref<256x256xf32, #tpu.memory_space<vmem>>, vector<16xf32>,
        tpu.vector_store %arg6[%swap3A_1570, %swap3A_1571], %get3A_1377 {add = true, strides = array<i32>} : memref<256x256xf32, #tpu.memory_space<vmem>>, vector<16xf32>,
        %mul3A_1573 = arith.constant 8 : i32
        %mul3A_1574 = arith.muli %scan3A_161, %mul3A_1573 : i32
        %add3A_1575 = arith.constant 6 : i32
        %add3A_1576 = arith.addi %mul3A_1574, %add3A_1575 : i32
        %add3A_1577 = arith.constant 1 : i32
        %add3A_1578 = arith.addi %add3A_1576, %add3A_1577 : i32
        %get3A_1579 = arith.index_cast %add3A_1578 : i32 to index
        %get3A_1580 = arith.constant 192 : index
        %get3A_1581 = tpu.vector_load %arg9[%get3A_1579, %get3A_1580] {strides = array<i32>} : memref<32x256xf32, #tpu.memory_space<vmem>>, vector<16xf32>,
        %swap3A_1582 = arith.index_cast %get3A_193 : i32 to index
        %swap3A_1583 = arith.constant 192 : index
        %swap3A_1584 = tpu.vector_load %arg6[%swap3A_1582, %swap3A_1583] {strides = array<i32>} : memref<256x256xf32, #tpu.memory_space<vmem>>, vector<16xf32>,
        tpu.vector_store %arg6[%swap3A_1582, %swap3A_1583], %get3A_1389 {add = true, strides = array<i32>} : memref<256x256xf32, #tpu.memory_space<vmem>>, vector<16xf32>,
        %mul3A_1585 = arith.constant 8 : i32
        %mul3A_1586 = arith.muli %scan3A_161, %mul3A_1585 : i32
        %add3A_1587 = arith.constant 6 : i32
        %add3A_1588 = arith.addi %mul3A_1586, %add3A_1587 : i32
        %add3A_1589 = arith.constant 1 : i32
        %add3A_1590 = arith.addi %add3A_1588, %add3A_1589 : i32
        %get3A_1591 = arith.index_cast %add3A_1590 : i32 to index
        %get3A_1592 = arith.constant 208 : index
        %get3A_1593 = tpu.vector_load %arg9[%get3A_1591, %get3A_1592] {strides = array<i32>} : memref<32x256xf32, #tpu.memory_space<vmem>>, vector<16xf32>,
        %swap3A_1594 = arith.index_cast %get3A_193 : i32 to index
        %swap3A_1595 = arith.constant 208 : index
        %swap3A_1596 = tpu.vector_load %arg6[%swap3A_1594, %swap3A_1595] {strides = array<i32>} : memref<256x256xf32, #tpu.memory_space<vmem>>, vector<16xf32>,
        tpu.vector_store %arg6[%swap3A_1594, %swap3A_1595], %get3A_1401 {add = true, strides = array<i32>} : memref<256x256xf32, #tpu.memory_space<vmem>>, vector<16xf32>,
        %mul3A_1597 = arith.constant 8 : i32
        %mul3A_1598 = arith.muli %scan3A_161, %mul3A_1597 : i32
        %add3A_1599 = arith.constant 6 : i32
        %add3A_1600 = arith.addi %mul3A_1598, %add3A_1599 : i32
        %add3A_1601 = arith.constant 1 : i32
        %add3A_1602 = arith.addi %add3A_1600, %add3A_1601 : i32
        %get3A_1603 = arith.index_cast %add3A_1602 : i32 to index
        %get3A_1604 = arith.constant 224 : index
        %get3A_1605 = tpu.vector_load %arg9[%get3A_1603, %get3A_1604] {strides = array<i32>} : memref<32x256xf32, #tpu.memory_space<vmem>>, vector<16xf32>,
        %swap3A_1606 = arith.index_cast %get3A_193 : i32 to index
        %swap3A_1607 = arith.constant 224 : index
        %swap3A_1608 = tpu.vector_load %arg6[%swap3A_1606, %swap3A_1607] {strides = array<i32>} : memref<256x256xf32, #tpu.memory_space<vmem>>, vector<16xf32>,
        tpu.vector_store %arg6[%swap3A_1606, %swap3A_1607], %get3A_1413 {add = true, strides = array<i32>} : memref<256x256xf32, #tpu.memory_space<vmem>>, vector<16xf32>,
        %mul3A_1609 = arith.constant 8 : i32
        %mul3A_1610 = arith.muli %scan3A_161, %mul3A_1609 : i32
        %add3A_1611 = arith.constant 6 : i32
        %add3A_1612 = arith.addi %mul3A_1610, %add3A_1611 : i32
        %add3A_1613 = arith.constant 1 : i32
        %add3A_1614 = arith.addi %add3A_1612, %add3A_1613 : i32
        %get3A_1615 = arith.index_cast %add3A_1614 : i32 to index
        %get3A_1616 = arith.constant 240 : index
        %get3A_1617 = tpu.vector_load %arg9[%get3A_1615, %get3A_1616] {strides = array<i32>} : memref<32x256xf32, #tpu.memory_space<vmem>>, vector<16xf32>,
        %swap3A_1618 = arith.index_cast %get3A_193 : i32 to index
        %swap3A_1619 = arith.constant 240 : index
        %swap3A_1620 = tpu.vector_load %arg6[%swap3A_1618, %swap3A_1619] {strides = array<i32>} : memref<256x256xf32, #tpu.memory_space<vmem>>, vector<16xf32>,
        tpu.vector_store %arg6[%swap3A_1618, %swap3A_1619], %get3A_1425 {add = true, strides = array<i32>} : memref<256x256xf32, #tpu.memory_space<vmem>>, vector<16xf32>,
        %swap3A_1621 = arith.index_cast %get3A_197 : i32 to index
        %swap3A_1622 = arith.constant 0 : index
        %swap3A_1623 = tpu.vector_load %arg6[%swap3A_1621, %swap3A_1622] {strides = array<i32>} : memref<256x256xf32, #tpu.memory_space<vmem>>, vector<16xf32>,
        tpu.vector_store %arg6[%swap3A_1621, %swap3A_1622], %get3A_1437 {add = true, strides = array<i32>} : memref<256x256xf32, #tpu.memory_space<vmem>>, vector<16xf32>,
        %swap3A_1624 = arith.index_cast %get3A_197 : i32 to index
        %swap3A_1625 = arith.constant 16 : index
        %swap3A_1626 = tpu.vector_load %arg6[%swap3A_1624, %swap3A_1625] {strides = array<i32>} : memref<256x256xf32, #tpu.memory_space<vmem>>, vector<16xf32>,
        tpu.vector_store %arg6[%swap3A_1624, %swap3A_1625], %get3A_1449 {add = true, strides = array<i32>} : memref<256x256xf32, #tpu.memory_space<vmem>>, vector<16xf32>,
        %swap3A_1627 = arith.index_cast %get3A_197 : i32 to index
        %swap3A_1628 = arith.constant 32 : index
        %swap3A_1629 = tpu.vector_load %arg6[%swap3A_1627, %swap3A_1628] {strides = array<i32>} : memref<256x256xf32, #tpu.memory_space<vmem>>, vector<16xf32>,
        tpu.vector_store %arg6[%swap3A_1627, %swap3A_1628], %get3A_1461 {add = true, strides = array<i32>} : memref<256x256xf32, #tpu.memory_space<vmem>>, vector<16xf32>,
        %swap3A_1630 = arith.index_cast %get3A_197 : i32 to index
        %swap3A_1631 = arith.constant 48 : index
        %swap3A_1632 = tpu.vector_load %arg6[%swap3A_1630, %swap3A_1631] {strides = array<i32>} : memref<256x256xf32, #tpu.memory_space<vmem>>, vector<16xf32>,
        tpu.vector_store %arg6[%swap3A_1630, %swap3A_1631], %get3A_1473 {add = true, strides = array<i32>} : memref<256x256xf32, #tpu.memory_space<vmem>>, vector<16xf32>,
        %swap3A_1633 = arith.index_cast %get3A_197 : i32 to index
        %swap3A_1634 = arith.constant 64 : index
        %swap3A_1635 = tpu.vector_load %arg6[%swap3A_1633, %swap3A_1634] {strides = array<i32>} : memref<256x256xf32, #tpu.memory_space<vmem>>, vector<16xf32>,
        tpu.vector_store %arg6[%swap3A_1633, %swap3A_1634], %get3A_1485 {add = true, strides = array<i32>} : memref<256x256xf32, #tpu.memory_space<vmem>>, vector<16xf32>,
        %swap3A_1636 = arith.index_cast %get3A_197 : i32 to index
        %swap3A_1637 = arith.constant 80 : index
        %swap3A_1638 = tpu.vector_load %arg6[%swap3A_1636, %swap3A_1637] {strides = array<i32>} : memref<256x256xf32, #tpu.memory_space<vmem>>, vector<16xf32>,
        tpu.vector_store %arg6[%swap3A_1636, %swap3A_1637], %get3A_1497 {add = true, strides = array<i32>} : memref<256x256xf32, #tpu.memory_space<vmem>>, vector<16xf32>,
        %swap3A_1639 = arith.index_cast %get3A_197 : i32 to index
        %swap3A_1640 = arith.constant 96 : index
        %swap3A_1641 = tpu.vector_load %arg6[%swap3A_1639, %swap3A_1640] {strides = array<i32>} : memref<256x256xf32, #tpu.memory_space<vmem>>, vector<16xf32>,
        tpu.vector_store %arg6[%swap3A_1639, %swap3A_1640], %get3A_1509 {add = true, strides = array<i32>} : memref<256x256xf32, #tpu.memory_space<vmem>>, vector<16xf32>,
        %swap3A_1642 = arith.index_cast %get3A_197 : i32 to index
        %swap3A_1643 = arith.constant 112 : index
        %swap3A_1644 = tpu.vector_load %arg6[%swap3A_1642, %swap3A_1643] {strides = array<i32>} : memref<256x256xf32, #tpu.memory_space<vmem>>, vector<16xf32>,
        tpu.vector_store %arg6[%swap3A_1642, %swap3A_1643], %get3A_1521 {add = true, strides = array<i32>} : memref<256x256xf32, #tpu.memory_space<vmem>>, vector<16xf32>,
        %swap3A_1645 = arith.index_cast %get3A_197 : i32 to index
        %swap3A_1646 = arith.constant 128 : index
        %swap3A_1647 = tpu.vector_load %arg6[%swap3A_1645, %swap3A_1646] {strides = array<i32>} : memref<256x256xf32, #tpu.memory_space<vmem>>, vector<16xf32>,
        tpu.vector_store %arg6[%swap3A_1645, %swap3A_1646], %get3A_1533 {add = true, strides = array<i32>} : memref<256x256xf32, #tpu.memory_space<vmem>>, vector<16xf32>,
        %swap3A_1648 = arith.index_cast %get3A_197 : i32 to index
        %swap3A_1649 = arith.constant 144 : index
        %swap3A_1650 = tpu.vector_load %arg6[%swap3A_1648, %swap3A_1649] {strides = array<i32>} : memref<256x256xf32, #tpu.memory_space<vmem>>, vector<16xf32>,
        tpu.vector_store %arg6[%swap3A_1648, %swap3A_1649], %get3A_1545 {add = true, strides = array<i32>} : memref<256x256xf32, #tpu.memory_space<vmem>>, vector<16xf32>,
        %swap3A_1651 = arith.index_cast %get3A_197 : i32 to index
        %swap3A_1652 = arith.constant 160 : index
        %swap3A_1653 = tpu.vector_load %arg6[%swap3A_1651, %swap3A_1652] {strides = array<i32>} : memref<256x256xf32, #tpu.memory_space<vmem>>, vector<16xf32>,
        tpu.vector_store %arg6[%swap3A_1651, %swap3A_1652], %get3A_1557 {add = true, strides = array<i32>} : memref<256x256xf32, #tpu.memory_space<vmem>>, vector<16xf32>,
        %swap3A_1654 = arith.index_cast %get3A_197 : i32 to index
        %swap3A_1655 = arith.constant 176 : index
        %swap3A_1656 = tpu.vector_load %arg6[%swap3A_1654, %swap3A_1655] {strides = array<i32>} : memref<256x256xf32, #tpu.memory_space<vmem>>, vector<16xf32>,
        tpu.vector_store %arg6[%swap3A_1654, %swap3A_1655], %get3A_1569 {add = true, strides = array<i32>} : memref<256x256xf32, #tpu.memory_space<vmem>>, vector<16xf32>,
        %swap3A_1657 = arith.index_cast %get3A_197 : i32 to index
        %swap3A_1658 = arith.constant 192 : index
        %swap3A_1659 = tpu.vector_load %arg6[%swap3A_1657, %swap3A_1658] {strides = array<i32>} : memref<256x256xf32, #tpu.memory_space<vmem>>, vector<16xf32>,
        tpu.vector_store %arg6[%swap3A_1657, %swap3A_1658], %get3A_1581 {add = true, strides = array<i32>} : memref<256x256xf32, #tpu.memory_space<vmem>>, vector<16xf32>,
        %swap3A_1660 = arith.index_cast %get3A_197 : i32 to index
        %swap3A_1661 = arith.constant 208 : index
        %swap3A_1662 = tpu.vector_load %arg6[%swap3A_1660, %swap3A_1661] {strides = array<i32>} : memref<256x256xf32, #tpu.memory_space<vmem>>, vector<16xf32>,
        tpu.vector_store %arg6[%swap3A_1660, %swap3A_1661], %get3A_1593 {add = true, strides = array<i32>} : memref<256x256xf32, #tpu.memory_space<vmem>>, vector<16xf32>,
        %swap3A_1663 = arith.index_cast %get3A_197 : i32 to index
        %swap3A_1664 = arith.constant 224 : index
        %swap3A_1665 = tpu.vector_load %arg6[%swap3A_1663, %swap3A_1664] {strides = array<i32>} : memref<256x256xf32, #tpu.memory_space<vmem>>, vector<16xf32>,
        tpu.vector_store %arg6[%swap3A_1663, %swap3A_1664], %get3A_1605 {add = true, strides = array<i32>} : memref<256x256xf32, #tpu.memory_space<vmem>>, vector<16xf32>,
        %swap3A_1666 = arith.index_cast %get3A_197 : i32 to index
        %swap3A_1667 = arith.constant 240 : index
        %swap3A_1668 = tpu.vector_load %arg6[%swap3A_1666, %swap3A_1667] {strides = array<i32>} : memref<256x256xf32, #tpu.memory_space<vmem>>, vector<16xf32>,
        tpu.vector_store %arg6[%swap3A_1666, %swap3A_1667], %get3A_1617 {add = true, strides = array<i32>} : memref<256x256xf32, #tpu.memory_space<vmem>>, vector<16xf32>,
      }
      %scan3A_153 = arith.constant 4 : i32
      %add3A_154 = arith.constant 2 : i32
      %add3A_155 = arith.addi %add3A_138, %add3A_154 : i32
      %lt3A_156 = arith.constant 32 : i32
      %lt3A_157 = arith.cmpi slt, %add3A_155, %lt3A_156 : i32
      %convert_element_type3A_158 = arith.extui %lt3A_157 : i1 to i32
      %cond3A_159 = arith.constant 0 : i32
      %cond3A_160 = arith.cmpi ne, %convert_element_type3A_158, %cond3A_159 : i32
      scf.if %cond3A_160 {
        %add3A_161 = arith.constant 2 : i32
        %add3A_162 = arith.addi %add3A_138, %add3A_161 : i32
        %mul3A_163 = arith.constant 1024 : i32
        %mul3A_164 = arith.muli %select_n3A, %mul3A_163 : i32
        %mul3A_165 = arith.constant 32 : i32
        %mul3A_166 = arith.muli %add3A_162, %mul3A_165 : i32
        %add3A_167 = arith.addi %mul3A_164, %mul3A_166 : i32
        %mul3A_168 = arith.constant 256 : i32
        %mul3A_169 = arith.muli %select_n3A_30, %mul3A_168 : i32
        %dma_start3A_170 = tpu.memref_slice %arg2[%add3A_167, %mul3A_169] : memref<8192x1024xf32, #tpu.memory_space<hbm>> -> memref<32x256xf32, #tpu.memory_space<hbm>>
        %dma_start3A_171 = tpu.memref_slice %arg2[%add3A_167, %mul3A_169] : memref<8192x1024xf32, #tpu.memory_space<hbm>> -> memref<32x256xf32, #tpu.memory_space<hbm>>
        tpu.enqueue_dma source(%dma_start3A_171 : memref<32x256xf32, #tpu.memory_space<hbm>>) target(%arg9 : memref<32x256xf32, #tpu.memory_space<vmem>>) target_semaphore(%arg13 : memref<!tpu.dma_semaphore, #tpu.memory_space<semaphore_mem>>)
      } else {
      }
    }
    %scan3A_84 = arith.constant 16 : i32
    %dma_start3A_85 = arith.constant 0 : i32
    %dma_start3A_86 = arith.constant 0 : i32
    %dma_start3A_87 = tpu.memref_slice %arg4[%add3A, %dma_start3A_85, %dma_start3A_86] : memref<32x256x256xf32, #tpu.memory_space<hbm>> -> memref<1x256x256xf32, #tpu.memory_space<hbm>>
    %dma_start3A_88 = tpu.memref_squeeze %dma_start3A_87 : memref<1x256x256xf32, #tpu.memory_space<hbm>> -> memref<256x256xf32, #tpu.memory_space<hbm>>
    %dma_start3A_89 = arith.constant 0 : i32
    %dma_start3A_90 = arith.constant 0 : i32
    %dma_start3A_91 = tpu.memref_slice %arg4[%add3A, %dma_start3A_89, %dma_start3A_90] : memref<32x256x256xf32, #tpu.memory_space<hbm>> -> memref<1x256x256xf32, #tpu.memory_space<hbm>>
    %dma_start3A_92 = tpu.memref_squeeze %dma_start3A_91 : memref<1x256x256xf32, #tpu.memory_space<hbm>> -> memref<256x256xf32, #tpu.memory_space<hbm>>
    tpu.enqueue_dma source(%arg6 : memref<256x256xf32, #tpu.memory_space<vmem>>) target(%dma_start3A_92 : memref<256x256xf32, #tpu.memory_space<hbm>>) target_semaphore(%arg12 : memref<!tpu.dma_semaphore, #tpu.memory_space<semaphore_mem>>)
    %broadcast_in_dim3A_93 = arith.constant 1.000000e+00 : f32
    %broadcast_in_dim3A_94 = vector.broadcast %broadcast_in_dim3A_93 : f32 to vector<16xf32>
    %scan3A_95 = arith.constant 0 : i32
    %scan3A_96 = arith.constant 0 : i32
    %scan3A_97 = arith.constant 256 : i32
    %scan3A_98 = arith.addi %scan3A_96, %scan3A_97 : i32
    %scan3A_99 = arith.constant 1 : i32
    scf.for %scan3A_108 = %scan3A_96 to %scan3A_98 step %scan3A_99  : i32 {
      %mul3A_109 = arith.constant 256 : i32
      %mul3A_110 = arith.muli %select_n3A_30, %mul3A_109 : i32
      %add3A_111 = arith.addi %mul3A_110, %scan3A_108 : i32
      %get3A = arith.index_cast %add3A_111 : i32 to index
      %get3A_112 = memref.load %arg11[%get3A] : memref<1024xi32, #tpu.memory_space<smem>>
      %swap3A = arith.index_cast %get3A_112 : i32 to index
      %swap3A_113 = arith.constant 0 : index
      %swap3A_114 = tpu.vector_load %arg7[%swap3A, %swap3A_113] {strides = array<i32>} : memref<256x16xf32, #tpu.memory_space<vmem>>, vector<16xf32>,
      tpu.vector_store %arg7[%swap3A, %swap3A_113], %broadcast_in_dim3A_94 {add = true, strides = array<i32>} : memref<256x16xf32, #tpu.memory_space<vmem>>, vector<16xf32>,
    }
    %scan3A_100 = arith.constant 256 : i32
    "tpu.region"() ({
      %run_scoped3A = tpu.sem_alloc : memref<!tpu.dma_semaphore, #tpu.memory_space<semaphore_mem>>
      %dma_start3A_108 = arith.constant 0 : i32
      %dma_start3A_109 = arith.constant 0 : i32
      %dma_start3A_110 = tpu.memref_slice %arg5[%select_n3A, %select_n3A_30, %dma_start3A_108, %dma_start3A_109] : memref<8x4x256x16xf32, #tpu.memory_space<hbm>> -> memref<1x1x256x16xf32, #tpu.memory_space<hbm>>
      %dma_start3A_111 = tpu.memref_squeeze %dma_start3A_110 : memref<1x1x256x16xf32, #tpu.memory_space<hbm>> -> memref<256x16xf32, #tpu.memory_space<hbm>>
      %dma_start3A_112 = arith.constant 0 : i32
      %dma_start3A_113 = arith.constant 0 : i32
      %dma_start3A_114 = tpu.memref_slice %arg5[%select_n3A, %select_n3A_30, %dma_start3A_112, %dma_start3A_113] : memref<8x4x256x16xf32, #tpu.memory_space<hbm>> -> memref<1x1x256x16xf32, #tpu.memory_space<hbm>>
      %dma_start3A_115 = tpu.memref_squeeze %dma_start3A_114 : memref<1x1x256x16xf32, #tpu.memory_space<hbm>> -> memref<256x16xf32, #tpu.memory_space<hbm>>
      tpu.enqueue_dma source(%arg7 : memref<256x16xf32, #tpu.memory_space<vmem>>) target(%dma_start3A_115 : memref<256x16xf32, #tpu.memory_space<hbm>>) target_semaphore(%run_scoped3A : memref<!tpu.dma_semaphore, #tpu.memory_space<semaphore_mem>>)
      %dma_wait3A_116 = arith.constant 0 : i32
      %dma_wait3A_117 = arith.constant 0 : i32
      %dma_wait3A_118 = tpu.memref_slice %arg5[%select_n3A, %select_n3A_30, %dma_wait3A_116, %dma_wait3A_117] : memref<8x4x256x16xf32, #tpu.memory_space<hbm>> -> memref<1x1x256x16xf32, #tpu.memory_space<hbm>>
      %dma_wait3A_119 = tpu.memref_squeeze %dma_wait3A_118 : memref<1x1x256x16xf32, #tpu.memory_space<hbm>> -> memref<256x16xf32, #tpu.memory_space<hbm>>
      %dma_wait3A_120 = arith.constant 0 : i32
      %dma_wait3A_121 = arith.constant 0 : i32
      %dma_wait3A_122 = tpu.memref_slice %arg5[%select_n3A, %select_n3A_30, %dma_wait3A_120, %dma_wait3A_121] : memref<8x4x256x16xf32, #tpu.memory_space<hbm>> -> memref<1x1x256x16xf32, #tpu.memory_space<hbm>>
      %dma_wait3A_123 = tpu.memref_squeeze %dma_wait3A_122 : memref<1x1x256x16xf32, #tpu.memory_space<hbm>> -> memref<256x16xf32, #tpu.memory_space<hbm>>
      tpu.wait_dma2 semaphore(%run_scoped3A : memref<!tpu.dma_semaphore, #tpu.memory_space<semaphore_mem>>) src(%arg7 : memref<256x16xf32, #tpu.memory_space<vmem>>) dst(%dma_wait3A_123 : memref<256x16xf32, #tpu.memory_space<hbm>>)
      tpu.yield
    }) : () -> ()
    %dma_wait3A = arith.constant 0 : i32
    %dma_wait3A_101 = arith.constant 0 : i32
    %dma_wait3A_102 = tpu.memref_slice %arg4[%add3A, %dma_wait3A, %dma_wait3A_101] : memref<32x256x256xf32, #tpu.memory_space<hbm>> -> memref<1x256x256xf32, #tpu.memory_space<hbm>>
    %dma_wait3A_103 = tpu.memref_squeeze %dma_wait3A_102 : memref<1x256x256xf32, #tpu.memory_space<hbm>> -> memref<256x256xf32, #tpu.memory_space<hbm>>
    %dma_wait3A_104 = arith.constant 0 : i32
    %dma_wait3A_105 = arith.constant 0 : i32
    %dma_wait3A_106 = tpu.memref_slice %arg4[%add3A, %dma_wait3A_104, %dma_wait3A_105] : memref<32x256x256xf32, #tpu.memory_space<hbm>> -> memref<1x256x256xf32, #tpu.memory_space<hbm>>
    %dma_wait3A_107 = tpu.memref_squeeze %dma_wait3A_106 : memref<1x256x256xf32, #tpu.memory_space<hbm>> -> memref<256x256xf32, #tpu.memory_space<hbm>>
    tpu.wait_dma2 semaphore(%arg12 : memref<!tpu.dma_semaphore, #tpu.memory_space<semaphore_mem>>) src(%arg6 : memref<256x256xf32, #tpu.memory_space<vmem>>) dst(%dma_wait3A_107 : memref<256x256xf32, #tpu.memory_space<hbm>>)
    return
  }
}

module attributes {stable_mosaic.version = 14 : i64} {
  func.func @_codes_body(%arg0: i32, %arg1: memref<1024x1024xf32, #tpu.memory_space<vmem>>, %arg2: memref<8x1024xf32, #tpu.memory_space<vmem>>, %arg3: memref<1x8xf32, #tpu.memory_space<vmem>>, %arg4: memref<1024x1xi32, #tpu.memory_space<vmem>>) attributes {dimension_semantics = [#tpu.dimension_semantics<arbitrary>], iteration_bounds = array<i64: 8>, scalar_prefetch = 0 : i64, scratch_operands = 0 : i64, tpu.core_type = #tpu.core_type<tc>, window_params = [{transform_indices = @transform_0, window_bounds = array<i64: 1024, 1024>}, {pipeline_mode = #tpu.pipeline_mode<synchronous>, transform_indices = @transform_1, window_bounds = array<i64: 8, 1024>}, {pipeline_mode = #tpu.pipeline_mode<synchronous>, transform_indices = @transform_2, window_bounds = array<i64: 1, 8>}, {transform_indices = @transform_3, window_bounds = array<i64: 1024, 1>}]} {
    %get3A = arith.constant 0 : index
    %get3A_0 = arith.constant 0 : index
    %get3A_1 = vector.load %arg1[%get3A, %get3A_0] : memref<1024x1024xf32, #tpu.memory_space<vmem>>, vector<1024x1024xf32>
    %get3A_2 = arith.constant 0 : index
    %get3A_3 = arith.constant 0 : index
    %get3A_4 = vector.load %arg2[%get3A_2, %get3A_3] : memref<8x1024xf32, #tpu.memory_space<vmem>>, vector<8x1024xf32>
    %dot_general3A = arith.constant dense<0.000000e+00> : vector<1024x8xf32>
    %dot_general3A_5 = tpu.matmul %get3A_1, %get3A_4, %dot_general3A {dimension_numbers = #tpu.dot_dimension_numbers<[1], [1], [0], [0], [0, 0, 1, 0], [], []>, transpose_lhs_hint = false} : vector<1024x1024xf32>, vector<8x1024xf32>, vector<1024x8xf32> -> vector<1024x8xf32>
    %get3A_6 = arith.constant 0 : index
    %get3A_7 = arith.constant 0 : index
    %get3A_8 = vector.load %arg3[%get3A_6, %get3A_7] : memref<1x8xf32, #tpu.memory_space<vmem>>, vector<1x8xf32>
    %add3A = vector.broadcast %get3A_8 : vector<1x8xf32> to vector<1024x8xf32>
    %add3A_9 = arith.addf %dot_general3A_5, %add3A : vector<1024x8xf32>
    %ge3A = arith.constant 0.000000e+00 : f32
    %ge3A_10 = vector.broadcast %ge3A : f32 to vector<1024x8xf32>
    %ge3A_11 = arith.cmpf oge, %add3A_9, %ge3A_10 : vector<1024x8xf32>
    %convert_element_type3A = arith.extui %ge3A_11 : vector<1024x8xi1> to vector<1024x8xi32>
    %iota3A = tpu.iota {dimensions = array<i32: 1>} : vector<1024x8xi32>
    %broadcast_in_dim3A = arith.constant 1 : i32
    %broadcast_in_dim3A_12 = vector.broadcast %broadcast_in_dim3A : i32 to vector<1024x8xi32>
    %sub3A = arith.constant 7 : i32
    %sub3A_13 = vector.broadcast %sub3A : i32 to vector<1024x8xi32>
    %sub3A_14 = arith.subi %sub3A_13, %iota3A : vector<1024x8xi32>
    %shift_left3A = arith.shli %broadcast_in_dim3A_12, %sub3A_14 : vector<1024x8xi32>
    %mul3A = arith.muli %convert_element_type3A, %shift_left3A : vector<1024x8xi32>
    %reduce_sum3A = arith.constant dense<0> : vector<1024xi32>
    %reduce_sum3A_15 = vector.multi_reduction <add>, %mul3A, %reduce_sum3A [1] : vector<1024x8xi32> to vector<1024xi32>
    %broadcast_in_dim3A_16 = vector.shape_cast %reduce_sum3A_15 : vector<1024xi32> to vector<1024x1xi32>
    %swap3A = arith.constant 0 : index
    %swap3A_17 = arith.constant 0 : index
    %swap3A_18 = vector.load %arg4[%swap3A, %swap3A_17] : memref<1024x1xi32, #tpu.memory_space<vmem>>, vector<1024x1xi32>
    tpu.vector_store %arg4[%swap3A, %swap3A_17], %broadcast_in_dim3A_16 {strides = array<i32>} : memref<1024x1xi32, #tpu.memory_space<vmem>>, vector<1024x1xi32>,
    return
  }
  func.func @transform_0(%arg0: i32) -> (i32, i32) {
    %c0_i32 = arith.constant 0 : i32
    %c0_i32_0 = arith.constant 0 : i32
    return %arg0, %c0_i32 : i32, i32
  }
  func.func @transform_1(%arg0: i32) -> (i32, i32) {
    %c0_i32 = arith.constant 0 : i32
    %c0_i32_0 = arith.constant 0 : i32
    %c0_i32_1 = arith.constant 0 : i32
    return %c0_i32, %c0_i32_0 : i32, i32
  }
  func.func @transform_2(%arg0: i32) -> (i32, i32) {
    %c0_i32 = arith.constant 0 : i32
    %c0_i32_0 = arith.constant 0 : i32
    %c0_i32_1 = arith.constant 0 : i32
    return %c0_i32, %c0_i32_0 : i32, i32
  }
  func.func @transform_3(%arg0: i32) -> (i32, i32) {
    %c0_i32 = arith.constant 0 : i32
    %c0_i32_0 = arith.constant 0 : i32
    return %arg0, %c0_i32 : i32, i32
  }
}

module attributes {stable_mosaic.version = 14 : i64} {
  func.func @_attn_body(%arg0: i32, %arg1: memref<1024x1024xf32, #tpu.memory_space<vmem>>, %arg2: memref<4x256x256xf32, #tpu.memory_space<vmem>>, %arg3: memref<1x4x256x16xf32, #tpu.memory_space<vmem>>, %arg4: memref<16x1024xf32, #tpu.memory_space<vmem>>, %arg5: memref<1024x1024xf32, #tpu.memory_space<vmem>>) attributes {dimension_semantics = [#tpu.dimension_semantics<arbitrary>], iteration_bounds = array<i64: 8>, scalar_prefetch = 0 : i64, scratch_operands = 0 : i64, tpu.core_type = #tpu.core_type<tc>, window_params = [{transform_indices = @transform_0, window_bounds = array<i64: 1024, 1024>}, {transform_indices = @transform_1, window_bounds = array<i64: 4, 256, 256>}, {transform_indices = @transform_2, window_bounds = array<i64: 1, 4, 256, 16>}, {pipeline_mode = #tpu.pipeline_mode<synchronous>, transform_indices = @transform_3, window_bounds = array<i64: 16, 1024>}, {transform_indices = @transform_4, window_bounds = array<i64: 1024, 1024>}]} {
    %get3A = arith.constant 0 : index
    %get3A_0 = arith.constant 0 : index
    %get3A_1 = arith.constant 0 : index
    %get3A_2 = vector.load %arg2[%get3A, %get3A_0, %get3A_1] : memref<4x256x256xf32, #tpu.memory_space<vmem>>, vector<4x256x256xf32>
    %get3A_3 = arith.constant 0 : index
    %get3A_4 = arith.constant 0 : index
    %get3A_5 = arith.constant 0 : index
    %get3A_6 = arith.constant 0 : index
    %get3A_7 = vector.load %arg3[%get3A_3, %get3A_4, %get3A_5, %get3A_6] : memref<1x4x256x16xf32, #tpu.memory_space<vmem>>, vector<1x4x256x16xf32>
    %get3A_8 = vector.shape_cast %get3A_7 : vector<1x4x256x16xf32> to vector<4x256x16xf32>
    %reduce_sum3A = arith.constant dense<0.000000e+00> : vector<256x16xf32>
    %reduce_sum3A_9 = vector.multi_reduction <add>, %get3A_8, %reduce_sum3A [0] : vector<4x256x16xf32> to vector<256x16xf32>
    %reduce_sum3A_10 = arith.constant dense<0.000000e+00> : vector<256xf32>
    %reduce_sum3A_11 = vector.multi_reduction <add>, %reduce_sum3A_9, %reduce_sum3A_10 [1] : vector<256x16xf32> to vector<256xf32>
    %broadcast_in_dim3A = vector.shape_cast %reduce_sum3A_11 : vector<256xf32> to vector<256x1xf32>
    %mul3A = arith.constant 6.250000e-02 : f32
    %mul3A_12 = vector.broadcast %mul3A : f32 to vector<256x1xf32>
    %mul3A_13 = arith.mulf %broadcast_in_dim3A, %mul3A_12 : vector<256x1xf32>
    %iota3A = tpu.iota {dimensions = array<i32: 0>} : vector<256x16xi32>
    %iota3A_14 = tpu.iota {dimensions = array<i32: 1>} : vector<256x16xi32>
    %lt3A = arith.constant 8 : i32
    %lt3A_15 = vector.broadcast %lt3A : i32 to vector<256x16xi32>
    %lt3A_16 = arith.cmpi slt, %iota3A_14, %lt3A_15 : vector<256x16xi32>
    %sub3A = arith.constant 7 : i32
    %sub3A_17 = vector.broadcast %sub3A : i32 to vector<256x16xi32>
    %sub3A_18 = arith.subi %sub3A_17, %iota3A_14 : vector<256x16xi32>
    %sub3A_19 = arith.constant 15 : i32
    %sub3A_20 = vector.broadcast %sub3A_19 : i32 to vector<256x16xi32>
    %sub3A_21 = arith.subi %sub3A_20, %iota3A_14 : vector<256x16xi32>
    %select_n3A = arith.select %lt3A_16, %sub3A_18, %sub3A_21 : vector<256x16xi1>, vector<256x16xi32>
    %shift_right_logical3A = arith.shrui %iota3A, %select_n3A : vector<256x16xi32>
    %and3A = arith.constant 1 : i32
    %and3A_22 = vector.broadcast %and3A : i32 to vector<256x16xi32>
    %and3A_23 = arith.andi %shift_right_logical3A, %and3A_22 : vector<256x16xi32>
    %lt3A_24 = arith.constant 8 : i32
    %lt3A_25 = vector.broadcast %lt3A_24 : i32 to vector<256x16xi32>
    %lt3A_26 = arith.cmpi slt, %iota3A_14, %lt3A_25 : vector<256x16xi32>
    %sub3A_27 = arith.constant 1 : i32
    %sub3A_28 = vector.broadcast %sub3A_27 : i32 to vector<256x16xi32>
    %sub3A_29 = arith.subi %sub3A_28, %and3A_23 : vector<256x16xi32>
    %select_n3A_30 = arith.select %lt3A_26, %and3A_23, %sub3A_29 : vector<256x16xi1>, vector<256x16xi32>
    %convert_element_type3A = arith.sitofp %select_n3A_30 : vector<256x16xi32> to vector<256x16xf32>
    %get3A_31 = arith.constant 0 : index
    %get3A_32 = arith.constant 0 : index
    %get3A_33 = vector.load %arg4[%get3A_31, %get3A_32] : memref<16x1024xf32, #tpu.memory_space<vmem>>, vector<16x1024xf32>
    %dot_general3A = arith.constant dense<0.000000e+00> : vector<256x1024xf32>
    %dot_general3A_34 = tpu.matmul %convert_element_type3A, %get3A_33, %dot_general3A {dimension_numbers = #tpu.dot_dimension_numbers<[1], [0], [0], [1], [0, 0, 1, 1], [], []>, transpose_lhs_hint = false} : vector<256x16xf32>, vector<16x1024xf32>, vector<256x1024xf32> -> vector<256x1024xf32>
    %get3A_35 = arith.constant 0 : index
    %get3A_36 = arith.constant 0 : index
    %get3A_37 = vector.load %arg1[%get3A_35, %get3A_36] : memref<1024x1024xf32, #tpu.memory_space<vmem>>, vector<1024x1024xf32>
    %mul3A_38 = arith.constant 1.250000e-01 : f32
    %mul3A_39 = vector.broadcast %mul3A_38 : f32 to vector<1024x1024xf32>
    %mul3A_40 = arith.mulf %get3A_37, %mul3A_39 : vector<1024x1024xf32>
    %convert_element_type3A_41 = arith.truncf %mul3A_40 : vector<1024x1024xf32> to vector<1024x1024xbf16>
    %convert_element_type3A_42 = arith.truncf %dot_general3A_34 : vector<256x1024xf32> to vector<256x1024xbf16>
    %slice3A = vector.extract_strided_slice %convert_element_type3A_42 {offsets = [0, 0], sizes = [256, 64], strides = [1, 1]} : vector<256x1024xbf16> to vector<256x64xbf16>
    %slice3A_43 = vector.extract_strided_slice %convert_element_type3A_41 {offsets = [0, 0], sizes = [1024, 64], strides = [1, 1]} : vector<1024x1024xbf16> to vector<1024x64xbf16>
    %dot_general3A_44 = arith.constant dense<0.000000e+00> : vector<256x1024xf32>
    %dot_general3A_45 = tpu.matmul %slice3A, %slice3A_43, %dot_general3A_44 {dimension_numbers = #tpu.dot_dimension_numbers<[1], [1], [0], [0], [0, 0, 1, 0], [], []>, transpose_lhs_hint = false} : vector<256x64xbf16>, vector<1024x64xbf16>, vector<256x1024xf32> -> vector<256x1024xf32>
    %exp3A = math.exp %dot_general3A_45 : vector<256x1024xf32>
    %slice3A_46 = vector.extract_strided_slice %get3A_2 {offsets = [0, 0, 0], sizes = [1, 256, 64], strides = [1, 1, 1]} : vector<4x256x256xf32> to vector<1x256x64xf32>
    %squeeze3A = vector.shape_cast %slice3A_46 : vector<1x256x64xf32> to vector<256x64xf32>
    %mul3A_47 = vector.broadcast %mul3A_13 : vector<256x1xf32> to vector<256x1024xf32>
    %mul3A_48 = arith.mulf %exp3A, %mul3A_47 : vector<256x1024xf32>
    %reduce_sum3A_49 = arith.constant dense<0.000000e+00> : vector<1024xf32>
    %reduce_sum3A_50 = vector.multi_reduction <add>, %mul3A_48, %reduce_sum3A_49 [0] : vector<256x1024xf32> to vector<1024xf32>
    %broadcast_in_dim3A_51 = vector.shape_cast %reduce_sum3A_50 : vector<1024xf32> to vector<1x1024xf32>
    %div3A = arith.constant 1.000000e+00 : f32
    %div3A_52 = vector.broadcast %div3A : f32 to vector<1x1024xf32>
    %div3A_53 = arith.divf %div3A_52, %broadcast_in_dim3A_51 : vector<1x1024xf32>
    %mul3A_54 = vector.broadcast %div3A_53 : vector<1x1024xf32> to vector<256x1024xf32>
    %mul3A_55 = arith.mulf %exp3A, %mul3A_54 : vector<256x1024xf32>
    %convert_element_type3A_56 = arith.truncf %mul3A_55 : vector<256x1024xf32> to vector<256x1024xbf16>
    %convert_element_type3A_57 = arith.truncf %squeeze3A : vector<256x64xf32> to vector<256x64xbf16>
    %dot_general3A_58 = arith.constant dense<0.000000e+00> : vector<1024x64xf32>
    %dot_general3A_59 = tpu.matmul %convert_element_type3A_56, %convert_element_type3A_57, %dot_general3A_58 {dimension_numbers = #tpu.dot_dimension_numbers<[0], [0], [1], [1], [0, 1, 1, 1], [], []>, transpose_lhs_hint = false} : vector<256x1024xbf16>, vector<256x64xbf16>, vector<1024x64xf32> -> vector<1024x64xf32>
    %swap3A = arith.constant 0 : index
    %swap3A_60 = arith.constant 0 : index
    %swap3A_61 = vector.load %arg5[%swap3A, %swap3A_60] : memref<1024x1024xf32, #tpu.memory_space<vmem>>, vector<1024x64xf32>
    tpu.vector_store %arg5[%swap3A, %swap3A_60], %dot_general3A_59 {strides = array<i32>} : memref<1024x1024xf32, #tpu.memory_space<vmem>>, vector<1024x64xf32>,
    %slice3A_62 = vector.extract_strided_slice %convert_element_type3A_42 {offsets = [0, 64], sizes = [256, 64], strides = [1, 1]} : vector<256x1024xbf16> to vector<256x64xbf16>
    %slice3A_63 = vector.extract_strided_slice %convert_element_type3A_41 {offsets = [0, 64], sizes = [1024, 64], strides = [1, 1]} : vector<1024x1024xbf16> to vector<1024x64xbf16>
    %dot_general3A_64 = arith.constant dense<0.000000e+00> : vector<256x1024xf32>
    %dot_general3A_65 = tpu.matmul %slice3A_62, %slice3A_63, %dot_general3A_64 {dimension_numbers = #tpu.dot_dimension_numbers<[1], [1], [0], [0], [0, 0, 1, 0], [], []>, transpose_lhs_hint = false} : vector<256x64xbf16>, vector<1024x64xbf16>, vector<256x1024xf32> -> vector<256x1024xf32>
    %exp3A_66 = math.exp %dot_general3A_65 : vector<256x1024xf32>
    %slice3A_67 = vector.extract_strided_slice %get3A_2 {offsets = [0, 0, 64], sizes = [1, 256, 64], strides = [1, 1, 1]} : vector<4x256x256xf32> to vector<1x256x64xf32>
    %squeeze3A_68 = vector.shape_cast %slice3A_67 : vector<1x256x64xf32> to vector<256x64xf32>
    %mul3A_69 = vector.broadcast %mul3A_13 : vector<256x1xf32> to vector<256x1024xf32>
    %mul3A_70 = arith.mulf %exp3A_66, %mul3A_69 : vector<256x1024xf32>
    %reduce_sum3A_71 = arith.constant dense<0.000000e+00> : vector<1024xf32>
    %reduce_sum3A_72 = vector.multi_reduction <add>, %mul3A_70, %reduce_sum3A_71 [0] : vector<256x1024xf32> to vector<1024xf32>
    %broadcast_in_dim3A_73 = vector.shape_cast %reduce_sum3A_72 : vector<1024xf32> to vector<1x1024xf32>
    %div3A_74 = arith.constant 1.000000e+00 : f32
    %div3A_75 = vector.broadcast %div3A_74 : f32 to vector<1x1024xf32>
    %div3A_76 = arith.divf %div3A_75, %broadcast_in_dim3A_73 : vector<1x1024xf32>
    %mul3A_77 = vector.broadcast %div3A_76 : vector<1x1024xf32> to vector<256x1024xf32>
    %mul3A_78 = arith.mulf %exp3A_66, %mul3A_77 : vector<256x1024xf32>
    %convert_element_type3A_79 = arith.truncf %mul3A_78 : vector<256x1024xf32> to vector<256x1024xbf16>
    %convert_element_type3A_80 = arith.truncf %squeeze3A_68 : vector<256x64xf32> to vector<256x64xbf16>
    %dot_general3A_81 = arith.constant dense<0.000000e+00> : vector<1024x64xf32>
    %dot_general3A_82 = tpu.matmul %convert_element_type3A_79, %convert_element_type3A_80, %dot_general3A_81 {dimension_numbers = #tpu.dot_dimension_numbers<[0], [0], [1], [1], [0, 1, 1, 1], [], []>, transpose_lhs_hint = false} : vector<256x1024xbf16>, vector<256x64xbf16>, vector<1024x64xf32> -> vector<1024x64xf32>
    %swap3A_83 = arith.constant 0 : index
    %swap3A_84 = arith.constant 64 : index
    %swap3A_85 = vector.load %arg5[%swap3A_83, %swap3A_84] : memref<1024x1024xf32, #tpu.memory_space<vmem>>, vector<1024x64xf32>
    tpu.vector_store %arg5[%swap3A_83, %swap3A_84], %dot_general3A_82 {strides = array<i32>} : memref<1024x1024xf32, #tpu.memory_space<vmem>>, vector<1024x64xf32>,
    %slice3A_86 = vector.extract_strided_slice %convert_element_type3A_42 {offsets = [0, 128], sizes = [256, 64], strides = [1, 1]} : vector<256x1024xbf16> to vector<256x64xbf16>
    %slice3A_87 = vector.extract_strided_slice %convert_element_type3A_41 {offsets = [0, 128], sizes = [1024, 64], strides = [1, 1]} : vector<1024x1024xbf16> to vector<1024x64xbf16>
    %dot_general3A_88 = arith.constant dense<0.000000e+00> : vector<256x1024xf32>
    %dot_general3A_89 = tpu.matmul %slice3A_86, %slice3A_87, %dot_general3A_88 {dimension_numbers = #tpu.dot_dimension_numbers<[1], [1], [0], [0], [0, 0, 1, 0], [], []>, transpose_lhs_hint = false} : vector<256x64xbf16>, vector<1024x64xbf16>, vector<256x1024xf32> -> vector<256x1024xf32>
    %exp3A_90 = math.exp %dot_general3A_89 : vector<256x1024xf32>
    %slice3A_91 = vector.extract_strided_slice %get3A_2 {offsets = [0, 0, 128], sizes = [1, 256, 64], strides = [1, 1, 1]} : vector<4x256x256xf32> to vector<1x256x64xf32>
    %squeeze3A_92 = vector.shape_cast %slice3A_91 : vector<1x256x64xf32> to vector<256x64xf32>
    %mul3A_93 = vector.broadcast %mul3A_13 : vector<256x1xf32> to vector<256x1024xf32>
    %mul3A_94 = arith.mulf %exp3A_90, %mul3A_93 : vector<256x1024xf32>
    %reduce_sum3A_95 = arith.constant dense<0.000000e+00> : vector<1024xf32>
    %reduce_sum3A_96 = vector.multi_reduction <add>, %mul3A_94, %reduce_sum3A_95 [0] : vector<256x1024xf32> to vector<1024xf32>
    %broadcast_in_dim3A_97 = vector.shape_cast %reduce_sum3A_96 : vector<1024xf32> to vector<1x1024xf32>
    %div3A_98 = arith.constant 1.000000e+00 : f32
    %div3A_99 = vector.broadcast %div3A_98 : f32 to vector<1x1024xf32>
    %div3A_100 = arith.divf %div3A_99, %broadcast_in_dim3A_97 : vector<1x1024xf32>
    %mul3A_101 = vector.broadcast %div3A_100 : vector<1x1024xf32> to vector<256x1024xf32>
    %mul3A_102 = arith.mulf %exp3A_90, %mul3A_101 : vector<256x1024xf32>
    %convert_element_type3A_103 = arith.truncf %mul3A_102 : vector<256x1024xf32> to vector<256x1024xbf16>
    %convert_element_type3A_104 = arith.truncf %squeeze3A_92 : vector<256x64xf32> to vector<256x64xbf16>
    %dot_general3A_105 = arith.constant dense<0.000000e+00> : vector<1024x64xf32>
    %dot_general3A_106 = tpu.matmul %convert_element_type3A_103, %convert_element_type3A_104, %dot_general3A_105 {dimension_numbers = #tpu.dot_dimension_numbers<[0], [0], [1], [1], [0, 1, 1, 1], [], []>, transpose_lhs_hint = false} : vector<256x1024xbf16>, vector<256x64xbf16>, vector<1024x64xf32> -> vector<1024x64xf32>
    %swap3A_107 = arith.constant 0 : index
    %swap3A_108 = arith.constant 128 : index
    %swap3A_109 = vector.load %arg5[%swap3A_107, %swap3A_108] : memref<1024x1024xf32, #tpu.memory_space<vmem>>, vector<1024x64xf32>
    tpu.vector_store %arg5[%swap3A_107, %swap3A_108], %dot_general3A_106 {strides = array<i32>} : memref<1024x1024xf32, #tpu.memory_space<vmem>>, vector<1024x64xf32>,
    %slice3A_110 = vector.extract_strided_slice %convert_element_type3A_42 {offsets = [0, 192], sizes = [256, 64], strides = [1, 1]} : vector<256x1024xbf16> to vector<256x64xbf16>
    %slice3A_111 = vector.extract_strided_slice %convert_element_type3A_41 {offsets = [0, 192], sizes = [1024, 64], strides = [1, 1]} : vector<1024x1024xbf16> to vector<1024x64xbf16>
    %dot_general3A_112 = arith.constant dense<0.000000e+00> : vector<256x1024xf32>
    %dot_general3A_113 = tpu.matmul %slice3A_110, %slice3A_111, %dot_general3A_112 {dimension_numbers = #tpu.dot_dimension_numbers<[1], [1], [0], [0], [0, 0, 1, 0], [], []>, transpose_lhs_hint = false} : vector<256x64xbf16>, vector<1024x64xbf16>, vector<256x1024xf32> -> vector<256x1024xf32>
    %exp3A_114 = math.exp %dot_general3A_113 : vector<256x1024xf32>
    %slice3A_115 = vector.extract_strided_slice %get3A_2 {offsets = [0, 0, 192], sizes = [1, 256, 64], strides = [1, 1, 1]} : vector<4x256x256xf32> to vector<1x256x64xf32>
    %squeeze3A_116 = vector.shape_cast %slice3A_115 : vector<1x256x64xf32> to vector<256x64xf32>
    %mul3A_117 = vector.broadcast %mul3A_13 : vector<256x1xf32> to vector<256x1024xf32>
    %mul3A_118 = arith.mulf %exp3A_114, %mul3A_117 : vector<256x1024xf32>
    %reduce_sum3A_119 = arith.constant dense<0.000000e+00> : vector<1024xf32>
    %reduce_sum3A_120 = vector.multi_reduction <add>, %mul3A_118, %reduce_sum3A_119 [0] : vector<256x1024xf32> to vector<1024xf32>
    %broadcast_in_dim3A_121 = vector.shape_cast %reduce_sum3A_120 : vector<1024xf32> to vector<1x1024xf32>
    %div3A_122 = arith.constant 1.000000e+00 : f32
    %div3A_123 = vector.broadcast %div3A_122 : f32 to vector<1x1024xf32>
    %div3A_124 = arith.divf %div3A_123, %broadcast_in_dim3A_121 : vector<1x1024xf32>
    %mul3A_125 = vector.broadcast %div3A_124 : vector<1x1024xf32> to vector<256x1024xf32>
    %mul3A_126 = arith.mulf %exp3A_114, %mul3A_125 : vector<256x1024xf32>
    %convert_element_type3A_127 = arith.truncf %mul3A_126 : vector<256x1024xf32> to vector<256x1024xbf16>
    %convert_element_type3A_128 = arith.truncf %squeeze3A_116 : vector<256x64xf32> to vector<256x64xbf16>
    %dot_general3A_129 = arith.constant dense<0.000000e+00> : vector<1024x64xf32>
    %dot_general3A_130 = tpu.matmul %convert_element_type3A_127, %convert_element_type3A_128, %dot_general3A_129 {dimension_numbers = #tpu.dot_dimension_numbers<[0], [0], [1], [1], [0, 1, 1, 1], [], []>, transpose_lhs_hint = false} : vector<256x1024xbf16>, vector<256x64xbf16>, vector<1024x64xf32> -> vector<1024x64xf32>
    %swap3A_131 = arith.constant 0 : index
    %swap3A_132 = arith.constant 192 : index
    %swap3A_133 = vector.load %arg5[%swap3A_131, %swap3A_132] : memref<1024x1024xf32, #tpu.memory_space<vmem>>, vector<1024x64xf32>
    tpu.vector_store %arg5[%swap3A_131, %swap3A_132], %dot_general3A_130 {strides = array<i32>} : memref<1024x1024xf32, #tpu.memory_space<vmem>>, vector<1024x64xf32>,
    %slice3A_134 = vector.extract_strided_slice %convert_element_type3A_42 {offsets = [0, 256], sizes = [256, 64], strides = [1, 1]} : vector<256x1024xbf16> to vector<256x64xbf16>
    %slice3A_135 = vector.extract_strided_slice %convert_element_type3A_41 {offsets = [0, 256], sizes = [1024, 64], strides = [1, 1]} : vector<1024x1024xbf16> to vector<1024x64xbf16>
    %dot_general3A_136 = arith.constant dense<0.000000e+00> : vector<256x1024xf32>
    %dot_general3A_137 = tpu.matmul %slice3A_134, %slice3A_135, %dot_general3A_136 {dimension_numbers = #tpu.dot_dimension_numbers<[1], [1], [0], [0], [0, 0, 1, 0], [], []>, transpose_lhs_hint = false} : vector<256x64xbf16>, vector<1024x64xbf16>, vector<256x1024xf32> -> vector<256x1024xf32>
    %exp3A_138 = math.exp %dot_general3A_137 : vector<256x1024xf32>
    %slice3A_139 = vector.extract_strided_slice %get3A_2 {offsets = [1, 0, 0], sizes = [1, 256, 64], strides = [1, 1, 1]} : vector<4x256x256xf32> to vector<1x256x64xf32>
    %squeeze3A_140 = vector.shape_cast %slice3A_139 : vector<1x256x64xf32> to vector<256x64xf32>
    %mul3A_141 = vector.broadcast %mul3A_13 : vector<256x1xf32> to vector<256x1024xf32>
    %mul3A_142 = arith.mulf %exp3A_138, %mul3A_141 : vector<256x1024xf32>
    %reduce_sum3A_143 = arith.constant dense<0.000000e+00> : vector<1024xf32>
    %reduce_sum3A_144 = vector.multi_reduction <add>, %mul3A_142, %reduce_sum3A_143 [0] : vector<256x1024xf32> to vector<1024xf32>
    %broadcast_in_dim3A_145 = vector.shape_cast %reduce_sum3A_144 : vector<1024xf32> to vector<1x1024xf32>
    %div3A_146 = arith.constant 1.000000e+00 : f32
    %div3A_147 = vector.broadcast %div3A_146 : f32 to vector<1x1024xf32>
    %div3A_148 = arith.divf %div3A_147, %broadcast_in_dim3A_145 : vector<1x1024xf32>
    %mul3A_149 = vector.broadcast %div3A_148 : vector<1x1024xf32> to vector<256x1024xf32>
    %mul3A_150 = arith.mulf %exp3A_138, %mul3A_149 : vector<256x1024xf32>
    %convert_element_type3A_151 = arith.truncf %mul3A_150 : vector<256x1024xf32> to vector<256x1024xbf16>
    %convert_element_type3A_152 = arith.truncf %squeeze3A_140 : vector<256x64xf32> to vector<256x64xbf16>
    %dot_general3A_153 = arith.constant dense<0.000000e+00> : vector<1024x64xf32>
    %dot_general3A_154 = tpu.matmul %convert_element_type3A_151, %convert_element_type3A_152, %dot_general3A_153 {dimension_numbers = #tpu.dot_dimension_numbers<[0], [0], [1], [1], [0, 1, 1, 1], [], []>, transpose_lhs_hint = false} : vector<256x1024xbf16>, vector<256x64xbf16>, vector<1024x64xf32> -> vector<1024x64xf32>
    %swap3A_155 = arith.constant 0 : index
    %swap3A_156 = arith.constant 256 : index
    %swap3A_157 = vector.load %arg5[%swap3A_155, %swap3A_156] : memref<1024x1024xf32, #tpu.memory_space<vmem>>, vector<1024x64xf32>
    tpu.vector_store %arg5[%swap3A_155, %swap3A_156], %dot_general3A_154 {strides = array<i32>} : memref<1024x1024xf32, #tpu.memory_space<vmem>>, vector<1024x64xf32>,
    %slice3A_158 = vector.extract_strided_slice %convert_element_type3A_42 {offsets = [0, 320], sizes = [256, 64], strides = [1, 1]} : vector<256x1024xbf16> to vector<256x64xbf16>
    %slice3A_159 = vector.extract_strided_slice %convert_element_type3A_41 {offsets = [0, 320], sizes = [1024, 64], strides = [1, 1]} : vector<1024x1024xbf16> to vector<1024x64xbf16>
    %dot_general3A_160 = arith.constant dense<0.000000e+00> : vector<256x1024xf32>
    %dot_general3A_161 = tpu.matmul %slice3A_158, %slice3A_159, %dot_general3A_160 {dimension_numbers = #tpu.dot_dimension_numbers<[1], [1], [0], [0], [0, 0, 1, 0], [], []>, transpose_lhs_hint = false} : vector<256x64xbf16>, vector<1024x64xbf16>, vector<256x1024xf32> -> vector<256x1024xf32>
    %exp3A_162 = math.exp %dot_general3A_161 : vector<256x1024xf32>
    %slice3A_163 = vector.extract_strided_slice %get3A_2 {offsets = [1, 0, 64], sizes = [1, 256, 64], strides = [1, 1, 1]} : vector<4x256x256xf32> to vector<1x256x64xf32>
    %squeeze3A_164 = vector.shape_cast %slice3A_163 : vector<1x256x64xf32> to vector<256x64xf32>
    %mul3A_165 = vector.broadcast %mul3A_13 : vector<256x1xf32> to vector<256x1024xf32>
    %mul3A_166 = arith.mulf %exp3A_162, %mul3A_165 : vector<256x1024xf32>
    %reduce_sum3A_167 = arith.constant dense<0.000000e+00> : vector<1024xf32>
    %reduce_sum3A_168 = vector.multi_reduction <add>, %mul3A_166, %reduce_sum3A_167 [0] : vector<256x1024xf32> to vector<1024xf32>
    %broadcast_in_dim3A_169 = vector.shape_cast %reduce_sum3A_168 : vector<1024xf32> to vector<1x1024xf32>
    %div3A_170 = arith.constant 1.000000e+00 : f32
    %div3A_171 = vector.broadcast %div3A_170 : f32 to vector<1x1024xf32>
    %div3A_172 = arith.divf %div3A_171, %broadcast_in_dim3A_169 : vector<1x1024xf32>
    %mul3A_173 = vector.broadcast %div3A_172 : vector<1x1024xf32> to vector<256x1024xf32>
    %mul3A_174 = arith.mulf %exp3A_162, %mul3A_173 : vector<256x1024xf32>
    %convert_element_type3A_175 = arith.truncf %mul3A_174 : vector<256x1024xf32> to vector<256x1024xbf16>
    %convert_element_type3A_176 = arith.truncf %squeeze3A_164 : vector<256x64xf32> to vector<256x64xbf16>
    %dot_general3A_177 = arith.constant dense<0.000000e+00> : vector<1024x64xf32>
    %dot_general3A_178 = tpu.matmul %convert_element_type3A_175, %convert_element_type3A_176, %dot_general3A_177 {dimension_numbers = #tpu.dot_dimension_numbers<[0], [0], [1], [1], [0, 1, 1, 1], [], []>, transpose_lhs_hint = false} : vector<256x1024xbf16>, vector<256x64xbf16>, vector<1024x64xf32> -> vector<1024x64xf32>
    %swap3A_179 = arith.constant 0 : index
    %swap3A_180 = arith.constant 320 : index
    %swap3A_181 = vector.load %arg5[%swap3A_179, %swap3A_180] : memref<1024x1024xf32, #tpu.memory_space<vmem>>, vector<1024x64xf32>
    tpu.vector_store %arg5[%swap3A_179, %swap3A_180], %dot_general3A_178 {strides = array<i32>} : memref<1024x1024xf32, #tpu.memory_space<vmem>>, vector<1024x64xf32>,
    %slice3A_182 = vector.extract_strided_slice %convert_element_type3A_42 {offsets = [0, 384], sizes = [256, 64], strides = [1, 1]} : vector<256x1024xbf16> to vector<256x64xbf16>
    %slice3A_183 = vector.extract_strided_slice %convert_element_type3A_41 {offsets = [0, 384], sizes = [1024, 64], strides = [1, 1]} : vector<1024x1024xbf16> to vector<1024x64xbf16>
    %dot_general3A_184 = arith.constant dense<0.000000e+00> : vector<256x1024xf32>
    %dot_general3A_185 = tpu.matmul %slice3A_182, %slice3A_183, %dot_general3A_184 {dimension_numbers = #tpu.dot_dimension_numbers<[1], [1], [0], [0], [0, 0, 1, 0], [], []>, transpose_lhs_hint = false} : vector<256x64xbf16>, vector<1024x64xbf16>, vector<256x1024xf32> -> vector<256x1024xf32>
    %exp3A_186 = math.exp %dot_general3A_185 : vector<256x1024xf32>
    %slice3A_187 = vector.extract_strided_slice %get3A_2 {offsets = [1, 0, 128], sizes = [1, 256, 64], strides = [1, 1, 1]} : vector<4x256x256xf32> to vector<1x256x64xf32>
    %squeeze3A_188 = vector.shape_cast %slice3A_187 : vector<1x256x64xf32> to vector<256x64xf32>
    %mul3A_189 = vector.broadcast %mul3A_13 : vector<256x1xf32> to vector<256x1024xf32>
    %mul3A_190 = arith.mulf %exp3A_186, %mul3A_189 : vector<256x1024xf32>
    %reduce_sum3A_191 = arith.constant dense<0.000000e+00> : vector<1024xf32>
    %reduce_sum3A_192 = vector.multi_reduction <add>, %mul3A_190, %reduce_sum3A_191 [0] : vector<256x1024xf32> to vector<1024xf32>
    %broadcast_in_dim3A_193 = vector.shape_cast %reduce_sum3A_192 : vector<1024xf32> to vector<1x1024xf32>
    %div3A_194 = arith.constant 1.000000e+00 : f32
    %div3A_195 = vector.broadcast %div3A_194 : f32 to vector<1x1024xf32>
    %div3A_196 = arith.divf %div3A_195, %broadcast_in_dim3A_193 : vector<1x1024xf32>
    %mul3A_197 = vector.broadcast %div3A_196 : vector<1x1024xf32> to vector<256x1024xf32>
    %mul3A_198 = arith.mulf %exp3A_186, %mul3A_197 : vector<256x1024xf32>
    %convert_element_type3A_199 = arith.truncf %mul3A_198 : vector<256x1024xf32> to vector<256x1024xbf16>
    %convert_element_type3A_200 = arith.truncf %squeeze3A_188 : vector<256x64xf32> to vector<256x64xbf16>
    %dot_general3A_201 = arith.constant dense<0.000000e+00> : vector<1024x64xf32>
    %dot_general3A_202 = tpu.matmul %convert_element_type3A_199, %convert_element_type3A_200, %dot_general3A_201 {dimension_numbers = #tpu.dot_dimension_numbers<[0], [0], [1], [1], [0, 1, 1, 1], [], []>, transpose_lhs_hint = false} : vector<256x1024xbf16>, vector<256x64xbf16>, vector<1024x64xf32> -> vector<1024x64xf32>
    %swap3A_203 = arith.constant 0 : index
    %swap3A_204 = arith.constant 384 : index
    %swap3A_205 = vector.load %arg5[%swap3A_203, %swap3A_204] : memref<1024x1024xf32, #tpu.memory_space<vmem>>, vector<1024x64xf32>
    tpu.vector_store %arg5[%swap3A_203, %swap3A_204], %dot_general3A_202 {strides = array<i32>} : memref<1024x1024xf32, #tpu.memory_space<vmem>>, vector<1024x64xf32>,
    %slice3A_206 = vector.extract_strided_slice %convert_element_type3A_42 {offsets = [0, 448], sizes = [256, 64], strides = [1, 1]} : vector<256x1024xbf16> to vector<256x64xbf16>
    %slice3A_207 = vector.extract_strided_slice %convert_element_type3A_41 {offsets = [0, 448], sizes = [1024, 64], strides = [1, 1]} : vector<1024x1024xbf16> to vector<1024x64xbf16>
    %dot_general3A_208 = arith.constant dense<0.000000e+00> : vector<256x1024xf32>
    %dot_general3A_209 = tpu.matmul %slice3A_206, %slice3A_207, %dot_general3A_208 {dimension_numbers = #tpu.dot_dimension_numbers<[1], [1], [0], [0], [0, 0, 1, 0], [], []>, transpose_lhs_hint = false} : vector<256x64xbf16>, vector<1024x64xbf16>, vector<256x1024xf32> -> vector<256x1024xf32>
    %exp3A_210 = math.exp %dot_general3A_209 : vector<256x1024xf32>
    %slice3A_211 = vector.extract_strided_slice %get3A_2 {offsets = [1, 0, 192], sizes = [1, 256, 64], strides = [1, 1, 1]} : vector<4x256x256xf32> to vector<1x256x64xf32>
    %squeeze3A_212 = vector.shape_cast %slice3A_211 : vector<1x256x64xf32> to vector<256x64xf32>
    %mul3A_213 = vector.broadcast %mul3A_13 : vector<256x1xf32> to vector<256x1024xf32>
    %mul3A_214 = arith.mulf %exp3A_210, %mul3A_213 : vector<256x1024xf32>
    %reduce_sum3A_215 = arith.constant dense<0.000000e+00> : vector<1024xf32>
    %reduce_sum3A_216 = vector.multi_reduction <add>, %mul3A_214, %reduce_sum3A_215 [0] : vector<256x1024xf32> to vector<1024xf32>
    %broadcast_in_dim3A_217 = vector.shape_cast %reduce_sum3A_216 : vector<1024xf32> to vector<1x1024xf32>
    %div3A_218 = arith.constant 1.000000e+00 : f32
    %div3A_219 = vector.broadcast %div3A_218 : f32 to vector<1x1024xf32>
    %div3A_220 = arith.divf %div3A_219, %broadcast_in_dim3A_217 : vector<1x1024xf32>
    %mul3A_221 = vector.broadcast %div3A_220 : vector<1x1024xf32> to vector<256x1024xf32>
    %mul3A_222 = arith.mulf %exp3A_210, %mul3A_221 : vector<256x1024xf32>
    %convert_element_type3A_223 = arith.truncf %mul3A_222 : vector<256x1024xf32> to vector<256x1024xbf16>
    %convert_element_type3A_224 = arith.truncf %squeeze3A_212 : vector<256x64xf32> to vector<256x64xbf16>
    %dot_general3A_225 = arith.constant dense<0.000000e+00> : vector<1024x64xf32>
    %dot_general3A_226 = tpu.matmul %convert_element_type3A_223, %convert_element_type3A_224, %dot_general3A_225 {dimension_numbers = #tpu.dot_dimension_numbers<[0], [0], [1], [1], [0, 1, 1, 1], [], []>, transpose_lhs_hint = false} : vector<256x1024xbf16>, vector<256x64xbf16>, vector<1024x64xf32> -> vector<1024x64xf32>
    %swap3A_227 = arith.constant 0 : index
    %swap3A_228 = arith.constant 448 : index
    %swap3A_229 = vector.load %arg5[%swap3A_227, %swap3A_228] : memref<1024x1024xf32, #tpu.memory_space<vmem>>, vector<1024x64xf32>
    tpu.vector_store %arg5[%swap3A_227, %swap3A_228], %dot_general3A_226 {strides = array<i32>} : memref<1024x1024xf32, #tpu.memory_space<vmem>>, vector<1024x64xf32>,
    %slice3A_230 = vector.extract_strided_slice %convert_element_type3A_42 {offsets = [0, 512], sizes = [256, 64], strides = [1, 1]} : vector<256x1024xbf16> to vector<256x64xbf16>
    %slice3A_231 = vector.extract_strided_slice %convert_element_type3A_41 {offsets = [0, 512], sizes = [1024, 64], strides = [1, 1]} : vector<1024x1024xbf16> to vector<1024x64xbf16>
    %dot_general3A_232 = arith.constant dense<0.000000e+00> : vector<256x1024xf32>
    %dot_general3A_233 = tpu.matmul %slice3A_230, %slice3A_231, %dot_general3A_232 {dimension_numbers = #tpu.dot_dimension_numbers<[1], [1], [0], [0], [0, 0, 1, 0], [], []>, transpose_lhs_hint = false} : vector<256x64xbf16>, vector<1024x64xbf16>, vector<256x1024xf32> -> vector<256x1024xf32>
    %exp3A_234 = math.exp %dot_general3A_233 : vector<256x1024xf32>
    %slice3A_235 = vector.extract_strided_slice %get3A_2 {offsets = [2, 0, 0], sizes = [1, 256, 64], strides = [1, 1, 1]} : vector<4x256x256xf32> to vector<1x256x64xf32>
    %squeeze3A_236 = vector.shape_cast %slice3A_235 : vector<1x256x64xf32> to vector<256x64xf32>
    %mul3A_237 = vector.broadcast %mul3A_13 : vector<256x1xf32> to vector<256x1024xf32>
    %mul3A_238 = arith.mulf %exp3A_234, %mul3A_237 : vector<256x1024xf32>
    %reduce_sum3A_239 = arith.constant dense<0.000000e+00> : vector<1024xf32>
    %reduce_sum3A_240 = vector.multi_reduction <add>, %mul3A_238, %reduce_sum3A_239 [0] : vector<256x1024xf32> to vector<1024xf32>
    %broadcast_in_dim3A_241 = vector.shape_cast %reduce_sum3A_240 : vector<1024xf32> to vector<1x1024xf32>
    %div3A_242 = arith.constant 1.000000e+00 : f32
    %div3A_243 = vector.broadcast %div3A_242 : f32 to vector<1x1024xf32>
    %div3A_244 = arith.divf %div3A_243, %broadcast_in_dim3A_241 : vector<1x1024xf32>
    %mul3A_245 = vector.broadcast %div3A_244 : vector<1x1024xf32> to vector<256x1024xf32>
    %mul3A_246 = arith.mulf %exp3A_234, %mul3A_245 : vector<256x1024xf32>
    %convert_element_type3A_247 = arith.truncf %mul3A_246 : vector<256x1024xf32> to vector<256x1024xbf16>
    %convert_element_type3A_248 = arith.truncf %squeeze3A_236 : vector<256x64xf32> to vector<256x64xbf16>
    %dot_general3A_249 = arith.constant dense<0.000000e+00> : vector<1024x64xf32>
    %dot_general3A_250 = tpu.matmul %convert_element_type3A_247, %convert_element_type3A_248, %dot_general3A_249 {dimension_numbers = #tpu.dot_dimension_numbers<[0], [0], [1], [1], [0, 1, 1, 1], [], []>, transpose_lhs_hint = false} : vector<256x1024xbf16>, vector<256x64xbf16>, vector<1024x64xf32> -> vector<1024x64xf32>
    %swap3A_251 = arith.constant 0 : index
    %swap3A_252 = arith.constant 512 : index
    %swap3A_253 = vector.load %arg5[%swap3A_251, %swap3A_252] : memref<1024x1024xf32, #tpu.memory_space<vmem>>, vector<1024x64xf32>
    tpu.vector_store %arg5[%swap3A_251, %swap3A_252], %dot_general3A_250 {strides = array<i32>} : memref<1024x1024xf32, #tpu.memory_space<vmem>>, vector<1024x64xf32>,
    %slice3A_254 = vector.extract_strided_slice %convert_element_type3A_42 {offsets = [0, 576], sizes = [256, 64], strides = [1, 1]} : vector<256x1024xbf16> to vector<256x64xbf16>
    %slice3A_255 = vector.extract_strided_slice %convert_element_type3A_41 {offsets = [0, 576], sizes = [1024, 64], strides = [1, 1]} : vector<1024x1024xbf16> to vector<1024x64xbf16>
    %dot_general3A_256 = arith.constant dense<0.000000e+00> : vector<256x1024xf32>
    %dot_general3A_257 = tpu.matmul %slice3A_254, %slice3A_255, %dot_general3A_256 {dimension_numbers = #tpu.dot_dimension_numbers<[1], [1], [0], [0], [0, 0, 1, 0], [], []>, transpose_lhs_hint = false} : vector<256x64xbf16>, vector<1024x64xbf16>, vector<256x1024xf32> -> vector<256x1024xf32>
    %exp3A_258 = math.exp %dot_general3A_257 : vector<256x1024xf32>
    %slice3A_259 = vector.extract_strided_slice %get3A_2 {offsets = [2, 0, 64], sizes = [1, 256, 64], strides = [1, 1, 1]} : vector<4x256x256xf32> to vector<1x256x64xf32>
    %squeeze3A_260 = vector.shape_cast %slice3A_259 : vector<1x256x64xf32> to vector<256x64xf32>
    %mul3A_261 = vector.broadcast %mul3A_13 : vector<256x1xf32> to vector<256x1024xf32>
    %mul3A_262 = arith.mulf %exp3A_258, %mul3A_261 : vector<256x1024xf32>
    %reduce_sum3A_263 = arith.constant dense<0.000000e+00> : vector<1024xf32>
    %reduce_sum3A_264 = vector.multi_reduction <add>, %mul3A_262, %reduce_sum3A_263 [0] : vector<256x1024xf32> to vector<1024xf32>
    %broadcast_in_dim3A_265 = vector.shape_cast %reduce_sum3A_264 : vector<1024xf32> to vector<1x1024xf32>
    %div3A_266 = arith.constant 1.000000e+00 : f32
    %div3A_267 = vector.broadcast %div3A_266 : f32 to vector<1x1024xf32>
    %div3A_268 = arith.divf %div3A_267, %broadcast_in_dim3A_265 : vector<1x1024xf32>
    %mul3A_269 = vector.broadcast %div3A_268 : vector<1x1024xf32> to vector<256x1024xf32>
    %mul3A_270 = arith.mulf %exp3A_258, %mul3A_269 : vector<256x1024xf32>
    %convert_element_type3A_271 = arith.truncf %mul3A_270 : vector<256x1024xf32> to vector<256x1024xbf16>
    %convert_element_type3A_272 = arith.truncf %squeeze3A_260 : vector<256x64xf32> to vector<256x64xbf16>
    %dot_general3A_273 = arith.constant dense<0.000000e+00> : vector<1024x64xf32>
    %dot_general3A_274 = tpu.matmul %convert_element_type3A_271, %convert_element_type3A_272, %dot_general3A_273 {dimension_numbers = #tpu.dot_dimension_numbers<[0], [0], [1], [1], [0, 1, 1, 1], [], []>, transpose_lhs_hint = false} : vector<256x1024xbf16>, vector<256x64xbf16>, vector<1024x64xf32> -> vector<1024x64xf32>
    %swap3A_275 = arith.constant 0 : index
    %swap3A_276 = arith.constant 576 : index
    %swap3A_277 = vector.load %arg5[%swap3A_275, %swap3A_276] : memref<1024x1024xf32, #tpu.memory_space<vmem>>, vector<1024x64xf32>
    tpu.vector_store %arg5[%swap3A_275, %swap3A_276], %dot_general3A_274 {strides = array<i32>} : memref<1024x1024xf32, #tpu.memory_space<vmem>>, vector<1024x64xf32>,
    %slice3A_278 = vector.extract_strided_slice %convert_element_type3A_42 {offsets = [0, 640], sizes = [256, 64], strides = [1, 1]} : vector<256x1024xbf16> to vector<256x64xbf16>
    %slice3A_279 = vector.extract_strided_slice %convert_element_type3A_41 {offsets = [0, 640], sizes = [1024, 64], strides = [1, 1]} : vector<1024x1024xbf16> to vector<1024x64xbf16>
    %dot_general3A_280 = arith.constant dense<0.000000e+00> : vector<256x1024xf32>
    %dot_general3A_281 = tpu.matmul %slice3A_278, %slice3A_279, %dot_general3A_280 {dimension_numbers = #tpu.dot_dimension_numbers<[1], [1], [0], [0], [0, 0, 1, 0], [], []>, transpose_lhs_hint = false} : vector<256x64xbf16>, vector<1024x64xbf16>, vector<256x1024xf32> -> vector<256x1024xf32>
    %exp3A_282 = math.exp %dot_general3A_281 : vector<256x1024xf32>
    %slice3A_283 = vector.extract_strided_slice %get3A_2 {offsets = [2, 0, 128], sizes = [1, 256, 64], strides = [1, 1, 1]} : vector<4x256x256xf32> to vector<1x256x64xf32>
    %squeeze3A_284 = vector.shape_cast %slice3A_283 : vector<1x256x64xf32> to vector<256x64xf32>
    %mul3A_285 = vector.broadcast %mul3A_13 : vector<256x1xf32> to vector<256x1024xf32>
    %mul3A_286 = arith.mulf %exp3A_282, %mul3A_285 : vector<256x1024xf32>
    %reduce_sum3A_287 = arith.constant dense<0.000000e+00> : vector<1024xf32>
    %reduce_sum3A_288 = vector.multi_reduction <add>, %mul3A_286, %reduce_sum3A_287 [0] : vector<256x1024xf32> to vector<1024xf32>
    %broadcast_in_dim3A_289 = vector.shape_cast %reduce_sum3A_288 : vector<1024xf32> to vector<1x1024xf32>
    %div3A_290 = arith.constant 1.000000e+00 : f32
    %div3A_291 = vector.broadcast %div3A_290 : f32 to vector<1x1024xf32>
    %div3A_292 = arith.divf %div3A_291, %broadcast_in_dim3A_289 : vector<1x1024xf32>
    %mul3A_293 = vector.broadcast %div3A_292 : vector<1x1024xf32> to vector<256x1024xf32>
    %mul3A_294 = arith.mulf %exp3A_282, %mul3A_293 : vector<256x1024xf32>
    %convert_element_type3A_295 = arith.truncf %mul3A_294 : vector<256x1024xf32> to vector<256x1024xbf16>
    %convert_element_type3A_296 = arith.truncf %squeeze3A_284 : vector<256x64xf32> to vector<256x64xbf16>
    %dot_general3A_297 = arith.constant dense<0.000000e+00> : vector<1024x64xf32>
    %dot_general3A_298 = tpu.matmul %convert_element_type3A_295, %convert_element_type3A_296, %dot_general3A_297 {dimension_numbers = #tpu.dot_dimension_numbers<[0], [0], [1], [1], [0, 1, 1, 1], [], []>, transpose_lhs_hint = false} : vector<256x1024xbf16>, vector<256x64xbf16>, vector<1024x64xf32> -> vector<1024x64xf32>
    %swap3A_299 = arith.constant 0 : index
    %swap3A_300 = arith.constant 640 : index
    %swap3A_301 = vector.load %arg5[%swap3A_299, %swap3A_300] : memref<1024x1024xf32, #tpu.memory_space<vmem>>, vector<1024x64xf32>
    tpu.vector_store %arg5[%swap3A_299, %swap3A_300], %dot_general3A_298 {strides = array<i32>} : memref<1024x1024xf32, #tpu.memory_space<vmem>>, vector<1024x64xf32>,
    %slice3A_302 = vector.extract_strided_slice %convert_element_type3A_42 {offsets = [0, 704], sizes = [256, 64], strides = [1, 1]} : vector<256x1024xbf16> to vector<256x64xbf16>
    %slice3A_303 = vector.extract_strided_slice %convert_element_type3A_41 {offsets = [0, 704], sizes = [1024, 64], strides = [1, 1]} : vector<1024x1024xbf16> to vector<1024x64xbf16>
    %dot_general3A_304 = arith.constant dense<0.000000e+00> : vector<256x1024xf32>
    %dot_general3A_305 = tpu.matmul %slice3A_302, %slice3A_303, %dot_general3A_304 {dimension_numbers = #tpu.dot_dimension_numbers<[1], [1], [0], [0], [0, 0, 1, 0], [], []>, transpose_lhs_hint = false} : vector<256x64xbf16>, vector<1024x64xbf16>, vector<256x1024xf32> -> vector<256x1024xf32>
    %exp3A_306 = math.exp %dot_general3A_305 : vector<256x1024xf32>
    %slice3A_307 = vector.extract_strided_slice %get3A_2 {offsets = [2, 0, 192], sizes = [1, 256, 64], strides = [1, 1, 1]} : vector<4x256x256xf32> to vector<1x256x64xf32>
    %squeeze3A_308 = vector.shape_cast %slice3A_307 : vector<1x256x64xf32> to vector<256x64xf32>
    %mul3A_309 = vector.broadcast %mul3A_13 : vector<256x1xf32> to vector<256x1024xf32>
    %mul3A_310 = arith.mulf %exp3A_306, %mul3A_309 : vector<256x1024xf32>
    %reduce_sum3A_311 = arith.constant dense<0.000000e+00> : vector<1024xf32>
    %reduce_sum3A_312 = vector.multi_reduction <add>, %mul3A_310, %reduce_sum3A_311 [0] : vector<256x1024xf32> to vector<1024xf32>
    %broadcast_in_dim3A_313 = vector.shape_cast %reduce_sum3A_312 : vector<1024xf32> to vector<1x1024xf32>
    %div3A_314 = arith.constant 1.000000e+00 : f32
    %div3A_315 = vector.broadcast %div3A_314 : f32 to vector<1x1024xf32>
    %div3A_316 = arith.divf %div3A_315, %broadcast_in_dim3A_313 : vector<1x1024xf32>
    %mul3A_317 = vector.broadcast %div3A_316 : vector<1x1024xf32> to vector<256x1024xf32>
    %mul3A_318 = arith.mulf %exp3A_306, %mul3A_317 : vector<256x1024xf32>
    %convert_element_type3A_319 = arith.truncf %mul3A_318 : vector<256x1024xf32> to vector<256x1024xbf16>
    %convert_element_type3A_320 = arith.truncf %squeeze3A_308 : vector<256x64xf32> to vector<256x64xbf16>
    %dot_general3A_321 = arith.constant dense<0.000000e+00> : vector<1024x64xf32>
    %dot_general3A_322 = tpu.matmul %convert_element_type3A_319, %convert_element_type3A_320, %dot_general3A_321 {dimension_numbers = #tpu.dot_dimension_numbers<[0], [0], [1], [1], [0, 1, 1, 1], [], []>, transpose_lhs_hint = false} : vector<256x1024xbf16>, vector<256x64xbf16>, vector<1024x64xf32> -> vector<1024x64xf32>
    %swap3A_323 = arith.constant 0 : index
    %swap3A_324 = arith.constant 704 : index
    %swap3A_325 = vector.load %arg5[%swap3A_323, %swap3A_324] : memref<1024x1024xf32, #tpu.memory_space<vmem>>, vector<1024x64xf32>
    tpu.vector_store %arg5[%swap3A_323, %swap3A_324], %dot_general3A_322 {strides = array<i32>} : memref<1024x1024xf32, #tpu.memory_space<vmem>>, vector<1024x64xf32>,
    %slice3A_326 = vector.extract_strided_slice %convert_element_type3A_42 {offsets = [0, 768], sizes = [256, 64], strides = [1, 1]} : vector<256x1024xbf16> to vector<256x64xbf16>
    %slice3A_327 = vector.extract_strided_slice %convert_element_type3A_41 {offsets = [0, 768], sizes = [1024, 64], strides = [1, 1]} : vector<1024x1024xbf16> to vector<1024x64xbf16>
    %dot_general3A_328 = arith.constant dense<0.000000e+00> : vector<256x1024xf32>
    %dot_general3A_329 = tpu.matmul %slice3A_326, %slice3A_327, %dot_general3A_328 {dimension_numbers = #tpu.dot_dimension_numbers<[1], [1], [0], [0], [0, 0, 1, 0], [], []>, transpose_lhs_hint = false} : vector<256x64xbf16>, vector<1024x64xbf16>, vector<256x1024xf32> -> vector<256x1024xf32>
    %exp3A_330 = math.exp %dot_general3A_329 : vector<256x1024xf32>
    %slice3A_331 = vector.extract_strided_slice %get3A_2 {offsets = [3, 0, 0], sizes = [1, 256, 64], strides = [1, 1, 1]} : vector<4x256x256xf32> to vector<1x256x64xf32>
    %squeeze3A_332 = vector.shape_cast %slice3A_331 : vector<1x256x64xf32> to vector<256x64xf32>
    %mul3A_333 = vector.broadcast %mul3A_13 : vector<256x1xf32> to vector<256x1024xf32>
    %mul3A_334 = arith.mulf %exp3A_330, %mul3A_333 : vector<256x1024xf32>
    %reduce_sum3A_335 = arith.constant dense<0.000000e+00> : vector<1024xf32>
    %reduce_sum3A_336 = vector.multi_reduction <add>, %mul3A_334, %reduce_sum3A_335 [0] : vector<256x1024xf32> to vector<1024xf32>
    %broadcast_in_dim3A_337 = vector.shape_cast %reduce_sum3A_336 : vector<1024xf32> to vector<1x1024xf32>
    %div3A_338 = arith.constant 1.000000e+00 : f32
    %div3A_339 = vector.broadcast %div3A_338 : f32 to vector<1x1024xf32>
    %div3A_340 = arith.divf %div3A_339, %broadcast_in_dim3A_337 : vector<1x1024xf32>
    %mul3A_341 = vector.broadcast %div3A_340 : vector<1x1024xf32> to vector<256x1024xf32>
    %mul3A_342 = arith.mulf %exp3A_330, %mul3A_341 : vector<256x1024xf32>
    %convert_element_type3A_343 = arith.truncf %mul3A_342 : vector<256x1024xf32> to vector<256x1024xbf16>
    %convert_element_type3A_344 = arith.truncf %squeeze3A_332 : vector<256x64xf32> to vector<256x64xbf16>
    %dot_general3A_345 = arith.constant dense<0.000000e+00> : vector<1024x64xf32>
    %dot_general3A_346 = tpu.matmul %convert_element_type3A_343, %convert_element_type3A_344, %dot_general3A_345 {dimension_numbers = #tpu.dot_dimension_numbers<[0], [0], [1], [1], [0, 1, 1, 1], [], []>, transpose_lhs_hint = false} : vector<256x1024xbf16>, vector<256x64xbf16>, vector<1024x64xf32> -> vector<1024x64xf32>
    %swap3A_347 = arith.constant 0 : index
    %swap3A_348 = arith.constant 768 : index
    %swap3A_349 = vector.load %arg5[%swap3A_347, %swap3A_348] : memref<1024x1024xf32, #tpu.memory_space<vmem>>, vector<1024x64xf32>
    tpu.vector_store %arg5[%swap3A_347, %swap3A_348], %dot_general3A_346 {strides = array<i32>} : memref<1024x1024xf32, #tpu.memory_space<vmem>>, vector<1024x64xf32>,
    %slice3A_350 = vector.extract_strided_slice %convert_element_type3A_42 {offsets = [0, 832], sizes = [256, 64], strides = [1, 1]} : vector<256x1024xbf16> to vector<256x64xbf16>
    %slice3A_351 = vector.extract_strided_slice %convert_element_type3A_41 {offsets = [0, 832], sizes = [1024, 64], strides = [1, 1]} : vector<1024x1024xbf16> to vector<1024x64xbf16>
    %dot_general3A_352 = arith.constant dense<0.000000e+00> : vector<256x1024xf32>
    %dot_general3A_353 = tpu.matmul %slice3A_350, %slice3A_351, %dot_general3A_352 {dimension_numbers = #tpu.dot_dimension_numbers<[1], [1], [0], [0], [0, 0, 1, 0], [], []>, transpose_lhs_hint = false} : vector<256x64xbf16>, vector<1024x64xbf16>, vector<256x1024xf32> -> vector<256x1024xf32>
    %exp3A_354 = math.exp %dot_general3A_353 : vector<256x1024xf32>
    %slice3A_355 = vector.extract_strided_slice %get3A_2 {offsets = [3, 0, 64], sizes = [1, 256, 64], strides = [1, 1, 1]} : vector<4x256x256xf32> to vector<1x256x64xf32>
    %squeeze3A_356 = vector.shape_cast %slice3A_355 : vector<1x256x64xf32> to vector<256x64xf32>
    %mul3A_357 = vector.broadcast %mul3A_13 : vector<256x1xf32> to vector<256x1024xf32>
    %mul3A_358 = arith.mulf %exp3A_354, %mul3A_357 : vector<256x1024xf32>
    %reduce_sum3A_359 = arith.constant dense<0.000000e+00> : vector<1024xf32>
    %reduce_sum3A_360 = vector.multi_reduction <add>, %mul3A_358, %reduce_sum3A_359 [0] : vector<256x1024xf32> to vector<1024xf32>
    %broadcast_in_dim3A_361 = vector.shape_cast %reduce_sum3A_360 : vector<1024xf32> to vector<1x1024xf32>
    %div3A_362 = arith.constant 1.000000e+00 : f32
    %div3A_363 = vector.broadcast %div3A_362 : f32 to vector<1x1024xf32>
    %div3A_364 = arith.divf %div3A_363, %broadcast_in_dim3A_361 : vector<1x1024xf32>
    %mul3A_365 = vector.broadcast %div3A_364 : vector<1x1024xf32> to vector<256x1024xf32>
    %mul3A_366 = arith.mulf %exp3A_354, %mul3A_365 : vector<256x1024xf32>
    %convert_element_type3A_367 = arith.truncf %mul3A_366 : vector<256x1024xf32> to vector<256x1024xbf16>
    %convert_element_type3A_368 = arith.truncf %squeeze3A_356 : vector<256x64xf32> to vector<256x64xbf16>
    %dot_general3A_369 = arith.constant dense<0.000000e+00> : vector<1024x64xf32>
    %dot_general3A_370 = tpu.matmul %convert_element_type3A_367, %convert_element_type3A_368, %dot_general3A_369 {dimension_numbers = #tpu.dot_dimension_numbers<[0], [0], [1], [1], [0, 1, 1, 1], [], []>, transpose_lhs_hint = false} : vector<256x1024xbf16>, vector<256x64xbf16>, vector<1024x64xf32> -> vector<1024x64xf32>
    %swap3A_371 = arith.constant 0 : index
    %swap3A_372 = arith.constant 832 : index
    %swap3A_373 = vector.load %arg5[%swap3A_371, %swap3A_372] : memref<1024x1024xf32, #tpu.memory_space<vmem>>, vector<1024x64xf32>
    tpu.vector_store %arg5[%swap3A_371, %swap3A_372], %dot_general3A_370 {strides = array<i32>} : memref<1024x1024xf32, #tpu.memory_space<vmem>>, vector<1024x64xf32>,
    %slice3A_374 = vector.extract_strided_slice %convert_element_type3A_42 {offsets = [0, 896], sizes = [256, 64], strides = [1, 1]} : vector<256x1024xbf16> to vector<256x64xbf16>
    %slice3A_375 = vector.extract_strided_slice %convert_element_type3A_41 {offsets = [0, 896], sizes = [1024, 64], strides = [1, 1]} : vector<1024x1024xbf16> to vector<1024x64xbf16>
    %dot_general3A_376 = arith.constant dense<0.000000e+00> : vector<256x1024xf32>
    %dot_general3A_377 = tpu.matmul %slice3A_374, %slice3A_375, %dot_general3A_376 {dimension_numbers = #tpu.dot_dimension_numbers<[1], [1], [0], [0], [0, 0, 1, 0], [], []>, transpose_lhs_hint = false} : vector<256x64xbf16>, vector<1024x64xbf16>, vector<256x1024xf32> -> vector<256x1024xf32>
    %exp3A_378 = math.exp %dot_general3A_377 : vector<256x1024xf32>
    %slice3A_379 = vector.extract_strided_slice %get3A_2 {offsets = [3, 0, 128], sizes = [1, 256, 64], strides = [1, 1, 1]} : vector<4x256x256xf32> to vector<1x256x64xf32>
    %squeeze3A_380 = vector.shape_cast %slice3A_379 : vector<1x256x64xf32> to vector<256x64xf32>
    %mul3A_381 = vector.broadcast %mul3A_13 : vector<256x1xf32> to vector<256x1024xf32>
    %mul3A_382 = arith.mulf %exp3A_378, %mul3A_381 : vector<256x1024xf32>
    %reduce_sum3A_383 = arith.constant dense<0.000000e+00> : vector<1024xf32>
    %reduce_sum3A_384 = vector.multi_reduction <add>, %mul3A_382, %reduce_sum3A_383 [0] : vector<256x1024xf32> to vector<1024xf32>
    %broadcast_in_dim3A_385 = vector.shape_cast %reduce_sum3A_384 : vector<1024xf32> to vector<1x1024xf32>
    %div3A_386 = arith.constant 1.000000e+00 : f32
    %div3A_387 = vector.broadcast %div3A_386 : f32 to vector<1x1024xf32>
    %div3A_388 = arith.divf %div3A_387, %broadcast_in_dim3A_385 : vector<1x1024xf32>
    %mul3A_389 = vector.broadcast %div3A_388 : vector<1x1024xf32> to vector<256x1024xf32>
    %mul3A_390 = arith.mulf %exp3A_378, %mul3A_389 : vector<256x1024xf32>
    %convert_element_type3A_391 = arith.truncf %mul3A_390 : vector<256x1024xf32> to vector<256x1024xbf16>
    %convert_element_type3A_392 = arith.truncf %squeeze3A_380 : vector<256x64xf32> to vector<256x64xbf16>
    %dot_general3A_393 = arith.constant dense<0.000000e+00> : vector<1024x64xf32>
    %dot_general3A_394 = tpu.matmul %convert_element_type3A_391, %convert_element_type3A_392, %dot_general3A_393 {dimension_numbers = #tpu.dot_dimension_numbers<[0], [0], [1], [1], [0, 1, 1, 1], [], []>, transpose_lhs_hint = false} : vector<256x1024xbf16>, vector<256x64xbf16>, vector<1024x64xf32> -> vector<1024x64xf32>
    %swap3A_395 = arith.constant 0 : index
    %swap3A_396 = arith.constant 896 : index
    %swap3A_397 = vector.load %arg5[%swap3A_395, %swap3A_396] : memref<1024x1024xf32, #tpu.memory_space<vmem>>, vector<1024x64xf32>
    tpu.vector_store %arg5[%swap3A_395, %swap3A_396], %dot_general3A_394 {strides = array<i32>} : memref<1024x1024xf32, #tpu.memory_space<vmem>>, vector<1024x64xf32>,
    %slice3A_398 = vector.extract_strided_slice %convert_element_type3A_42 {offsets = [0, 960], sizes = [256, 64], strides = [1, 1]} : vector<256x1024xbf16> to vector<256x64xbf16>
    %slice3A_399 = vector.extract_strided_slice %convert_element_type3A_41 {offsets = [0, 960], sizes = [1024, 64], strides = [1, 1]} : vector<1024x1024xbf16> to vector<1024x64xbf16>
    %dot_general3A_400 = arith.constant dense<0.000000e+00> : vector<256x1024xf32>
    %dot_general3A_401 = tpu.matmul %slice3A_398, %slice3A_399, %dot_general3A_400 {dimension_numbers = #tpu.dot_dimension_numbers<[1], [1], [0], [0], [0, 0, 1, 0], [], []>, transpose_lhs_hint = false} : vector<256x64xbf16>, vector<1024x64xbf16>, vector<256x1024xf32> -> vector<256x1024xf32>
    %exp3A_402 = math.exp %dot_general3A_401 : vector<256x1024xf32>
    %slice3A_403 = vector.extract_strided_slice %get3A_2 {offsets = [3, 0, 192], sizes = [1, 256, 64], strides = [1, 1, 1]} : vector<4x256x256xf32> to vector<1x256x64xf32>
    %squeeze3A_404 = vector.shape_cast %slice3A_403 : vector<1x256x64xf32> to vector<256x64xf32>
    %mul3A_405 = vector.broadcast %mul3A_13 : vector<256x1xf32> to vector<256x1024xf32>
    %mul3A_406 = arith.mulf %exp3A_402, %mul3A_405 : vector<256x1024xf32>
    %reduce_sum3A_407 = arith.constant dense<0.000000e+00> : vector<1024xf32>
    %reduce_sum3A_408 = vector.multi_reduction <add>, %mul3A_406, %reduce_sum3A_407 [0] : vector<256x1024xf32> to vector<1024xf32>
    %broadcast_in_dim3A_409 = vector.shape_cast %reduce_sum3A_408 : vector<1024xf32> to vector<1x1024xf32>
    %div3A_410 = arith.constant 1.000000e+00 : f32
    %div3A_411 = vector.broadcast %div3A_410 : f32 to vector<1x1024xf32>
    %div3A_412 = arith.divf %div3A_411, %broadcast_in_dim3A_409 : vector<1x1024xf32>
    %mul3A_413 = vector.broadcast %div3A_412 : vector<1x1024xf32> to vector<256x1024xf32>
    %mul3A_414 = arith.mulf %exp3A_402, %mul3A_413 : vector<256x1024xf32>
    %convert_element_type3A_415 = arith.truncf %mul3A_414 : vector<256x1024xf32> to vector<256x1024xbf16>
    %convert_element_type3A_416 = arith.truncf %squeeze3A_404 : vector<256x64xf32> to vector<256x64xbf16>
    %dot_general3A_417 = arith.constant dense<0.000000e+00> : vector<1024x64xf32>
    %dot_general3A_418 = tpu.matmul %convert_element_type3A_415, %convert_element_type3A_416, %dot_general3A_417 {dimension_numbers = #tpu.dot_dimension_numbers<[0], [0], [1], [1], [0, 1, 1, 1], [], []>, transpose_lhs_hint = false} : vector<256x1024xbf16>, vector<256x64xbf16>, vector<1024x64xf32> -> vector<1024x64xf32>
    %swap3A_419 = arith.constant 0 : index
    %swap3A_420 = arith.constant 960 : index
    %swap3A_421 = vector.load %arg5[%swap3A_419, %swap3A_420] : memref<1024x1024xf32, #tpu.memory_space<vmem>>, vector<1024x64xf32>
    tpu.vector_store %arg5[%swap3A_419, %swap3A_420], %dot_general3A_418 {strides = array<i32>} : memref<1024x1024xf32, #tpu.memory_space<vmem>>, vector<1024x64xf32>,
    return
  }
  func.func @transform_0(%arg0: i32) -> (i32, i32) {
    %c0_i32 = arith.constant 0 : i32
    %c0_i32_0 = arith.constant 0 : i32
    return %arg0, %c0_i32 : i32, i32
  }
  func.func @transform_1(%arg0: i32) -> (i32, i32, i32) {
    %c0_i32 = arith.constant 0 : i32
    %c0_i32_0 = arith.constant 0 : i32
    %c0_i32_1 = arith.constant 0 : i32
    return %arg0, %c0_i32, %c0_i32_0 : i32, i32, i32
  }
  func.func @transform_2(%arg0: i32) -> (i32, i32, i32, i32) {
    %c0_i32 = arith.constant 0 : i32
    %c0_i32_0 = arith.constant 0 : i32
    %c0_i32_1 = arith.constant 0 : i32
    %c0_i32_2 = arith.constant 0 : i32
    return %arg0, %c0_i32, %c0_i32_0, %c0_i32_1 : i32, i32, i32, i32
  }
  func.func @transform_3(%arg0: i32) -> (i32, i32) {
    %c0_i32 = arith.constant 0 : i32
    %c0_i32_0 = arith.constant 0 : i32
    %c0_i32_1 = arith.constant 0 : i32
    return %c0_i32, %c0_i32_0 : i32, i32
  }
  func.func @transform_4(%arg0: i32) -> (i32, i32) {
    %c0_i32 = arith.constant 0 : i32
    %c0_i32_0 = arith.constant 0 : i32
    return %arg0, %c0_i32 : i32, i32
  }
}

</mosaic_0001>

<sc_bundles>
// kernel: kernel.5.cloned.1.call-start
scs
__scs_entry_jumppad:
0x0: {  	(pc) =	sbr.rel $0x88, $3  }
0x1: {  	(tag) =	ssettag $0x0;
	lr =	simm.s32 $0x1  }
0x2: {  	[smem:$0x3F9B] =	sst lr;
	_ =	strace $0xD0000000  }
0x3: {  	_ = 	snop  }
0x4: {  	_ = 	snop  }
0x5: {  	_ = 	snop  }
0x6: {  	_ = 	snop  }
0x7: {  	_ = 	snop  }
__scs_overlays_trampoline_lowered:
0x8: {  	[smem:$0x3FAA] =	sst s0  }
0x9: {  	[smem:$0x3FAB] =	sst s1  }
0xa: {  	[smem:$0x3FAC] =	sst s2  }
0xb: {  	[smem:$0x3FAD] =	sst s3  }
0xc: {  	[smem:$0x3FAE] =	sst s4  }
0xd: {  	[smem:$0x3FAF] =	sst s5  }
0xe: {  	[smem:$0x3FB0] =	sst s6  }
0xf: {  	[smem:$0x3FB1] =	sst s7  }
0x10: {  	[smem:$0x3FB2] =	sst s8  }
0x11: {  	[smem:$0x3FB3] =	sst s9;
	s0 =	simm.s32 @!p0 $0x0  }
0x12: {  	s1 =	sld [smem:$0x3F99];
	s0 =	simm.s32 @p0 $0x1  }
0x13: {  	[smem:$0x3FB4] =	sst s0;
	s0 =	simm.s32 @!p1 $0x0  }
0x14: {  	s2 =	sld [smem:$0x3F98];
	s0 =	simm.s32 @p1 $0x1  }
0x15: {  	[smem:$0x3FB5] =	sst s0;
	s0 =	simm.s32 @!p2 $0x0  }
0x16: {  	s3 =	sld [smem:$0x3FDB];
	s0 =	simm.s32 @p2 $0x1  }
0x17: {  	s4 =	simm.s32 $0x1BF5;
	[smem:$0x3FB7] =	sst s0  }
0x18: {  	s0 =	sld [smem:$0x3F9A];
	_ =	swait.ge [sflag:s4], $0x0  }
0x19: {  	s7 =	sld [smem:$0x3F9B]  }
0x1a: {  	s8 =	sadd.s32 $0xFFFFE003, lr  }
0x1b: {  	s9 =	sadd.s32 $0xFFFFFEF7, lr;
	s5 =	simm.s32 $0xFFFFFFFF;
	p2 =	slt.u32 s8, $0xFFFFF086  }
0x1c: {  	p1 =	slt.u32 s9, $0xF7A;
	s5 =	simm.s32 @!p2 $0x0  }
0x1d: {  	s5 =	simm.s32 @p1 $0x1;
	p0 =	seq.s32 s7, s2  }
0x1e: {  	s7 =	smul.u32 @!p0 $0xF7A, s2;
	p2 =	seq.s32 @!p0 s5, $0x0  }
0x1f: {  	s9 =	smul.u32 $0xF7A, s1;
	s8 =	simm.s32 @!p0 $0x1BF5;
	p2 =	por !p2, p0  }
0x20: {  	[sflag:s8] =	ssyncset.s32 @!p0 $0xFFFFF086;
	s6 =	sadd.s32 @!p0 s3, s7;
	s7 =	simm.s32 @!p0 $0x108  }
0x21: {  	s3 =	sadd.s32 s3, s9;
	s6 =	sadd.s32 @!p0 $0x88, s6;
	s7 =	simm.s32 @p2 $0x1082  }
0x22: {  	[simem:s7], [sflag:s8] =	dma.local @!p0 [hbm:s6], $0xF7A  }
0x23: {  	s9 =	sor.u32 $0xD0000000, s2;
	s6 =	simm.s32 $0x108;
	_ =	swait.ge @!p0 [sflag:s8], $0x0  }
0x24: {  	s3 =	sadd.s32 $0x88, s3;
	s6 =	simm.s32 @!p1 $0x1082;
	[sflag:s4] =	ssyncset.s32 $0xFFFFF086  }
0x25: {  	[simem:s6], [sflag:s4] =	dma.local [hbm:s3], $0xF7A  }
0x26: {  	[smem:$0x3F9B] =	sst s1;
	(tag) =	ssettag s2;
	_ =	strace s9  }
0x27: {  	s1 =	sld [smem:$0x3FAB]  }
0x28: {  	s2 =	sld [smem:$0x3FAC]  }
0x29: {  	s4 =	sld [smem:$0x3FAE]  }
0x2a: {  	p0 =	seq.s32 s5, $0x0;
	s5 =	sld [smem:$0x3FAF]  }
0x2b: {  	s6 =	sld [smem:$0x3FB0]  }
0x2c: {  	s7 =	sld [smem:$0x3FB1]  }
0x2d: {  	s3 =	simm.s32 $0x108;
	s8 =	sld [smem:$0x3FB2]  }
0x2e: {  	s3 =	simm.s32 @!p0 $0x1082;
	s9 =	sld [smem:$0x3FB3]  }
0x2f: {  	lr =	sadd.s32 s0, s3;
	s0 =	sld [smem:$0x3FAA]  }
0x30: {  	s3 =	sld [smem:$0x3FAD]  }
0x31: {  	[smem:$0x3FB6] =	sst s10  }
0x32: {  	s10 =	sld [smem:$0x3FB4];
	_ =	sdelay $0x3  }
0x33: {  	p0 =	seq.s32 s10, $0x1;
	s10 =	sld [smem:$0x3FB6];
	_ =	sdelay $0x3  }
0x34: {  	[smem:$0x3FB6] =	sst s10  }
0x35: {  	s10 =	sld [smem:$0x3FB5];
	_ =	sdelay $0x3  }
0x36: {  	p1 =	seq.s32 s10, $0x1;
	s10 =	sld [smem:$0x3FB6];
	_ =	sdelay $0x3  }
0x37: {  	[smem:$0x3FB6] =	sst s10  }
0x38: {  	s10 =	sld [smem:$0x3FB7]  }
0x39: {  	_ = 	snop;
	(pc) =	sbr.ind lr, $3  }
0x3a: {  	_ = 	snop  }
0x3b: {  	_ = 	snop  }
0x3c: {  	p2 =	seq.s32 s10, $0x1;
	s10 =	sld [smem:$0x3FB6]  }
0x3d: {  	_ =	shalt  }
0x3e: {  	_ =	shalt  }
0x3f: {  	_ =	shalt  }
0x40: {  	_ =	shalt  }
0x41: {  	_ =	shalt  }
0x42: {  	_ =	shalt  }
0x43: {  	_ =	shalt  }
0x44: {  	_ =	shalt  }
0x45: {  	_ =	shalt  }
0x46: {  	_ =	shalt  }
0x47: {  	_ =	shalt  }
0x48: {  	_ =	shalt  }
0x49: {  	_ =	shalt  }
0x4a: {  	_ =	shalt  }
0x4b: {  	_ =	shalt  }
0x4c: {  	_ =	shalt  }
0x4d: {  	_ =	shalt  }
0x4e: {  	_ =	shalt  }
0x4f: {  	_ =	shalt  }
0x50: {  	_ =	shalt  }
0x51: {  	_ =	shalt  }
0x52: {  	_ =	shalt  }
0x53: {  	_ =	shalt  }
0x54: {  	_ =	shalt  }
0x55: {  	_ =	shalt  }
0x56: {  	_ =	shalt  }
0x57: {  	_ =	shalt  }
0x58: {  	_ =	shalt  }
0x59: {  	_ =	shalt  }
0x5a: {  	_ =	shalt  }
0x5b: {  	_ =	shalt  }
0x5c: {  	_ =	shalt  }
0x5d: {  	_ =	shalt  }
0x5e: {  	_ =	shalt  }
0x5f: {  	_ =	shalt  }
0x60: {  	_ =	shalt  }
0x61: {  	_ =	shalt  }
0x62: {  	_ =	shalt  }
0x63: {  	_ =	shalt  }
0x64: {  	_ =	shalt  }
0x65: {  	_ =	shalt  }
0x66: {  	_ =	shalt  }
0x67: {  	_ =	shalt  }
0x68: {  	_ =	shalt  }
0x69: {  	_ =	shalt  }
0x6a: {  	_ =	shalt  }
0x6b: {  	_ =	shalt  }
0x6c: {  	_ =	shalt  }
0x6d: {  	_ =	shalt  }
0x6e: {  	_ =	shalt  }
0x6f: {  	_ =	shalt  }
0x70: {  	_ =	shalt  }
0x71: {  	_ =	shalt  }
0x72: {  	_ =	shalt  }
0x73: {  	_ =	shalt  }
0x74: {  	_ =	shalt  }
0x75: {  	_ =	shalt  }
0x76: {  	_ =	shalt  }
0x77: {  	_ =	shalt  }
0x78: {  	_ =	shalt  }
0x79: {  	_ =	shalt  }
0x7a: {  	_ =	shalt  }
0x7b: {  	_ =	shalt  }
0x7c: {  	_ =	shalt  }
0x7d: {  	_ =	shalt  }
0x7e: {  	_ =	shalt  }
0x7f: {  	_ =	shalt  }
0x80: {  	_ =	shalt  }
0x81: {  	_ =	shalt  }
0x82: {  	_ =	shalt  }
0x83: {  	_ =	shalt  }
0x84: {  	_ =	shalt  }
0x85: {  	_ =	shalt  }
0x86: {  	_ =	shalt  }
0x87: {  	_ =	shalt  }
.Lfunc_end0:
.L_simem_size_0:
called_computation_lowered:
.L_overlay_start_0:
0x88: {  	s2 =	sld [smem:$0x3FD9]  }
0x89: {  	s3 =	sld [smem:$0x3FFE];
	_ =	sdelay $0x1  }
0x8a: {  	s1 =	srdreg.scid  }
0x8b: {  	s0 =	sand.u32 $0x1, s1  }
0x8c: {  	s17 =	sshll.u32 s0, $0xA;
	s2 =	sadd.s32 s3, s2  }
0x8d: {  	s2 =	sadd.s32 s2, s17  }
0x8e: {  	[smem:$0x3FC2] =	sst s2  }
0x8f: {  	_ = 	snop  }
0x90: {  	s2 =	sld [smem:$0x3FC7]  }
0x91: {  	s18 =	sld [smem:$0x3FD0];
	(tm) =	ssettm $0x1  }
0x92: {  	s4 =	sld [smem:$0x3FFB];
	_ =	sdelay $0x3  }
0x93: {  	_ =	strace s4  }
0x94: {  	s4 =	sld [smem:$0x3FFC];
	_ =	sdelay $0x3  }
0x95: {  	_ =	strace s4  }
0x96: {  	s4 =	sld [smem:$0x3FFD];
	_ =	sdelay $0x3  }
0x97: {  	_ =	strace s4  }
0x98: {  	_ =	strace $0x8FFFFFFF  }
0x99: {  	s19 =	sld [smem:$0x3FDB];
	_ =	sdelay $0x1  }
0x9a: {  	s5 =	simm.s32 $_scs_section_size  }
0x9b: {  	s6 =	simm.s32 $_size__tile_overlayer_lowered;
	s7 =	simm.s32 $_tile_overlayer_lowered  }
0x9c: {  	s22 =	simm.s32 $0x1BFF;
	s21 =	sshll.u32 s7, $0x1;
	s4 =	sadd.s32 s5, s19  }
0x9d: {  	s8 =	simm.s32 $0x0;
	s20 =	sshll.u32 s6, $0x1;
	s6 =	sadd.s32 s21, s4  }
0x9e: {  	[timem:s8], [sflag:s22] =	dma.local [hbm:s6], s20  }
0x9f: {  	_ =	swait.ge [sflag:s22], s20  }
0xa0: {  	s5 =	ssub.s32 $0x0, s20;
	[sflag:s22] =	ssyncset.done $0x0  }
0xa1: {  	[sflag:s22] =	ssyncadd.s32 s5;
	_ =	sdelay $0x1  }
0xa2: {  	s23 =	simm.s32 $0x1B8B  }
0xa3: {  	_ =	swait.ge [sflag:s23], $0x1  }
0xa4: {  	[sflag:s23] =	ssyncset.done $0x0  }
0xa5: {  	s25 =	simm.s32 $0x1B8E;
	s24 =	sld [smem:$0x3FFE];
	[sflag:s23] =	ssyncadd.s32 $0xFFFFFFFF  }
0xa6: {  	s26 =	simm.s32 $execute0_lowered;
	[smem:$0x3FD2] =	sst s25  }
0xa7: {  	s6 =	sshll.u32 s26, $0x1;
	_ =	strace $0x80000046;
	[dreg:$0x1] =	wrdreg $0xFFFFFFFF  }
0xa8: {  	s28 =	simm.s32 $_size_execute0_lowered;
	s4 =	sadd.s32 s4, s6;
	[dreg:$0x0] =	wrdreg $0x0  }
0xa9: {  	s6 =	sshll.u32 s28, $0x1;
	[dreg:$0x2] =	wrdreg s4  }
0xaa: {  	[dreg:$0x3] =	wrdreg s6  }
0xab: {  	[dreg:$0x4] =	wrdreg $0xC0  }
0xac: {  	_ =	task [dreg:s8], $0x5FFFF  }
0xad: {  	[dreg:$0x1] =	wrdreg $0xFFFFFFFF  }
0xae: {  	[dreg:$0x0] =	wrdreg $0x60  }
0xaf: {  	[dreg:$0x2] =	wrdreg s2  }
0xb0: {  	[dreg:$0x3] =	wrdreg s24  }
0xb1: {  	[dreg:$0x4] =	wrdreg s18  }
0xb2: {  	[dreg:$0x5] =	wrdreg $0x1C0000  }
0xb3: {  	[dreg:$0x6] =	wrdreg $0x9  }
0xb4: {  	_ =	task.clear_ibuf [dreg:s8], $0x7FFFF;
	_ =	strace $0x90000046  }
0xb5: {  	s29 =	simm.s32 $0x9;
	_ =	strace $0x80000048  }
0xb6: {  	_ =	swait.ge [sflag:s29], $0x1  }
0xb7: {  	[sflag:s29] =	ssyncadd.s32 $0xFFFFFFFF  }
0xb8: {  	_ =	strace $0x90000048  }
0xb9: {  	_ =	sfence  }
0xba: {  	s30 =	sld [smem:$0x0];
	_ =	sdelay $0x2  }
0xbb: {  	s31 =	sshll.u32 s1, $0xD;
	s1 =	sshrl.u32 s1, $0x2  }
0xbc: {  	s3 =	sand.u32 $0x4000, s31;
	s1 =	sadd.s32 s1, s30  }
0xbd: {  	s0 =	sor.u32 s3, s0;
	s1 =	sshll.u32 s1, $0x11  }
0xbe: {  	s0 =	sor.u32 s1, s0  }
0xbf: {  	s0 =	sadd.s32 $0x8F2B, s0  }
0xc0: {  	[sflag:s0] =	ssyncadd.remote.s32 $0x1  }
0xc1: {  	_ =	sfence.sel $0xFFFF  }
0xc2: {  	[dreg:$0x0] =	wrdreg $0xFFFFFFFF;
	(pc) =	sbr.abs _section_cstart, $3  }
0xc3: {  	[dreg:$0x1] =	wrdreg $0xFFFFFFFF  }
0xc4: {  	_ =	task.clear_ibuf [dreg:s8], $0x2FFFF;
	_ =	strace $0x9FFFFFFF  }
0xc5: {  	(tm) =	ssettm $0x7FFFFFFF  }
tec
execute0_lowered:
.L_overlay_start_1:
0x0: {  	(tag) =	ssettag $0x1  }
0x1: {  	s1 =	rddreg [dreg:$0x0]  }
0x2: {  	s0 =	srdreg.scid;
	s5 =	rddreg [dreg:$0x1]  }
0x3: {  	s13 =	stileid.u32;
	s7 =	rddreg [dreg:$0x2]  }
0x4: {  	s8 =	rddreg [dreg:$0x3];
	s4 =	simm.s32 $0x1;
	s3 =	simm.s32 $0x0  }
0x5: {  	s29 =	simm.s32 $0x3;
	s30 =	simm.s32 $0x2;
	s0 =	sand.u32 $0x1, s0  }
0x6: {  	s6 =	sand.u32 $0x3, s13;
	[smem:$0x7FF] =	sst s3;
	s2 =	sshll.u32 s0, $0x4  }
0x7: {  	p0 =	sne.s32 s6, $0x0;
	_ =	strace $0x80000047;
	s12 =	sshll.u32 s6, $0xF  }
0x8: {  	s22 =	sshll.u32 s6, $0xB;
	s0 =	ssub.s32 $0x2, s0;
	s2 =	sor.u32 s13, s2  }
0x9: {  	s24 =	sshrl.u32 s0, $0x1;
	s13 =	sshll.u32 s13, $0x5;
	p1 =	seq.s32 s2, $0x0  }
0xa: {  	s9 =	sshrl.u32 s2, $0x2;
	s0 =	ssub.s32 s0, s24;
	s26 =	sand.u32 $0x180, s13  }
0xb: {  	s24 =	sadd.s32 s13, s8;
	s2 =	sshll.u32 s2, $0xD;
	p1 =	por !p0, !p1  }
0xc: {  	s8 =	sadd.s32 s26, s8;
	s2 =	sadd.s32 s7, s2;
	s0 =	smax.u32 s0, $0x1  }
0xd: {  	s26 =	simm.s32 $0x1A000;
	p1 =	por !p1, !p1;
	[dreg:$0x7] =	wrdreg s2  }
0xe: {  	[dreg:$0x9] =	wrdreg s0;
	s31 =	sadd.s32 $0x200, s8;
	s16 =	sadd.s32 $0x400, s8  }
0xf: {  	s17 =	sadd.s32 $0x600, s8;
	s18 =	sadd.s32 $0x800, s8;
	s19 =	sadd.s32 $0xA00, s8  }
0x10: {  	s20 =	sadd.s32 $0xC00, s8;
	s21 =	sadd.s32 $0xE00, s8;
	s4 =	simm.s32 @!p1 $0x0  }
0x11: {  	s2 =	simm.s32 $0x0;
	[dreg:$0xa] =	wrdreg s31;
	s9 =	ssub.s32 s9, s4  }
0x12: {  	s4 =	simm.s32 $0x1;
	s10 =	sshll.u32 s9, $0x7;
	s11 =	sshll.u32 s9, $0x11  }
0x13: {  	s9 =	sshll.u32 s9, $0x14;
	s10 =	sand.u32 $0x1FFFFF80, s10;
	s11 =	sor.u32 s12, s11  }
0x14: {  	s12 =	sor.u32 s22, s9;
	s22 =	simm.s32 $0x800;
	s10 =	sadd.s32 s10, s5  }
0x15: {  	s11 =	sshrl.u32 s11, $0x3;
	s23 =	sshrl.u32 s12, $0x3;
	s9 =	sor.u32 $0x10000, s12  }
0x16: {  	s11 =	sadd.s32 s11, s5;
	s5 =	sadd.s32 s1, s23;
	s10 =	sadd.s32 $0xE00, s10  }
0x17: {  	s23 =	simm.s32 $0x2000;
	s25 =	sadd.s32 $0x1000, s5;
	[dreg:$0x6] =	wrdreg s10  }
0x18: {  	s10 =	sor.u32 $0x18000, s12;
	s28 =	sadd.s32 $0x1200, s11;
	[dreg:$0x5] =	wrdreg s25  }
0x19: {  	v0 =	vimm.f32 $0.0e+00;
	v1 =	vimm.f32 $1.000000000e+00;
	s12 =	sshll.u32 s6, $0x8;
	[dreg:$0x8] =	wrdreg s28;
	s25 =	sshrl.u32 @!p0 s24, $0x3  }
.LBB2_1:
0x1a: {  	s0 =	simm.s32 $0x18000  }
0x1b: {  	[tilespmem:s0], [sflag:$0x1] =	stream.strided.gather [hbm4b:s5+s22], $0x2000, s23, s22, $0x38;
	[tilespmem:$0x1C100] =	vst v63  }
0x1c: {  	s24 =	rddreg [dreg:$0x5];
	s0 =	stileid.u32  }
0x1d: {  	s6 =	simm.s32 @!p0 $0x1;
	s7 =	simm.s32 @!p0 $0x40;
	s0 =	sshll.u32 @!p0 s0, $0x6  }
0x1e: {  	[tilespmem:s26], [sflag:$0x2] =	stream.strided.gather [hbm4b:s24+s22], $0x2000, s23, s22, $0x38;
	[tilespmem:$0x1C100] =	vst v63  }
0x1f: {  	s11 =	simm.s32 @!p0 $0x10;
	s13 =	rddreg [dreg:$0x6];
	s0 =	sor.u32 @!p0 $0x1C03, s0  }
0x20: {  	[spmem:s25@s7], [sflag:s0] =	dma.strided @!p0 [hbm:s13@s11], $0x80, s6, $0x10   }
0x21: {  	s0 =	simm.s32 @!p0 $0x3  }
0x22: {  	_ =	swait.ge @!p0 [sflag:s0], $0x80  }
0x23: {  	s28 =	sand.u32 $0xF800, s3;
	s31 =	sand.u32 $0x380, s3;
	[sflag:s0] =	ssyncset.done @!p0 $0x0  }
0x24: {  	[sflag:s0] =	ssyncadd.s32 @!p0 $0xFFFFFF80;
	s0 =	sor.u32 s31, s28  }
0x25: {  	[tilespmem:s0+$0x10] =	vst v0  }
0x26: {  	[tilespmem:s0+$0x20] =	vst v0  }
0x27: {  	[tilespmem:s0+$0x30] =	vst v0  }
0x28: {  	[tilespmem:s0+$0x40] =	vst v0  }
0x29: {  	[tilespmem:s0+$0x50] =	vst v0  }
0x2a: {  	[tilespmem:s0+$0x60] =	vst v0  }
0x2b: {  	[tilespmem:s0+$0x70] =	vst v0  }
0x2c: {  	[tilespmem:s0+$0x400] =	vst v0  }
0x2d: {  	[tilespmem:s0+$0x410] =	vst v0  }
0x2e: {  	[tilespmem:s0+$0x420] =	vst v0  }
0x2f: {  	[tilespmem:s0+$0x430] =	vst v0  }
0x30: {  	[tilespmem:s0+$0x440] =	vst v0  }
0x31: {  	[tilespmem:s0+$0x450] =	vst v0  }
0x32: {  	[tilespmem:s0+$0x460] =	vst v0  }
0x33: {  	s7 =	simm.s32 $0x80;
	s11 =	simm.s32 $0x100;
	s6 =	simm.s32 $0x10000;
	[tilespmem:s0+$0x470] =	vst v0  }
.LBB2_2:
0x34: {  	s24 =	sand.u32 $0xF800, s11;
	s28 =	sand.u32 $0x380, s7;
	p1 =	sne.s32 s11, $0xFF00;
	[tilespmem:s0+$0x0] =	vst v0  }
0x35: {  	s0 =	sor.u32 s28, s24;
	[tilespmem:s6+$0x0] =	vst v0  }
0x36: {  	[tilespmem:s0+$0x10] =	vst v0  }
0x37: {  	[tilespmem:s0+$0x20] =	vst v0  }
0x38: {  	[tilespmem:s0+$0x30] =	vst v0  }
0x39: {  	[tilespmem:s0+$0x40] =	vst v0  }
0x3a: {  	[tilespmem:s0+$0x50] =	vst v0  }
0x3b: {  	[tilespmem:s0+$0x60] =	vst v0  }
0x3c: {  	[tilespmem:s0+$0x70] =	vst v0  }
0x3d: {  	[tilespmem:s0+$0x400] =	vst v0  }
0x3e: {  	[tilespmem:s0+$0x410] =	vst v0  }
0x3f: {  	[tilespmem:s0+$0x420] =	vst v0  }
.Ltmp0:
0x40: {  	[tilespmem:s0+$0x430] =	vst v0;
	(pc) =	sbr.rel @p1 .LBB2_2-.Ltmp0, $4  }
0x41: {  	[tilespmem:s0+$0x440] =	vst v0  }
0x42: {  	[tilespmem:s0+$0x450] =	vst v0  }
0x43: {  	[tilespmem:s0+$0x460] =	vst v0  }
0x44: {  	s7 =	sadd.s32 $0x80, s7;
	s11 =	sadd.s32 $0x100, s11;
	s6 =	sadd.s32 $0x80, s6;
	[tilespmem:s0+$0x470] =	vst v0  }
0x45: {  	[tilespmem:s0+$0x0] =	vst v0  }
0x46: {  	[tilespmem:s6+$0x0] =	vst v0  }
0x47: {  	s24 =	simm.s32 $0x0;
	[bflag:$0x0] =	sbarrier.arrive $0xFFFF  }
0x48: {  	[smem:s24], [sflag:$0x3] =	stream.linear.gather [spmem:s8], $0x80, $0x38;
	[tilespmem:$0x1C100] =	vst v63  }
0x49: {  	s15 =	simm.s32 $0x80;
	s14 =	rddreg [dreg:$0xa]  }
0x4a: {  	[smem:s15], [sflag:$0x3] =	stream.linear.gather [spmem:s14], $0x80, $0x38;
	[tilespmem:$0x1C100] =	vst v63  }
0x4b: {  	s6 =	simm.s32 $0x100  }
0x4c: {  	[smem:s6], [sflag:$0x3] =	stream.linear.gather [spmem:s16], $0x80, $0x38;
	[tilespmem:$0x1C100] =	vst v63  }
0x4d: {  	s7 =	simm.s32 $0x180  }
0x4e: {  	[smem:s7], [sflag:$0x3] =	stream.linear.gather [spmem:s17], $0x80, $0x38;
	[tilespmem:$0x1C100] =	vst v63  }
0x4f: {  	s11 =	simm.s32 $0x200  }
0x50: {  	[smem:s11], [sflag:$0x3] =	stream.linear.gather [spmem:s18], $0x80, $0x38;
	[tilespmem:$0x1C100] =	vst v63  }
0x51: {  	s13 =	simm.s32 $0x280  }
0x52: {  	[smem:s13], [sflag:$0x3] =	stream.linear.gather [spmem:s19], $0x80, $0x38;
	[tilespmem:$0x1C100] =	vst v63  }
0x53: {  	s14 =	simm.s32 $0x300  }
0x54: {  	[smem:s14], [sflag:$0x3] =	stream.linear.gather [spmem:s20], $0x80, $0x38;
	[tilespmem:$0x1C100] =	vst v63  }
0x55: {  	s15 =	simm.s32 $0x380  }
0x56: {  	[smem:s15], [sflag:$0x3] =	stream.linear.gather [spmem:s21], $0x80, $0x38;
	[tilespmem:$0x1C100] =	vst v63  }
0x57: {  	_ =	swait.ge [sflag:s29], $0x400  }
0x58: {  	[sflag:s29] =	ssyncset.done $0x0  }
0x59: {  	s28 =	simm.s32 $0x4;
	s31 =	simm.s32 $0x20;
	[sflag:s29] =	ssyncadd.s32 $0xFFFFFC00  }
.LBB2_4:
0x5a: {  	_ =	swait.ge [sflag:s4], $0x2000  }
0x5b: {  	[sflag:s4] =	ssyncset.done $0x0  }
0x5c: {  	s0 =	simm.s32 $0x18400;
	s6 =	simm.s32 $0x0;
	[sflag:s4] =	ssyncadd.s32 $0xFFFFE000  }
.LBB2_5:
0x5d: {  	v2 =	vld [tilespmem:s0+$0xFFFFFC00]  }
0x5e: {  	v3 =	vld [tilespmem:s0+$0xFFFFFC10]  }
0x5f: {  	v4 =	vld [tilespmem:s0+$0xFFFFFC20]  }
0x60: {  	v5 =	vld [tilespmem:s0+$0xFFFFFC30]  }
0x61: {  	v6 =	vld [tilespmem:s0+$0xFFFFFC40]  }
0x62: {  	v7 =	vld [tilespmem:s0+$0xFFFFFC50]  }
0x63: {  	v8 =	vld [tilespmem:s0+$0xFFFFFC60]  }
0x64: {  	v9 =	vld [tilespmem:s0+$0xFFFFFC70]  }
0x65: {  	v10 =	vld [tilespmem:s0+$0x0]  }
0x66: {  	s11 =	sshra.s32 s6, $0x2;
	v11 =	vld [tilespmem:s0+$0x10]  }
0x67: {  	v12 =	vld [tilespmem:s0+$0x20];
	s7 =	sadd.s32 s11, s28  }
0x68: {  	v13 =	vld [tilespmem:s0+$0x30];
	s13 =	sld [smem:s7+$0xFFFFFFFC]  }
0x69: {  	v14 =	vld [tilespmem:s0+$0x40]  }
0x6a: {  	v15 =	vld [tilespmem:s0+$0x50]  }
0x6b: {  	v16 =	vld [tilespmem:s0+$0x60];
	s14 =	sshll.u32 s13, $0x8;
	s13 =	sshll.u32 s13, $0x7  }
0x6c: {  	v17 =	vld [tilespmem:s0+$0x70];
	s14 =	sand.u32 $0xFFFFF800, s14;
	s13 =	sand.u32 $0x380, s13  }
0x6d: {  	v18 =	vld [tilespmem:s0+$0xFFFFFC80];
	s13 =	sor.u32 s13, s14  }
0x6e: {  	[tilespmem:s13+$0x0] =	vst.add.f32.msk $0xffff, v2  }
0x6f: {  	s14 =	sor.u32 $0x10, s13;
	v2 =	vld [tilespmem:s0+$0xFFFFFC90]  }
0x70: {  	[tilespmem:s14+$0x0] =	vst.add.f32.msk $0xffff, v3  }
0x71: {  	s15 =	sor.u32 $0x20, s13;
	v3 =	vld [tilespmem:s0+$0xFFFFFCA0]  }
0x72: {  	[tilespmem:s15+$0x0] =	vst.add.f32.msk $0xffff, v4  }
0x73: {  	s15 =	sor.u32 $0x30, s13;
	v4 =	vld [tilespmem:s0+$0xFFFFFCB0]  }
0x74: {  	[tilespmem:s15+$0x0] =	vst.add.f32.msk $0xffff, v5  }
0x75: {  	s15 =	sor.u32 $0x40, s13;
	v5 =	vld [tilespmem:s0+$0xFFFFFCC0]  }
0x76: {  	[tilespmem:s15+$0x0] =	vst.add.f32.msk $0xffff, v6  }
0x77: {  	s15 =	sor.u32 $0x50, s13;
	v6 =	vld [tilespmem:s0+$0xFFFFFCD0]  }
0x78: {  	[tilespmem:s15+$0x0] =	vst.add.f32.msk $0xffff, v7  }
0x79: {  	s15 =	sor.u32 $0x60, s13;
	v7 =	vld [tilespmem:s0+$0xFFFFFCE0]  }
0x7a: {  	[tilespmem:s15+$0x0] =	vst.add.f32.msk $0xffff, v8  }
0x7b: {  	s15 =	sor.u32 $0x70, s13;
	v8 =	vld [tilespmem:s0+$0xFFFFFCF0]  }
0x7c: {  	[tilespmem:s15+$0x0] =	vst.add.f32.msk $0xffff, v9  }
0x7d: {  	s15 =	sor.u32 $0x400, s13;
	v9 =	vld [tilespmem:s0+$0x80]  }
0x7e: {  	[tilespmem:s15+$0x0] =	vst.add.f32.msk $0xffff, v10  }
0x7f: {  	s15 =	sor.u32 $0x410, s13;
	v10 =	vld [tilespmem:s0+$0x90]  }
0x80: {  	[tilespmem:s15+$0x0] =	vst.add.f32.msk $0xffff, v11  }
0x81: {  	s15 =	sor.u32 $0x420, s13;
	v11 =	vld [tilespmem:s0+$0xA0]  }
0x82: {  	[tilespmem:s15+$0x0] =	vst.add.f32.msk $0xffff, v12  }
0x83: {  	s15 =	sor.u32 $0x430, s13;
	v12 =	vld [tilespmem:s0+$0xB0]  }
0x84: {  	[tilespmem:s15+$0x0] =	vst.add.f32.msk $0xffff, v13  }
0x85: {  	s15 =	sor.u32 $0x440, s13;
	v13 =	vld [tilespmem:s0+$0xC0]  }
0x86: {  	[tilespmem:s15+$0x0] =	vst.add.f32.msk $0xffff, v14  }
0x87: {  	s14 =	sor.u32 $0x450, s13;
	v14 =	vld [tilespmem:s0+$0xD0]  }
0x88: {  	s15 =	sld [smem:s7+$0xFFFFFFFD];
	[tilespmem:s14+$0x0] =	vst.add.f32.msk $0xffff, v15  }
0x89: {  	s14 =	sor.u32 $0x460, s13;
	v15 =	vld [tilespmem:s0+$0xE0]  }
0x8a: {  	[tilespmem:s14+$0x0] =	vst.add.f32.msk $0xffff, v16  }
0x8b: {  	s13 =	sor.u32 $0x470, s13;
	v16 =	vld [tilespmem:s0+$0xF0];
	s14 =	sshll.u32 s15, $0x8;
	s15 =	sshll.u32 s15, $0x7  }
0x8c: {  	[tilespmem:s13+$0x0] =	vst.add.f32.msk $0xffff, v17;
	s14 =	sand.u32 $0xFFFFF800, s14;
	s15 =	sand.u32 $0x380, s15  }
0x8d: {  	v17 =	vld [tilespmem:s0+$0xFFFFFD00];
	s13 =	sor.u32 s15, s14  }
0x8e: {  	[tilespmem:s13+$0x0] =	vst.add.f32.msk $0xffff, v18  }
0x8f: {  	s14 =	sor.u32 $0x10, s13;
	v18 =	vld [tilespmem:s0+$0xFFFFFD10]  }
0x90: {  	[tilespmem:s14+$0x0] =	vst.add.f32.msk $0xffff, v2  }
0x91: {  	s15 =	sor.u32 $0x20, s13;
	v2 =	vld [tilespmem:s0+$0xFFFFFD20]  }
0x92: {  	[tilespmem:s15+$0x0] =	vst.add.f32.msk $0xffff, v3  }
0x93: {  	s15 =	sor.u32 $0x30, s13;
	v3 =	vld [tilespmem:s0+$0xFFFFFD30]  }
0x94: {  	[tilespmem:s15+$0x0] =	vst.add.f32.msk $0xffff, v4  }
0x95: {  	s15 =	sor.u32 $0x40, s13;
	v4 =	vld [tilespmem:s0+$0xFFFFFD40]  }
0x96: {  	[tilespmem:s15+$0x0] =	vst.add.f32.msk $0xffff, v5  }
0x97: {  	s15 =	sor.u32 $0x50, s13;
	v5 =	vld [tilespmem:s0+$0xFFFFFD50]  }
0x98: {  	[tilespmem:s15+$0x0] =	vst.add.f32.msk $0xffff, v6  }
0x99: {  	s15 =	sor.u32 $0x60, s13;
	v6 =	vld [tilespmem:s0+$0xFFFFFD60]  }
0x9a: {  	[tilespmem:s15+$0x0] =	vst.add.f32.msk $0xffff, v7  }
0x9b: {  	s15 =	sor.u32 $0x70, s13;
	v7 =	vld [tilespmem:s0+$0xFFFFFD70]  }
0x9c: {  	[tilespmem:s15+$0x0] =	vst.add.f32.msk $0xffff, v8  }
0x9d: {  	s15 =	sor.u32 $0x400, s13;
	v8 =	vld [tilespmem:s0+$0x100]  }
0x9e: {  	[tilespmem:s15+$0x0] =	vst.add.f32.msk $0xffff, v9  }
0x9f: {  	s15 =	sor.u32 $0x410, s13;
	v9 =	vld [tilespmem:s0+$0x110]  }
0xa0: {  	[tilespmem:s15+$0x0] =	vst.add.f32.msk $0xffff, v10  }
0xa1: {  	s15 =	sor.u32 $0x420, s13;
	v10 =	vld [tilespmem:s0+$0x120]  }
0xa2: {  	[tilespmem:s15+$0x0] =	vst.add.f32.msk $0xffff, v11  }
0xa3: {  	s15 =	sor.u32 $0x430, s13;
	v11 =	vld [tilespmem:s0+$0x130]  }
0xa4: {  	[tilespmem:s15+$0x0] =	vst.add.f32.msk $0xffff, v12  }
0xa5: {  	s15 =	sor.u32 $0x440, s13;
	v12 =	vld [tilespmem:s0+$0x140]  }
0xa6: {  	[tilespmem:s15+$0x0] =	vst.add.f32.msk $0xffff, v13  }
0xa7: {  	s14 =	sor.u32 $0x450, s13;
	v13 =	vld [tilespmem:s0+$0x150]  }
0xa8: {  	s15 =	sld [smem:s7+$0xFFFFFFFE];
	[tilespmem:s14+$0x0] =	vst.add.f32.msk $0xffff, v14  }
0xa9: {  	s14 =	sor.u32 $0x460, s13;
	v14 =	vld [tilespmem:s0+$0x160]  }
0xaa: {  	[tilespmem:s14+$0x0] =	vst.add.f32.msk $0xffff, v15  }
0xab: {  	s13 =	sor.u32 $0x470, s13;
	v15 =	vld [tilespmem:s0+$0x170];
	s14 =	sshll.u32 s15, $0x8;
	s15 =	sshll.u32 s15, $0x7  }
0xac: {  	[tilespmem:s13+$0x0] =	vst.add.f32.msk $0xffff, v16;
	s14 =	sand.u32 $0xFFFFF800, s14;
	s15 =	sand.u32 $0x380, s15  }
0xad: {  	v16 =	vld [tilespmem:s0+$0xFFFFFD80];
	s13 =	sor.u32 s15, s14  }
0xae: {  	[tilespmem:s13+$0x0] =	vst.add.f32.msk $0xffff, v17  }
0xaf: {  	s14 =	sor.u32 $0x10, s13;
	v17 =	vld [tilespmem:s0+$0xFFFFFD90]  }
0xb0: {  	[tilespmem:s14+$0x0] =	vst.add.f32.msk $0xffff, v18  }
0xb1: {  	s15 =	sor.u32 $0x20, s13;
	v18 =	vld [tilespmem:s0+$0xFFFFFDA0]  }
0xb2: {  	[tilespmem:s15+$0x0] =	vst.add.f32.msk $0xffff, v2  }
0xb3: {  	s15 =	sor.u32 $0x30, s13;
	v2 =	vld [tilespmem:s0+$0xFFFFFDB0]  }
0xb4: {  	[tilespmem:s15+$0x0] =	vst.add.f32.msk $0xffff, v3  }
0xb5: {  	s15 =	sor.u32 $0x40, s13;
	v3 =	vld [tilespmem:s0+$0xFFFFFDC0]  }
0xb6: {  	[tilespmem:s15+$0x0] =	vst.add.f32.msk $0xffff, v4  }
0xb7: {  	s15 =	sor.u32 $0x50, s13;
	v4 =	vld [tilespmem:s0+$0xFFFFFDD0]  }
0xb8: {  	[tilespmem:s15+$0x0] =	vst.add.f32.msk $0xffff, v5  }
0xb9: {  	s15 =	sor.u32 $0x60, s13;
	v5 =	vld [tilespmem:s0+$0xFFFFFDE0]  }
0xba: {  	[tilespmem:s15+$0x0] =	vst.add.f32.msk $0xffff, v6  }
0xbb: {  	s15 =	sor.u32 $0x70, s13;
	v6 =	vld [tilespmem:s0+$0xFFFFFDF0]  }
0xbc: {  	[tilespmem:s15+$0x0] =	vst.add.f32.msk $0xffff, v7  }
0xbd: {  	s15 =	sor.u32 $0x400, s13;
	v7 =	vld [tilespmem:s0+$0x180]  }
0xbe: {  	[tilespmem:s15+$0x0] =	vst.add.f32.msk $0xffff, v8  }
0xbf: {  	s15 =	sor.u32 $0x410, s13;
	v8 =	vld [tilespmem:s0+$0x190]  }
0xc0: {  	[tilespmem:s15+$0x0] =	vst.add.f32.msk $0xffff, v9  }
0xc1: {  	s15 =	sor.u32 $0x420, s13;
	v9 =	vld [tilespmem:s0+$0x1A0]  }
0xc2: {  	[tilespmem:s15+$0x0] =	vst.add.f32.msk $0xffff, v10  }
0xc3: {  	s15 =	sor.u32 $0x430, s13;
	v10 =	vld [tilespmem:s0+$0x1B0]  }
0xc4: {  	[tilespmem:s15+$0x0] =	vst.add.f32.msk $0xffff, v11  }
0xc5: {  	s15 =	sor.u32 $0x440, s13;
	v11 =	vld [tilespmem:s0+$0x1C0]  }
0xc6: {  	[tilespmem:s15+$0x0] =	vst.add.f32.msk $0xffff, v12  }
0xc7: {  	s14 =	sor.u32 $0x450, s13;
	v12 =	vld [tilespmem:s0+$0x1D0]  }
0xc8: {  	s15 =	sld [smem:s7+$0xFFFFFFFF];
	[tilespmem:s14+$0x0] =	vst.add.f32.msk $0xffff, v13  }
0xc9: {  	s14 =	sor.u32 $0x460, s13;
	v13 =	vld [tilespmem:s0+$0x1E0]  }
0xca: {  	[tilespmem:s14+$0x0] =	vst.add.f32.msk $0xffff, v14  }
0xcb: {  	s13 =	sor.u32 $0x470, s13;
	v14 =	vld [tilespmem:s0+$0x1F0];
	s14 =	sshll.u32 s15, $0x8;
	s15 =	sshll.u32 s15, $0x7  }
0xcc: {  	[tilespmem:s13+$0x0] =	vst.add.f32.msk $0xffff, v15;
	s14 =	sand.u32 $0xFFFFF800, s14;
	s15 =	sand.u32 $0x380, s15  }
0xcd: {  	v15 =	vld [tilespmem:s0+$0xFFFFFE00];
	s13 =	sor.u32 s15, s14  }
0xce: {  	[tilespmem:s13+$0x0] =	vst.add.f32.msk $0xffff, v16  }
0xcf: {  	s14 =	sor.u32 $0x10, s13;
	v16 =	vld [tilespmem:s0+$0xFFFFFE10]  }
0xd0: {  	[tilespmem:s14+$0x0] =	vst.add.f32.msk $0xffff, v17  }
0xd1: {  	s15 =	sor.u32 $0x20, s13;
	v17 =	vld [tilespmem:s0+$0xFFFFFE20]  }
0xd2: {  	[tilespmem:s15+$0x0] =	vst.add.f32.msk $0xffff, v18  }
0xd3: {  	s15 =	sor.u32 $0x30, s13;
	v18 =	vld [tilespmem:s0+$0xFFFFFE30]  }
0xd4: {  	[tilespmem:s15+$0x0] =	vst.add.f32.msk $0xffff, v2  }
0xd5: {  	s15 =	sor.u32 $0x40, s13;
	v2 =	vld [tilespmem:s0+$0xFFFFFE40]  }
0xd6: {  	[tilespmem:s15+$0x0] =	vst.add.f32.msk $0xffff, v3  }
0xd7: {  	s15 =	sor.u32 $0x50, s13;
	v3 =	vld [tilespmem:s0+$0xFFFFFE50]  }
0xd8: {  	[tilespmem:s15+$0x0] =	vst.add.f32.msk $0xffff, v4  }
0xd9: {  	s15 =	sor.u32 $0x60, s13;
	v4 =	vld [tilespmem:s0+$0xFFFFFE60]  }
0xda: {  	[tilespmem:s15+$0x0] =	vst.add.f32.msk $0xffff, v5  }
0xdb: {  	s15 =	sor.u32 $0x70, s13;
	v5 =	vld [tilespmem:s0+$0xFFFFFE70]  }
0xdc: {  	[tilespmem:s15+$0x0] =	vst.add.f32.msk $0xffff, v6  }
0xdd: {  	s15 =	sor.u32 $0x400, s13;
	v6 =	vld [tilespmem:s0+$0x200]  }
0xde: {  	[tilespmem:s15+$0x0] =	vst.add.f32.msk $0xffff, v7  }
0xdf: {  	s15 =	sor.u32 $0x410, s13;
	v7 =	vld [tilespmem:s0+$0x210]  }
0xe0: {  	[tilespmem:s15+$0x0] =	vst.add.f32.msk $0xffff, v8  }
0xe1: {  	s15 =	sor.u32 $0x420, s13;
	v8 =	vld [tilespmem:s0+$0x220]  }
0xe2: {  	[tilespmem:s15+$0x0] =	vst.add.f32.msk $0xffff, v9  }
0xe3: {  	s15 =	sor.u32 $0x430, s13;
	v9 =	vld [tilespmem:s0+$0x230]  }
0xe4: {  	[tilespmem:s15+$0x0] =	vst.add.f32.msk $0xffff, v10  }
0xe5: {  	s15 =	sor.u32 $0x440, s13;
	v10 =	vld [tilespmem:s0+$0x240]  }
0xe6: {  	[tilespmem:s15+$0x0] =	vst.add.f32.msk $0xffff, v11  }
0xe7: {  	s15 =	sor.u32 $0x450, s13;
	v11 =	vld [tilespmem:s0+$0x250]  }
0xe8: {  	s11 =	sld [smem:s28+s11];
	[tilespmem:s15+$0x0] =	vst.add.f32.msk $0xffff, v12  }
0xe9: {  	s15 =	sor.u32 $0x460, s13;
	v12 =	vld [tilespmem:s0+$0x260]  }
0xea: {  	[tilespmem:s15+$0x0] =	vst.add.f32.msk $0xffff, v13  }
0xeb: {  	s13 =	sor.u32 $0x470, s13;
	s15 =	sshll.u32 s11, $0x8;
	s11 =	sshll.u32 s11, $0x7;
	v13 =	vld [tilespmem:s0+$0x270]  }
0xec: {  	[tilespmem:s13+$0x0] =	vst.add.f32.msk $0xffff, v14;
	s15 =	sand.u32 $0xFFFFF800, s15;
	s11 =	sand.u32 $0x380, s11  }
0xed: {  	v14 =	vld [tilespmem:s0+$0xFFFFFE80];
	s11 =	sor.u32 s11, s15  }
0xee: {  	[tilespmem:s11+$0x0] =	vst.add.f32.msk $0xffff, v15  }
0xef: {  	s13 =	sor.u32 $0x10, s11;
	v15 =	vld [tilespmem:s0+$0xFFFFFE90]  }
0xf0: {  	[tilespmem:s13+$0x0] =	vst.add.f32.msk $0xffff, v16  }
0xf1: {  	s14 =	sor.u32 $0x20, s11;
	v16 =	vld [tilespmem:s0+$0xFFFFFEA0]  }
0xf2: {  	[tilespmem:s14+$0x0] =	vst.add.f32.msk $0xffff, v17  }
0xf3: {  	s15 =	sor.u32 $0x30, s11;
	v17 =	vld [tilespmem:s0+$0xFFFFFEB0]  }
0xf4: {  	[tilespmem:s15+$0x0] =	vst.add.f32.msk $0xffff, v18  }
0xf5: {  	s14 =	sor.u32 $0x40, s11;
	v18 =	vld [tilespmem:s0+$0xFFFFFEC0]  }
0xf6: {  	[tilespmem:s14+$0x0] =	vst.add.f32.msk $0xffff, v2  }
0xf7: {  	s15 =	sor.u32 $0x50, s11;
	v2 =	vld [tilespmem:s0+$0xFFFFFED0]  }
0xf8: {  	[tilespmem:s15+$0x0] =	vst.add.f32.msk $0xffff, v3  }
0xf9: {  	s14 =	sor.u32 $0x60, s11;
	v3 =	vld [tilespmem:s0+$0xFFFFFEE0]  }
0xfa: {  	[tilespmem:s14+$0x0] =	vst.add.f32.msk $0xffff, v4  }
0xfb: {  	s15 =	sor.u32 $0x70, s11;
	v4 =	vld [tilespmem:s0+$0xFFFFFEF0]  }
0xfc: {  	[tilespmem:s15+$0x0] =	vst.add.f32.msk $0xffff, v5  }
0xfd: {  	s14 =	sor.u32 $0x400, s11;
	v5 =	vld [tilespmem:s0+$0x280]  }
0xfe: {  	[tilespmem:s14+$0x0] =	vst.add.f32.msk $0xffff, v6  }
0xff: {  	s15 =	sor.u32 $0x410, s11;
	v6 =	vld [tilespmem:s0+$0x290]  }
0x100: {  	[tilespmem:s15+$0x0] =	vst.add.f32.msk $0xffff, v7  }
0x101: {  	s14 =	sor.u32 $0x420, s11;
	v7 =	vld [tilespmem:s0+$0x2A0]  }
0x102: {  	[tilespmem:s14+$0x0] =	vst.add.f32.msk $0xffff, v8  }
0x103: {  	s15 =	sor.u32 $0x430, s11;
	v8 =	vld [tilespmem:s0+$0x2B0]  }
0x104: {  	[tilespmem:s15+$0x0] =	vst.add.f32.msk $0xffff, v9  }
0x105: {  	s14 =	sor.u32 $0x440, s11;
	v9 =	vld [tilespmem:s0+$0x2C0]  }
0x106: {  	[tilespmem:s14+$0x0] =	vst.add.f32.msk $0xffff, v10  }
0x107: {  	s15 =	sor.u32 $0x450, s11;
	v10 =	vld [tilespmem:s0+$0x2D0]  }
0x108: {  	s14 =	sld [smem:s7+$0x1];
	[tilespmem:s15+$0x0] =	vst.add.f32.msk $0xffff, v11  }
0x109: {  	s15 =	sor.u32 $0x460, s11;
	v11 =	vld [tilespmem:s0+$0x2E0]  }
0x10a: {  	[tilespmem:s15+$0x0] =	vst.add.f32.msk $0xffff, v12  }
0x10b: {  	s11 =	sor.u32 $0x470, s11;
	v12 =	vld [tilespmem:s0+$0x2F0];
	s15 =	sshll.u32 s14, $0x8;
	s14 =	sshll.u32 s14, $0x7  }
0x10c: {  	[tilespmem:s11+$0x0] =	vst.add.f32.msk $0xffff, v13;
	s13 =	sand.u32 $0xFFFFF800, s15;
	s15 =	sand.u32 $0x380, s14  }
0x10d: {  	v13 =	vld [tilespmem:s0+$0xFFFFFF00];
	s11 =	sor.u32 s15, s13  }
0x10e: {  	[tilespmem:s11+$0x0] =	vst.add.f32.msk $0xffff, v14  }
0x10f: {  	s13 =	sor.u32 $0x10, s11;
	v14 =	vld [tilespmem:s0+$0xFFFFFF10]  }
0x110: {  	[tilespmem:s13+$0x0] =	vst.add.f32.msk $0xffff, v15  }
0x111: {  	s14 =	sor.u32 $0x20, s11;
	v15 =	vld [tilespmem:s0+$0xFFFFFF20]  }
0x112: {  	[tilespmem:s14+$0x0] =	vst.add.f32.msk $0xffff, v16  }
0x113: {  	s15 =	sor.u32 $0x30, s11;
	v16 =	vld [tilespmem:s0+$0xFFFFFF30]  }
0x114: {  	[tilespmem:s15+$0x0] =	vst.add.f32.msk $0xffff, v17  }
0x115: {  	s14 =	sor.u32 $0x40, s11;
	v17 =	vld [tilespmem:s0+$0xFFFFFF40]  }
0x116: {  	[tilespmem:s14+$0x0] =	vst.add.f32.msk $0xffff, v18  }
0x117: {  	s15 =	sor.u32 $0x50, s11;
	v18 =	vld [tilespmem:s0+$0xFFFFFF50]  }
0x118: {  	[tilespmem:s15+$0x0] =	vst.add.f32.msk $0xffff, v2  }
0x119: {  	s14 =	sor.u32 $0x60, s11;
	v2 =	vld [tilespmem:s0+$0xFFFFFF60]  }
0x11a: {  	[tilespmem:s14+$0x0] =	vst.add.f32.msk $0xffff, v3  }
0x11b: {  	s15 =	sor.u32 $0x70, s11;
	v3 =	vld [tilespmem:s0+$0xFFFFFF70]  }
0x11c: {  	[tilespmem:s15+$0x0] =	vst.add.f32.msk $0xffff, v4  }
0x11d: {  	s14 =	sor.u32 $0x400, s11;
	v4 =	vld [tilespmem:s0+$0x300]  }
0x11e: {  	[tilespmem:s14+$0x0] =	vst.add.f32.msk $0xffff, v5  }
0x11f: {  	s15 =	sor.u32 $0x410, s11;
	v5 =	vld [tilespmem:s0+$0x310]  }
0x120: {  	[tilespmem:s15+$0x0] =	vst.add.f32.msk $0xffff, v6  }
0x121: {  	s14 =	sor.u32 $0x420, s11;
	v6 =	vld [tilespmem:s0+$0x320]  }
0x122: {  	[tilespmem:s14+$0x0] =	vst.add.f32.msk $0xffff, v7  }
0x123: {  	s15 =	sor.u32 $0x430, s11;
	v7 =	vld [tilespmem:s0+$0x330]  }
0x124: {  	[tilespmem:s15+$0x0] =	vst.add.f32.msk $0xffff, v8  }
0x125: {  	s14 =	sor.u32 $0x440, s11;
	v8 =	vld [tilespmem:s0+$0x340]  }
0x126: {  	[tilespmem:s14+$0x0] =	vst.add.f32.msk $0xffff, v9  }
0x127: {  	s15 =	sor.u32 $0x450, s11;
	v9 =	vld [tilespmem:s0+$0x350]  }
0x128: {  	s14 =	sld [smem:s7+$0x2];
	[tilespmem:s15+$0x0] =	vst.add.f32.msk $0xffff, v10  }
0x129: {  	s15 =	sor.u32 $0x460, s11;
	v10 =	vld [tilespmem:s0+$0x360]  }
0x12a: {  	[tilespmem:s15+$0x0] =	vst.add.f32.msk $0xffff, v11  }
0x12b: {  	s11 =	sor.u32 $0x470, s11;
	v11 =	vld [tilespmem:s0+$0x370];
	s15 =	sshll.u32 s14, $0x8;
	s14 =	sshll.u32 s14, $0x7  }
0x12c: {  	[tilespmem:s11+$0x0] =	vst.add.f32.msk $0xffff, v12;
	s13 =	sand.u32 $0xFFFFF800, s15;
	s15 =	sand.u32 $0x380, s14  }
0x12d: {  	v12 =	vld [tilespmem:s0+$0xFFFFFF80];
	s11 =	sor.u32 s15, s13  }
0x12e: {  	[tilespmem:s11+$0x0] =	vst.add.f32.msk $0xffff, v13  }
0x12f: {  	s13 =	sor.u32 $0x10, s11;
	v13 =	vld [tilespmem:s0+$0xFFFFFF90]  }
0x130: {  	[tilespmem:s13+$0x0] =	vst.add.f32.msk $0xffff, v14  }
0x131: {  	s14 =	sor.u32 $0x20, s11;
	v14 =	vld [tilespmem:s0+$0xFFFFFFA0]  }
0x132: {  	[tilespmem:s14+$0x0] =	vst.add.f32.msk $0xffff, v15  }
0x133: {  	s15 =	sor.u32 $0x30, s11;
	v15 =	vld [tilespmem:s0+$0xFFFFFFB0]  }
0x134: {  	[tilespmem:s15+$0x0] =	vst.add.f32.msk $0xffff, v16  }
0x135: {  	s14 =	sor.u32 $0x40, s11;
	v16 =	vld [tilespmem:s0+$0xFFFFFFC0]  }
0x136: {  	[tilespmem:s14+$0x0] =	vst.add.f32.msk $0xffff, v17  }
0x137: {  	s15 =	sor.u32 $0x50, s11;
	v17 =	vld [tilespmem:s0+$0xFFFFFFD0]  }
0x138: {  	[tilespmem:s15+$0x0] =	vst.add.f32.msk $0xffff, v18  }
0x139: {  	s14 =	sor.u32 $0x60, s11;
	v18 =	vld [tilespmem:s0+$0xFFFFFFE0]  }
0x13a: {  	[tilespmem:s14+$0x0] =	vst.add.f32.msk $0xffff, v2  }
0x13b: {  	s15 =	sor.u32 $0x70, s11;
	v2 =	vld [tilespmem:s0+$0xFFFFFFF0]  }
0x13c: {  	[tilespmem:s15+$0x0] =	vst.add.f32.msk $0xffff, v3  }
0x13d: {  	s14 =	sor.u32 $0x400, s11;
	v3 =	vld [tilespmem:s0+$0x380]  }
0x13e: {  	[tilespmem:s14+$0x0] =	vst.add.f32.msk $0xffff, v4  }
0x13f: {  	s15 =	sor.u32 $0x410, s11;
	v4 =	vld [tilespmem:s0+$0x390]  }
0x140: {  	[tilespmem:s15+$0x0] =	vst.add.f32.msk $0xffff, v5  }
0x141: {  	s14 =	sor.u32 $0x420, s11;
	v5 =	vld [tilespmem:s0+$0x3A0]  }
0x142: {  	[tilespmem:s14+$0x0] =	vst.add.f32.msk $0xffff, v6  }
0x143: {  	s15 =	sor.u32 $0x430, s11;
	v6 =	vld [tilespmem:s0+$0x3B0]  }
0x144: {  	[tilespmem:s15+$0x0] =	vst.add.f32.msk $0xffff, v7  }
0x145: {  	s14 =	sor.u32 $0x440, s11;
	v7 =	vld [tilespmem:s0+$0x3C0]  }
0x146: {  	[tilespmem:s14+$0x0] =	vst.add.f32.msk $0xffff, v8  }
0x147: {  	s7 =	sld [smem:s7+$0x3];
	s15 =	sor.u32 $0x450, s11;
	v8 =	vld [tilespmem:s0+$0x3D0]  }
0x148: {  	[tilespmem:s15+$0x0] =	vst.add.f32.msk $0xffff, v9  }
0x149: {  	s14 =	sor.u32 $0x460, s11;
	v9 =	vld [tilespmem:s0+$0x3E0]  }
0x14a: {  	s15 =	sshll.u32 s7, $0x8;
	s7 =	sshll.u32 s7, $0x7;
	[tilespmem:s14+$0x0] =	vst.add.f32.msk $0xffff, v10  }
0x14b: {  	s11 =	sor.u32 $0x470, s11;
	s13 =	sand.u32 $0xFFFFF800, s15;
	s7 =	sand.u32 $0x380, s7;
	v10 =	vld [tilespmem:s0+$0x3F0]  }
0x14c: {  	[tilespmem:s11+$0x0] =	vst.add.f32.msk $0xffff, v11;
	s7 =	sor.u32 s7, s13  }
0x14d: {  	[tilespmem:s7+$0x0] =	vst.add.f32.msk $0xffff, v12;
	s14 =	sor.u32 $0x10, s7  }
0x14e: {  	s15 =	sor.u32 $0x20, s7;
	[tilespmem:s14+$0x0] =	vst.add.f32.msk $0xffff, v13  }
0x14f: {  	s13 =	sor.u32 $0x30, s7;
	[tilespmem:s15+$0x0] =	vst.add.f32.msk $0xffff, v14  }
0x150: {  	s14 =	sor.u32 $0x40, s7;
	[tilespmem:s13+$0x0] =	vst.add.f32.msk $0xffff, v15  }
0x151: {  	s15 =	sor.u32 $0x50, s7;
	[tilespmem:s14+$0x0] =	vst.add.f32.msk $0xffff, v16  }
0x152: {  	s13 =	sor.u32 $0x60, s7;
	[tilespmem:s15+$0x0] =	vst.add.f32.msk $0xffff, v17  }
0x153: {  	s14 =	sor.u32 $0x70, s7;
	[tilespmem:s13+$0x0] =	vst.add.f32.msk $0xffff, v18  }
0x154: {  	s15 =	sor.u32 $0x400, s7;
	[tilespmem:s14+$0x0] =	vst.add.f32.msk $0xffff, v2  }
0x155: {  	s13 =	sor.u32 $0x410, s7;
	[tilespmem:s15+$0x0] =	vst.add.f32.msk $0xffff, v3  }
0x156: {  	s14 =	sor.u32 $0x420, s7;
	[tilespmem:s13+$0x0] =	vst.add.f32.msk $0xffff, v4  }
0x157: {  	p1 =	sne.s32 s6, $0x60;
	s15 =	sor.u32 $0x430, s7;
	[tilespmem:s14+$0x0] =	vst.add.f32.msk $0xffff, v5  }
.Ltmp1:
0x158: {  	s13 =	sor.u32 $0x440, s7;
	[tilespmem:s15+$0x0] =	vst.add.f32.msk $0xffff, v6;
	(pc) =	sbr.rel @p1 .LBB2_5-.Ltmp1, $4  }
0x159: {  	s14 =	sor.u32 $0x450, s7;
	[tilespmem:s13+$0x0] =	vst.add.f32.msk $0xffff, v7  }
0x15a: {  	s15 =	sor.u32 $0x460, s7;
	[tilespmem:s14+$0x0] =	vst.add.f32.msk $0xffff, v8  }
0x15b: {  	s7 =	sor.u32 $0x470, s7;
	[tilespmem:s15+$0x0] =	vst.add.f32.msk $0xffff, v9  }
0x15c: {  	s6 =	sadd.s32 $0x20, s6;
	s0 =	sadd.s32 $0x800, s0;
	[tilespmem:s7+$0x0] =	vst.add.f32.msk $0xffff, v10  }
0x15d: {  	s0 =	sshll.u32 s24, $0x10;
	p1 =	seq.s32 s24, $0xF  }
0x15e: {  	s6 =	sadd.s32 @!p1 s0, s9  }
0x15f: {  	s7 =	simm.s32 @!p1 $0x800;
	s6 =	sshrl.u32 @!p1 s6, $0x3  }
0x160: {  	s11 =	simm.s32 @!p1 $0x2000;
	s13 =	simm.s32 @!p1 $0x18000;
	s6 =	sadd.s32 @!p1 s1, s6  }
0x161: {  	[tilespmem:s13], [sflag:$0x1] =	stream.strided.gather @!p1 [hbm4b:s6+s7], $0x2000, s11, s7, $0x38;
	[tilespmem:$0x1C100] =	vst v63  }
0x162: {  	_ =	swait.ge [sflag:s30], $0x2000  }
0x163: {  	[sflag:s30] =	ssyncset.done $0x0  }
0x164: {  	s6 =	simm.s32 $0x0;
	s7 =	simm.s32 $0x1A400;
	[sflag:s30] =	ssyncadd.s32 $0xFFFFE000  }
.LBB2_7:
0x165: {  	v2 =	vld [tilespmem:s7+$0xFFFFFC00]  }
0x166: {  	v3 =	vld [tilespmem:s7+$0xFFFFFC10]  }
0x167: {  	v4 =	vld [tilespmem:s7+$0xFFFFFC20]  }
0x168: {  	v5 =	vld [tilespmem:s7+$0xFFFFFC30]  }
0x169: {  	v6 =	vld [tilespmem:s7+$0xFFFFFC40]  }
0x16a: {  	v7 =	vld [tilespmem:s7+$0xFFFFFC50]  }
0x16b: {  	v8 =	vld [tilespmem:s7+$0xFFFFFC60]  }
0x16c: {  	v9 =	vld [tilespmem:s7+$0xFFFFFC70]  }
0x16d: {  	v10 =	vld [tilespmem:s7+$0x0]  }
0x16e: {  	v11 =	vld [tilespmem:s7+$0x10]  }
0x16f: {  	s11 =	sshra.s32 s6, $0x2;
	v12 =	vld [tilespmem:s7+$0x20]  }
0x170: {  	v13 =	vld [tilespmem:s7+$0x30];
	s13 =	sld [smem:s31+s11]  }
0x171: {  	v14 =	vld [tilespmem:s7+$0x40]  }
0x172: {  	v15 =	vld [tilespmem:s7+$0x50]  }
0x173: {  	v16 =	vld [tilespmem:s7+$0x60];
	s14 =	sshll.u32 s13, $0x8;
	s13 =	sshll.u32 s13, $0x7  }
0x174: {  	v17 =	vld [tilespmem:s7+$0x70];
	s14 =	sand.u32 $0xFFFFF800, s14;
	s13 =	sand.u32 $0x380, s13  }
0x175: {  	v18 =	vld [tilespmem:s7+$0xFFFFFC80];
	s13 =	sor.u32 s13, s14  }
0x176: {  	[tilespmem:s13+$0x0] =	vst.add.f32.msk $0xffff, v2  }
0x177: {  	s14 =	sor.u32 $0x10, s13;
	v2 =	vld [tilespmem:s7+$0xFFFFFC90]  }
0x178: {  	[tilespmem:s14+$0x0] =	vst.add.f32.msk $0xffff, v3  }
0x179: {  	s15 =	sor.u32 $0x20, s13;
	v3 =	vld [tilespmem:s7+$0xFFFFFCA0]  }
0x17a: {  	[tilespmem:s15+$0x0] =	vst.add.f32.msk $0xffff, v4  }
0x17b: {  	s15 =	sor.u32 $0x30, s13;
	v4 =	vld [tilespmem:s7+$0xFFFFFCB0]  }
0x17c: {  	[tilespmem:s15+$0x0] =	vst.add.f32.msk $0xffff, v5  }
0x17d: {  	s15 =	sor.u32 $0x40, s13;
	v5 =	vld [tilespmem:s7+$0xFFFFFCC0]  }
0x17e: {  	[tilespmem:s15+$0x0] =	vst.add.f32.msk $0xffff, v6  }
0x17f: {  	s15 =	sor.u32 $0x50, s13;
	v6 =	vld [tilespmem:s7+$0xFFFFFCD0]  }
0x180: {  	[tilespmem:s15+$0x0] =	vst.add.f32.msk $0xffff, v7  }
0x181: {  	s15 =	sor.u32 $0x60, s13;
	v7 =	vld [tilespmem:s7+$0xFFFFFCE0]  }
0x182: {  	[tilespmem:s15+$0x0] =	vst.add.f32.msk $0xffff, v8  }
0x183: {  	s15 =	sor.u32 $0x70, s13;
	v8 =	vld [tilespmem:s7+$0xFFFFFCF0]  }
0x184: {  	[tilespmem:s15+$0x0] =	vst.add.f32.msk $0xffff, v9  }
0x185: {  	s15 =	sor.u32 $0x400, s13;
	v9 =	vld [tilespmem:s7+$0x80]  }
0x186: {  	[tilespmem:s15+$0x0] =	vst.add.f32.msk $0xffff, v10  }
0x187: {  	s15 =	sor.u32 $0x410, s13;
	v10 =	vld [tilespmem:s7+$0x90]  }
0x188: {  	[tilespmem:s15+$0x0] =	vst.add.f32.msk $0xffff, v11  }
0x189: {  	s15 =	sor.u32 $0x420, s13;
	v11 =	vld [tilespmem:s7+$0xA0]  }
0x18a: {  	[tilespmem:s15+$0x0] =	vst.add.f32.msk $0xffff, v12  }
0x18b: {  	s15 =	sor.u32 $0x430, s13;
	v12 =	vld [tilespmem:s7+$0xB0]  }
0x18c: {  	[tilespmem:s15+$0x0] =	vst.add.f32.msk $0xffff, v13  }
0x18d: {  	s15 =	sor.u32 $0x440, s13;
	v13 =	vld [tilespmem:s7+$0xC0]  }
0x18e: {  	[tilespmem:s15+$0x0] =	vst.add.f32.msk $0xffff, v14  }
0x18f: {  	s11 =	sadd.s32 s11, s31;
	s14 =	sor.u32 $0x450, s13;
	v14 =	vld [tilespmem:s7+$0xD0]  }
0x190: {  	s15 =	sld [smem:s11+$0x1];
	[tilespmem:s14+$0x0] =	vst.add.f32.msk $0xffff, v15  }
0x191: {  	s14 =	sor.u32 $0x460, s13;
	v15 =	vld [tilespmem:s7+$0xE0]  }
0x192: {  	[tilespmem:s14+$0x0] =	vst.add.f32.msk $0xffff, v16  }
0x193: {  	s13 =	sor.u32 $0x470, s13;
	v16 =	vld [tilespmem:s7+$0xF0];
	s14 =	sshll.u32 s15, $0x8;
	s15 =	sshll.u32 s15, $0x7  }
0x194: {  	[tilespmem:s13+$0x0] =	vst.add.f32.msk $0xffff, v17;
	s14 =	sand.u32 $0xFFFFF800, s14;
	s15 =	sand.u32 $0x380, s15  }
0x195: {  	v17 =	vld [tilespmem:s7+$0xFFFFFD00];
	s13 =	sor.u32 s15, s14  }
0x196: {  	[tilespmem:s13+$0x0] =	vst.add.f32.msk $0xffff, v18  }
0x197: {  	s14 =	sor.u32 $0x10, s13;
	v18 =	vld [tilespmem:s7+$0xFFFFFD10]  }
0x198: {  	[tilespmem:s14+$0x0] =	vst.add.f32.msk $0xffff, v2  }
0x199: {  	s15 =	sor.u32 $0x20, s13;
	v2 =	vld [tilespmem:s7+$0xFFFFFD20]  }
0x19a: {  	[tilespmem:s15+$0x0] =	vst.add.f32.msk $0xffff, v3  }
0x19b: {  	s15 =	sor.u32 $0x30, s13;
	v3 =	vld [tilespmem:s7+$0xFFFFFD30]  }
0x19c: {  	[tilespmem:s15+$0x0] =	vst.add.f32.msk $0xffff, v4  }
0x19d: {  	s15 =	sor.u32 $0x40, s13;
	v4 =	vld [tilespmem:s7+$0xFFFFFD40]  }
0x19e: {  	[tilespmem:s15+$0x0] =	vst.add.f32.msk $0xffff, v5  }
0x19f: {  	s15 =	sor.u32 $0x50, s13;
	v5 =	vld [tilespmem:s7+$0xFFFFFD50]  }
0x1a0: {  	[tilespmem:s15+$0x0] =	vst.add.f32.msk $0xffff, v6  }
0x1a1: {  	s15 =	sor.u32 $0x60, s13;
	v6 =	vld [tilespmem:s7+$0xFFFFFD60]  }
0x1a2: {  	[tilespmem:s15+$0x0] =	vst.add.f32.msk $0xffff, v7  }
0x1a3: {  	s15 =	sor.u32 $0x70, s13;
	v7 =	vld [tilespmem:s7+$0xFFFFFD70]  }
0x1a4: {  	[tilespmem:s15+$0x0] =	vst.add.f32.msk $0xffff, v8  }
0x1a5: {  	s15 =	sor.u32 $0x400, s13;
	v8 =	vld [tilespmem:s7+$0x100]  }
0x1a6: {  	[tilespmem:s15+$0x0] =	vst.add.f32.msk $0xffff, v9  }
0x1a7: {  	s15 =	sor.u32 $0x410, s13;
	v9 =	vld [tilespmem:s7+$0x110]  }
0x1a8: {  	[tilespmem:s15+$0x0] =	vst.add.f32.msk $0xffff, v10  }
0x1a9: {  	s15 =	sor.u32 $0x420, s13;
	v10 =	vld [tilespmem:s7+$0x120]  }
0x1aa: {  	[tilespmem:s15+$0x0] =	vst.add.f32.msk $0xffff, v11  }
0x1ab: {  	s15 =	sor.u32 $0x430, s13;
	v11 =	vld [tilespmem:s7+$0x130]  }
0x1ac: {  	[tilespmem:s15+$0x0] =	vst.add.f32.msk $0xffff, v12  }
0x1ad: {  	s15 =	sor.u32 $0x440, s13;
	v12 =	vld [tilespmem:s7+$0x140]  }
0x1ae: {  	[tilespmem:s15+$0x0] =	vst.add.f32.msk $0xffff, v13  }
0x1af: {  	s14 =	sor.u32 $0x450, s13;
	v13 =	vld [tilespmem:s7+$0x150]  }
0x1b0: {  	s15 =	sld [smem:s11+$0x2];
	[tilespmem:s14+$0x0] =	vst.add.f32.msk $0xffff, v14  }
0x1b1: {  	s14 =	sor.u32 $0x460, s13;
	v14 =	vld [tilespmem:s7+$0x160]  }
0x1b2: {  	[tilespmem:s14+$0x0] =	vst.add.f32.msk $0xffff, v15  }
0x1b3: {  	s13 =	sor.u32 $0x470, s13;
	v15 =	vld [tilespmem:s7+$0x170];
	s14 =	sshll.u32 s15, $0x8;
	s15 =	sshll.u32 s15, $0x7  }
0x1b4: {  	[tilespmem:s13+$0x0] =	vst.add.f32.msk $0xffff, v16;
	s14 =	sand.u32 $0xFFFFF800, s14;
	s15 =	sand.u32 $0x380, s15  }
0x1b5: {  	v16 =	vld [tilespmem:s7+$0xFFFFFD80];
	s13 =	sor.u32 s15, s14  }
0x1b6: {  	[tilespmem:s13+$0x0] =	vst.add.f32.msk $0xffff, v17  }
0x1b7: {  	s14 =	sor.u32 $0x10, s13;
	v17 =	vld [tilespmem:s7+$0xFFFFFD90]  }
0x1b8: {  	[tilespmem:s14+$0x0] =	vst.add.f32.msk $0xffff, v18  }
0x1b9: {  	s15 =	sor.u32 $0x20, s13;
	v18 =	vld [tilespmem:s7+$0xFFFFFDA0]  }
0x1ba: {  	[tilespmem:s15+$0x0] =	vst.add.f32.msk $0xffff, v2  }
0x1bb: {  	s15 =	sor.u32 $0x30, s13;
	v2 =	vld [tilespmem:s7+$0xFFFFFDB0]  }
0x1bc: {  	[tilespmem:s15+$0x0] =	vst.add.f32.msk $0xffff, v3  }
0x1bd: {  	s15 =	sor.u32 $0x40, s13;
	v3 =	vld [tilespmem:s7+$0xFFFFFDC0]  }
0x1be: {  	[tilespmem:s15+$0x0] =	vst.add.f32.msk $0xffff, v4  }
0x1bf: {  	s15 =	sor.u32 $0x50, s13;
	v4 =	vld [tilespmem:s7+$0xFFFFFDD0]  }
0x1c0: {  	[tilespmem:s15+$0x0] =	vst.add.f32.msk $0xffff, v5  }
0x1c1: {  	s15 =	sor.u32 $0x60, s13;
	v5 =	vld [tilespmem:s7+$0xFFFFFDE0]  }
0x1c2: {  	[tilespmem:s15+$0x0] =	vst.add.f32.msk $0xffff, v6  }
0x1c3: {  	s15 =	sor.u32 $0x70, s13;
	v6 =	vld [tilespmem:s7+$0xFFFFFDF0]  }
0x1c4: {  	[tilespmem:s15+$0x0] =	vst.add.f32.msk $0xffff, v7  }
0x1c5: {  	s15 =	sor.u32 $0x400, s13;
	v7 =	vld [tilespmem:s7+$0x180]  }
0x1c6: {  	[tilespmem:s15+$0x0] =	vst.add.f32.msk $0xffff, v8  }
0x1c7: {  	s15 =	sor.u32 $0x410, s13;
	v8 =	vld [tilespmem:s7+$0x190]  }
0x1c8: {  	[tilespmem:s15+$0x0] =	vst.add.f32.msk $0xffff, v9  }
0x1c9: {  	s15 =	sor.u32 $0x420, s13;
	v9 =	vld [tilespmem:s7+$0x1A0]  }
0x1ca: {  	[tilespmem:s15+$0x0] =	vst.add.f32.msk $0xffff, v10  }
0x1cb: {  	s15 =	sor.u32 $0x430, s13;
	v10 =	vld [tilespmem:s7+$0x1B0]  }
0x1cc: {  	[tilespmem:s15+$0x0] =	vst.add.f32.msk $0xffff, v11  }
0x1cd: {  	s15 =	sor.u32 $0x440, s13;
	v11 =	vld [tilespmem:s7+$0x1C0]  }
0x1ce: {  	[tilespmem:s15+$0x0] =	vst.add.f32.msk $0xffff, v12  }
0x1cf: {  	s14 =	sor.u32 $0x450, s13;
	v12 =	vld [tilespmem:s7+$0x1D0]  }
0x1d0: {  	s15 =	sld [smem:s11+$0x3];
	[tilespmem:s14+$0x0] =	vst.add.f32.msk $0xffff, v13  }
0x1d1: {  	s14 =	sor.u32 $0x460, s13;
	v13 =	vld [tilespmem:s7+$0x1E0]  }
0x1d2: {  	[tilespmem:s14+$0x0] =	vst.add.f32.msk $0xffff, v14  }
0x1d3: {  	s13 =	sor.u32 $0x470, s13;
	v14 =	vld [tilespmem:s7+$0x1F0];
	s14 =	sshll.u32 s15, $0x8;
	s15 =	sshll.u32 s15, $0x7  }
0x1d4: {  	[tilespmem:s13+$0x0] =	vst.add.f32.msk $0xffff, v15;
	s14 =	sand.u32 $0xFFFFF800, s14;
	s15 =	sand.u32 $0x380, s15  }
0x1d5: {  	v15 =	vld [tilespmem:s7+$0xFFFFFE00];
	s13 =	sor.u32 s15, s14  }
0x1d6: {  	[tilespmem:s13+$0x0] =	vst.add.f32.msk $0xffff, v16  }
0x1d7: {  	s14 =	sor.u32 $0x10, s13;
	v16 =	vld [tilespmem:s7+$0xFFFFFE10]  }
0x1d8: {  	[tilespmem:s14+$0x0] =	vst.add.f32.msk $0xffff, v17  }
0x1d9: {  	s15 =	sor.u32 $0x20, s13;
	v17 =	vld [tilespmem:s7+$0xFFFFFE20]  }
0x1da: {  	[tilespmem:s15+$0x0] =	vst.add.f32.msk $0xffff, v18  }
0x1db: {  	s15 =	sor.u32 $0x30, s13;
	v18 =	vld [tilespmem:s7+$0xFFFFFE30]  }
0x1dc: {  	[tilespmem:s15+$0x0] =	vst.add.f32.msk $0xffff, v2  }
0x1dd: {  	s15 =	sor.u32 $0x40, s13;
	v2 =	vld [tilespmem:s7+$0xFFFFFE40]  }
0x1de: {  	[tilespmem:s15+$0x0] =	vst.add.f32.msk $0xffff, v3  }
0x1df: {  	s15 =	sor.u32 $0x50, s13;
	v3 =	vld [tilespmem:s7+$0xFFFFFE50]  }
0x1e0: {  	[tilespmem:s15+$0x0] =	vst.add.f32.msk $0xffff, v4  }
0x1e1: {  	s15 =	sor.u32 $0x60, s13;
	v4 =	vld [tilespmem:s7+$0xFFFFFE60]  }
0x1e2: {  	[tilespmem:s15+$0x0] =	vst.add.f32.msk $0xffff, v5  }
0x1e3: {  	s15 =	sor.u32 $0x70, s13;
	v5 =	vld [tilespmem:s7+$0xFFFFFE70]  }
0x1e4: {  	[tilespmem:s15+$0x0] =	vst.add.f32.msk $0xffff, v6  }
0x1e5: {  	s15 =	sor.u32 $0x400, s13;
	v6 =	vld [tilespmem:s7+$0x200]  }
0x1e6: {  	[tilespmem:s15+$0x0] =	vst.add.f32.msk $0xffff, v7  }
0x1e7: {  	s15 =	sor.u32 $0x410, s13;
	v7 =	vld [tilespmem:s7+$0x210]  }
0x1e8: {  	[tilespmem:s15+$0x0] =	vst.add.f32.msk $0xffff, v8  }
0x1e9: {  	s15 =	sor.u32 $0x420, s13;
	v8 =	vld [tilespmem:s7+$0x220]  }
0x1ea: {  	[tilespmem:s15+$0x0] =	vst.add.f32.msk $0xffff, v9  }
0x1eb: {  	s15 =	sor.u32 $0x430, s13;
	v9 =	vld [tilespmem:s7+$0x230]  }
0x1ec: {  	[tilespmem:s15+$0x0] =	vst.add.f32.msk $0xffff, v10  }
0x1ed: {  	s15 =	sor.u32 $0x440, s13;
	v10 =	vld [tilespmem:s7+$0x240]  }
0x1ee: {  	[tilespmem:s15+$0x0] =	vst.add.f32.msk $0xffff, v11  }
0x1ef: {  	s14 =	sor.u32 $0x450, s13;
	v11 =	vld [tilespmem:s7+$0x250]  }
0x1f0: {  	s15 =	sld [smem:s11+$0x4];
	[tilespmem:s14+$0x0] =	vst.add.f32.msk $0xffff, v12  }
0x1f1: {  	s14 =	sor.u32 $0x460, s13;
	v12 =	vld [tilespmem:s7+$0x260]  }
0x1f2: {  	[tilespmem:s14+$0x0] =	vst.add.f32.msk $0xffff, v13  }
0x1f3: {  	s13 =	sor.u32 $0x470, s13;
	v13 =	vld [tilespmem:s7+$0x270];
	s14 =	sshll.u32 s15, $0x8;
	s15 =	sshll.u32 s15, $0x7  }
0x1f4: {  	[tilespmem:s13+$0x0] =	vst.add.f32.msk $0xffff, v14;
	s14 =	sand.u32 $0xFFFFF800, s14;
	s15 =	sand.u32 $0x380, s15  }
0x1f5: {  	v14 =	vld [tilespmem:s7+$0xFFFFFE80];
	s13 =	sor.u32 s15, s14  }
0x1f6: {  	[tilespmem:s13+$0x0] =	vst.add.f32.msk $0xffff, v15  }
0x1f7: {  	s14 =	sor.u32 $0x10, s13;
	v15 =	vld [tilespmem:s7+$0xFFFFFE90]  }
0x1f8: {  	[tilespmem:s14+$0x0] =	vst.add.f32.msk $0xffff, v16  }
0x1f9: {  	s15 =	sor.u32 $0x20, s13;
	v16 =	vld [tilespmem:s7+$0xFFFFFEA0]  }
0x1fa: {  	[tilespmem:s15+$0x0] =	vst.add.f32.msk $0xffff, v17  }
0x1fb: {  	s15 =	sor.u32 $0x30, s13;
	v17 =	vld [tilespmem:s7+$0xFFFFFEB0]  }
0x1fc: {  	[tilespmem:s15+$0x0] =	vst.add.f32.msk $0xffff, v18  }
0x1fd: {  	s15 =	sor.u32 $0x40, s13;
	v18 =	vld [tilespmem:s7+$0xFFFFFEC0]  }
0x1fe: {  	[tilespmem:s15+$0x0] =	vst.add.f32.msk $0xffff, v2  }
0x1ff: {  	s15 =	sor.u32 $0x50, s13;
	v2 =	vld [tilespmem:s7+$0xFFFFFED0]  }
0x200: {  	[tilespmem:s15+$0x0] =	vst.add.f32.msk $0xffff, v3  }
0x201: {  	s15 =	sor.u32 $0x60, s13;
	v3 =	vld [tilespmem:s7+$0xFFFFFEE0]  }
0x202: {  	[tilespmem:s15+$0x0] =	vst.add.f32.msk $0xffff, v4  }
0x203: {  	s15 =	sor.u32 $0x70, s13;
	v4 =	vld [tilespmem:s7+$0xFFFFFEF0]  }
0x204: {  	[tilespmem:s15+$0x0] =	vst.add.f32.msk $0xffff, v5  }
0x205: {  	s15 =	sor.u32 $0x400, s13;
	v5 =	vld [tilespmem:s7+$0x280]  }
0x206: {  	[tilespmem:s15+$0x0] =	vst.add.f32.msk $0xffff, v6  }
0x207: {  	s15 =	sor.u32 $0x410, s13;
	v6 =	vld [tilespmem:s7+$0x290]  }
0x208: {  	[tilespmem:s15+$0x0] =	vst.add.f32.msk $0xffff, v7  }
0x209: {  	s15 =	sor.u32 $0x420, s13;
	v7 =	vld [tilespmem:s7+$0x2A0]  }
0x20a: {  	[tilespmem:s15+$0x0] =	vst.add.f32.msk $0xffff, v8  }
0x20b: {  	s15 =	sor.u32 $0x430, s13;
	v8 =	vld [tilespmem:s7+$0x2B0]  }
0x20c: {  	[tilespmem:s15+$0x0] =	vst.add.f32.msk $0xffff, v9  }
0x20d: {  	s15 =	sor.u32 $0x440, s13;
	v9 =	vld [tilespmem:s7+$0x2C0]  }
0x20e: {  	[tilespmem:s15+$0x0] =	vst.add.f32.msk $0xffff, v10  }
0x20f: {  	s14 =	sor.u32 $0x450, s13;
	v10 =	vld [tilespmem:s7+$0x2D0]  }
0x210: {  	s15 =	sld [smem:s11+$0x5];
	[tilespmem:s14+$0x0] =	vst.add.f32.msk $0xffff, v11  }
0x211: {  	s14 =	sor.u32 $0x460, s13;
	v11 =	vld [tilespmem:s7+$0x2E0]  }
0x212: {  	[tilespmem:s14+$0x0] =	vst.add.f32.msk $0xffff, v12  }
0x213: {  	s13 =	sor.u32 $0x470, s13;
	v12 =	vld [tilespmem:s7+$0x2F0];
	s14 =	sshll.u32 s15, $0x8;
	s15 =	sshll.u32 s15, $0x7  }
0x214: {  	[tilespmem:s13+$0x0] =	vst.add.f32.msk $0xffff, v13;
	s14 =	sand.u32 $0xFFFFF800, s14;
	s15 =	sand.u32 $0x380, s15  }
0x215: {  	v13 =	vld [tilespmem:s7+$0xFFFFFF00];
	s13 =	sor.u32 s15, s14  }
0x216: {  	[tilespmem:s13+$0x0] =	vst.add.f32.msk $0xffff, v14  }
0x217: {  	s14 =	sor.u32 $0x10, s13;
	v14 =	vld [tilespmem:s7+$0xFFFFFF10]  }
0x218: {  	[tilespmem:s14+$0x0] =	vst.add.f32.msk $0xffff, v15  }
0x219: {  	s15 =	sor.u32 $0x20, s13;
	v15 =	vld [tilespmem:s7+$0xFFFFFF20]  }
0x21a: {  	[tilespmem:s15+$0x0] =	vst.add.f32.msk $0xffff, v16  }
0x21b: {  	s15 =	sor.u32 $0x30, s13;
	v16 =	vld [tilespmem:s7+$0xFFFFFF30]  }
0x21c: {  	[tilespmem:s15+$0x0] =	vst.add.f32.msk $0xffff, v17  }
0x21d: {  	s15 =	sor.u32 $0x40, s13;
	v17 =	vld [tilespmem:s7+$0xFFFFFF40]  }
0x21e: {  	[tilespmem:s15+$0x0] =	vst.add.f32.msk $0xffff, v18  }
0x21f: {  	s15 =	sor.u32 $0x50, s13;
	v18 =	vld [tilespmem:s7+$0xFFFFFF50]  }
0x220: {  	[tilespmem:s15+$0x0] =	vst.add.f32.msk $0xffff, v2  }
0x221: {  	s15 =	sor.u32 $0x60, s13;
	v2 =	vld [tilespmem:s7+$0xFFFFFF60]  }
0x222: {  	[tilespmem:s15+$0x0] =	vst.add.f32.msk $0xffff, v3  }
0x223: {  	s15 =	sor.u32 $0x70, s13;
	v3 =	vld [tilespmem:s7+$0xFFFFFF70]  }
0x224: {  	[tilespmem:s15+$0x0] =	vst.add.f32.msk $0xffff, v4  }
0x225: {  	s15 =	sor.u32 $0x400, s13;
	v4 =	vld [tilespmem:s7+$0x300]  }
0x226: {  	[tilespmem:s15+$0x0] =	vst.add.f32.msk $0xffff, v5  }
0x227: {  	s15 =	sor.u32 $0x410, s13;
	v5 =	vld [tilespmem:s7+$0x310]  }
0x228: {  	[tilespmem:s15+$0x0] =	vst.add.f32.msk $0xffff, v6  }
0x229: {  	s15 =	sor.u32 $0x420, s13;
	v6 =	vld [tilespmem:s7+$0x320]  }
0x22a: {  	[tilespmem:s15+$0x0] =	vst.add.f32.msk $0xffff, v7  }
0x22b: {  	s15 =	sor.u32 $0x430, s13;
	v7 =	vld [tilespmem:s7+$0x330]  }
0x22c: {  	[tilespmem:s15+$0x0] =	vst.add.f32.msk $0xffff, v8  }
0x22d: {  	s15 =	sor.u32 $0x440, s13;
	v8 =	vld [tilespmem:s7+$0x340]  }
0x22e: {  	[tilespmem:s15+$0x0] =	vst.add.f32.msk $0xffff, v9  }
0x22f: {  	s14 =	sor.u32 $0x450, s13;
	v9 =	vld [tilespmem:s7+$0x350]  }
0x230: {  	s15 =	sld [smem:s11+$0x6];
	[tilespmem:s14+$0x0] =	vst.add.f32.msk $0xffff, v10  }
0x231: {  	s14 =	sor.u32 $0x460, s13;
	v10 =	vld [tilespmem:s7+$0x360]  }
0x232: {  	[tilespmem:s14+$0x0] =	vst.add.f32.msk $0xffff, v11  }
0x233: {  	s13 =	sor.u32 $0x470, s13;
	v11 =	vld [tilespmem:s7+$0x370];
	s14 =	sshll.u32 s15, $0x8;
	s15 =	sshll.u32 s15, $0x7  }
0x234: {  	[tilespmem:s13+$0x0] =	vst.add.f32.msk $0xffff, v12;
	s14 =	sand.u32 $0xFFFFF800, s14;
	s15 =	sand.u32 $0x380, s15  }
0x235: {  	v12 =	vld [tilespmem:s7+$0xFFFFFF80];
	s13 =	sor.u32 s15, s14  }
0x236: {  	[tilespmem:s13+$0x0] =	vst.add.f32.msk $0xffff, v13  }
0x237: {  	s14 =	sor.u32 $0x10, s13;
	v13 =	vld [tilespmem:s7+$0xFFFFFF90]  }
0x238: {  	[tilespmem:s14+$0x0] =	vst.add.f32.msk $0xffff, v14  }
0x239: {  	s15 =	sor.u32 $0x20, s13;
	v14 =	vld [tilespmem:s7+$0xFFFFFFA0]  }
0x23a: {  	[tilespmem:s15+$0x0] =	vst.add.f32.msk $0xffff, v15  }
0x23b: {  	s15 =	sor.u32 $0x30, s13;
	v15 =	vld [tilespmem:s7+$0xFFFFFFB0]  }
0x23c: {  	[tilespmem:s15+$0x0] =	vst.add.f32.msk $0xffff, v16  }
0x23d: {  	s15 =	sor.u32 $0x40, s13;
	v16 =	vld [tilespmem:s7+$0xFFFFFFC0]  }
0x23e: {  	[tilespmem:s15+$0x0] =	vst.add.f32.msk $0xffff, v17  }
0x23f: {  	s15 =	sor.u32 $0x50, s13;
	v17 =	vld [tilespmem:s7+$0xFFFFFFD0]  }
0x240: {  	[tilespmem:s15+$0x0] =	vst.add.f32.msk $0xffff, v18  }
0x241: {  	s15 =	sor.u32 $0x60, s13;
	v18 =	vld [tilespmem:s7+$0xFFFFFFE0]  }
0x242: {  	[tilespmem:s15+$0x0] =	vst.add.f32.msk $0xffff, v2  }
0x243: {  	s15 =	sor.u32 $0x70, s13;
	v2 =	vld [tilespmem:s7+$0xFFFFFFF0]  }
0x244: {  	[tilespmem:s15+$0x0] =	vst.add.f32.msk $0xffff, v3  }
0x245: {  	s15 =	sor.u32 $0x400, s13;
	v3 =	vld [tilespmem:s7+$0x380]  }
0x246: {  	[tilespmem:s15+$0x0] =	vst.add.f32.msk $0xffff, v4  }
0x247: {  	s15 =	sor.u32 $0x410, s13;
	v4 =	vld [tilespmem:s7+$0x390]  }
0x248: {  	[tilespmem:s15+$0x0] =	vst.add.f32.msk $0xffff, v5  }
0x249: {  	s15 =	sor.u32 $0x420, s13;
	v5 =	vld [tilespmem:s7+$0x3A0]  }
0x24a: {  	[tilespmem:s15+$0x0] =	vst.add.f32.msk $0xffff, v6  }
0x24b: {  	s15 =	sor.u32 $0x430, s13;
	v6 =	vld [tilespmem:s7+$0x3B0]  }
0x24c: {  	[tilespmem:s15+$0x0] =	vst.add.f32.msk $0xffff, v7  }
0x24d: {  	s15 =	sor.u32 $0x440, s13;
	v7 =	vld [tilespmem:s7+$0x3C0]  }
0x24e: {  	[tilespmem:s15+$0x0] =	vst.add.f32.msk $0xffff, v8  }
0x24f: {  	s11 =	sld [smem:s11+$0x7];
	s15 =	sor.u32 $0x450, s13;
	v8 =	vld [tilespmem:s7+$0x3D0]  }
0x250: {  	[tilespmem:s15+$0x0] =	vst.add.f32.msk $0xffff, v9  }
0x251: {  	s15 =	sor.u32 $0x460, s13;
	v9 =	vld [tilespmem:s7+$0x3E0]  }
0x252: {  	[tilespmem:s15+$0x0] =	vst.add.f32.msk $0xffff, v10;
	s15 =	sshll.u32 s11, $0x8;
	s11 =	sshll.u32 s11, $0x7  }
0x253: {  	s13 =	sor.u32 $0x470, s13;
	v10 =	vld [tilespmem:s7+$0x3F0];
	s14 =	sand.u32 $0xFFFFF800, s15;
	s11 =	sand.u32 $0x380, s11  }
0x254: {  	[tilespmem:s13+$0x0] =	vst.add.f32.msk $0xffff, v11;
	s11 =	sor.u32 s11, s14  }
0x255: {  	[tilespmem:s11+$0x0] =	vst.add.f32.msk $0xffff, v12;
	s14 =	sor.u32 $0x10, s11  }
0x256: {  	s15 =	sor.u32 $0x20, s11;
	[tilespmem:s14+$0x0] =	vst.add.f32.msk $0xffff, v13  }
0x257: {  	s14 =	sor.u32 $0x30, s11;
	[tilespmem:s15+$0x0] =	vst.add.f32.msk $0xffff, v14  }
0x258: {  	s15 =	sor.u32 $0x40, s11;
	[tilespmem:s14+$0x0] =	vst.add.f32.msk $0xffff, v15  }
0x259: {  	s14 =	sor.u32 $0x50, s11;
	[tilespmem:s15+$0x0] =	vst.add.f32.msk $0xffff, v16  }
0x25a: {  	s15 =	sor.u32 $0x60, s11;
	[tilespmem:s14+$0x0] =	vst.add.f32.msk $0xffff, v17  }
0x25b: {  	s14 =	sor.u32 $0x70, s11;
	[tilespmem:s15+$0x0] =	vst.add.f32.msk $0xffff, v18  }
0x25c: {  	s15 =	sor.u32 $0x400, s11;
	[tilespmem:s14+$0x0] =	vst.add.f32.msk $0xffff, v2  }
0x25d: {  	s14 =	sor.u32 $0x410, s11;
	[tilespmem:s15+$0x0] =	vst.add.f32.msk $0xffff, v3  }
0x25e: {  	s15 =	sor.u32 $0x420, s11;
	[tilespmem:s14+$0x0] =	vst.add.f32.msk $0xffff, v4  }
0x25f: {  	p2 =	sne.s32 s6, $0x60;
	s14 =	sor.u32 $0x430, s11;
	[tilespmem:s15+$0x0] =	vst.add.f32.msk $0xffff, v5  }
.Ltmp2:
0x260: {  	s15 =	sor.u32 $0x440, s11;
	[tilespmem:s14+$0x0] =	vst.add.f32.msk $0xffff, v6;
	(pc) =	sbr.rel @p2 .LBB2_7-.Ltmp2, $4  }
0x261: {  	s14 =	sor.u32 $0x450, s11;
	[tilespmem:s15+$0x0] =	vst.add.f32.msk $0xffff, v7  }
0x262: {  	s15 =	sor.u32 $0x460, s11;
	[tilespmem:s14+$0x0] =	vst.add.f32.msk $0xffff, v8  }
0x263: {  	s11 =	sor.u32 $0x470, s11;
	[tilespmem:s15+$0x0] =	vst.add.f32.msk $0xffff, v9  }
0x264: {  	s6 =	sadd.s32 $0x20, s6;
	s7 =	sadd.s32 $0x800, s7;
	[tilespmem:s11+$0x0] =	vst.add.f32.msk $0xffff, v10  }
.Ltmp3:
0x265: {  	(pc) =	sbr.rel @p1 .LBB2_10-.Ltmp3, $1  }
0x266: {  	_ =	sdelay $0x3  }
.Ltmp4:
0x267: {  	(pc) =	sbr.rel .LBB2_4-.Ltmp4, $4  }
0x268: {  	s0 =	sadd.s32 s0, s10  }
0x269: {  	s24 =	sadd.s32 $0x1, s24;
	s0 =	sshrl.u32 s0, $0x3  }
0x26a: {  	s28 =	sadd.s32 $0x40, s28;
	s31 =	sadd.s32 $0x40, s31;
	s0 =	sadd.s32 s1, s0  }
0x26b: {  	[tilespmem:s26], [sflag:$0x2] =	stream.strided.gather [hbm4b:s0+s22], $0x2000, s23, s22, $0x38;
	[tilespmem:$0x1C100] =	vst v63  }
.LBB2_10:
0x26c: {  	s0 =	simm.s32 $0x0  }
0x26d: {  	s0 =	sld [smem:s12+s0]  }
0x26e: {  	s6 =	simm.s32 $0x0;
	s7 =	rddreg [dreg:$0x7]  }
0x26f: {  	[hbm4b:s7+s6] =	stream.linear.scatter [tilespmem:s6], [sflag:$0x1], $0x10000, $0x38;
	[tilespmem:$0x1C100] =	vst v63  }
0x270: {  	s31 =	sshll.u32 s0, $0x9  }
0x271: {  	s0 =	simm.s32 $0x4;
	s6 =	sshra.s32 s31, $0x2  }
.LBB2_11:
0x272: {  	s7 =	sshra.s32 s0, $0x2;
	p1 =	sne.s32 s0, $0x3FC;
	s0 =	sadd.s32 $0x4, s0;
	[tilespmem:s6+$0x10000] =	vst.add.f32.msk $0xffff, v1  }
.Ltmp5:
0x273: {  	s6 =	sld [smem:s12+s7];
	(pc) =	sbr.rel @p1 .LBB2_11-.Ltmp5, $3  }
0x274: {  	_ =	sdelay $0x1  }
0x275: {  	s6 =	sshll.u32 s6, $0x9  }
0x276: {  	s6 =	sshra.s32 s6, $0x2  }
0x277: {  	[tilespmem:s6+$0x10000] =	vst.add.f32.msk $0xffff, v1;
	s0 =	rddreg [dreg:$0x8];
	s28 =	simm.s32 $0x10000  }
0x278: {  	[hbm4b:s0+s3] =	stream.linear.scatter [tilespmem:s28], [sflag:$0x3], $0x8000, $0x38;
	[tilespmem:$0x1C100] =	vst v63  }
0x279: {  	_ =	swait.ge [sflag:s29], $0x8000  }
0x27a: {  	[sflag:s29] =	ssyncset.done $0x0  }
0x27b: {  	[sflag:s29] =	ssyncadd.s32 $0xFFFF8000  }
0x27c: {  	_ =	swait.ge [sflag:s4], $0x10000  }
0x27d: {  	s2 =	sadd.s32 $0x1, s2;
	s31 =	rddreg [dreg:$0x9]  }
0x27e: {  	p1 =	sne.s32 s2, s31  }
.Ltmp6:
0x27f: {  	_ = 	snop;
	(pc) =	sbr.rel @p1 .LBB2_1-.Ltmp6, $3  }
0x280: {  	_ =	sdelay $0x1  }
0x281: {  	[sflag:s4] =	ssyncset.done $0x0  }
0x282: {  	[sflag:s4] =	ssyncadd.s32 $0xFFFF0000  }
0x283: {  	_ =	sfence.sel $0x180000  }
0x284: {  	[bflag:$0x0] =	sbarrier.arrive $0xFFFF  }
0x285: {  	_ =	strace $0x90000047  }
0x286: {  	s0 =	stileid.u32;
	[bflag:$0x2] =	sbarrier.arrive $0xFFFF  }
0x287: {  	p0 =	sne.s32 s0, $0x0;
	s0 =	rddreg [dreg:$0x4]  }
0x288: {  	s0 =	sadd.s32 @!p0 $0x100000, s0  }
0x289: {  	[sflag:s0] =	ssyncadd.tile.s32 @!p0 $0x1;
	_ =	shalt  }
.Lfunc_end2:
_tile_overlayer_lowered:
.L_overlay_start_2:
0x28a: {  	(tag) =	ssettag $0x2  }
0x28b: {  	s0 =	rddreg [dreg:$0x0];
	s2 =	stileid.u32  }
0x28c: {  	s1 =	rddreg [dreg:$0x1];
	p0 =	sne.s32 s2, $0x0  }
0x28d: {  	s3 =	rddreg [dreg:$0x2];
	[bflag:$0x3] =	sbarrier.arrive $0xFFFF;
	s2 =	simm.s32 @!p0 $0x1C03  }
0x28e: {  	[timem:s3], [sflag:s2] =	dma.local @!p0 [hbm:s0], s1  }
0x28f: {  	s0 =	simm.s32 @!p0 $0x3  }
0x290: {  	_ =	swait.ge @!p0 [sflag:s0], s1  }
0x291: {  	s1 =	ssub.s32 @!p0 $0x0, s1;
	[sflag:s0] =	ssyncset.done @!p0 $0x0  }
0x292: {  	[sflag:s0] =	ssyncadd.s32 @!p0 s1  }
0x293: {  	[bflag:$0x3] =	sbarrier.arrive $0xFFFF  }
0x294: {  	_ =	shalt  }

</sc_bundles>
